<compile_context>
chip_gen: v7x
topology: tpu7x:2x2x1
jax: 0.10.2.dev20260603
libtpu: 0.0.44.dev20260713+nightly
codegen_flags: <defaults>
</compile_context>

<pallas_src>
import functools

import jax
import jax.numpy as jnp
from jax import lax
from jax.experimental import pallas as pl
from jax.experimental.pallas import tpu as pltpu
from jax.experimental.pallas import tpu_sc as plsc

N = 10000
E = 320000
H = 128
NCLASS = 40

_NTILE = 16
_NW = 32
_NP = 10240
_EP = _NW * _NP
_EPW = _EP // _NW
_RPT = _NP // _NTILE

_KS = 80
_NCHS = _EPW // _KS
_KC = 160
_NCHC = _EPW // _KC
_KD = 640
_NCHD = _EPW // _KD

_mesh = plsc.VectorSubcoreMesh(core_axis_name="c", subcore_axis_name="s")



@functools.partial(
    pl.kernel,
    mesh=_mesh,
    out_type=jax.ShapeDtypeStruct((2, _NP), jnp.float32),
    scratch_types=[
        pltpu.VMEM((_KD,), jnp.int32),
        pltpu.VMEM((_KD,), jnp.float32),
        pltpu.VMEM((_RPT,), jnp.float32),
        pltpu.VMEM_SHARED((_NP,), jnp.float32),
    ],
)
def _sc_degree(col_hbm, out_hbm, idxc, ones, zbuf, acc):
    c = lax.axis_index("c")
    s = lax.axis_index("s")
    wid = c * _NTILE + s

    def fill(i, _):
        ones[pl.ds(i * 16, 16)] = jnp.full((16,), 1.0, jnp.float32)
        zbuf[pl.ds(i * 16, 16)] = jnp.zeros((16,), jnp.float32)
        return 0
    lax.fori_loop(0, _RPT // 16, fill, 0)

    pltpu.sync_copy(zbuf, acc.at[pl.ds(s * _RPT, _RPT)])
    plsc.subcore_barrier()

    base = wid * _EPW

    def chunk(k, _):
        pltpu.sync_copy(col_hbm.at[pl.ds(base + k * _KD, _KD)], idxc)
        pltpu.sync_copy(ones, acc.at[idxc], add=True)
        return 0
    lax.fori_loop(0, _NCHD, chunk, 0)

    plsc.subcore_barrier()
    pltpu.sync_copy(acc.at[pl.ds(s * _RPT, _RPT)],
                    out_hbm.at[c, pl.ds(s * _RPT, _RPT)])


@functools.partial(
    pl.kernel,
    mesh=_mesh,
    out_type=[jax.ShapeDtypeStruct((2, _NP, H), jnp.float32),
              jax.ShapeDtypeStruct((2, _NP, H), jnp.float32)],
    scratch_types=[
        pltpu.VMEM((_KS,), jnp.int32),
        pltpu.VMEM((_KS,), jnp.int32),
        pltpu.VMEM((_KS,), jnp.int32),
        pltpu.VMEM((_KS,), jnp.int32),
        pltpu.VMEM((_KS,), jnp.int32),
        pltpu.VMEM((_KS,), jnp.int32),
        pltpu.VMEM((_KS,), jnp.int32),
        pltpu.VMEM((_KS,), jnp.int32),
        pltpu.VMEM((_KS, H), jnp.float32),
        pltpu.VMEM((_KS, H), jnp.float32),
        pltpu.VMEM((_KS, H), jnp.float32),
        pltpu.VMEM((_KS, H), jnp.float32),
        pltpu.VMEM_SHARED((_NP, H), jnp.float32),
        pltpu.SemaphoreType.DMA,
        pltpu.SemaphoreType.DMA,
        pltpu.SemaphoreType.DMA,
        pltpu.SemaphoreType.DMA,
        pltpu.SemaphoreType.DMA,
        pltpu.SemaphoreType.DMA,
        pltpu.SemaphoreType.DMA,
        pltpu.SemaphoreType.DMA,
    ],
)
def _sc_edges(tm_hbm, tc_hbm, row_hbm, col_hbm, outs_hbm, outc_hbm,
              idxr0, idxr1, idxr2, idxr3, idxc0, idxc1, idxc2, idxc3,
              a0, a1, b0, b1, acc,
              g0, g1, g2, g3, si0, si1, si2, si3):
    c = lax.axis_index("c")
    s = lax.axis_index("s")
    wid = c * _NTILE + s
    idxr = (idxr0, idxr1, idxr2, idxr3)
    idxc = (idxc0, idxc1, idxc2, idxc3)
    buf = (a0, a1, b0, b1)
    g = (g0, g1, g2, g3)
    si = (si0, si1, si2, si3)
    base = wid * _EPW

    def zero_own_slice(stage):
        def zrow(r, _):
            for j in range(H // 16):
                stage[r, pl.ds(j * 16, 16)] = jnp.zeros((16,), jnp.float32)
            return 0
        lax.fori_loop(0, _KS, zrow, 0)
        for t in range(_RPT // _KS):
            pltpu.sync_copy(stage, acc.at[pl.ds(s * _RPT + t * _KS, _KS)])

    def load_idx(k, sl):
        off = base + k * _KS
        pltpu.async_copy(row_hbm.at[pl.ds(off, _KS)], idxr[sl], si[sl])
        pltpu.async_copy(col_hbm.at[pl.ds(off, _KS)], idxc[sl], si[sl])

    def wait_idx(sl):
        pltpu.make_async_copy(row_hbm.at[pl.ds(0, _KS)], idxr[sl], si[sl]).wait()
        pltpu.make_async_copy(col_hbm.at[pl.ds(0, _KS)], idxc[sl], si[sl]).wait()

    def writeout(out_hbm):
        pltpu.sync_copy(acc.at[pl.ds(s * _RPT, _RPT)],
                        out_hbm.at[c, pl.ds(s * _RPT, _RPT)])

    zero_own_slice(b0)
    plsc.subcore_barrier()

    def fire_s(sl, bs):
        pltpu.async_copy(tm_hbm.at[idxr[sl]], buf[bs], g[bs])
        pltpu.async_copy(tm_hbm.at[idxc[sl]], buf[2 + bs], g[2 + bs])

    for sl in (0, 1, 2, 3):
        load_idx(sl, sl)
    for sl in (0, 1):
        wait_idx(sl)
        fire_s(sl, sl)

    def group_s(gi, _):
        for sl in (0, 1, 2, 3):
            k = 4 * gi + sl
            bs = sl % 2
            pltpu.make_async_copy(tm_hbm.at[idxr[sl]], buf[bs], g[bs]).wait()
            pltpu.make_async_copy(tm_hbm.at[idxc[sl]], buf[2 + bs], g[2 + bs]).wait()

            def relu_row(e, _):
                for j in range(H // 16):
                    slc = pl.ds(j * 16, 16)
                    buf[bs][e, slc] = jnp.maximum(
                        buf[bs][e, slc] - buf[2 + bs][e, slc], 0.0)
                return 0
            lax.fori_loop(0, _KS, relu_row, 0)
            pltpu.sync_copy(buf[bs], acc.at[idxc[sl]], add=True)

            @pl.when(k + 4 < _NCHS)
            def _():
                load_idx(k + 4, sl)

            @pl.when(k + 2 < _NCHS)
            def _():
                wait_idx((sl + 2) % 4)
                fire_s((sl + 2) % 4, bs)
        return 0
    lax.fori_loop(0, _NCHS // 4, group_s, 0)

    plsc.subcore_barrier()
    writeout(outs_hbm)
    zero_own_slice(b0)
    plsc.subcore_barrier()

    def fire_c(sl):
        pltpu.async_copy(tc_hbm.at[idxr[sl]], buf[sl], g[sl])

    for sl in (0, 1, 2, 3):
        load_idx(sl, sl)
    for sl in (0, 1, 2):
        wait_idx(sl)
        fire_c(sl)

    def group_c(gi, _):
        for sl in (0, 1, 2, 3):
            k = 4 * gi + sl
            pltpu.make_async_copy(tc_hbm.at[idxr[sl]], buf[sl], g[sl]).wait()
            pltpu.sync_copy(buf[sl], acc.at[idxc[sl]], add=True)

            @pl.when(k + 4 < _NCHS)
            def _():
                load_idx(k + 4, sl)

            @pl.when(k + 3 < _NCHS)
            def _():
                wait_idx((sl + 3) % 4)
                fire_c((sl + 3) % 4)
        return 0
    lax.fori_loop(0, _NCHS // 4, group_c, 0)

    plsc.subcore_barrier()
    writeout(outc_hbm)



_BR = 2000
_GRID = N // _BR


def _full(shape):
    return pl.BlockSpec(shape, lambda i: tuple(0 for _ in shape))


def _post_block(x, sp, cp, xwcs, v, dinv, lam):
    ssum = sp[0] + sp[1]
    csum = cp[0] + cp[1]
    t = jnp.maximum(dinv * (csum + xwcs) + v, 0.0)
    return t + lam * x * ssum


def _pre_block(x, wmc, wrt, bv, dinv):
    z = jnp.dot(x, wmc, preferred_element_type=jnp.float32)
    xwc = z[:, H:]
    v = bv - jnp.dot(xwc, wrt, preferred_element_type=jnp.float32)
    return z[:, :H], xwc * dinv, v


def _encpre_body(x_ref, wet_ref, be_ref, wmc_ref, wrt_ref, bv_ref, dinv_ref,
                 x_out, xwm_ref, xwcs_ref, v_ref):
    xx = jnp.maximum(
        jnp.dot(x_ref[...], wet_ref[...], preferred_element_type=jnp.float32)
        + be_ref[...], 0.0)
    x_out[...] = xx
    xwm, xwcs, v = _pre_block(xx, wmc_ref[...], wrt_ref[...], bv_ref[...],
                              dinv_ref[...])
    xwm_ref[...] = xwm
    xwcs_ref[...] = xwcs
    v_ref[...] = v


def _encpre(x, wet, be, wmc, wrt, bv, dinv):
    return pl.pallas_call(
        _encpre_body,
        grid=(_GRID,),
        in_specs=[pl.BlockSpec((_BR, H), lambda i: (i, 0)),
                  _full((H, H)), _full((1, H)),
                  _full((H, 2 * H)), _full((H, H)), _full((1, H)),
                  pl.BlockSpec((_BR, 1), lambda i: (i, 0))],
        out_specs=[pl.BlockSpec((_BR, H), lambda i: (i, 0))] * 4,
        out_shape=[jax.ShapeDtypeStruct((N, H), jnp.float32)] * 4,
    )(x, wet, be, wmc, wrt, bv, dinv)


def _postpre_body(x_ref, sp_ref, cp_ref, xwcs_ref, v_ref, dinv_ref, lam_ref,
                  wmc_ref, wrt_ref, bv_ref,
                  x_out, xwm_ref, xwcs_out, v_out):
    xn = _post_block(x_ref[...], sp_ref, cp_ref, xwcs_ref[...], v_ref[...],
                     dinv_ref[...], lam_ref[0, 0])
    x_out[...] = xn
    xwm, xwcs, v = _pre_block(xn, wmc_ref[...], wrt_ref[...], bv_ref[...],
                              dinv_ref[...])
    xwm_ref[...] = xwm
    xwcs_out[...] = xwcs
    v_out[...] = v


def _postpre(x, sp, cp, xwcs, v, dinv, lam, wmc, wrt, bv):
    return pl.pallas_call(
        _postpre_body,
        grid=(_GRID,),
        in_specs=[pl.BlockSpec((_BR, H), lambda i: (i, 0)),
                  pl.BlockSpec((2, _BR, H), lambda i: (0, i, 0)),
                  pl.BlockSpec((2, _BR, H), lambda i: (0, i, 0)),
                  pl.BlockSpec((_BR, H), lambda i: (i, 0)),
                  pl.BlockSpec((_BR, H), lambda i: (i, 0)),
                  pl.BlockSpec((_BR, 1), lambda i: (i, 0)),
                  _full((1, 1)),
                  _full((H, 2 * H)), _full((H, H)), _full((1, H))],
        out_specs=[pl.BlockSpec((_BR, H), lambda i: (i, 0))] * 4,
        out_shape=[jax.ShapeDtypeStruct((N, H), jnp.float32)] * 4,
    )(x, sp, cp, xwcs, v, dinv, lam, wmc, wrt, bv)


def _postdec_body(x_ref, sp_ref, cp_ref, xwcs_ref, v_ref, dinv_ref, lam_ref,
                  wdt_ref, bd_ref, o_ref):
    xn = _post_block(x_ref[...], sp_ref, cp_ref, xwcs_ref[...], v_ref[...],
                     dinv_ref[...], lam_ref[0, 0])
    o_ref[...] = jnp.dot(
        xn, wdt_ref[...], preferred_element_type=jnp.float32) + bd_ref[...]


def _postdec(x, sp, cp, xwcs, v, dinv, lam, wdt, bd):
    return pl.pallas_call(
        _postdec_body,
        grid=(_GRID,),
        in_specs=[pl.BlockSpec((_BR, H), lambda i: (i, 0)),
                  pl.BlockSpec((2, _BR, H), lambda i: (0, i, 0)),
                  pl.BlockSpec((2, _BR, H), lambda i: (0, i, 0)),
                  pl.BlockSpec((_BR, H), lambda i: (i, 0)),
                  pl.BlockSpec((_BR, H), lambda i: (i, 0)),
                  pl.BlockSpec((_BR, 1), lambda i: (i, 0)),
                  _full((1, 1)),
                  _full((H, NCLASS)), _full((1, NCLASS))],
        out_specs=pl.BlockSpec((_BR, NCLASS), lambda i: (i, 0)),
        out_shape=jax.ShapeDtypeStruct((N, NCLASS), jnp.float32),
    )(x, sp, cp, xwcs, v, dinv, lam, wdt, bd)



def kernel(x, edge_index, W_enc, b_enc, W_conv, b_conv, W_res, b_res,
           W_dec, b_dec, weight_mlp, lamda1):
    row = edge_index[0]
    col = edge_index[1]
    npad = _EP - E
    pad_r = jnp.arange(npad, dtype=jnp.int32) % N
    pad_c = (jnp.arange(npad, dtype=jnp.int32) % (_NP - N)) + N
    rowp = jnp.concatenate([row, pad_r])
    colp = jnp.concatenate([col, pad_c])

    degp = _sc_degree(colp)
    deg = degp[0, :N] + degp[1, :N] + 1.0
    dinv = jax.lax.rsqrt(deg).reshape(N, 1)

    wmc = jnp.concatenate([weight_mlp, W_conv.T], axis=1)
    bv = (b_conv - b_res).reshape(1, H)
    lam = lamda1.reshape(1, 1)

    X, xwm, xwcs, v = _encpre(x, W_enc.T, b_enc.reshape(1, H),
                              wmc, W_res.T, bv, dinv)
    sp, cp = _sc_edges(xwm, xwcs, rowp, colp)
    X, xwm, xwcs, v = _postpre(X, sp, cp, xwcs, v, dinv, lam,
                               wmc, W_res.T, bv)
    sp, cp = _sc_edges(xwm, xwcs, rowp, colp)
    return _postdec(X, sp, cp, xwcs, v, dinv, lam,
                    W_dec.T, b_dec.reshape(1, NCLASS))

# --- scband reference (transcript-rebuilt; emitter-appended) ---
"""Pipeline reference for scband-graph-con-gcn-conv-18107582120779 (READ-ONLY COPY).

The authoritative reference and input builder live on the scoring server;
editing this copy changes nothing except your own understanding.
"""

import jax, jax.numpy as jnp
import numpy as np

N = 10000
E = 320000
NFEAT = 128
NHID = 128
NCLASS = 40
NLAYERS = 2
DT = 1.0
ALPHA = 1.0
GAMMA = 1.0


def setup_inputs(seed: int = 0):
    key = jax.random.key(seed)
    ks = jax.random.split(key, 12)
    stdv = 1.0 / np.sqrt(NHID)
    x = jax.random.normal(ks[0], (N, NFEAT), dtype=jnp.float32)
    edge_index = jax.random.randint(ks[1], (2, E), 0, N, dtype=jnp.int32)

    def u(k, shape):
        return jax.random.uniform(k, shape, dtype=jnp.float32, minval=-stdv, maxval=stdv)

    return {
        "x": x,
        "edge_index": edge_index,
        "W_enc": u(ks[2], (NHID, NFEAT)),
        "b_enc": u(ks[3], (NHID,)),
        "W_conv": u(ks[4], (NHID, NHID)),
        "b_conv": jnp.zeros((NHID,), jnp.float32),
        "W_res": u(ks[5], (NHID, NHID)),
        "b_res": u(ks[6], (NHID,)),
        "W_dec": u(ks[7], (NCLASS, NHID)),
        "b_dec": u(ks[8], (NCLASS,)),
        "weight_mlp": u(ks[9], (NHID, NHID)),
        "lamda1": jnp.array(1.0, dtype=jnp.float32),
    }


def _gcn_conv(X, row, col, W_conv, b_conv):
    # PyG GCNConv: x' = D^-1/2 (A + I) D^-1/2 X W + b
    n = X.shape[0]
    sl = jnp.arange(n, dtype=row.dtype)
    r = jnp.concatenate([row, sl])
    c = jnp.concatenate([col, sl])
    deg = jnp.zeros((n,), jnp.float32).at[c].add(1.0)
    dinv = jnp.where(deg > 0, deg ** -0.5, 0.0)
    norm = dinv[r] * dinv[c]
    xw = X @ W_conv.T
    msg = xw[r] * norm[:, None]
    out = jnp.zeros_like(xw).at[c].add(msg)
    return out + b_conv


def reference(x, edge_index, W_enc, b_enc, W_conv, b_conv, W_res, b_res, W_dec, b_dec, weight_mlp, lamda1):
    # eval mode: dropout is identity
    row = edge_index[0]
    col = edge_index[1]
    Y = jax.nn.relu(x @ W_enc.T + b_enc)
    X = Y
    for _ in range(NLAYERS):
        src = X[row]
        dst = X[col]
        x_new = jax.nn.relu((src - dst) @ weight_mlp) * dst
        ax3 = jnp.zeros_like(X).at[col].add(x_new)
        conv_out = _gcn_conv(X, row, col, W_conv, b_conv)
        # res_connection_v1: -res(conv.lin(X)); conv.lin has no bias in PyG
        res = -((X @ W_conv.T) @ W_res.T + b_res)
        Y = Y + DT * (jax.nn.relu(conv_out + res) - ALPHA * Y - GAMMA * X)
        X = X + DT * (Y + lamda1 * ax3)
    return X @ W_dec.T + b_dec

if __name__ == "__main__":
    import jax
    _d = setup_inputs()
    print(jax.jit(kernel)(*tuple(_d.values())))

</pallas_src>

<mosaic_0001>
#map = affine_map<(d0, d1) -> (0)>
#map1 = affine_map<(d0, d1) -> (0, 0)>
module attributes {stable_mosaic.version = 14 : i64} {
  func.func @_sc_degree(%arg0: i32, %arg1: i32, %arg2: memref<327680xi32, #tpu.memory_space<hbm>>, %arg3: memref<2x10240xf32, #tpu.memory_space<hbm>>, %arg4: memref<640xi32, #tpu.memory_space<vmem>>, %arg5: memref<640xf32, #tpu.memory_space<vmem>>, %arg6: memref<640xf32, #tpu.memory_space<vmem>>, %arg7: memref<10240xf32, #tpu.memory_space<vmem_shared>>) attributes {dimension_semantics = [#tpu.dimension_semantics<core_parallel>, #tpu.dimension_semantics<subcore_parallel>], iteration_bounds = array<i64: 2, 16>, scalar_prefetch = 0 : i64, scratch_operands = 4 : i64, tpu.core_type = #tpu.core_type<sc_vector_subcore>, window_params = [{transform_indices = #map}, {transform_indices = #map1}]} {
    %mul3A = arith.constant 16 : i32
    %mul3A_0 = arith.muli %arg0, %mul3A : i32
    %add3A = arith.addi %mul3A_0, %arg1 : i32
    %scan3A = arith.constant 0 : i32
    %scan3A_1 = arith.constant 0 : i32
    %scan3A_2 = arith.constant 40 : i32
    %scan3A_3 = arith.addi %scan3A_1, %scan3A_2 : i32
    %scan3A_4 = arith.constant 1 : i32
    %scan3A_5 = scf.for %scan3A_23 = %scan3A_1 to %scan3A_3 step %scan3A_4 iter_args(%scan3A_24 = %scan3A) -> (i32)  : i32 {
      %broadcast_in_dim3A = arith.constant 1.000000e+00 : f32
      %broadcast_in_dim3A_25 = vector.broadcast %broadcast_in_dim3A : f32 to vector<16xf32>
      %mul3A_26 = arith.constant 16 : i32
      %mul3A_27 = arith.muli %scan3A_23, %mul3A_26 : i32
      %swap3A = arith.index_cast %mul3A_27 : i32 to index
      %swap3A_28 = tpu.vector_load %arg5[%swap3A] {strides = array<i32>} : memref<640xf32, #tpu.memory_space<vmem>>, vector<16xf32>,
      %swap3A_29 = vector.shape_cast %swap3A_28 : vector<16xf32> to vector<16xf32>
      %swap3A_30 = vector.shape_cast %broadcast_in_dim3A_25 : vector<16xf32> to vector<16xf32>
      tpu.vector_store %arg5[%swap3A], %swap3A_30 {strides = array<i32>} : memref<640xf32, #tpu.memory_space<vmem>>, vector<16xf32>,
      %broadcast_in_dim3A_31 = arith.constant 0.000000e+00 : f32
      %broadcast_in_dim3A_32 = vector.broadcast %broadcast_in_dim3A_31 : f32 to vector<16xf32>
      %mul3A_33 = arith.constant 16 : i32
      %mul3A_34 = arith.muli %scan3A_23, %mul3A_33 : i32
      %swap3A_35 = arith.index_cast %mul3A_34 : i32 to index
      %swap3A_36 = tpu.vector_load %arg6[%swap3A_35] {strides = array<i32>} : memref<640xf32, #tpu.memory_space<vmem>>, vector<16xf32>,
      %swap3A_37 = vector.shape_cast %swap3A_36 : vector<16xf32> to vector<16xf32>
      %swap3A_38 = vector.shape_cast %broadcast_in_dim3A_32 : vector<16xf32> to vector<16xf32>
      tpu.vector_store %arg6[%swap3A_35], %swap3A_38 {strides = array<i32>} : memref<640xf32, #tpu.memory_space<vmem>>, vector<16xf32>,
      %scan3A_39 = arith.constant 0 : i32
      scf.yield %scan3A_39 : i32
    }
    %scan3A_6 = arith.constant 40 : i32
    %mul3A_7 = arith.constant 640 : i32
    %mul3A_8 = arith.muli %arg1, %mul3A_7 : i32
    "tpu.region"() ({
      %run_scoped3A = tpu.sem_alloc : memref<!tpu.dma_semaphore, #tpu.memory_space<semaphore_mem>>
      %dma_start3A = tpu.memref_slice %arg7[%mul3A_8] : memref<10240xf32, #tpu.memory_space<vmem_shared>> -> memref<640xf32, #tpu.memory_space<vmem_shared>>
      %dma_start3A_23 = tpu.memref_slice %arg7[%mul3A_8] : memref<10240xf32, #tpu.memory_space<vmem_shared>> -> memref<640xf32, #tpu.memory_space<vmem_shared>>
      tpu.enqueue_dma source(%arg6 : memref<640xf32, #tpu.memory_space<vmem>>) target(%dma_start3A_23 : memref<640xf32, #tpu.memory_space<vmem_shared>>) target_semaphore(%run_scoped3A : memref<!tpu.dma_semaphore, #tpu.memory_space<semaphore_mem>>)
      %dma_wait3A = tpu.memref_slice %arg7[%mul3A_8] : memref<10240xf32, #tpu.memory_space<vmem_shared>> -> memref<640xf32, #tpu.memory_space<vmem_shared>>
      %dma_wait3A_24 = tpu.memref_slice %arg7[%mul3A_8] : memref<10240xf32, #tpu.memory_space<vmem_shared>> -> memref<640xf32, #tpu.memory_space<vmem_shared>>
      tpu.wait_dma2 semaphore(%run_scoped3A : memref<!tpu.dma_semaphore, #tpu.memory_space<semaphore_mem>>) src(%arg6 : memref<640xf32, #tpu.memory_space<vmem>>) dst(%dma_wait3A_24 : memref<640xf32, #tpu.memory_space<vmem_shared>>)
      tpu.yield
    }) : () -> ()
    %barrier3A = arith.constant 0 : index
    tpu.barrier barrier_id(%barrier3A)
    %mul3A_9 = arith.constant 10240 : i32
    %mul3A_10 = arith.muli %add3A, %mul3A_9 : i32
    %scan3A_11 = arith.constant 0 : i32
    %scan3A_12 = arith.constant 0 : i32
    %scan3A_13 = arith.constant 16 : i32
    %scan3A_14 = arith.addi %scan3A_12, %scan3A_13 : i32
    %scan3A_15 = arith.constant 1 : i32
    %scan3A_16 = scf.for %scan3A_23 = %scan3A_12 to %scan3A_14 step %scan3A_15 iter_args(%scan3A_24 = %scan3A_11) -> (i32)  : i32 {
      %mul3A_25 = arith.constant 640 : i32
      %mul3A_26 = arith.muli %scan3A_23, %mul3A_25 : i32
      %add3A_27 = arith.addi %mul3A_10, %mul3A_26 : i32
      "tpu.region"() ({
        %run_scoped3A = tpu.sem_alloc : memref<!tpu.dma_semaphore, #tpu.memory_space<semaphore_mem>>
        %dma_start3A = tpu.memref_slice %arg2[%add3A_27] : memref<327680xi32, #tpu.memory_space<hbm>> -> memref<640xi32, #tpu.memory_space<hbm>>
        %dma_start3A_29 = tpu.memref_slice %arg2[%add3A_27] : memref<327680xi32, #tpu.memory_space<hbm>> -> memref<640xi32, #tpu.memory_space<hbm>>
        tpu.enqueue_dma source(%dma_start3A_29 : memref<640xi32, #tpu.memory_space<hbm>>) target(%arg4 : memref<640xi32, #tpu.memory_space<vmem>>) target_semaphore(%run_scoped3A : memref<!tpu.dma_semaphore, #tpu.memory_space<semaphore_mem>>)
        %dma_wait3A = tpu.memref_slice %arg2[%add3A_27] : memref<327680xi32, #tpu.memory_space<hbm>> -> memref<640xi32, #tpu.memory_space<hbm>>
        %dma_wait3A_30 = tpu.memref_slice %arg2[%add3A_27] : memref<327680xi32, #tpu.memory_space<hbm>> -> memref<640xi32, #tpu.memory_space<hbm>>
        tpu.wait_dma2 semaphore(%run_scoped3A : memref<!tpu.dma_semaphore, #tpu.memory_space<semaphore_mem>>) src(%dma_wait3A_30 : memref<640xi32, #tpu.memory_space<hbm>>) dst(%arg4 : memref<640xi32, #tpu.memory_space<vmem>>)
        tpu.yield
      }) : () -> ()
      "tpu.region"() ({
        %run_scoped3A = tpu.sem_alloc : memref<!tpu.dma_semaphore, #tpu.memory_space<semaphore_mem>>
        %dma_start3A = arith.constant 0 : i32
        %dma_start3A_29 = tpu.memref_slice %arg7[%dma_start3A] : memref<10240xf32, #tpu.memory_space<vmem_shared>> -> memref<10240xf32, #tpu.memory_space<vmem_shared>>
        tpu.enqueue_indirect_dma source(%arg5 : memref<640xf32, #tpu.memory_space<vmem>>) target(%dma_start3A_29 : memref<10240xf32, #tpu.memory_space<vmem_shared>>) offsets(%arg4 : memref<640xi32, #tpu.memory_space<vmem>>) semaphore(%run_scoped3A : memref<!tpu.dma_semaphore, #tpu.memory_space<semaphore_mem>>) {add = true}
        %dma_wait3A = arith.constant 0 : i32
        %dma_wait3A_30 = tpu.memref_slice %arg7[%dma_wait3A] : memref<10240xf32, #tpu.memory_space<vmem_shared>> -> memref<10240xf32, #tpu.memory_space<vmem_shared>>
        tpu.wait_indirect_dma semaphore(%run_scoped3A : memref<!tpu.dma_semaphore, #tpu.memory_space<semaphore_mem>>) src(%arg5 : memref<640xf32, #tpu.memory_space<vmem>>) dst(%dma_wait3A_30 : memref<10240xf32, #tpu.memory_space<vmem_shared>>)
        tpu.yield
      }) : () -> ()
      %scan3A_28 = arith.constant 0 : i32
      scf.yield %scan3A_28 : i32
    }
    %scan3A_17 = arith.constant 16 : i32
    %barrier3A_18 = arith.constant 0 : index
    tpu.barrier barrier_id(%barrier3A_18)
    %mul3A_19 = arith.constant 640 : i32
    %mul3A_20 = arith.muli %arg1, %mul3A_19 : i32
    %mul3A_21 = arith.constant 640 : i32
    %mul3A_22 = arith.muli %arg1, %mul3A_21 : i32
    "tpu.region"() ({
      %run_scoped3A = tpu.sem_alloc : memref<!tpu.dma_semaphore, #tpu.memory_space<semaphore_mem>>
      %dma_start3A = tpu.memref_slice %arg3[%arg0, %mul3A_22] : memref<2x10240xf32, #tpu.memory_space<hbm>> -> memref<1x640xf32, #tpu.memory_space<hbm>>
      %dma_start3A_23 = tpu.memref_squeeze %dma_start3A : memref<1x640xf32, #tpu.memory_space<hbm>> -> memref<640xf32, #tpu.memory_space<hbm>>
      %dma_start3A_24 = tpu.memref_slice %arg7[%mul3A_20] : memref<10240xf32, #tpu.memory_space<vmem_shared>> -> memref<640xf32, #tpu.memory_space<vmem_shared>>
      tpu.enqueue_dma source(%dma_start3A_24 : memref<640xf32, #tpu.memory_space<vmem_shared>>) target(%dma_start3A_23 : memref<640xf32, #tpu.memory_space<hbm>>) target_semaphore(%run_scoped3A : memref<!tpu.dma_semaphore, #tpu.memory_space<semaphore_mem>>)
      %dma_wait3A = tpu.memref_slice %arg3[%arg0, %mul3A_22] : memref<2x10240xf32, #tpu.memory_space<hbm>> -> memref<1x640xf32, #tpu.memory_space<hbm>>
      %dma_wait3A_25 = tpu.memref_squeeze %dma_wait3A : memref<1x640xf32, #tpu.memory_space<hbm>> -> memref<640xf32, #tpu.memory_space<hbm>>
      %dma_wait3A_26 = tpu.memref_slice %arg7[%mul3A_20] : memref<10240xf32, #tpu.memory_space<vmem_shared>> -> memref<640xf32, #tpu.memory_space<vmem_shared>>
      tpu.wait_dma2 semaphore(%run_scoped3A : memref<!tpu.dma_semaphore, #tpu.memory_space<semaphore_mem>>) src(%dma_wait3A_26 : memref<640xf32, #tpu.memory_space<vmem_shared>>) dst(%dma_wait3A_25 : memref<640xf32, #tpu.memory_space<hbm>>)
      tpu.yield
    }) : () -> ()
    return
  }
}

#map = affine_map<(d0, d1) -> (0, 0)>
#map1 = affine_map<(d0, d1) -> (0)>
#map2 = affine_map<(d0, d1) -> (0, 0, 0)>
module attributes {stable_mosaic.version = 14 : i64} {
  func.func @_sc_edges(%arg0: i32, %arg1: i32, %arg2: memref<10000x128xf32, #tpu.memory_space<hbm>>, %arg3: memref<10000x128xf32, #tpu.memory_space<hbm>>, %arg4: memref<327680xi32, #tpu.memory_space<hbm>>, %arg5: memref<327680xi32, #tpu.memory_space<hbm>>, %arg6: memref<2x10240x128xf32, #tpu.memory_space<hbm>>, %arg7: memref<2x10240x128xf32, #tpu.memory_space<hbm>>, %arg8: memref<80xi32, #tpu.memory_space<vmem>>, %arg9: memref<80xi32, #tpu.memory_space<vmem>>, %arg10: memref<80xi32, #tpu.memory_space<vmem>>, %arg11: memref<80xi32, #tpu.memory_space<vmem>>, %arg12: memref<80xi32, #tpu.memory_space<vmem>>, %arg13: memref<80xi32, #tpu.memory_space<vmem>>, %arg14: memref<80xi32, #tpu.memory_space<vmem>>, %arg15: memref<80xi32, #tpu.memory_space<vmem>>, %arg16: memref<80x128xf32, #tpu.memory_space<vmem>>, %arg17: memref<80x128xf32, #tpu.memory_space<vmem>>, %arg18: memref<80x128xf32, #tpu.memory_space<vmem>>, %arg19: memref<80x128xf32, #tpu.memory_space<vmem>>, %arg20: memref<10240x128xf32, #tpu.memory_space<vmem_shared>>, %arg21: memref<!tpu.dma_semaphore, #tpu.memory_space<semaphore_mem>>, %arg22: memref<!tpu.dma_semaphore, #tpu.memory_space<semaphore_mem>>, %arg23: memref<!tpu.dma_semaphore, #tpu.memory_space<semaphore_mem>>, %arg24: memref<!tpu.dma_semaphore, #tpu.memory_space<semaphore_mem>>, %arg25: memref<!tpu.dma_semaphore, #tpu.memory_space<semaphore_mem>>, %arg26: memref<!tpu.dma_semaphore, #tpu.memory_space<semaphore_mem>>, %arg27: memref<!tpu.dma_semaphore, #tpu.memory_space<semaphore_mem>>, %arg28: memref<!tpu.dma_semaphore, #tpu.memory_space<semaphore_mem>>) attributes {dimension_semantics = [#tpu.dimension_semantics<core_parallel>, #tpu.dimension_semantics<subcore_parallel>], iteration_bounds = array<i64: 2, 16>, scalar_prefetch = 0 : i64, scratch_operands = 21 : i64, tpu.core_type = #tpu.core_type<sc_vector_subcore>, window_params = [{transform_indices = #map}, {transform_indices = #map}, {transform_indices = #map1}, {transform_indices = #map1}, {transform_indices = #map2}, {transform_indices = #map2}]} {
    %mul3A = arith.constant 16 : i32
    %mul3A_0 = arith.muli %arg0, %mul3A : i32
    %add3A = arith.addi %mul3A_0, %arg1 : i32
    %mul3A_1 = arith.constant 10240 : i32
    %mul3A_2 = arith.muli %add3A, %mul3A_1 : i32
    %scan3A = arith.constant 0 : i32
    %scan3A_3 = arith.constant 0 : i32
    %scan3A_4 = arith.constant 80 : i32
    %scan3A_5 = arith.addi %scan3A_3, %scan3A_4 : i32
    %scan3A_6 = arith.constant 1 : i32
    %scan3A_7 = scf.for %scan3A_212 = %scan3A_3 to %scan3A_5 step %scan3A_6 iter_args(%scan3A_213 = %scan3A) -> (i32)  : i32 {
      %broadcast_in_dim3A = arith.constant 0.000000e+00 : f32
      %broadcast_in_dim3A_214 = vector.broadcast %broadcast_in_dim3A : f32 to vector<16xf32>
      %swap3A = arith.index_cast %scan3A_212 : i32 to index
      %swap3A_215 = arith.constant 0 : index
      %swap3A_216 = tpu.vector_load %arg18[%swap3A, %swap3A_215] {strides = array<i32>} : memref<80x128xf32, #tpu.memory_space<vmem>>, vector<1x16xf32>,
      %swap3A_217 = vector.shape_cast %swap3A_216 : vector<1x16xf32> to vector<16xf32>
      %swap3A_218 = vector.shape_cast %broadcast_in_dim3A_214 : vector<16xf32> to vector<1x16xf32>
      tpu.vector_store %arg18[%swap3A, %swap3A_215], %swap3A_218 {strides = array<i32>} : memref<80x128xf32, #tpu.memory_space<vmem>>, vector<1x16xf32>,
      %broadcast_in_dim3A_219 = arith.constant 0.000000e+00 : f32
      %broadcast_in_dim3A_220 = vector.broadcast %broadcast_in_dim3A_219 : f32 to vector<16xf32>
      %swap3A_221 = arith.index_cast %scan3A_212 : i32 to index
      %swap3A_222 = arith.constant 16 : index
      %swap3A_223 = tpu.vector_load %arg18[%swap3A_221, %swap3A_222] {strides = array<i32>} : memref<80x128xf32, #tpu.memory_space<vmem>>, vector<1x16xf32>,
      %swap3A_224 = vector.shape_cast %swap3A_223 : vector<1x16xf32> to vector<16xf32>
      %swap3A_225 = vector.shape_cast %broadcast_in_dim3A_220 : vector<16xf32> to vector<1x16xf32>
      tpu.vector_store %arg18[%swap3A_221, %swap3A_222], %swap3A_225 {strides = array<i32>} : memref<80x128xf32, #tpu.memory_space<vmem>>, vector<1x16xf32>,
      %broadcast_in_dim3A_226 = arith.constant 0.000000e+00 : f32
      %broadcast_in_dim3A_227 = vector.broadcast %broadcast_in_dim3A_226 : f32 to vector<16xf32>
      %swap3A_228 = arith.index_cast %scan3A_212 : i32 to index
      %swap3A_229 = arith.constant 32 : index
      %swap3A_230 = tpu.vector_load %arg18[%swap3A_228, %swap3A_229] {strides = array<i32>} : memref<80x128xf32, #tpu.memory_space<vmem>>, vector<1x16xf32>,
      %swap3A_231 = vector.shape_cast %swap3A_230 : vector<1x16xf32> to vector<16xf32>
      %swap3A_232 = vector.shape_cast %broadcast_in_dim3A_227 : vector<16xf32> to vector<1x16xf32>
      tpu.vector_store %arg18[%swap3A_228, %swap3A_229], %swap3A_232 {strides = array<i32>} : memref<80x128xf32, #tpu.memory_space<vmem>>, vector<1x16xf32>,
      %broadcast_in_dim3A_233 = arith.constant 0.000000e+00 : f32
      %broadcast_in_dim3A_234 = vector.broadcast %broadcast_in_dim3A_233 : f32 to vector<16xf32>
      %swap3A_235 = arith.index_cast %scan3A_212 : i32 to index
      %swap3A_236 = arith.constant 48 : index
      %swap3A_237 = tpu.vector_load %arg18[%swap3A_235, %swap3A_236] {strides = array<i32>} : memref<80x128xf32, #tpu.memory_space<vmem>>, vector<1x16xf32>,
      %swap3A_238 = vector.shape_cast %swap3A_237 : vector<1x16xf32> to vector<16xf32>
      %swap3A_239 = vector.shape_cast %broadcast_in_dim3A_234 : vector<16xf32> to vector<1x16xf32>
      tpu.vector_store %arg18[%swap3A_235, %swap3A_236], %swap3A_239 {strides = array<i32>} : memref<80x128xf32, #tpu.memory_space<vmem>>, vector<1x16xf32>,
      %broadcast_in_dim3A_240 = arith.constant 0.000000e+00 : f32
      %broadcast_in_dim3A_241 = vector.broadcast %broadcast_in_dim3A_240 : f32 to vector<16xf32>
      %swap3A_242 = arith.index_cast %scan3A_212 : i32 to index
      %swap3A_243 = arith.constant 64 : index
      %swap3A_244 = tpu.vector_load %arg18[%swap3A_242, %swap3A_243] {strides = array<i32>} : memref<80x128xf32, #tpu.memory_space<vmem>>, vector<1x16xf32>,
      %swap3A_245 = vector.shape_cast %swap3A_244 : vector<1x16xf32> to vector<16xf32>
      %swap3A_246 = vector.shape_cast %broadcast_in_dim3A_241 : vector<16xf32> to vector<1x16xf32>
      tpu.vector_store %arg18[%swap3A_242, %swap3A_243], %swap3A_246 {strides = array<i32>} : memref<80x128xf32, #tpu.memory_space<vmem>>, vector<1x16xf32>,
      %broadcast_in_dim3A_247 = arith.constant 0.000000e+00 : f32
      %broadcast_in_dim3A_248 = vector.broadcast %broadcast_in_dim3A_247 : f32 to vector<16xf32>
      %swap3A_249 = arith.index_cast %scan3A_212 : i32 to index
      %swap3A_250 = arith.constant 80 : index
      %swap3A_251 = tpu.vector_load %arg18[%swap3A_249, %swap3A_250] {strides = array<i32>} : memref<80x128xf32, #tpu.memory_space<vmem>>, vector<1x16xf32>,
      %swap3A_252 = vector.shape_cast %swap3A_251 : vector<1x16xf32> to vector<16xf32>
      %swap3A_253 = vector.shape_cast %broadcast_in_dim3A_248 : vector<16xf32> to vector<1x16xf32>
      tpu.vector_store %arg18[%swap3A_249, %swap3A_250], %swap3A_253 {strides = array<i32>} : memref<80x128xf32, #tpu.memory_space<vmem>>, vector<1x16xf32>,
      %broadcast_in_dim3A_254 = arith.constant 0.000000e+00 : f32
      %broadcast_in_dim3A_255 = vector.broadcast %broadcast_in_dim3A_254 : f32 to vector<16xf32>
      %swap3A_256 = arith.index_cast %scan3A_212 : i32 to index
      %swap3A_257 = arith.constant 96 : index
      %swap3A_258 = tpu.vector_load %arg18[%swap3A_256, %swap3A_257] {strides = array<i32>} : memref<80x128xf32, #tpu.memory_space<vmem>>, vector<1x16xf32>,
      %swap3A_259 = vector.shape_cast %swap3A_258 : vector<1x16xf32> to vector<16xf32>
      %swap3A_260 = vector.shape_cast %broadcast_in_dim3A_255 : vector<16xf32> to vector<1x16xf32>
      tpu.vector_store %arg18[%swap3A_256, %swap3A_257], %swap3A_260 {strides = array<i32>} : memref<80x128xf32, #tpu.memory_space<vmem>>, vector<1x16xf32>,
      %broadcast_in_dim3A_261 = arith.constant 0.000000e+00 : f32
      %broadcast_in_dim3A_262 = vector.broadcast %broadcast_in_dim3A_261 : f32 to vector<16xf32>
      %swap3A_263 = arith.index_cast %scan3A_212 : i32 to index
      %swap3A_264 = arith.constant 112 : index
      %swap3A_265 = tpu.vector_load %arg18[%swap3A_263, %swap3A_264] {strides = array<i32>} : memref<80x128xf32, #tpu.memory_space<vmem>>, vector<1x16xf32>,
      %swap3A_266 = vector.shape_cast %swap3A_265 : vector<1x16xf32> to vector<16xf32>
      %swap3A_267 = vector.shape_cast %broadcast_in_dim3A_262 : vector<16xf32> to vector<1x16xf32>
      tpu.vector_store %arg18[%swap3A_263, %swap3A_264], %swap3A_267 {strides = array<i32>} : memref<80x128xf32, #tpu.memory_space<vmem>>, vector<1x16xf32>,
      %scan3A_268 = arith.constant 0 : i32
      scf.yield %scan3A_268 : i32
    }
    %scan3A_8 = arith.constant 80 : i32
    %mul3A_9 = arith.constant 640 : i32
    %mul3A_10 = arith.muli %arg1, %mul3A_9 : i32
    %add3A_11 = arith.constant 0 : i32
    %add3A_12 = arith.addi %mul3A_10, %add3A_11 : i32
    "tpu.region"() ({
      %run_scoped3A = tpu.sem_alloc : memref<!tpu.dma_semaphore, #tpu.memory_space<semaphore_mem>>
      %dma_start3A_212 = arith.constant 0 : i32
      %dma_start3A_213 = tpu.memref_slice %arg20[%add3A_12, %dma_start3A_212] : memref<10240x128xf32, #tpu.memory_space<vmem_shared>> -> memref<80x128xf32, #tpu.memory_space<vmem_shared>>
      %dma_start3A_214 = arith.constant 0 : i32
      %dma_start3A_215 = tpu.memref_slice %arg20[%add3A_12, %dma_start3A_214] : memref<10240x128xf32, #tpu.memory_space<vmem_shared>> -> memref<80x128xf32, #tpu.memory_space<vmem_shared>>
      tpu.enqueue_dma source(%arg18 : memref<80x128xf32, #tpu.memory_space<vmem>>) target(%dma_start3A_215 : memref<80x128xf32, #tpu.memory_space<vmem_shared>>) target_semaphore(%run_scoped3A : memref<!tpu.dma_semaphore, #tpu.memory_space<semaphore_mem>>)
      %dma_wait3A_216 = arith.constant 0 : i32
      %dma_wait3A_217 = tpu.memref_slice %arg20[%add3A_12, %dma_wait3A_216] : memref<10240x128xf32, #tpu.memory_space<vmem_shared>> -> memref<80x128xf32, #tpu.memory_space<vmem_shared>>
      %dma_wait3A_218 = arith.constant 0 : i32
      %dma_wait3A_219 = tpu.memref_slice %arg20[%add3A_12, %dma_wait3A_218] : memref<10240x128xf32, #tpu.memory_space<vmem_shared>> -> memref<80x128xf32, #tpu.memory_space<vmem_shared>>
      tpu.wait_dma2 semaphore(%run_scoped3A : memref<!tpu.dma_semaphore, #tpu.memory_space<semaphore_mem>>) src(%arg18 : memref<80x128xf32, #tpu.memory_space<vmem>>) dst(%dma_wait3A_219 : memref<80x128xf32, #tpu.memory_space<vmem_shared>>)
      tpu.yield
    }) : () -> ()
    %mul3A_13 = arith.constant 640 : i32
    %mul3A_14 = arith.muli %arg1, %mul3A_13 : i32
    %add3A_15 = arith.constant 80 : i32
    %add3A_16 = arith.addi %mul3A_14, %add3A_15 : i32
    "tpu.region"() ({
      %run_scoped3A = tpu.sem_alloc : memref<!tpu.dma_semaphore, #tpu.memory_space<semaphore_mem>>
      %dma_start3A_212 = arith.constant 0 : i32
      %dma_start3A_213 = tpu.memref_slice %arg20[%add3A_16, %dma_start3A_212] : memref<10240x128xf32, #tpu.memory_space<vmem_shared>> -> memref<80x128xf32, #tpu.memory_space<vmem_shared>>
      %dma_start3A_214 = arith.constant 0 : i32
      %dma_start3A_215 = tpu.memref_slice %arg20[%add3A_16, %dma_start3A_214] : memref<10240x128xf32, #tpu.memory_space<vmem_shared>> -> memref<80x128xf32, #tpu.memory_space<vmem_shared>>
      tpu.enqueue_dma source(%arg18 : memref<80x128xf32, #tpu.memory_space<vmem>>) target(%dma_start3A_215 : memref<80x128xf32, #tpu.memory_space<vmem_shared>>) target_semaphore(%run_scoped3A : memref<!tpu.dma_semaphore, #tpu.memory_space<semaphore_mem>>)
      %dma_wait3A_216 = arith.constant 0 : i32
      %dma_wait3A_217 = tpu.memref_slice %arg20[%add3A_16, %dma_wait3A_216] : memref<10240x128xf32, #tpu.memory_space<vmem_shared>> -> memref<80x128xf32, #tpu.memory_space<vmem_shared>>
      %dma_wait3A_218 = arith.constant 0 : i32
      %dma_wait3A_219 = tpu.memref_slice %arg20[%add3A_16, %dma_wait3A_218] : memref<10240x128xf32, #tpu.memory_space<vmem_shared>> -> memref<80x128xf32, #tpu.memory_space<vmem_shared>>
      tpu.wait_dma2 semaphore(%run_scoped3A : memref<!tpu.dma_semaphore, #tpu.memory_space<semaphore_mem>>) src(%arg18 : memref<80x128xf32, #tpu.memory_space<vmem>>) dst(%dma_wait3A_219 : memref<80x128xf32, #tpu.memory_space<vmem_shared>>)
      tpu.yield
    }) : () -> ()
    %mul3A_17 = arith.constant 640 : i32
    %mul3A_18 = arith.muli %arg1, %mul3A_17 : i32
    %add3A_19 = arith.constant 160 : i32
    %add3A_20 = arith.addi %mul3A_18, %add3A_19 : i32
    "tpu.region"() ({
      %run_scoped3A = tpu.sem_alloc : memref<!tpu.dma_semaphore, #tpu.memory_space<semaphore_mem>>
      %dma_start3A_212 = arith.constant 0 : i32
      %dma_start3A_213 = tpu.memref_slice %arg20[%add3A_20, %dma_start3A_212] : memref<10240x128xf32, #tpu.memory_space<vmem_shared>> -> memref<80x128xf32, #tpu.memory_space<vmem_shared>>
      %dma_start3A_214 = arith.constant 0 : i32
      %dma_start3A_215 = tpu.memref_slice %arg20[%add3A_20, %dma_start3A_214] : memref<10240x128xf32, #tpu.memory_space<vmem_shared>> -> memref<80x128xf32, #tpu.memory_space<vmem_shared>>
      tpu.enqueue_dma source(%arg18 : memref<80x128xf32, #tpu.memory_space<vmem>>) target(%dma_start3A_215 : memref<80x128xf32, #tpu.memory_space<vmem_shared>>) target_semaphore(%run_scoped3A : memref<!tpu.dma_semaphore, #tpu.memory_space<semaphore_mem>>)
      %dma_wait3A_216 = arith.constant 0 : i32
      %dma_wait3A_217 = tpu.memref_slice %arg20[%add3A_20, %dma_wait3A_216] : memref<10240x128xf32, #tpu.memory_space<vmem_shared>> -> memref<80x128xf32, #tpu.memory_space<vmem_shared>>
      %dma_wait3A_218 = arith.constant 0 : i32
      %dma_wait3A_219 = tpu.memref_slice %arg20[%add3A_20, %dma_wait3A_218] : memref<10240x128xf32, #tpu.memory_space<vmem_shared>> -> memref<80x128xf32, #tpu.memory_space<vmem_shared>>
      tpu.wait_dma2 semaphore(%run_scoped3A : memref<!tpu.dma_semaphore, #tpu.memory_space<semaphore_mem>>) src(%arg18 : memref<80x128xf32, #tpu.memory_space<vmem>>) dst(%dma_wait3A_219 : memref<80x128xf32, #tpu.memory_space<vmem_shared>>)
      tpu.yield
    }) : () -> ()
    %mul3A_21 = arith.constant 640 : i32
    %mul3A_22 = arith.muli %arg1, %mul3A_21 : i32
    %add3A_23 = arith.constant 240 : i32
    %add3A_24 = arith.addi %mul3A_22, %add3A_23 : i32
    "tpu.region"() ({
      %run_scoped3A = tpu.sem_alloc : memref<!tpu.dma_semaphore, #tpu.memory_space<semaphore_mem>>
      %dma_start3A_212 = arith.constant 0 : i32
      %dma_start3A_213 = tpu.memref_slice %arg20[%add3A_24, %dma_start3A_212] : memref<10240x128xf32, #tpu.memory_space<vmem_shared>> -> memref<80x128xf32, #tpu.memory_space<vmem_shared>>
      %dma_start3A_214 = arith.constant 0 : i32
      %dma_start3A_215 = tpu.memref_slice %arg20[%add3A_24, %dma_start3A_214] : memref<10240x128xf32, #tpu.memory_space<vmem_shared>> -> memref<80x128xf32, #tpu.memory_space<vmem_shared>>
      tpu.enqueue_dma source(%arg18 : memref<80x128xf32, #tpu.memory_space<vmem>>) target(%dma_start3A_215 : memref<80x128xf32, #tpu.memory_space<vmem_shared>>) target_semaphore(%run_scoped3A : memref<!tpu.dma_semaphore, #tpu.memory_space<semaphore_mem>>)
      %dma_wait3A_216 = arith.constant 0 : i32
      %dma_wait3A_217 = tpu.memref_slice %arg20[%add3A_24, %dma_wait3A_216] : memref<10240x128xf32, #tpu.memory_space<vmem_shared>> -> memref<80x128xf32, #tpu.memory_space<vmem_shared>>
      %dma_wait3A_218 = arith.constant 0 : i32
      %dma_wait3A_219 = tpu.memref_slice %arg20[%add3A_24, %dma_wait3A_218] : memref<10240x128xf32, #tpu.memory_space<vmem_shared>> -> memref<80x128xf32, #tpu.memory_space<vmem_shared>>
      tpu.wait_dma2 semaphore(%run_scoped3A : memref<!tpu.dma_semaphore, #tpu.memory_space<semaphore_mem>>) src(%arg18 : memref<80x128xf32, #tpu.memory_space<vmem>>) dst(%dma_wait3A_219 : memref<80x128xf32, #tpu.memory_space<vmem_shared>>)
      tpu.yield
    }) : () -> ()
    %mul3A_25 = arith.constant 640 : i32
    %mul3A_26 = arith.muli %arg1, %mul3A_25 : i32
    %add3A_27 = arith.constant 320 : i32
    %add3A_28 = arith.addi %mul3A_26, %add3A_27 : i32
    "tpu.region"() ({
      %run_scoped3A = tpu.sem_alloc : memref<!tpu.dma_semaphore, #tpu.memory_space<semaphore_mem>>
      %dma_start3A_212 = arith.constant 0 : i32
      %dma_start3A_213 = tpu.memref_slice %arg20[%add3A_28, %dma_start3A_212] : memref<10240x128xf32, #tpu.memory_space<vmem_shared>> -> memref<80x128xf32, #tpu.memory_space<vmem_shared>>
      %dma_start3A_214 = arith.constant 0 : i32
      %dma_start3A_215 = tpu.memref_slice %arg20[%add3A_28, %dma_start3A_214] : memref<10240x128xf32, #tpu.memory_space<vmem_shared>> -> memref<80x128xf32, #tpu.memory_space<vmem_shared>>
      tpu.enqueue_dma source(%arg18 : memref<80x128xf32, #tpu.memory_space<vmem>>) target(%dma_start3A_215 : memref<80x128xf32, #tpu.memory_space<vmem_shared>>) target_semaphore(%run_scoped3A : memref<!tpu.dma_semaphore, #tpu.memory_space<semaphore_mem>>)
      %dma_wait3A_216 = arith.constant 0 : i32
      %dma_wait3A_217 = tpu.memref_slice %arg20[%add3A_28, %dma_wait3A_216] : memref<10240x128xf32, #tpu.memory_space<vmem_shared>> -> memref<80x128xf32, #tpu.memory_space<vmem_shared>>
      %dma_wait3A_218 = arith.constant 0 : i32
      %dma_wait3A_219 = tpu.memref_slice %arg20[%add3A_28, %dma_wait3A_218] : memref<10240x128xf32, #tpu.memory_space<vmem_shared>> -> memref<80x128xf32, #tpu.memory_space<vmem_shared>>
      tpu.wait_dma2 semaphore(%run_scoped3A : memref<!tpu.dma_semaphore, #tpu.memory_space<semaphore_mem>>) src(%arg18 : memref<80x128xf32, #tpu.memory_space<vmem>>) dst(%dma_wait3A_219 : memref<80x128xf32, #tpu.memory_space<vmem_shared>>)
      tpu.yield
    }) : () -> ()
    %mul3A_29 = arith.constant 640 : i32
    %mul3A_30 = arith.muli %arg1, %mul3A_29 : i32
    %add3A_31 = arith.constant 400 : i32
    %add3A_32 = arith.addi %mul3A_30, %add3A_31 : i32
    "tpu.region"() ({
      %run_scoped3A = tpu.sem_alloc : memref<!tpu.dma_semaphore, #tpu.memory_space<semaphore_mem>>
      %dma_start3A_212 = arith.constant 0 : i32
      %dma_start3A_213 = tpu.memref_slice %arg20[%add3A_32, %dma_start3A_212] : memref<10240x128xf32, #tpu.memory_space<vmem_shared>> -> memref<80x128xf32, #tpu.memory_space<vmem_shared>>
      %dma_start3A_214 = arith.constant 0 : i32
      %dma_start3A_215 = tpu.memref_slice %arg20[%add3A_32, %dma_start3A_214] : memref<10240x128xf32, #tpu.memory_space<vmem_shared>> -> memref<80x128xf32, #tpu.memory_space<vmem_shared>>
      tpu.enqueue_dma source(%arg18 : memref<80x128xf32, #tpu.memory_space<vmem>>) target(%dma_start3A_215 : memref<80x128xf32, #tpu.memory_space<vmem_shared>>) target_semaphore(%run_scoped3A : memref<!tpu.dma_semaphore, #tpu.memory_space<semaphore_mem>>)
      %dma_wait3A_216 = arith.constant 0 : i32
      %dma_wait3A_217 = tpu.memref_slice %arg20[%add3A_32, %dma_wait3A_216] : memref<10240x128xf32, #tpu.memory_space<vmem_shared>> -> memref<80x128xf32, #tpu.memory_space<vmem_shared>>
      %dma_wait3A_218 = arith.constant 0 : i32
      %dma_wait3A_219 = tpu.memref_slice %arg20[%add3A_32, %dma_wait3A_218] : memref<10240x128xf32, #tpu.memory_space<vmem_shared>> -> memref<80x128xf32, #tpu.memory_space<vmem_shared>>
      tpu.wait_dma2 semaphore(%run_scoped3A : memref<!tpu.dma_semaphore, #tpu.memory_space<semaphore_mem>>) src(%arg18 : memref<80x128xf32, #tpu.memory_space<vmem>>) dst(%dma_wait3A_219 : memref<80x128xf32, #tpu.memory_space<vmem_shared>>)
      tpu.yield
    }) : () -> ()
    %mul3A_33 = arith.constant 640 : i32
    %mul3A_34 = arith.muli %arg1, %mul3A_33 : i32
    %add3A_35 = arith.constant 480 : i32
    %add3A_36 = arith.addi %mul3A_34, %add3A_35 : i32
    "tpu.region"() ({
      %run_scoped3A = tpu.sem_alloc : memref<!tpu.dma_semaphore, #tpu.memory_space<semaphore_mem>>
      %dma_start3A_212 = arith.constant 0 : i32
      %dma_start3A_213 = tpu.memref_slice %arg20[%add3A_36, %dma_start3A_212] : memref<10240x128xf32, #tpu.memory_space<vmem_shared>> -> memref<80x128xf32, #tpu.memory_space<vmem_shared>>
      %dma_start3A_214 = arith.constant 0 : i32
      %dma_start3A_215 = tpu.memref_slice %arg20[%add3A_36, %dma_start3A_214] : memref<10240x128xf32, #tpu.memory_space<vmem_shared>> -> memref<80x128xf32, #tpu.memory_space<vmem_shared>>
      tpu.enqueue_dma source(%arg18 : memref<80x128xf32, #tpu.memory_space<vmem>>) target(%dma_start3A_215 : memref<80x128xf32, #tpu.memory_space<vmem_shared>>) target_semaphore(%run_scoped3A : memref<!tpu.dma_semaphore, #tpu.memory_space<semaphore_mem>>)
      %dma_wait3A_216 = arith.constant 0 : i32
      %dma_wait3A_217 = tpu.memref_slice %arg20[%add3A_36, %dma_wait3A_216] : memref<10240x128xf32, #tpu.memory_space<vmem_shared>> -> memref<80x128xf32, #tpu.memory_space<vmem_shared>>
      %dma_wait3A_218 = arith.constant 0 : i32
      %dma_wait3A_219 = tpu.memref_slice %arg20[%add3A_36, %dma_wait3A_218] : memref<10240x128xf32, #tpu.memory_space<vmem_shared>> -> memref<80x128xf32, #tpu.memory_space<vmem_shared>>
      tpu.wait_dma2 semaphore(%run_scoped3A : memref<!tpu.dma_semaphore, #tpu.memory_space<semaphore_mem>>) src(%arg18 : memref<80x128xf32, #tpu.memory_space<vmem>>) dst(%dma_wait3A_219 : memref<80x128xf32, #tpu.memory_space<vmem_shared>>)
      tpu.yield
    }) : () -> ()
    %mul3A_37 = arith.constant 640 : i32
    %mul3A_38 = arith.muli %arg1, %mul3A_37 : i32
    %add3A_39 = arith.constant 560 : i32
    %add3A_40 = arith.addi %mul3A_38, %add3A_39 : i32
    "tpu.region"() ({
      %run_scoped3A = tpu.sem_alloc : memref<!tpu.dma_semaphore, #tpu.memory_space<semaphore_mem>>
      %dma_start3A_212 = arith.constant 0 : i32
      %dma_start3A_213 = tpu.memref_slice %arg20[%add3A_40, %dma_start3A_212] : memref<10240x128xf32, #tpu.memory_space<vmem_shared>> -> memref<80x128xf32, #tpu.memory_space<vmem_shared>>
      %dma_start3A_214 = arith.constant 0 : i32
      %dma_start3A_215 = tpu.memref_slice %arg20[%add3A_40, %dma_start3A_214] : memref<10240x128xf32, #tpu.memory_space<vmem_shared>> -> memref<80x128xf32, #tpu.memory_space<vmem_shared>>
      tpu.enqueue_dma source(%arg18 : memref<80x128xf32, #tpu.memory_space<vmem>>) target(%dma_start3A_215 : memref<80x128xf32, #tpu.memory_space<vmem_shared>>) target_semaphore(%run_scoped3A : memref<!tpu.dma_semaphore, #tpu.memory_space<semaphore_mem>>)
      %dma_wait3A_216 = arith.constant 0 : i32
      %dma_wait3A_217 = tpu.memref_slice %arg20[%add3A_40, %dma_wait3A_216] : memref<10240x128xf32, #tpu.memory_space<vmem_shared>> -> memref<80x128xf32, #tpu.memory_space<vmem_shared>>
      %dma_wait3A_218 = arith.constant 0 : i32
      %dma_wait3A_219 = tpu.memref_slice %arg20[%add3A_40, %dma_wait3A_218] : memref<10240x128xf32, #tpu.memory_space<vmem_shared>> -> memref<80x128xf32, #tpu.memory_space<vmem_shared>>
      tpu.wait_dma2 semaphore(%run_scoped3A : memref<!tpu.dma_semaphore, #tpu.memory_space<semaphore_mem>>) src(%arg18 : memref<80x128xf32, #tpu.memory_space<vmem>>) dst(%dma_wait3A_219 : memref<80x128xf32, #tpu.memory_space<vmem_shared>>)
      tpu.yield
    }) : () -> ()
    %barrier3A = arith.constant 0 : index
    tpu.barrier barrier_id(%barrier3A)
    %add3A_41 = arith.constant 0 : i32
    %add3A_42 = arith.addi %mul3A_2, %add3A_41 : i32
    %dma_start3A = tpu.memref_slice %arg4[%add3A_42] : memref<327680xi32, #tpu.memory_space<hbm>> -> memref<80xi32, #tpu.memory_space<hbm>>
    %dma_start3A_43 = tpu.memref_slice %arg4[%add3A_42] : memref<327680xi32, #tpu.memory_space<hbm>> -> memref<80xi32, #tpu.memory_space<hbm>>
    tpu.enqueue_dma source(%dma_start3A_43 : memref<80xi32, #tpu.memory_space<hbm>>) target(%arg8 : memref<80xi32, #tpu.memory_space<vmem>>) target_semaphore(%arg25 : memref<!tpu.dma_semaphore, #tpu.memory_space<semaphore_mem>>)
    %dma_start3A_44 = tpu.memref_slice %arg5[%add3A_42] : memref<327680xi32, #tpu.memory_space<hbm>> -> memref<80xi32, #tpu.memory_space<hbm>>
    %dma_start3A_45 = tpu.memref_slice %arg5[%add3A_42] : memref<327680xi32, #tpu.memory_space<hbm>> -> memref<80xi32, #tpu.memory_space<hbm>>
    tpu.enqueue_dma source(%dma_start3A_45 : memref<80xi32, #tpu.memory_space<hbm>>) target(%arg12 : memref<80xi32, #tpu.memory_space<vmem>>) target_semaphore(%arg25 : memref<!tpu.dma_semaphore, #tpu.memory_space<semaphore_mem>>)
    %add3A_46 = arith.constant 80 : i32
    %add3A_47 = arith.addi %mul3A_2, %add3A_46 : i32
    %dma_start3A_48 = tpu.memref_slice %arg4[%add3A_47] : memref<327680xi32, #tpu.memory_space<hbm>> -> memref<80xi32, #tpu.memory_space<hbm>>
    %dma_start3A_49 = tpu.memref_slice %arg4[%add3A_47] : memref<327680xi32, #tpu.memory_space<hbm>> -> memref<80xi32, #tpu.memory_space<hbm>>
    tpu.enqueue_dma source(%dma_start3A_49 : memref<80xi32, #tpu.memory_space<hbm>>) target(%arg9 : memref<80xi32, #tpu.memory_space<vmem>>) target_semaphore(%arg26 : memref<!tpu.dma_semaphore, #tpu.memory_space<semaphore_mem>>)
    %dma_start3A_50 = tpu.memref_slice %arg5[%add3A_47] : memref<327680xi32, #tpu.memory_space<hbm>> -> memref<80xi32, #tpu.memory_space<hbm>>
    %dma_start3A_51 = tpu.memref_slice %arg5[%add3A_47] : memref<327680xi32, #tpu.memory_space<hbm>> -> memref<80xi32, #tpu.memory_space<hbm>>
    tpu.enqueue_dma source(%dma_start3A_51 : memref<80xi32, #tpu.memory_space<hbm>>) target(%arg13 : memref<80xi32, #tpu.memory_space<vmem>>) target_semaphore(%arg26 : memref<!tpu.dma_semaphore, #tpu.memory_space<semaphore_mem>>)
    %add3A_52 = arith.constant 160 : i32
    %add3A_53 = arith.addi %mul3A_2, %add3A_52 : i32
    %dma_start3A_54 = tpu.memref_slice %arg4[%add3A_53] : memref<327680xi32, #tpu.memory_space<hbm>> -> memref<80xi32, #tpu.memory_space<hbm>>
    %dma_start3A_55 = tpu.memref_slice %arg4[%add3A_53] : memref<327680xi32, #tpu.memory_space<hbm>> -> memref<80xi32, #tpu.memory_space<hbm>>
    tpu.enqueue_dma source(%dma_start3A_55 : memref<80xi32, #tpu.memory_space<hbm>>) target(%arg10 : memref<80xi32, #tpu.memory_space<vmem>>) target_semaphore(%arg27 : memref<!tpu.dma_semaphore, #tpu.memory_space<semaphore_mem>>)
    %dma_start3A_56 = tpu.memref_slice %arg5[%add3A_53] : memref<327680xi32, #tpu.memory_space<hbm>> -> memref<80xi32, #tpu.memory_space<hbm>>
    %dma_start3A_57 = tpu.memref_slice %arg5[%add3A_53] : memref<327680xi32, #tpu.memory_space<hbm>> -> memref<80xi32, #tpu.memory_space<hbm>>
    tpu.enqueue_dma source(%dma_start3A_57 : memref<80xi32, #tpu.memory_space<hbm>>) target(%arg14 : memref<80xi32, #tpu.memory_space<vmem>>) target_semaphore(%arg27 : memref<!tpu.dma_semaphore, #tpu.memory_space<semaphore_mem>>)
    %add3A_58 = arith.constant 240 : i32
    %add3A_59 = arith.addi %mul3A_2, %add3A_58 : i32
    %dma_start3A_60 = tpu.memref_slice %arg4[%add3A_59] : memref<327680xi32, #tpu.memory_space<hbm>> -> memref<80xi32, #tpu.memory_space<hbm>>
    %dma_start3A_61 = tpu.memref_slice %arg4[%add3A_59] : memref<327680xi32, #tpu.memory_space<hbm>> -> memref<80xi32, #tpu.memory_space<hbm>>
    tpu.enqueue_dma source(%dma_start3A_61 : memref<80xi32, #tpu.memory_space<hbm>>) target(%arg11 : memref<80xi32, #tpu.memory_space<vmem>>) target_semaphore(%arg28 : memref<!tpu.dma_semaphore, #tpu.memory_space<semaphore_mem>>)
    %dma_start3A_62 = tpu.memref_slice %arg5[%add3A_59] : memref<327680xi32, #tpu.memory_space<hbm>> -> memref<80xi32, #tpu.memory_space<hbm>>
    %dma_start3A_63 = tpu.memref_slice %arg5[%add3A_59] : memref<327680xi32, #tpu.memory_space<hbm>> -> memref<80xi32, #tpu.memory_space<hbm>>
    tpu.enqueue_dma source(%dma_start3A_63 : memref<80xi32, #tpu.memory_space<hbm>>) target(%arg15 : memref<80xi32, #tpu.memory_space<vmem>>) target_semaphore(%arg28 : memref<!tpu.dma_semaphore, #tpu.memory_space<semaphore_mem>>)
    %dma_wait3A = arith.constant 0 : i32
    %dma_wait3A_64 = tpu.memref_slice %arg4[%dma_wait3A] : memref<327680xi32, #tpu.memory_space<hbm>> -> memref<80xi32, #tpu.memory_space<hbm>>
    %dma_wait3A_65 = arith.constant 0 : i32
    %dma_wait3A_66 = tpu.memref_slice %arg4[%dma_wait3A_65] : memref<327680xi32, #tpu.memory_space<hbm>> -> memref<80xi32, #tpu.memory_space<hbm>>
    tpu.wait_dma2 semaphore(%arg25 : memref<!tpu.dma_semaphore, #tpu.memory_space<semaphore_mem>>) src(%dma_wait3A_66 : memref<80xi32, #tpu.memory_space<hbm>>) dst(%arg8 : memref<80xi32, #tpu.memory_space<vmem>>)
    %dma_wait3A_67 = arith.constant 0 : i32
    %dma_wait3A_68 = tpu.memref_slice %arg5[%dma_wait3A_67] : memref<327680xi32, #tpu.memory_space<hbm>> -> memref<80xi32, #tpu.memory_space<hbm>>
    %dma_wait3A_69 = arith.constant 0 : i32
    %dma_wait3A_70 = tpu.memref_slice %arg5[%dma_wait3A_69] : memref<327680xi32, #tpu.memory_space<hbm>> -> memref<80xi32, #tpu.memory_space<hbm>>
    tpu.wait_dma2 semaphore(%arg25 : memref<!tpu.dma_semaphore, #tpu.memory_space<semaphore_mem>>) src(%dma_wait3A_70 : memref<80xi32, #tpu.memory_space<hbm>>) dst(%arg12 : memref<80xi32, #tpu.memory_space<vmem>>)
    %dma_start3A_71 = arith.constant 0 : i32
    %dma_start3A_72 = arith.constant 0 : i32
    %dma_start3A_73 = tpu.memref_slice %arg2[%dma_start3A_71, %dma_start3A_72] : memref<10000x128xf32, #tpu.memory_space<hbm>> -> memref<10000x128xf32, #tpu.memory_space<hbm>>
    tpu.enqueue_indirect_dma source(%dma_start3A_73 : memref<10000x128xf32, #tpu.memory_space<hbm>>) target(%arg16 : memref<80x128xf32, #tpu.memory_space<vmem>>) offsets(%arg8 : memref<80xi32, #tpu.memory_space<vmem>>) semaphore(%arg21 : memref<!tpu.dma_semaphore, #tpu.memory_space<semaphore_mem>>)
    %dma_start3A_74 = arith.constant 0 : i32
    %dma_start3A_75 = arith.constant 0 : i32
    %dma_start3A_76 = tpu.memref_slice %arg2[%dma_start3A_74, %dma_start3A_75] : memref<10000x128xf32, #tpu.memory_space<hbm>> -> memref<10000x128xf32, #tpu.memory_space<hbm>>
    tpu.enqueue_indirect_dma source(%dma_start3A_76 : memref<10000x128xf32, #tpu.memory_space<hbm>>) target(%arg18 : memref<80x128xf32, #tpu.memory_space<vmem>>) offsets(%arg12 : memref<80xi32, #tpu.memory_space<vmem>>) semaphore(%arg23 : memref<!tpu.dma_semaphore, #tpu.memory_space<semaphore_mem>>)
    %dma_wait3A_77 = arith.constant 0 : i32
    %dma_wait3A_78 = tpu.memref_slice %arg4[%dma_wait3A_77] : memref<327680xi32, #tpu.memory_space<hbm>> -> memref<80xi32, #tpu.memory_space<hbm>>
    %dma_wait3A_79 = arith.constant 0 : i32
    %dma_wait3A_80 = tpu.memref_slice %arg4[%dma_wait3A_79] : memref<327680xi32, #tpu.memory_space<hbm>> -> memref<80xi32, #tpu.memory_space<hbm>>
    tpu.wait_dma2 semaphore(%arg26 : memref<!tpu.dma_semaphore, #tpu.memory_space<semaphore_mem>>) src(%dma_wait3A_80 : memref<80xi32, #tpu.memory_space<hbm>>) dst(%arg9 : memref<80xi32, #tpu.memory_space<vmem>>)
    %dma_wait3A_81 = arith.constant 0 : i32
    %dma_wait3A_82 = tpu.memref_slice %arg5[%dma_wait3A_81] : memref<327680xi32, #tpu.memory_space<hbm>> -> memref<80xi32, #tpu.memory_space<hbm>>
    %dma_wait3A_83 = arith.constant 0 : i32
    %dma_wait3A_84 = tpu.memref_slice %arg5[%dma_wait3A_83] : memref<327680xi32, #tpu.memory_space<hbm>> -> memref<80xi32, #tpu.memory_space<hbm>>
    tpu.wait_dma2 semaphore(%arg26 : memref<!tpu.dma_semaphore, #tpu.memory_space<semaphore_mem>>) src(%dma_wait3A_84 : memref<80xi32, #tpu.memory_space<hbm>>) dst(%arg13 : memref<80xi32, #tpu.memory_space<vmem>>)
    %dma_start3A_85 = arith.constant 0 : i32
    %dma_start3A_86 = arith.constant 0 : i32
    %dma_start3A_87 = tpu.memref_slice %arg2[%dma_start3A_85, %dma_start3A_86] : memref<10000x128xf32, #tpu.memory_space<hbm>> -> memref<10000x128xf32, #tpu.memory_space<hbm>>
    tpu.enqueue_indirect_dma source(%dma_start3A_87 : memref<10000x128xf32, #tpu.memory_space<hbm>>) target(%arg17 : memref<80x128xf32, #tpu.memory_space<vmem>>) offsets(%arg9 : memref<80xi32, #tpu.memory_space<vmem>>) semaphore(%arg22 : memref<!tpu.dma_semaphore, #tpu.memory_space<semaphore_mem>>)
    %dma_start3A_88 = arith.constant 0 : i32
    %dma_start3A_89 = arith.constant 0 : i32
    %dma_start3A_90 = tpu.memref_slice %arg2[%dma_start3A_88, %dma_start3A_89] : memref<10000x128xf32, #tpu.memory_space<hbm>> -> memref<10000x128xf32, #tpu.memory_space<hbm>>
    tpu.enqueue_indirect_dma source(%dma_start3A_90 : memref<10000x128xf32, #tpu.memory_space<hbm>>) target(%arg19 : memref<80x128xf32, #tpu.memory_space<vmem>>) offsets(%arg13 : memref<80xi32, #tpu.memory_space<vmem>>) semaphore(%arg24 : memref<!tpu.dma_semaphore, #tpu.memory_space<semaphore_mem>>)
    %scan3A_91 = arith.constant 0 : i32
    %scan3A_92 = arith.constant 0 : i32
    %scan3A_93 = arith.constant 32 : i32
    %scan3A_94 = arith.addi %scan3A_92, %scan3A_93 : i32
    %scan3A_95 = arith.constant 1 : i32
    %scan3A_96 = scf.for %scan3A_212 = %scan3A_92 to %scan3A_94 step %scan3A_95 iter_args(%scan3A_213 = %scan3A_91) -> (i32)  : i32 {
      %mul3A_214 = arith.constant 4 : i32
      %mul3A_215 = arith.muli %mul3A_214, %scan3A_212 : i32
      %add3A_216 = arith.constant 0 : i32
      %add3A_217 = arith.addi %mul3A_215, %add3A_216 : i32
      %dma_wait3A_218 = arith.constant 0 : i32
      %dma_wait3A_219 = arith.constant 0 : i32
      %dma_wait3A_220 = tpu.memref_slice %arg2[%dma_wait3A_218, %dma_wait3A_219] : memref<10000x128xf32, #tpu.memory_space<hbm>> -> memref<10000x128xf32, #tpu.memory_space<hbm>>
      tpu.wait_indirect_dma semaphore(%arg21 : memref<!tpu.dma_semaphore, #tpu.memory_space<semaphore_mem>>) src(%dma_wait3A_220 : memref<10000x128xf32, #tpu.memory_space<hbm>>) dst(%arg16 : memref<80x128xf32, #tpu.memory_space<vmem>>)
      %dma_wait3A_221 = arith.constant 0 : i32
      %dma_wait3A_222 = arith.constant 0 : i32
      %dma_wait3A_223 = tpu.memref_slice %arg2[%dma_wait3A_221, %dma_wait3A_222] : memref<10000x128xf32, #tpu.memory_space<hbm>> -> memref<10000x128xf32, #tpu.memory_space<hbm>>
      tpu.wait_indirect_dma semaphore(%arg23 : memref<!tpu.dma_semaphore, #tpu.memory_space<semaphore_mem>>) src(%dma_wait3A_223 : memref<10000x128xf32, #tpu.memory_space<hbm>>) dst(%arg18 : memref<80x128xf32, #tpu.memory_space<vmem>>)
      %scan3A_224 = arith.constant 0 : i32
      %scan3A_225 = arith.constant 0 : i32
      %scan3A_226 = arith.constant 80 : i32
      %scan3A_227 = arith.addi %scan3A_225, %scan3A_226 : i32
      %scan3A_228 = arith.constant 1 : i32
      %scan3A_229 = scf.for %scan3A_336 = %scan3A_225 to %scan3A_227 step %scan3A_228 iter_args(%scan3A_337 = %scan3A_224) -> (i32)  : i32 {
        %get3A = arith.index_cast %scan3A_336 : i32 to index
        %get3A_338 = arith.constant 0 : index
        %get3A_339 = tpu.vector_load %arg16[%get3A, %get3A_338] {strides = array<i32>} : memref<80x128xf32, #tpu.memory_space<vmem>>, vector<1x16xf32>,
        %get3A_340 = vector.shape_cast %get3A_339 : vector<1x16xf32> to vector<16xf32>
        %get3A_341 = arith.index_cast %scan3A_336 : i32 to index
        %get3A_342 = arith.constant 0 : index
        %get3A_343 = tpu.vector_load %arg18[%get3A_341, %get3A_342] {strides = array<i32>} : memref<80x128xf32, #tpu.memory_space<vmem>>, vector<1x16xf32>,
        %get3A_344 = vector.shape_cast %get3A_343 : vector<1x16xf32> to vector<16xf32>
        %sub3A = arith.subf %get3A_340, %get3A_344 : vector<16xf32>
        %max3A = arith.constant 0.000000e+00 : f32
        %max3A_345 = vector.broadcast %max3A : f32 to vector<16xf32>
        %max3A_346 = arith.maximumf %sub3A, %max3A_345 : vector<16xf32>
        %swap3A = arith.index_cast %scan3A_336 : i32 to index
        %swap3A_347 = arith.constant 0 : index
        %swap3A_348 = tpu.vector_load %arg16[%swap3A, %swap3A_347] {strides = array<i32>} : memref<80x128xf32, #tpu.memory_space<vmem>>, vector<1x16xf32>,
        %swap3A_349 = vector.shape_cast %swap3A_348 : vector<1x16xf32> to vector<16xf32>
        %swap3A_350 = vector.shape_cast %max3A_346 : vector<16xf32> to vector<1x16xf32>
        tpu.vector_store %arg16[%swap3A, %swap3A_347], %swap3A_350 {strides = array<i32>} : memref<80x128xf32, #tpu.memory_space<vmem>>, vector<1x16xf32>,
        %get3A_351 = arith.index_cast %scan3A_336 : i32 to index
        %get3A_352 = arith.constant 16 : index
        %get3A_353 = tpu.vector_load %arg16[%get3A_351, %get3A_352] {strides = array<i32>} : memref<80x128xf32, #tpu.memory_space<vmem>>, vector<1x16xf32>,
        %get3A_354 = vector.shape_cast %get3A_353 : vector<1x16xf32> to vector<16xf32>
        %get3A_355 = arith.index_cast %scan3A_336 : i32 to index
        %get3A_356 = arith.constant 16 : index
        %get3A_357 = tpu.vector_load %arg18[%get3A_355, %get3A_356] {strides = array<i32>} : memref<80x128xf32, #tpu.memory_space<vmem>>, vector<1x16xf32>,
        %get3A_358 = vector.shape_cast %get3A_357 : vector<1x16xf32> to vector<16xf32>
        %sub3A_359 = arith.subf %get3A_354, %get3A_358 : vector<16xf32>
        %max3A_360 = arith.constant 0.000000e+00 : f32
        %max3A_361 = vector.broadcast %max3A_360 : f32 to vector<16xf32>
        %max3A_362 = arith.maximumf %sub3A_359, %max3A_361 : vector<16xf32>
        %swap3A_363 = arith.index_cast %scan3A_336 : i32 to index
        %swap3A_364 = arith.constant 16 : index
        %swap3A_365 = tpu.vector_load %arg16[%swap3A_363, %swap3A_364] {strides = array<i32>} : memref<80x128xf32, #tpu.memory_space<vmem>>, vector<1x16xf32>,
        %swap3A_366 = vector.shape_cast %swap3A_365 : vector<1x16xf32> to vector<16xf32>
        %swap3A_367 = vector.shape_cast %max3A_362 : vector<16xf32> to vector<1x16xf32>
        tpu.vector_store %arg16[%swap3A_363, %swap3A_364], %swap3A_367 {strides = array<i32>} : memref<80x128xf32, #tpu.memory_space<vmem>>, vector<1x16xf32>,
        %get3A_368 = arith.index_cast %scan3A_336 : i32 to index
        %get3A_369 = arith.constant 32 : index
        %get3A_370 = tpu.vector_load %arg16[%get3A_368, %get3A_369] {strides = array<i32>} : memref<80x128xf32, #tpu.memory_space<vmem>>, vector<1x16xf32>,
        %get3A_371 = vector.shape_cast %get3A_370 : vector<1x16xf32> to vector<16xf32>
        %get3A_372 = arith.index_cast %scan3A_336 : i32 to index
        %get3A_373 = arith.constant 32 : index
        %get3A_374 = tpu.vector_load %arg18[%get3A_372, %get3A_373] {strides = array<i32>} : memref<80x128xf32, #tpu.memory_space<vmem>>, vector<1x16xf32>,
        %get3A_375 = vector.shape_cast %get3A_374 : vector<1x16xf32> to vector<16xf32>
        %sub3A_376 = arith.subf %get3A_371, %get3A_375 : vector<16xf32>
        %max3A_377 = arith.constant 0.000000e+00 : f32
        %max3A_378 = vector.broadcast %max3A_377 : f32 to vector<16xf32>
        %max3A_379 = arith.maximumf %sub3A_376, %max3A_378 : vector<16xf32>
        %swap3A_380 = arith.index_cast %scan3A_336 : i32 to index
        %swap3A_381 = arith.constant 32 : index
        %swap3A_382 = tpu.vector_load %arg16[%swap3A_380, %swap3A_381] {strides = array<i32>} : memref<80x128xf32, #tpu.memory_space<vmem>>, vector<1x16xf32>,
        %swap3A_383 = vector.shape_cast %swap3A_382 : vector<1x16xf32> to vector<16xf32>
        %swap3A_384 = vector.shape_cast %max3A_379 : vector<16xf32> to vector<1x16xf32>
        tpu.vector_store %arg16[%swap3A_380, %swap3A_381], %swap3A_384 {strides = array<i32>} : memref<80x128xf32, #tpu.memory_space<vmem>>, vector<1x16xf32>,
        %get3A_385 = arith.index_cast %scan3A_336 : i32 to index
        %get3A_386 = arith.constant 48 : index
        %get3A_387 = tpu.vector_load %arg16[%get3A_385, %get3A_386] {strides = array<i32>} : memref<80x128xf32, #tpu.memory_space<vmem>>, vector<1x16xf32>,
        %get3A_388 = vector.shape_cast %get3A_387 : vector<1x16xf32> to vector<16xf32>
        %get3A_389 = arith.index_cast %scan3A_336 : i32 to index
        %get3A_390 = arith.constant 48 : index
        %get3A_391 = tpu.vector_load %arg18[%get3A_389, %get3A_390] {strides = array<i32>} : memref<80x128xf32, #tpu.memory_space<vmem>>, vector<1x16xf32>,
        %get3A_392 = vector.shape_cast %get3A_391 : vector<1x16xf32> to vector<16xf32>
        %sub3A_393 = arith.subf %get3A_388, %get3A_392 : vector<16xf32>
        %max3A_394 = arith.constant 0.000000e+00 : f32
        %max3A_395 = vector.broadcast %max3A_394 : f32 to vector<16xf32>
        %max3A_396 = arith.maximumf %sub3A_393, %max3A_395 : vector<16xf32>
        %swap3A_397 = arith.index_cast %scan3A_336 : i32 to index
        %swap3A_398 = arith.constant 48 : index
        %swap3A_399 = tpu.vector_load %arg16[%swap3A_397, %swap3A_398] {strides = array<i32>} : memref<80x128xf32, #tpu.memory_space<vmem>>, vector<1x16xf32>,
        %swap3A_400 = vector.shape_cast %swap3A_399 : vector<1x16xf32> to vector<16xf32>
        %swap3A_401 = vector.shape_cast %max3A_396 : vector<16xf32> to vector<1x16xf32>
        tpu.vector_store %arg16[%swap3A_397, %swap3A_398], %swap3A_401 {strides = array<i32>} : memref<80x128xf32, #tpu.memory_space<vmem>>, vector<1x16xf32>,
        %get3A_402 = arith.index_cast %scan3A_336 : i32 to index
        %get3A_403 = arith.constant 64 : index
        %get3A_404 = tpu.vector_load %arg16[%get3A_402, %get3A_403] {strides = array<i32>} : memref<80x128xf32, #tpu.memory_space<vmem>>, vector<1x16xf32>,
        %get3A_405 = vector.shape_cast %get3A_404 : vector<1x16xf32> to vector<16xf32>
        %get3A_406 = arith.index_cast %scan3A_336 : i32 to index
        %get3A_407 = arith.constant 64 : index
        %get3A_408 = tpu.vector_load %arg18[%get3A_406, %get3A_407] {strides = array<i32>} : memref<80x128xf32, #tpu.memory_space<vmem>>, vector<1x16xf32>,
        %get3A_409 = vector.shape_cast %get3A_408 : vector<1x16xf32> to vector<16xf32>
        %sub3A_410 = arith.subf %get3A_405, %get3A_409 : vector<16xf32>
        %max3A_411 = arith.constant 0.000000e+00 : f32
        %max3A_412 = vector.broadcast %max3A_411 : f32 to vector<16xf32>
        %max3A_413 = arith.maximumf %sub3A_410, %max3A_412 : vector<16xf32>
        %swap3A_414 = arith.index_cast %scan3A_336 : i32 to index
        %swap3A_415 = arith.constant 64 : index
        %swap3A_416 = tpu.vector_load %arg16[%swap3A_414, %swap3A_415] {strides = array<i32>} : memref<80x128xf32, #tpu.memory_space<vmem>>, vector<1x16xf32>,
        %swap3A_417 = vector.shape_cast %swap3A_416 : vector<1x16xf32> to vector<16xf32>
        %swap3A_418 = vector.shape_cast %max3A_413 : vector<16xf32> to vector<1x16xf32>
        tpu.vector_store %arg16[%swap3A_414, %swap3A_415], %swap3A_418 {strides = array<i32>} : memref<80x128xf32, #tpu.memory_space<vmem>>, vector<1x16xf32>,
        %get3A_419 = arith.index_cast %scan3A_336 : i32 to index
        %get3A_420 = arith.constant 80 : index
        %get3A_421 = tpu.vector_load %arg16[%get3A_419, %get3A_420] {strides = array<i32>} : memref<80x128xf32, #tpu.memory_space<vmem>>, vector<1x16xf32>,
        %get3A_422 = vector.shape_cast %get3A_421 : vector<1x16xf32> to vector<16xf32>
        %get3A_423 = arith.index_cast %scan3A_336 : i32 to index
        %get3A_424 = arith.constant 80 : index
        %get3A_425 = tpu.vector_load %arg18[%get3A_423, %get3A_424] {strides = array<i32>} : memref<80x128xf32, #tpu.memory_space<vmem>>, vector<1x16xf32>,
        %get3A_426 = vector.shape_cast %get3A_425 : vector<1x16xf32> to vector<16xf32>
        %sub3A_427 = arith.subf %get3A_422, %get3A_426 : vector<16xf32>
        %max3A_428 = arith.constant 0.000000e+00 : f32
        %max3A_429 = vector.broadcast %max3A_428 : f32 to vector<16xf32>
        %max3A_430 = arith.maximumf %sub3A_427, %max3A_429 : vector<16xf32>
        %swap3A_431 = arith.index_cast %scan3A_336 : i32 to index
        %swap3A_432 = arith.constant 80 : index
        %swap3A_433 = tpu.vector_load %arg16[%swap3A_431, %swap3A_432] {strides = array<i32>} : memref<80x128xf32, #tpu.memory_space<vmem>>, vector<1x16xf32>,
        %swap3A_434 = vector.shape_cast %swap3A_433 : vector<1x16xf32> to vector<16xf32>
        %swap3A_435 = vector.shape_cast %max3A_430 : vector<16xf32> to vector<1x16xf32>
        tpu.vector_store %arg16[%swap3A_431, %swap3A_432], %swap3A_435 {strides = array<i32>} : memref<80x128xf32, #tpu.memory_space<vmem>>, vector<1x16xf32>,
        %get3A_436 = arith.index_cast %scan3A_336 : i32 to index
        %get3A_437 = arith.constant 96 : index
        %get3A_438 = tpu.vector_load %arg16[%get3A_436, %get3A_437] {strides = array<i32>} : memref<80x128xf32, #tpu.memory_space<vmem>>, vector<1x16xf32>,
        %get3A_439 = vector.shape_cast %get3A_438 : vector<1x16xf32> to vector<16xf32>
        %get3A_440 = arith.index_cast %scan3A_336 : i32 to index
        %get3A_441 = arith.constant 96 : index
        %get3A_442 = tpu.vector_load %arg18[%get3A_440, %get3A_441] {strides = array<i32>} : memref<80x128xf32, #tpu.memory_space<vmem>>, vector<1x16xf32>,
        %get3A_443 = vector.shape_cast %get3A_442 : vector<1x16xf32> to vector<16xf32>
        %sub3A_444 = arith.subf %get3A_439, %get3A_443 : vector<16xf32>
        %max3A_445 = arith.constant 0.000000e+00 : f32
        %max3A_446 = vector.broadcast %max3A_445 : f32 to vector<16xf32>
        %max3A_447 = arith.maximumf %sub3A_444, %max3A_446 : vector<16xf32>
        %swap3A_448 = arith.index_cast %scan3A_336 : i32 to index
        %swap3A_449 = arith.constant 96 : index
        %swap3A_450 = tpu.vector_load %arg16[%swap3A_448, %swap3A_449] {strides = array<i32>} : memref<80x128xf32, #tpu.memory_space<vmem>>, vector<1x16xf32>,
        %swap3A_451 = vector.shape_cast %swap3A_450 : vector<1x16xf32> to vector<16xf32>
        %swap3A_452 = vector.shape_cast %max3A_447 : vector<16xf32> to vector<1x16xf32>
        tpu.vector_store %arg16[%swap3A_448, %swap3A_449], %swap3A_452 {strides = array<i32>} : memref<80x128xf32, #tpu.memory_space<vmem>>, vector<1x16xf32>,
        %get3A_453 = arith.index_cast %scan3A_336 : i32 to index
        %get3A_454 = arith.constant 112 : index
        %get3A_455 = tpu.vector_load %arg16[%get3A_453, %get3A_454] {strides = array<i32>} : memref<80x128xf32, #tpu.memory_space<vmem>>, vector<1x16xf32>,
        %get3A_456 = vector.shape_cast %get3A_455 : vector<1x16xf32> to vector<16xf32>
        %get3A_457 = arith.index_cast %scan3A_336 : i32 to index
        %get3A_458 = arith.constant 112 : index
        %get3A_459 = tpu.vector_load %arg18[%get3A_457, %get3A_458] {strides = array<i32>} : memref<80x128xf32, #tpu.memory_space<vmem>>, vector<1x16xf32>,
        %get3A_460 = vector.shape_cast %get3A_459 : vector<1x16xf32> to vector<16xf32>
        %sub3A_461 = arith.subf %get3A_456, %get3A_460 : vector<16xf32>
        %max3A_462 = arith.constant 0.000000e+00 : f32
        %max3A_463 = vector.broadcast %max3A_462 : f32 to vector<16xf32>
        %max3A_464 = arith.maximumf %sub3A_461, %max3A_463 : vector<16xf32>
        %swap3A_465 = arith.index_cast %scan3A_336 : i32 to index
        %swap3A_466 = arith.constant 112 : index
        %swap3A_467 = tpu.vector_load %arg16[%swap3A_465, %swap3A_466] {strides = array<i32>} : memref<80x128xf32, #tpu.memory_space<vmem>>, vector<1x16xf32>,
        %swap3A_468 = vector.shape_cast %swap3A_467 : vector<1x16xf32> to vector<16xf32>
        %swap3A_469 = vector.shape_cast %max3A_464 : vector<16xf32> to vector<1x16xf32>
        tpu.vector_store %arg16[%swap3A_465, %swap3A_466], %swap3A_469 {strides = array<i32>} : memref<80x128xf32, #tpu.memory_space<vmem>>, vector<1x16xf32>,
        %scan3A_470 = arith.constant 0 : i32
        scf.yield %scan3A_470 : i32
      }
      %scan3A_230 = arith.constant 80 : i32
      "tpu.region"() ({
        %run_scoped3A = tpu.sem_alloc : memref<!tpu.dma_semaphore, #tpu.memory_space<semaphore_mem>>
        %dma_start3A_336 = arith.constant 0 : i32
        %dma_start3A_337 = arith.constant 0 : i32
        %dma_start3A_338 = tpu.memref_slice %arg20[%dma_start3A_336, %dma_start3A_337] : memref<10240x128xf32, #tpu.memory_space<vmem_shared>> -> memref<10240x128xf32, #tpu.memory_space<vmem_shared>>
        tpu.enqueue_indirect_dma source(%arg16 : memref<80x128xf32, #tpu.memory_space<vmem>>) target(%dma_start3A_338 : memref<10240x128xf32, #tpu.memory_space<vmem_shared>>) offsets(%arg12 : memref<80xi32, #tpu.memory_space<vmem>>) semaphore(%run_scoped3A : memref<!tpu.dma_semaphore, #tpu.memory_space<semaphore_mem>>) {add = true}
        %dma_wait3A_339 = arith.constant 0 : i32
        %dma_wait3A_340 = arith.constant 0 : i32
        %dma_wait3A_341 = tpu.memref_slice %arg20[%dma_wait3A_339, %dma_wait3A_340] : memref<10240x128xf32, #tpu.memory_space<vmem_shared>> -> memref<10240x128xf32, #tpu.memory_space<vmem_shared>>
        tpu.wait_indirect_dma semaphore(%run_scoped3A : memref<!tpu.dma_semaphore, #tpu.memory_space<semaphore_mem>>) src(%arg16 : memref<80x128xf32, #tpu.memory_space<vmem>>) dst(%dma_wait3A_341 : memref<10240x128xf32, #tpu.memory_space<vmem_shared>>)
        tpu.yield
      }) : () -> ()
      %add3A_231 = arith.constant 4 : i32
      %add3A_232 = arith.addi %add3A_217, %add3A_231 : i32
      %lt3A = arith.constant 128 : i32
      %lt3A_233 = arith.cmpi slt, %add3A_232, %lt3A : i32
      %convert_element_type3A = arith.extui %lt3A_233 : i1 to i32
      %cond3A = arith.constant 0 : i32
      %cond3A_234 = arith.cmpi ne, %convert_element_type3A, %cond3A : i32
      scf.if %cond3A_234 {
        %add3A_336 = arith.constant 4 : i32
        %add3A_337 = arith.addi %add3A_217, %add3A_336 : i32
        %mul3A_338 = arith.constant 80 : i32
        %mul3A_339 = arith.muli %add3A_337, %mul3A_338 : i32
        %add3A_340 = arith.addi %mul3A_2, %mul3A_339 : i32
        %dma_start3A_341 = tpu.memref_slice %arg4[%add3A_340] : memref<327680xi32, #tpu.memory_space<hbm>> -> memref<80xi32, #tpu.memory_space<hbm>>
        %dma_start3A_342 = tpu.memref_slice %arg4[%add3A_340] : memref<327680xi32, #tpu.memory_space<hbm>> -> memref<80xi32, #tpu.memory_space<hbm>>
        tpu.enqueue_dma source(%dma_start3A_342 : memref<80xi32, #tpu.memory_space<hbm>>) target(%arg8 : memref<80xi32, #tpu.memory_space<vmem>>) target_semaphore(%arg25 : memref<!tpu.dma_semaphore, #tpu.memory_space<semaphore_mem>>)
        %dma_start3A_343 = tpu.memref_slice %arg5[%add3A_340] : memref<327680xi32, #tpu.memory_space<hbm>> -> memref<80xi32, #tpu.memory_space<hbm>>
        %dma_start3A_344 = tpu.memref_slice %arg5[%add3A_340] : memref<327680xi32, #tpu.memory_space<hbm>> -> memref<80xi32, #tpu.memory_space<hbm>>
        tpu.enqueue_dma source(%dma_start3A_344 : memref<80xi32, #tpu.memory_space<hbm>>) target(%arg12 : memref<80xi32, #tpu.memory_space<vmem>>) target_semaphore(%arg25 : memref<!tpu.dma_semaphore, #tpu.memory_space<semaphore_mem>>)
      } else {
      }
      %add3A_235 = arith.constant 2 : i32
      %add3A_236 = arith.addi %add3A_217, %add3A_235 : i32
      %lt3A_237 = arith.constant 128 : i32
      %lt3A_238 = arith.cmpi slt, %add3A_236, %lt3A_237 : i32
      %convert_element_type3A_239 = arith.extui %lt3A_238 : i1 to i32
      %cond3A_240 = arith.constant 0 : i32
      %cond3A_241 = arith.cmpi ne, %convert_element_type3A_239, %cond3A_240 : i32
      scf.if %cond3A_241 {
        %dma_wait3A_336 = arith.constant 0 : i32
        %dma_wait3A_337 = tpu.memref_slice %arg4[%dma_wait3A_336] : memref<327680xi32, #tpu.memory_space<hbm>> -> memref<80xi32, #tpu.memory_space<hbm>>
        %dma_wait3A_338 = arith.constant 0 : i32
        %dma_wait3A_339 = tpu.memref_slice %arg4[%dma_wait3A_338] : memref<327680xi32, #tpu.memory_space<hbm>> -> memref<80xi32, #tpu.memory_space<hbm>>
        tpu.wait_dma2 semaphore(%arg27 : memref<!tpu.dma_semaphore, #tpu.memory_space<semaphore_mem>>) src(%dma_wait3A_339 : memref<80xi32, #tpu.memory_space<hbm>>) dst(%arg10 : memref<80xi32, #tpu.memory_space<vmem>>)
        %dma_wait3A_340 = arith.constant 0 : i32
        %dma_wait3A_341 = tpu.memref_slice %arg5[%dma_wait3A_340] : memref<327680xi32, #tpu.memory_space<hbm>> -> memref<80xi32, #tpu.memory_space<hbm>>
        %dma_wait3A_342 = arith.constant 0 : i32
        %dma_wait3A_343 = tpu.memref_slice %arg5[%dma_wait3A_342] : memref<327680xi32, #tpu.memory_space<hbm>> -> memref<80xi32, #tpu.memory_space<hbm>>
        tpu.wait_dma2 semaphore(%arg27 : memref<!tpu.dma_semaphore, #tpu.memory_space<semaphore_mem>>) src(%dma_wait3A_343 : memref<80xi32, #tpu.memory_space<hbm>>) dst(%arg14 : memref<80xi32, #tpu.memory_space<vmem>>)
        %dma_start3A_344 = arith.constant 0 : i32
        %dma_start3A_345 = arith.constant 0 : i32
        %dma_start3A_346 = tpu.memref_slice %arg2[%dma_start3A_344, %dma_start3A_345] : memref<10000x128xf32, #tpu.memory_space<hbm>> -> memref<10000x128xf32, #tpu.memory_space<hbm>>
        tpu.enqueue_indirect_dma source(%dma_start3A_346 : memref<10000x128xf32, #tpu.memory_space<hbm>>) target(%arg16 : memref<80x128xf32, #tpu.memory_space<vmem>>) offsets(%arg10 : memref<80xi32, #tpu.memory_space<vmem>>) semaphore(%arg21 : memref<!tpu.dma_semaphore, #tpu.memory_space<semaphore_mem>>)
        %dma_start3A_347 = arith.constant 0 : i32
        %dma_start3A_348 = arith.constant 0 : i32
        %dma_start3A_349 = tpu.memref_slice %arg2[%dma_start3A_347, %dma_start3A_348] : memref<10000x128xf32, #tpu.memory_space<hbm>> -> memref<10000x128xf32, #tpu.memory_space<hbm>>
        tpu.enqueue_indirect_dma source(%dma_start3A_349 : memref<10000x128xf32, #tpu.memory_space<hbm>>) target(%arg18 : memref<80x128xf32, #tpu.memory_space<vmem>>) offsets(%arg14 : memref<80xi32, #tpu.memory_space<vmem>>) semaphore(%arg23 : memref<!tpu.dma_semaphore, #tpu.memory_space<semaphore_mem>>)
      } else {
      }
      %mul3A_242 = arith.constant 4 : i32
      %mul3A_243 = arith.muli %mul3A_242, %scan3A_212 : i32
      %add3A_244 = arith.constant 1 : i32
      %add3A_245 = arith.addi %mul3A_243, %add3A_244 : i32
      %dma_wait3A_246 = arith.constant 0 : i32
      %dma_wait3A_247 = arith.constant 0 : i32
      %dma_wait3A_248 = tpu.memref_slice %arg2[%dma_wait3A_246, %dma_wait3A_247] : memref<10000x128xf32, #tpu.memory_space<hbm>> -> memref<10000x128xf32, #tpu.memory_space<hbm>>
      tpu.wait_indirect_dma semaphore(%arg22 : memref<!tpu.dma_semaphore, #tpu.memory_space<semaphore_mem>>) src(%dma_wait3A_248 : memref<10000x128xf32, #tpu.memory_space<hbm>>) dst(%arg17 : memref<80x128xf32, #tpu.memory_space<vmem>>)
      %dma_wait3A_249 = arith.constant 0 : i32
      %dma_wait3A_250 = arith.constant 0 : i32
      %dma_wait3A_251 = tpu.memref_slice %arg2[%dma_wait3A_249, %dma_wait3A_250] : memref<10000x128xf32, #tpu.memory_space<hbm>> -> memref<10000x128xf32, #tpu.memory_space<hbm>>
      tpu.wait_indirect_dma semaphore(%arg24 : memref<!tpu.dma_semaphore, #tpu.memory_space<semaphore_mem>>) src(%dma_wait3A_251 : memref<10000x128xf32, #tpu.memory_space<hbm>>) dst(%arg19 : memref<80x128xf32, #tpu.memory_space<vmem>>)
      %scan3A_252 = arith.constant 0 : i32
      %scan3A_253 = arith.constant 0 : i32
      %scan3A_254 = arith.constant 80 : i32
      %scan3A_255 = arith.addi %scan3A_253, %scan3A_254 : i32
      %scan3A_256 = arith.constant 1 : i32
      %scan3A_257 = scf.for %scan3A_336 = %scan3A_253 to %scan3A_255 step %scan3A_256 iter_args(%scan3A_337 = %scan3A_252) -> (i32)  : i32 {
        %get3A = arith.index_cast %scan3A_336 : i32 to index
        %get3A_338 = arith.constant 0 : index
        %get3A_339 = tpu.vector_load %arg17[%get3A, %get3A_338] {strides = array<i32>} : memref<80x128xf32, #tpu.memory_space<vmem>>, vector<1x16xf32>,
        %get3A_340 = vector.shape_cast %get3A_339 : vector<1x16xf32> to vector<16xf32>
        %get3A_341 = arith.index_cast %scan3A_336 : i32 to index
        %get3A_342 = arith.constant 0 : index
        %get3A_343 = tpu.vector_load %arg19[%get3A_341, %get3A_342] {strides = array<i32>} : memref<80x128xf32, #tpu.memory_space<vmem>>, vector<1x16xf32>,
        %get3A_344 = vector.shape_cast %get3A_343 : vector<1x16xf32> to vector<16xf32>
        %sub3A = arith.subf %get3A_340, %get3A_344 : vector<16xf32>
        %max3A = arith.constant 0.000000e+00 : f32
        %max3A_345 = vector.broadcast %max3A : f32 to vector<16xf32>
        %max3A_346 = arith.maximumf %sub3A, %max3A_345 : vector<16xf32>
        %swap3A = arith.index_cast %scan3A_336 : i32 to index
        %swap3A_347 = arith.constant 0 : index
        %swap3A_348 = tpu.vector_load %arg17[%swap3A, %swap3A_347] {strides = array<i32>} : memref<80x128xf32, #tpu.memory_space<vmem>>, vector<1x16xf32>,
        %swap3A_349 = vector.shape_cast %swap3A_348 : vector<1x16xf32> to vector<16xf32>
        %swap3A_350 = vector.shape_cast %max3A_346 : vector<16xf32> to vector<1x16xf32>
        tpu.vector_store %arg17[%swap3A, %swap3A_347], %swap3A_350 {strides = array<i32>} : memref<80x128xf32, #tpu.memory_space<vmem>>, vector<1x16xf32>,
        %get3A_351 = arith.index_cast %scan3A_336 : i32 to index
        %get3A_352 = arith.constant 16 : index
        %get3A_353 = tpu.vector_load %arg17[%get3A_351, %get3A_352] {strides = array<i32>} : memref<80x128xf32, #tpu.memory_space<vmem>>, vector<1x16xf32>,
        %get3A_354 = vector.shape_cast %get3A_353 : vector<1x16xf32> to vector<16xf32>
        %get3A_355 = arith.index_cast %scan3A_336 : i32 to index
        %get3A_356 = arith.constant 16 : index
        %get3A_357 = tpu.vector_load %arg19[%get3A_355, %get3A_356] {strides = array<i32>} : memref<80x128xf32, #tpu.memory_space<vmem>>, vector<1x16xf32>,
        %get3A_358 = vector.shape_cast %get3A_357 : vector<1x16xf32> to vector<16xf32>
        %sub3A_359 = arith.subf %get3A_354, %get3A_358 : vector<16xf32>
        %max3A_360 = arith.constant 0.000000e+00 : f32
        %max3A_361 = vector.broadcast %max3A_360 : f32 to vector<16xf32>
        %max3A_362 = arith.maximumf %sub3A_359, %max3A_361 : vector<16xf32>
        %swap3A_363 = arith.index_cast %scan3A_336 : i32 to index
        %swap3A_364 = arith.constant 16 : index
        %swap3A_365 = tpu.vector_load %arg17[%swap3A_363, %swap3A_364] {strides = array<i32>} : memref<80x128xf32, #tpu.memory_space<vmem>>, vector<1x16xf32>,
        %swap3A_366 = vector.shape_cast %swap3A_365 : vector<1x16xf32> to vector<16xf32>
        %swap3A_367 = vector.shape_cast %max3A_362 : vector<16xf32> to vector<1x16xf32>
        tpu.vector_store %arg17[%swap3A_363, %swap3A_364], %swap3A_367 {strides = array<i32>} : memref<80x128xf32, #tpu.memory_space<vmem>>, vector<1x16xf32>,
        %get3A_368 = arith.index_cast %scan3A_336 : i32 to index
        %get3A_369 = arith.constant 32 : index
        %get3A_370 = tpu.vector_load %arg17[%get3A_368, %get3A_369] {strides = array<i32>} : memref<80x128xf32, #tpu.memory_space<vmem>>, vector<1x16xf32>,
        %get3A_371 = vector.shape_cast %get3A_370 : vector<1x16xf32> to vector<16xf32>
        %get3A_372 = arith.index_cast %scan3A_336 : i32 to index
        %get3A_373 = arith.constant 32 : index
        %get3A_374 = tpu.vector_load %arg19[%get3A_372, %get3A_373] {strides = array<i32>} : memref<80x128xf32, #tpu.memory_space<vmem>>, vector<1x16xf32>,
        %get3A_375 = vector.shape_cast %get3A_374 : vector<1x16xf32> to vector<16xf32>
        %sub3A_376 = arith.subf %get3A_371, %get3A_375 : vector<16xf32>
        %max3A_377 = arith.constant 0.000000e+00 : f32
        %max3A_378 = vector.broadcast %max3A_377 : f32 to vector<16xf32>
        %max3A_379 = arith.maximumf %sub3A_376, %max3A_378 : vector<16xf32>
        %swap3A_380 = arith.index_cast %scan3A_336 : i32 to index
        %swap3A_381 = arith.constant 32 : index
        %swap3A_382 = tpu.vector_load %arg17[%swap3A_380, %swap3A_381] {strides = array<i32>} : memref<80x128xf32, #tpu.memory_space<vmem>>, vector<1x16xf32>,
        %swap3A_383 = vector.shape_cast %swap3A_382 : vector<1x16xf32> to vector<16xf32>
        %swap3A_384 = vector.shape_cast %max3A_379 : vector<16xf32> to vector<1x16xf32>
        tpu.vector_store %arg17[%swap3A_380, %swap3A_381], %swap3A_384 {strides = array<i32>} : memref<80x128xf32, #tpu.memory_space<vmem>>, vector<1x16xf32>,
        %get3A_385 = arith.index_cast %scan3A_336 : i32 to index
        %get3A_386 = arith.constant 48 : index
        %get3A_387 = tpu.vector_load %arg17[%get3A_385, %get3A_386] {strides = array<i32>} : memref<80x128xf32, #tpu.memory_space<vmem>>, vector<1x16xf32>,
        %get3A_388 = vector.shape_cast %get3A_387 : vector<1x16xf32> to vector<16xf32>
        %get3A_389 = arith.index_cast %scan3A_336 : i32 to index
        %get3A_390 = arith.constant 48 : index
        %get3A_391 = tpu.vector_load %arg19[%get3A_389, %get3A_390] {strides = array<i32>} : memref<80x128xf32, #tpu.memory_space<vmem>>, vector<1x16xf32>,
        %get3A_392 = vector.shape_cast %get3A_391 : vector<1x16xf32> to vector<16xf32>
        %sub3A_393 = arith.subf %get3A_388, %get3A_392 : vector<16xf32>
        %max3A_394 = arith.constant 0.000000e+00 : f32
        %max3A_395 = vector.broadcast %max3A_394 : f32 to vector<16xf32>
        %max3A_396 = arith.maximumf %sub3A_393, %max3A_395 : vector<16xf32>
        %swap3A_397 = arith.index_cast %scan3A_336 : i32 to index
        %swap3A_398 = arith.constant 48 : index
        %swap3A_399 = tpu.vector_load %arg17[%swap3A_397, %swap3A_398] {strides = array<i32>} : memref<80x128xf32, #tpu.memory_space<vmem>>, vector<1x16xf32>,
        %swap3A_400 = vector.shape_cast %swap3A_399 : vector<1x16xf32> to vector<16xf32>
        %swap3A_401 = vector.shape_cast %max3A_396 : vector<16xf32> to vector<1x16xf32>
        tpu.vector_store %arg17[%swap3A_397, %swap3A_398], %swap3A_401 {strides = array<i32>} : memref<80x128xf32, #tpu.memory_space<vmem>>, vector<1x16xf32>,
        %get3A_402 = arith.index_cast %scan3A_336 : i32 to index
        %get3A_403 = arith.constant 64 : index
        %get3A_404 = tpu.vector_load %arg17[%get3A_402, %get3A_403] {strides = array<i32>} : memref<80x128xf32, #tpu.memory_space<vmem>>, vector<1x16xf32>,
        %get3A_405 = vector.shape_cast %get3A_404 : vector<1x16xf32> to vector<16xf32>
        %get3A_406 = arith.index_cast %scan3A_336 : i32 to index
        %get3A_407 = arith.constant 64 : index
        %get3A_408 = tpu.vector_load %arg19[%get3A_406, %get3A_407] {strides = array<i32>} : memref<80x128xf32, #tpu.memory_space<vmem>>, vector<1x16xf32>,
        %get3A_409 = vector.shape_cast %get3A_408 : vector<1x16xf32> to vector<16xf32>
        %sub3A_410 = arith.subf %get3A_405, %get3A_409 : vector<16xf32>
        %max3A_411 = arith.constant 0.000000e+00 : f32
        %max3A_412 = vector.broadcast %max3A_411 : f32 to vector<16xf32>
        %max3A_413 = arith.maximumf %sub3A_410, %max3A_412 : vector<16xf32>
        %swap3A_414 = arith.index_cast %scan3A_336 : i32 to index
        %swap3A_415 = arith.constant 64 : index
        %swap3A_416 = tpu.vector_load %arg17[%swap3A_414, %swap3A_415] {strides = array<i32>} : memref<80x128xf32, #tpu.memory_space<vmem>>, vector<1x16xf32>,
        %swap3A_417 = vector.shape_cast %swap3A_416 : vector<1x16xf32> to vector<16xf32>
        %swap3A_418 = vector.shape_cast %max3A_413 : vector<16xf32> to vector<1x16xf32>
        tpu.vector_store %arg17[%swap3A_414, %swap3A_415], %swap3A_418 {strides = array<i32>} : memref<80x128xf32, #tpu.memory_space<vmem>>, vector<1x16xf32>,
        %get3A_419 = arith.index_cast %scan3A_336 : i32 to index
        %get3A_420 = arith.constant 80 : index
        %get3A_421 = tpu.vector_load %arg17[%get3A_419, %get3A_420] {strides = array<i32>} : memref<80x128xf32, #tpu.memory_space<vmem>>, vector<1x16xf32>,
        %get3A_422 = vector.shape_cast %get3A_421 : vector<1x16xf32> to vector<16xf32>
        %get3A_423 = arith.index_cast %scan3A_336 : i32 to index
        %get3A_424 = arith.constant 80 : index
        %get3A_425 = tpu.vector_load %arg19[%get3A_423, %get3A_424] {strides = array<i32>} : memref<80x128xf32, #tpu.memory_space<vmem>>, vector<1x16xf32>,
        %get3A_426 = vector.shape_cast %get3A_425 : vector<1x16xf32> to vector<16xf32>
        %sub3A_427 = arith.subf %get3A_422, %get3A_426 : vector<16xf32>
        %max3A_428 = arith.constant 0.000000e+00 : f32
        %max3A_429 = vector.broadcast %max3A_428 : f32 to vector<16xf32>
        %max3A_430 = arith.maximumf %sub3A_427, %max3A_429 : vector<16xf32>
        %swap3A_431 = arith.index_cast %scan3A_336 : i32 to index
        %swap3A_432 = arith.constant 80 : index
        %swap3A_433 = tpu.vector_load %arg17[%swap3A_431, %swap3A_432] {strides = array<i32>} : memref<80x128xf32, #tpu.memory_space<vmem>>, vector<1x16xf32>,
        %swap3A_434 = vector.shape_cast %swap3A_433 : vector<1x16xf32> to vector<16xf32>
        %swap3A_435 = vector.shape_cast %max3A_430 : vector<16xf32> to vector<1x16xf32>
        tpu.vector_store %arg17[%swap3A_431, %swap3A_432], %swap3A_435 {strides = array<i32>} : memref<80x128xf32, #tpu.memory_space<vmem>>, vector<1x16xf32>,
        %get3A_436 = arith.index_cast %scan3A_336 : i32 to index
        %get3A_437 = arith.constant 96 : index
        %get3A_438 = tpu.vector_load %arg17[%get3A_436, %get3A_437] {strides = array<i32>} : memref<80x128xf32, #tpu.memory_space<vmem>>, vector<1x16xf32>,
        %get3A_439 = vector.shape_cast %get3A_438 : vector<1x16xf32> to vector<16xf32>
        %get3A_440 = arith.index_cast %scan3A_336 : i32 to index
        %get3A_441 = arith.constant 96 : index
        %get3A_442 = tpu.vector_load %arg19[%get3A_440, %get3A_441] {strides = array<i32>} : memref<80x128xf32, #tpu.memory_space<vmem>>, vector<1x16xf32>,
        %get3A_443 = vector.shape_cast %get3A_442 : vector<1x16xf32> to vector<16xf32>
        %sub3A_444 = arith.subf %get3A_439, %get3A_443 : vector<16xf32>
        %max3A_445 = arith.constant 0.000000e+00 : f32
        %max3A_446 = vector.broadcast %max3A_445 : f32 to vector<16xf32>
        %max3A_447 = arith.maximumf %sub3A_444, %max3A_446 : vector<16xf32>
        %swap3A_448 = arith.index_cast %scan3A_336 : i32 to index
        %swap3A_449 = arith.constant 96 : index
        %swap3A_450 = tpu.vector_load %arg17[%swap3A_448, %swap3A_449] {strides = array<i32>} : memref<80x128xf32, #tpu.memory_space<vmem>>, vector<1x16xf32>,
        %swap3A_451 = vector.shape_cast %swap3A_450 : vector<1x16xf32> to vector<16xf32>
        %swap3A_452 = vector.shape_cast %max3A_447 : vector<16xf32> to vector<1x16xf32>
        tpu.vector_store %arg17[%swap3A_448, %swap3A_449], %swap3A_452 {strides = array<i32>} : memref<80x128xf32, #tpu.memory_space<vmem>>, vector<1x16xf32>,
        %get3A_453 = arith.index_cast %scan3A_336 : i32 to index
        %get3A_454 = arith.constant 112 : index
        %get3A_455 = tpu.vector_load %arg17[%get3A_453, %get3A_454] {strides = array<i32>} : memref<80x128xf32, #tpu.memory_space<vmem>>, vector<1x16xf32>,
        %get3A_456 = vector.shape_cast %get3A_455 : vector<1x16xf32> to vector<16xf32>
        %get3A_457 = arith.index_cast %scan3A_336 : i32 to index
        %get3A_458 = arith.constant 112 : index
        %get3A_459 = tpu.vector_load %arg19[%get3A_457, %get3A_458] {strides = array<i32>} : memref<80x128xf32, #tpu.memory_space<vmem>>, vector<1x16xf32>,
        %get3A_460 = vector.shape_cast %get3A_459 : vector<1x16xf32> to vector<16xf32>
        %sub3A_461 = arith.subf %get3A_456, %get3A_460 : vector<16xf32>
        %max3A_462 = arith.constant 0.000000e+00 : f32
        %max3A_463 = vector.broadcast %max3A_462 : f32 to vector<16xf32>
        %max3A_464 = arith.maximumf %sub3A_461, %max3A_463 : vector<16xf32>
        %swap3A_465 = arith.index_cast %scan3A_336 : i32 to index
        %swap3A_466 = arith.constant 112 : index
        %swap3A_467 = tpu.vector_load %arg17[%swap3A_465, %swap3A_466] {strides = array<i32>} : memref<80x128xf32, #tpu.memory_space<vmem>>, vector<1x16xf32>,
        %swap3A_468 = vector.shape_cast %swap3A_467 : vector<1x16xf32> to vector<16xf32>
        %swap3A_469 = vector.shape_cast %max3A_464 : vector<16xf32> to vector<1x16xf32>
        tpu.vector_store %arg17[%swap3A_465, %swap3A_466], %swap3A_469 {strides = array<i32>} : memref<80x128xf32, #tpu.memory_space<vmem>>, vector<1x16xf32>,
        %scan3A_470 = arith.constant 0 : i32
        scf.yield %scan3A_470 : i32
      }
      %scan3A_258 = arith.constant 80 : i32
      "tpu.region"() ({
        %run_scoped3A = tpu.sem_alloc : memref<!tpu.dma_semaphore, #tpu.memory_space<semaphore_mem>>
        %dma_start3A_336 = arith.constant 0 : i32
        %dma_start3A_337 = arith.constant 0 : i32
        %dma_start3A_338 = tpu.memref_slice %arg20[%dma_start3A_336, %dma_start3A_337] : memref<10240x128xf32, #tpu.memory_space<vmem_shared>> -> memref<10240x128xf32, #tpu.memory_space<vmem_shared>>
        tpu.enqueue_indirect_dma source(%arg17 : memref<80x128xf32, #tpu.memory_space<vmem>>) target(%dma_start3A_338 : memref<10240x128xf32, #tpu.memory_space<vmem_shared>>) offsets(%arg13 : memref<80xi32, #tpu.memory_space<vmem>>) semaphore(%run_scoped3A : memref<!tpu.dma_semaphore, #tpu.memory_space<semaphore_mem>>) {add = true}
        %dma_wait3A_339 = arith.constant 0 : i32
        %dma_wait3A_340 = arith.constant 0 : i32
        %dma_wait3A_341 = tpu.memref_slice %arg20[%dma_wait3A_339, %dma_wait3A_340] : memref<10240x128xf32, #tpu.memory_space<vmem_shared>> -> memref<10240x128xf32, #tpu.memory_space<vmem_shared>>
        tpu.wait_indirect_dma semaphore(%run_scoped3A : memref<!tpu.dma_semaphore, #tpu.memory_space<semaphore_mem>>) src(%arg17 : memref<80x128xf32, #tpu.memory_space<vmem>>) dst(%dma_wait3A_341 : memref<10240x128xf32, #tpu.memory_space<vmem_shared>>)
        tpu.yield
      }) : () -> ()
      %add3A_259 = arith.constant 4 : i32
      %add3A_260 = arith.addi %add3A_245, %add3A_259 : i32
      %lt3A_261 = arith.constant 128 : i32
      %lt3A_262 = arith.cmpi slt, %add3A_260, %lt3A_261 : i32
      %convert_element_type3A_263 = arith.extui %lt3A_262 : i1 to i32
      %cond3A_264 = arith.constant 0 : i32
      %cond3A_265 = arith.cmpi ne, %convert_element_type3A_263, %cond3A_264 : i32
      scf.if %cond3A_265 {
        %add3A_336 = arith.constant 4 : i32
        %add3A_337 = arith.addi %add3A_245, %add3A_336 : i32
        %mul3A_338 = arith.constant 80 : i32
        %mul3A_339 = arith.muli %add3A_337, %mul3A_338 : i32
        %add3A_340 = arith.addi %mul3A_2, %mul3A_339 : i32
        %dma_start3A_341 = tpu.memref_slice %arg4[%add3A_340] : memref<327680xi32, #tpu.memory_space<hbm>> -> memref<80xi32, #tpu.memory_space<hbm>>
        %dma_start3A_342 = tpu.memref_slice %arg4[%add3A_340] : memref<327680xi32, #tpu.memory_space<hbm>> -> memref<80xi32, #tpu.memory_space<hbm>>
        tpu.enqueue_dma source(%dma_start3A_342 : memref<80xi32, #tpu.memory_space<hbm>>) target(%arg9 : memref<80xi32, #tpu.memory_space<vmem>>) target_semaphore(%arg26 : memref<!tpu.dma_semaphore, #tpu.memory_space<semaphore_mem>>)
        %dma_start3A_343 = tpu.memref_slice %arg5[%add3A_340] : memref<327680xi32, #tpu.memory_space<hbm>> -> memref<80xi32, #tpu.memory_space<hbm>>
        %dma_start3A_344 = tpu.memref_slice %arg5[%add3A_340] : memref<327680xi32, #tpu.memory_space<hbm>> -> memref<80xi32, #tpu.memory_space<hbm>>
        tpu.enqueue_dma source(%dma_start3A_344 : memref<80xi32, #tpu.memory_space<hbm>>) target(%arg13 : memref<80xi32, #tpu.memory_space<vmem>>) target_semaphore(%arg26 : memref<!tpu.dma_semaphore, #tpu.memory_space<semaphore_mem>>)
      } else {
      }
      %add3A_266 = arith.constant 2 : i32
      %add3A_267 = arith.addi %add3A_245, %add3A_266 : i32
      %lt3A_268 = arith.constant 128 : i32
      %lt3A_269 = arith.cmpi slt, %add3A_267, %lt3A_268 : i32
      %convert_element_type3A_270 = arith.extui %lt3A_269 : i1 to i32
      %cond3A_271 = arith.constant 0 : i32
      %cond3A_272 = arith.cmpi ne, %convert_element_type3A_270, %cond3A_271 : i32
      scf.if %cond3A_272 {
        %dma_wait3A_336 = arith.constant 0 : i32
        %dma_wait3A_337 = tpu.memref_slice %arg4[%dma_wait3A_336] : memref<327680xi32, #tpu.memory_space<hbm>> -> memref<80xi32, #tpu.memory_space<hbm>>
        %dma_wait3A_338 = arith.constant 0 : i32
        %dma_wait3A_339 = tpu.memref_slice %arg4[%dma_wait3A_338] : memref<327680xi32, #tpu.memory_space<hbm>> -> memref<80xi32, #tpu.memory_space<hbm>>
        tpu.wait_dma2 semaphore(%arg28 : memref<!tpu.dma_semaphore, #tpu.memory_space<semaphore_mem>>) src(%dma_wait3A_339 : memref<80xi32, #tpu.memory_space<hbm>>) dst(%arg11 : memref<80xi32, #tpu.memory_space<vmem>>)
        %dma_wait3A_340 = arith.constant 0 : i32
        %dma_wait3A_341 = tpu.memref_slice %arg5[%dma_wait3A_340] : memref<327680xi32, #tpu.memory_space<hbm>> -> memref<80xi32, #tpu.memory_space<hbm>>
        %dma_wait3A_342 = arith.constant 0 : i32
        %dma_wait3A_343 = tpu.memref_slice %arg5[%dma_wait3A_342] : memref<327680xi32, #tpu.memory_space<hbm>> -> memref<80xi32, #tpu.memory_space<hbm>>
        tpu.wait_dma2 semaphore(%arg28 : memref<!tpu.dma_semaphore, #tpu.memory_space<semaphore_mem>>) src(%dma_wait3A_343 : memref<80xi32, #tpu.memory_space<hbm>>) dst(%arg15 : memref<80xi32, #tpu.memory_space<vmem>>)
        %dma_start3A_344 = arith.constant 0 : i32
        %dma_start3A_345 = arith.constant 0 : i32
        %dma_start3A_346 = tpu.memref_slice %arg2[%dma_start3A_344, %dma_start3A_345] : memref<10000x128xf32, #tpu.memory_space<hbm>> -> memref<10000x128xf32, #tpu.memory_space<hbm>>
        tpu.enqueue_indirect_dma source(%dma_start3A_346 : memref<10000x128xf32, #tpu.memory_space<hbm>>) target(%arg17 : memref<80x128xf32, #tpu.memory_space<vmem>>) offsets(%arg11 : memref<80xi32, #tpu.memory_space<vmem>>) semaphore(%arg22 : memref<!tpu.dma_semaphore, #tpu.memory_space<semaphore_mem>>)
        %dma_start3A_347 = arith.constant 0 : i32
        %dma_start3A_348 = arith.constant 0 : i32
        %dma_start3A_349 = tpu.memref_slice %arg2[%dma_start3A_347, %dma_start3A_348] : memref<10000x128xf32, #tpu.memory_space<hbm>> -> memref<10000x128xf32, #tpu.memory_space<hbm>>
        tpu.enqueue_indirect_dma source(%dma_start3A_349 : memref<10000x128xf32, #tpu.memory_space<hbm>>) target(%arg19 : memref<80x128xf32, #tpu.memory_space<vmem>>) offsets(%arg15 : memref<80xi32, #tpu.memory_space<vmem>>) semaphore(%arg24 : memref<!tpu.dma_semaphore, #tpu.memory_space<semaphore_mem>>)
      } else {
      }
      %mul3A_273 = arith.constant 4 : i32
      %mul3A_274 = arith.muli %mul3A_273, %scan3A_212 : i32
      %add3A_275 = arith.constant 2 : i32
      %add3A_276 = arith.addi %mul3A_274, %add3A_275 : i32
      %dma_wait3A_277 = arith.constant 0 : i32
      %dma_wait3A_278 = arith.constant 0 : i32
      %dma_wait3A_279 = tpu.memref_slice %arg2[%dma_wait3A_277, %dma_wait3A_278] : memref<10000x128xf32, #tpu.memory_space<hbm>> -> memref<10000x128xf32, #tpu.memory_space<hbm>>
      tpu.wait_indirect_dma semaphore(%arg21 : memref<!tpu.dma_semaphore, #tpu.memory_space<semaphore_mem>>) src(%dma_wait3A_279 : memref<10000x128xf32, #tpu.memory_space<hbm>>) dst(%arg16 : memref<80x128xf32, #tpu.memory_space<vmem>>)
      %dma_wait3A_280 = arith.constant 0 : i32
      %dma_wait3A_281 = arith.constant 0 : i32
      %dma_wait3A_282 = tpu.memref_slice %arg2[%dma_wait3A_280, %dma_wait3A_281] : memref<10000x128xf32, #tpu.memory_space<hbm>> -> memref<10000x128xf32, #tpu.memory_space<hbm>>
      tpu.wait_indirect_dma semaphore(%arg23 : memref<!tpu.dma_semaphore, #tpu.memory_space<semaphore_mem>>) src(%dma_wait3A_282 : memref<10000x128xf32, #tpu.memory_space<hbm>>) dst(%arg18 : memref<80x128xf32, #tpu.memory_space<vmem>>)
      %scan3A_283 = arith.constant 0 : i32
      %scan3A_284 = arith.constant 0 : i32
      %scan3A_285 = arith.constant 80 : i32
      %scan3A_286 = arith.addi %scan3A_284, %scan3A_285 : i32
      %scan3A_287 = arith.constant 1 : i32
      %scan3A_288 = scf.for %scan3A_336 = %scan3A_284 to %scan3A_286 step %scan3A_287 iter_args(%scan3A_337 = %scan3A_283) -> (i32)  : i32 {
        %get3A = arith.index_cast %scan3A_336 : i32 to index
        %get3A_338 = arith.constant 0 : index
        %get3A_339 = tpu.vector_load %arg16[%get3A, %get3A_338] {strides = array<i32>} : memref<80x128xf32, #tpu.memory_space<vmem>>, vector<1x16xf32>,
        %get3A_340 = vector.shape_cast %get3A_339 : vector<1x16xf32> to vector<16xf32>
        %get3A_341 = arith.index_cast %scan3A_336 : i32 to index
        %get3A_342 = arith.constant 0 : index
        %get3A_343 = tpu.vector_load %arg18[%get3A_341, %get3A_342] {strides = array<i32>} : memref<80x128xf32, #tpu.memory_space<vmem>>, vector<1x16xf32>,
        %get3A_344 = vector.shape_cast %get3A_343 : vector<1x16xf32> to vector<16xf32>
        %sub3A = arith.subf %get3A_340, %get3A_344 : vector<16xf32>
        %max3A = arith.constant 0.000000e+00 : f32
        %max3A_345 = vector.broadcast %max3A : f32 to vector<16xf32>
        %max3A_346 = arith.maximumf %sub3A, %max3A_345 : vector<16xf32>
        %swap3A = arith.index_cast %scan3A_336 : i32 to index
        %swap3A_347 = arith.constant 0 : index
        %swap3A_348 = tpu.vector_load %arg16[%swap3A, %swap3A_347] {strides = array<i32>} : memref<80x128xf32, #tpu.memory_space<vmem>>, vector<1x16xf32>,
        %swap3A_349 = vector.shape_cast %swap3A_348 : vector<1x16xf32> to vector<16xf32>
        %swap3A_350 = vector.shape_cast %max3A_346 : vector<16xf32> to vector<1x16xf32>
        tpu.vector_store %arg16[%swap3A, %swap3A_347], %swap3A_350 {strides = array<i32>} : memref<80x128xf32, #tpu.memory_space<vmem>>, vector<1x16xf32>,
        %get3A_351 = arith.index_cast %scan3A_336 : i32 to index
        %get3A_352 = arith.constant 16 : index
        %get3A_353 = tpu.vector_load %arg16[%get3A_351, %get3A_352] {strides = array<i32>} : memref<80x128xf32, #tpu.memory_space<vmem>>, vector<1x16xf32>,
        %get3A_354 = vector.shape_cast %get3A_353 : vector<1x16xf32> to vector<16xf32>
        %get3A_355 = arith.index_cast %scan3A_336 : i32 to index
        %get3A_356 = arith.constant 16 : index
        %get3A_357 = tpu.vector_load %arg18[%get3A_355, %get3A_356] {strides = array<i32>} : memref<80x128xf32, #tpu.memory_space<vmem>>, vector<1x16xf32>,
        %get3A_358 = vector.shape_cast %get3A_357 : vector<1x16xf32> to vector<16xf32>
        %sub3A_359 = arith.subf %get3A_354, %get3A_358 : vector<16xf32>
        %max3A_360 = arith.constant 0.000000e+00 : f32
        %max3A_361 = vector.broadcast %max3A_360 : f32 to vector<16xf32>
        %max3A_362 = arith.maximumf %sub3A_359, %max3A_361 : vector<16xf32>
        %swap3A_363 = arith.index_cast %scan3A_336 : i32 to index
        %swap3A_364 = arith.constant 16 : index
        %swap3A_365 = tpu.vector_load %arg16[%swap3A_363, %swap3A_364] {strides = array<i32>} : memref<80x128xf32, #tpu.memory_space<vmem>>, vector<1x16xf32>,
        %swap3A_366 = vector.shape_cast %swap3A_365 : vector<1x16xf32> to vector<16xf32>
        %swap3A_367 = vector.shape_cast %max3A_362 : vector<16xf32> to vector<1x16xf32>
        tpu.vector_store %arg16[%swap3A_363, %swap3A_364], %swap3A_367 {strides = array<i32>} : memref<80x128xf32, #tpu.memory_space<vmem>>, vector<1x16xf32>,
        %get3A_368 = arith.index_cast %scan3A_336 : i32 to index
        %get3A_369 = arith.constant 32 : index
        %get3A_370 = tpu.vector_load %arg16[%get3A_368, %get3A_369] {strides = array<i32>} : memref<80x128xf32, #tpu.memory_space<vmem>>, vector<1x16xf32>,
        %get3A_371 = vector.shape_cast %get3A_370 : vector<1x16xf32> to vector<16xf32>
        %get3A_372 = arith.index_cast %scan3A_336 : i32 to index
        %get3A_373 = arith.constant 32 : index
        %get3A_374 = tpu.vector_load %arg18[%get3A_372, %get3A_373] {strides = array<i32>} : memref<80x128xf32, #tpu.memory_space<vmem>>, vector<1x16xf32>,
        %get3A_375 = vector.shape_cast %get3A_374 : vector<1x16xf32> to vector<16xf32>
        %sub3A_376 = arith.subf %get3A_371, %get3A_375 : vector<16xf32>
        %max3A_377 = arith.constant 0.000000e+00 : f32
        %max3A_378 = vector.broadcast %max3A_377 : f32 to vector<16xf32>
        %max3A_379 = arith.maximumf %sub3A_376, %max3A_378 : vector<16xf32>
        %swap3A_380 = arith.index_cast %scan3A_336 : i32 to index
        %swap3A_381 = arith.constant 32 : index
        %swap3A_382 = tpu.vector_load %arg16[%swap3A_380, %swap3A_381] {strides = array<i32>} : memref<80x128xf32, #tpu.memory_space<vmem>>, vector<1x16xf32>,
        %swap3A_383 = vector.shape_cast %swap3A_382 : vector<1x16xf32> to vector<16xf32>
        %swap3A_384 = vector.shape_cast %max3A_379 : vector<16xf32> to vector<1x16xf32>
        tpu.vector_store %arg16[%swap3A_380, %swap3A_381], %swap3A_384 {strides = array<i32>} : memref<80x128xf32, #tpu.memory_space<vmem>>, vector<1x16xf32>,
        %get3A_385 = arith.index_cast %scan3A_336 : i32 to index
        %get3A_386 = arith.constant 48 : index
        %get3A_387 = tpu.vector_load %arg16[%get3A_385, %get3A_386] {strides = array<i32>} : memref<80x128xf32, #tpu.memory_space<vmem>>, vector<1x16xf32>,
        %get3A_388 = vector.shape_cast %get3A_387 : vector<1x16xf32> to vector<16xf32>
        %get3A_389 = arith.index_cast %scan3A_336 : i32 to index
        %get3A_390 = arith.constant 48 : index
        %get3A_391 = tpu.vector_load %arg18[%get3A_389, %get3A_390] {strides = array<i32>} : memref<80x128xf32, #tpu.memory_space<vmem>>, vector<1x16xf32>,
        %get3A_392 = vector.shape_cast %get3A_391 : vector<1x16xf32> to vector<16xf32>
        %sub3A_393 = arith.subf %get3A_388, %get3A_392 : vector<16xf32>
        %max3A_394 = arith.constant 0.000000e+00 : f32
        %max3A_395 = vector.broadcast %max3A_394 : f32 to vector<16xf32>
        %max3A_396 = arith.maximumf %sub3A_393, %max3A_395 : vector<16xf32>
        %swap3A_397 = arith.index_cast %scan3A_336 : i32 to index
        %swap3A_398 = arith.constant 48 : index
        %swap3A_399 = tpu.vector_load %arg16[%swap3A_397, %swap3A_398] {strides = array<i32>} : memref<80x128xf32, #tpu.memory_space<vmem>>, vector<1x16xf32>,
        %swap3A_400 = vector.shape_cast %swap3A_399 : vector<1x16xf32> to vector<16xf32>
        %swap3A_401 = vector.shape_cast %max3A_396 : vector<16xf32> to vector<1x16xf32>
        tpu.vector_store %arg16[%swap3A_397, %swap3A_398], %swap3A_401 {strides = array<i32>} : memref<80x128xf32, #tpu.memory_space<vmem>>, vector<1x16xf32>,
        %get3A_402 = arith.index_cast %scan3A_336 : i32 to index
        %get3A_403 = arith.constant 64 : index
        %get3A_404 = tpu.vector_load %arg16[%get3A_402, %get3A_403] {strides = array<i32>} : memref<80x128xf32, #tpu.memory_space<vmem>>, vector<1x16xf32>,
        %get3A_405 = vector.shape_cast %get3A_404 : vector<1x16xf32> to vector<16xf32>
        %get3A_406 = arith.index_cast %scan3A_336 : i32 to index
        %get3A_407 = arith.constant 64 : index
        %get3A_408 = tpu.vector_load %arg18[%get3A_406, %get3A_407] {strides = array<i32>} : memref<80x128xf32, #tpu.memory_space<vmem>>, vector<1x16xf32>,
        %get3A_409 = vector.shape_cast %get3A_408 : vector<1x16xf32> to vector<16xf32>
        %sub3A_410 = arith.subf %get3A_405, %get3A_409 : vector<16xf32>
        %max3A_411 = arith.constant 0.000000e+00 : f32
        %max3A_412 = vector.broadcast %max3A_411 : f32 to vector<16xf32>
        %max3A_413 = arith.maximumf %sub3A_410, %max3A_412 : vector<16xf32>
        %swap3A_414 = arith.index_cast %scan3A_336 : i32 to index
        %swap3A_415 = arith.constant 64 : index
        %swap3A_416 = tpu.vector_load %arg16[%swap3A_414, %swap3A_415] {strides = array<i32>} : memref<80x128xf32, #tpu.memory_space<vmem>>, vector<1x16xf32>,
        %swap3A_417 = vector.shape_cast %swap3A_416 : vector<1x16xf32> to vector<16xf32>
        %swap3A_418 = vector.shape_cast %max3A_413 : vector<16xf32> to vector<1x16xf32>
        tpu.vector_store %arg16[%swap3A_414, %swap3A_415], %swap3A_418 {strides = array<i32>} : memref<80x128xf32, #tpu.memory_space<vmem>>, vector<1x16xf32>,
        %get3A_419 = arith.index_cast %scan3A_336 : i32 to index
        %get3A_420 = arith.constant 80 : index
        %get3A_421 = tpu.vector_load %arg16[%get3A_419, %get3A_420] {strides = array<i32>} : memref<80x128xf32, #tpu.memory_space<vmem>>, vector<1x16xf32>,
        %get3A_422 = vector.shape_cast %get3A_421 : vector<1x16xf32> to vector<16xf32>
        %get3A_423 = arith.index_cast %scan3A_336 : i32 to index
        %get3A_424 = arith.constant 80 : index
        %get3A_425 = tpu.vector_load %arg18[%get3A_423, %get3A_424] {strides = array<i32>} : memref<80x128xf32, #tpu.memory_space<vmem>>, vector<1x16xf32>,
        %get3A_426 = vector.shape_cast %get3A_425 : vector<1x16xf32> to vector<16xf32>
        %sub3A_427 = arith.subf %get3A_422, %get3A_426 : vector<16xf32>
        %max3A_428 = arith.constant 0.000000e+00 : f32
        %max3A_429 = vector.broadcast %max3A_428 : f32 to vector<16xf32>
        %max3A_430 = arith.maximumf %sub3A_427, %max3A_429 : vector<16xf32>
        %swap3A_431 = arith.index_cast %scan3A_336 : i32 to index
        %swap3A_432 = arith.constant 80 : index
        %swap3A_433 = tpu.vector_load %arg16[%swap3A_431, %swap3A_432] {strides = array<i32>} : memref<80x128xf32, #tpu.memory_space<vmem>>, vector<1x16xf32>,
        %swap3A_434 = vector.shape_cast %swap3A_433 : vector<1x16xf32> to vector<16xf32>
        %swap3A_435 = vector.shape_cast %max3A_430 : vector<16xf32> to vector<1x16xf32>
        tpu.vector_store %arg16[%swap3A_431, %swap3A_432], %swap3A_435 {strides = array<i32>} : memref<80x128xf32, #tpu.memory_space<vmem>>, vector<1x16xf32>,
        %get3A_436 = arith.index_cast %scan3A_336 : i32 to index
        %get3A_437 = arith.constant 96 : index
        %get3A_438 = tpu.vector_load %arg16[%get3A_436, %get3A_437] {strides = array<i32>} : memref<80x128xf32, #tpu.memory_space<vmem>>, vector<1x16xf32>,
        %get3A_439 = vector.shape_cast %get3A_438 : vector<1x16xf32> to vector<16xf32>
        %get3A_440 = arith.index_cast %scan3A_336 : i32 to index
        %get3A_441 = arith.constant 96 : index
        %get3A_442 = tpu.vector_load %arg18[%get3A_440, %get3A_441] {strides = array<i32>} : memref<80x128xf32, #tpu.memory_space<vmem>>, vector<1x16xf32>,
        %get3A_443 = vector.shape_cast %get3A_442 : vector<1x16xf32> to vector<16xf32>
        %sub3A_444 = arith.subf %get3A_439, %get3A_443 : vector<16xf32>
        %max3A_445 = arith.constant 0.000000e+00 : f32
        %max3A_446 = vector.broadcast %max3A_445 : f32 to vector<16xf32>
        %max3A_447 = arith.maximumf %sub3A_444, %max3A_446 : vector<16xf32>
        %swap3A_448 = arith.index_cast %scan3A_336 : i32 to index
        %swap3A_449 = arith.constant 96 : index
        %swap3A_450 = tpu.vector_load %arg16[%swap3A_448, %swap3A_449] {strides = array<i32>} : memref<80x128xf32, #tpu.memory_space<vmem>>, vector<1x16xf32>,
        %swap3A_451 = vector.shape_cast %swap3A_450 : vector<1x16xf32> to vector<16xf32>
        %swap3A_452 = vector.shape_cast %max3A_447 : vector<16xf32> to vector<1x16xf32>
        tpu.vector_store %arg16[%swap3A_448, %swap3A_449], %swap3A_452 {strides = array<i32>} : memref<80x128xf32, #tpu.memory_space<vmem>>, vector<1x16xf32>,
        %get3A_453 = arith.index_cast %scan3A_336 : i32 to index
        %get3A_454 = arith.constant 112 : index
        %get3A_455 = tpu.vector_load %arg16[%get3A_453, %get3A_454] {strides = array<i32>} : memref<80x128xf32, #tpu.memory_space<vmem>>, vector<1x16xf32>,
        %get3A_456 = vector.shape_cast %get3A_455 : vector<1x16xf32> to vector<16xf32>
        %get3A_457 = arith.index_cast %scan3A_336 : i32 to index
        %get3A_458 = arith.constant 112 : index
        %get3A_459 = tpu.vector_load %arg18[%get3A_457, %get3A_458] {strides = array<i32>} : memref<80x128xf32, #tpu.memory_space<vmem>>, vector<1x16xf32>,
        %get3A_460 = vector.shape_cast %get3A_459 : vector<1x16xf32> to vector<16xf32>
        %sub3A_461 = arith.subf %get3A_456, %get3A_460 : vector<16xf32>
        %max3A_462 = arith.constant 0.000000e+00 : f32
        %max3A_463 = vector.broadcast %max3A_462 : f32 to vector<16xf32>
        %max3A_464 = arith.maximumf %sub3A_461, %max3A_463 : vector<16xf32>
        %swap3A_465 = arith.index_cast %scan3A_336 : i32 to index
        %swap3A_466 = arith.constant 112 : index
        %swap3A_467 = tpu.vector_load %arg16[%swap3A_465, %swap3A_466] {strides = array<i32>} : memref<80x128xf32, #tpu.memory_space<vmem>>, vector<1x16xf32>,
        %swap3A_468 = vector.shape_cast %swap3A_467 : vector<1x16xf32> to vector<16xf32>
        %swap3A_469 = vector.shape_cast %max3A_464 : vector<16xf32> to vector<1x16xf32>
        tpu.vector_store %arg16[%swap3A_465, %swap3A_466], %swap3A_469 {strides = array<i32>} : memref<80x128xf32, #tpu.memory_space<vmem>>, vector<1x16xf32>,
        %scan3A_470 = arith.constant 0 : i32
        scf.yield %scan3A_470 : i32
      }
      %scan3A_289 = arith.constant 80 : i32
      "tpu.region"() ({
        %run_scoped3A = tpu.sem_alloc : memref<!tpu.dma_semaphore, #tpu.memory_space<semaphore_mem>>
        %dma_start3A_336 = arith.constant 0 : i32
        %dma_start3A_337 = arith.constant 0 : i32
        %dma_start3A_338 = tpu.memref_slice %arg20[%dma_start3A_336, %dma_start3A_337] : memref<10240x128xf32, #tpu.memory_space<vmem_shared>> -> memref<10240x128xf32, #tpu.memory_space<vmem_shared>>
        tpu.enqueue_indirect_dma source(%arg16 : memref<80x128xf32, #tpu.memory_space<vmem>>) target(%dma_start3A_338 : memref<10240x128xf32, #tpu.memory_space<vmem_shared>>) offsets(%arg14 : memref<80xi32, #tpu.memory_space<vmem>>) semaphore(%run_scoped3A : memref<!tpu.dma_semaphore, #tpu.memory_space<semaphore_mem>>) {add = true}
        %dma_wait3A_339 = arith.constant 0 : i32
        %dma_wait3A_340 = arith.constant 0 : i32
        %dma_wait3A_341 = tpu.memref_slice %arg20[%dma_wait3A_339, %dma_wait3A_340] : memref<10240x128xf32, #tpu.memory_space<vmem_shared>> -> memref<10240x128xf32, #tpu.memory_space<vmem_shared>>
        tpu.wait_indirect_dma semaphore(%run_scoped3A : memref<!tpu.dma_semaphore, #tpu.memory_space<semaphore_mem>>) src(%arg16 : memref<80x128xf32, #tpu.memory_space<vmem>>) dst(%dma_wait3A_341 : memref<10240x128xf32, #tpu.memory_space<vmem_shared>>)
        tpu.yield
      }) : () -> ()
      %add3A_290 = arith.constant 4 : i32
      %add3A_291 = arith.addi %add3A_276, %add3A_290 : i32
      %lt3A_292 = arith.constant 128 : i32
      %lt3A_293 = arith.cmpi slt, %add3A_291, %lt3A_292 : i32
      %convert_element_type3A_294 = arith.extui %lt3A_293 : i1 to i32
      %cond3A_295 = arith.constant 0 : i32
      %cond3A_296 = arith.cmpi ne, %convert_element_type3A_294, %cond3A_295 : i32
      scf.if %cond3A_296 {
        %add3A_336 = arith.constant 4 : i32
        %add3A_337 = arith.addi %add3A_276, %add3A_336 : i32
        %mul3A_338 = arith.constant 80 : i32
        %mul3A_339 = arith.muli %add3A_337, %mul3A_338 : i32
        %add3A_340 = arith.addi %mul3A_2, %mul3A_339 : i32
        %dma_start3A_341 = tpu.memref_slice %arg4[%add3A_340] : memref<327680xi32, #tpu.memory_space<hbm>> -> memref<80xi32, #tpu.memory_space<hbm>>
        %dma_start3A_342 = tpu.memref_slice %arg4[%add3A_340] : memref<327680xi32, #tpu.memory_space<hbm>> -> memref<80xi32, #tpu.memory_space<hbm>>
        tpu.enqueue_dma source(%dma_start3A_342 : memref<80xi32, #tpu.memory_space<hbm>>) target(%arg10 : memref<80xi32, #tpu.memory_space<vmem>>) target_semaphore(%arg27 : memref<!tpu.dma_semaphore, #tpu.memory_space<semaphore_mem>>)
        %dma_start3A_343 = tpu.memref_slice %arg5[%add3A_340] : memref<327680xi32, #tpu.memory_space<hbm>> -> memref<80xi32, #tpu.memory_space<hbm>>
        %dma_start3A_344 = tpu.memref_slice %arg5[%add3A_340] : memref<327680xi32, #tpu.memory_space<hbm>> -> memref<80xi32, #tpu.memory_space<hbm>>
        tpu.enqueue_dma source(%dma_start3A_344 : memref<80xi32, #tpu.memory_space<hbm>>) target(%arg14 : memref<80xi32, #tpu.memory_space<vmem>>) target_semaphore(%arg27 : memref<!tpu.dma_semaphore, #tpu.memory_space<semaphore_mem>>)
      } else {
      }
      %add3A_297 = arith.constant 2 : i32
      %add3A_298 = arith.addi %add3A_276, %add3A_297 : i32
      %lt3A_299 = arith.constant 128 : i32
      %lt3A_300 = arith.cmpi slt, %add3A_298, %lt3A_299 : i32
      %convert_element_type3A_301 = arith.extui %lt3A_300 : i1 to i32
      %cond3A_302 = arith.constant 0 : i32
      %cond3A_303 = arith.cmpi ne, %convert_element_type3A_301, %cond3A_302 : i32
      scf.if %cond3A_303 {
        %dma_wait3A_336 = arith.constant 0 : i32
        %dma_wait3A_337 = tpu.memref_slice %arg4[%dma_wait3A_336] : memref<327680xi32, #tpu.memory_space<hbm>> -> memref<80xi32, #tpu.memory_space<hbm>>
        %dma_wait3A_338 = arith.constant 0 : i32
        %dma_wait3A_339 = tpu.memref_slice %arg4[%dma_wait3A_338] : memref<327680xi32, #tpu.memory_space<hbm>> -> memref<80xi32, #tpu.memory_space<hbm>>
        tpu.wait_dma2 semaphore(%arg25 : memref<!tpu.dma_semaphore, #tpu.memory_space<semaphore_mem>>) src(%dma_wait3A_339 : memref<80xi32, #tpu.memory_space<hbm>>) dst(%arg8 : memref<80xi32, #tpu.memory_space<vmem>>)
        %dma_wait3A_340 = arith.constant 0 : i32
        %dma_wait3A_341 = tpu.memref_slice %arg5[%dma_wait3A_340] : memref<327680xi32, #tpu.memory_space<hbm>> -> memref<80xi32, #tpu.memory_space<hbm>>
        %dma_wait3A_342 = arith.constant 0 : i32
        %dma_wait3A_343 = tpu.memref_slice %arg5[%dma_wait3A_342] : memref<327680xi32, #tpu.memory_space<hbm>> -> memref<80xi32, #tpu.memory_space<hbm>>
        tpu.wait_dma2 semaphore(%arg25 : memref<!tpu.dma_semaphore, #tpu.memory_space<semaphore_mem>>) src(%dma_wait3A_343 : memref<80xi32, #tpu.memory_space<hbm>>) dst(%arg12 : memref<80xi32, #tpu.memory_space<vmem>>)
        %dma_start3A_344 = arith.constant 0 : i32
        %dma_start3A_345 = arith.constant 0 : i32
        %dma_start3A_346 = tpu.memref_slice %arg2[%dma_start3A_344, %dma_start3A_345] : memref<10000x128xf32, #tpu.memory_space<hbm>> -> memref<10000x128xf32, #tpu.memory_space<hbm>>
        tpu.enqueue_indirect_dma source(%dma_start3A_346 : memref<10000x128xf32, #tpu.memory_space<hbm>>) target(%arg16 : memref<80x128xf32, #tpu.memory_space<vmem>>) offsets(%arg8 : memref<80xi32, #tpu.memory_space<vmem>>) semaphore(%arg21 : memref<!tpu.dma_semaphore, #tpu.memory_space<semaphore_mem>>)
        %dma_start3A_347 = arith.constant 0 : i32
        %dma_start3A_348 = arith.constant 0 : i32
        %dma_start3A_349 = tpu.memref_slice %arg2[%dma_start3A_347, %dma_start3A_348] : memref<10000x128xf32, #tpu.memory_space<hbm>> -> memref<10000x128xf32, #tpu.memory_space<hbm>>
        tpu.enqueue_indirect_dma source(%dma_start3A_349 : memref<10000x128xf32, #tpu.memory_space<hbm>>) target(%arg18 : memref<80x128xf32, #tpu.memory_space<vmem>>) offsets(%arg12 : memref<80xi32, #tpu.memory_space<vmem>>) semaphore(%arg23 : memref<!tpu.dma_semaphore, #tpu.memory_space<semaphore_mem>>)
      } else {
      }
      %mul3A_304 = arith.constant 4 : i32
      %mul3A_305 = arith.muli %mul3A_304, %scan3A_212 : i32
      %add3A_306 = arith.constant 3 : i32
      %add3A_307 = arith.addi %mul3A_305, %add3A_306 : i32
      %dma_wait3A_308 = arith.constant 0 : i32
      %dma_wait3A_309 = arith.constant 0 : i32
      %dma_wait3A_310 = tpu.memref_slice %arg2[%dma_wait3A_308, %dma_wait3A_309] : memref<10000x128xf32, #tpu.memory_space<hbm>> -> memref<10000x128xf32, #tpu.memory_space<hbm>>
      tpu.wait_indirect_dma semaphore(%arg22 : memref<!tpu.dma_semaphore, #tpu.memory_space<semaphore_mem>>) src(%dma_wait3A_310 : memref<10000x128xf32, #tpu.memory_space<hbm>>) dst(%arg17 : memref<80x128xf32, #tpu.memory_space<vmem>>)
      %dma_wait3A_311 = arith.constant 0 : i32
      %dma_wait3A_312 = arith.constant 0 : i32
      %dma_wait3A_313 = tpu.memref_slice %arg2[%dma_wait3A_311, %dma_wait3A_312] : memref<10000x128xf32, #tpu.memory_space<hbm>> -> memref<10000x128xf32, #tpu.memory_space<hbm>>
      tpu.wait_indirect_dma semaphore(%arg24 : memref<!tpu.dma_semaphore, #tpu.memory_space<semaphore_mem>>) src(%dma_wait3A_313 : memref<10000x128xf32, #tpu.memory_space<hbm>>) dst(%arg19 : memref<80x128xf32, #tpu.memory_space<vmem>>)
      %scan3A_314 = arith.constant 0 : i32
      %scan3A_315 = arith.constant 0 : i32
      %scan3A_316 = arith.constant 80 : i32
      %scan3A_317 = arith.addi %scan3A_315, %scan3A_316 : i32
      %scan3A_318 = arith.constant 1 : i32
      %scan3A_319 = scf.for %scan3A_336 = %scan3A_315 to %scan3A_317 step %scan3A_318 iter_args(%scan3A_337 = %scan3A_314) -> (i32)  : i32 {
        %get3A = arith.index_cast %scan3A_336 : i32 to index
        %get3A_338 = arith.constant 0 : index
        %get3A_339 = tpu.vector_load %arg17[%get3A, %get3A_338] {strides = array<i32>} : memref<80x128xf32, #tpu.memory_space<vmem>>, vector<1x16xf32>,
        %get3A_340 = vector.shape_cast %get3A_339 : vector<1x16xf32> to vector<16xf32>
        %get3A_341 = arith.index_cast %scan3A_336 : i32 to index
        %get3A_342 = arith.constant 0 : index
        %get3A_343 = tpu.vector_load %arg19[%get3A_341, %get3A_342] {strides = array<i32>} : memref<80x128xf32, #tpu.memory_space<vmem>>, vector<1x16xf32>,
        %get3A_344 = vector.shape_cast %get3A_343 : vector<1x16xf32> to vector<16xf32>
        %sub3A = arith.subf %get3A_340, %get3A_344 : vector<16xf32>
        %max3A = arith.constant 0.000000e+00 : f32
        %max3A_345 = vector.broadcast %max3A : f32 to vector<16xf32>
        %max3A_346 = arith.maximumf %sub3A, %max3A_345 : vector<16xf32>
        %swap3A = arith.index_cast %scan3A_336 : i32 to index
        %swap3A_347 = arith.constant 0 : index
        %swap3A_348 = tpu.vector_load %arg17[%swap3A, %swap3A_347] {strides = array<i32>} : memref<80x128xf32, #tpu.memory_space<vmem>>, vector<1x16xf32>,
        %swap3A_349 = vector.shape_cast %swap3A_348 : vector<1x16xf32> to vector<16xf32>
        %swap3A_350 = vector.shape_cast %max3A_346 : vector<16xf32> to vector<1x16xf32>
        tpu.vector_store %arg17[%swap3A, %swap3A_347], %swap3A_350 {strides = array<i32>} : memref<80x128xf32, #tpu.memory_space<vmem>>, vector<1x16xf32>,
        %get3A_351 = arith.index_cast %scan3A_336 : i32 to index
        %get3A_352 = arith.constant 16 : index
        %get3A_353 = tpu.vector_load %arg17[%get3A_351, %get3A_352] {strides = array<i32>} : memref<80x128xf32, #tpu.memory_space<vmem>>, vector<1x16xf32>,
        %get3A_354 = vector.shape_cast %get3A_353 : vector<1x16xf32> to vector<16xf32>
        %get3A_355 = arith.index_cast %scan3A_336 : i32 to index
        %get3A_356 = arith.constant 16 : index
        %get3A_357 = tpu.vector_load %arg19[%get3A_355, %get3A_356] {strides = array<i32>} : memref<80x128xf32, #tpu.memory_space<vmem>>, vector<1x16xf32>,
        %get3A_358 = vector.shape_cast %get3A_357 : vector<1x16xf32> to vector<16xf32>
        %sub3A_359 = arith.subf %get3A_354, %get3A_358 : vector<16xf32>
        %max3A_360 = arith.constant 0.000000e+00 : f32
        %max3A_361 = vector.broadcast %max3A_360 : f32 to vector<16xf32>
        %max3A_362 = arith.maximumf %sub3A_359, %max3A_361 : vector<16xf32>
        %swap3A_363 = arith.index_cast %scan3A_336 : i32 to index
        %swap3A_364 = arith.constant 16 : index
        %swap3A_365 = tpu.vector_load %arg17[%swap3A_363, %swap3A_364] {strides = array<i32>} : memref<80x128xf32, #tpu.memory_space<vmem>>, vector<1x16xf32>,
        %swap3A_366 = vector.shape_cast %swap3A_365 : vector<1x16xf32> to vector<16xf32>
        %swap3A_367 = vector.shape_cast %max3A_362 : vector<16xf32> to vector<1x16xf32>
        tpu.vector_store %arg17[%swap3A_363, %swap3A_364], %swap3A_367 {strides = array<i32>} : memref<80x128xf32, #tpu.memory_space<vmem>>, vector<1x16xf32>,
        %get3A_368 = arith.index_cast %scan3A_336 : i32 to index
        %get3A_369 = arith.constant 32 : index
        %get3A_370 = tpu.vector_load %arg17[%get3A_368, %get3A_369] {strides = array<i32>} : memref<80x128xf32, #tpu.memory_space<vmem>>, vector<1x16xf32>,
        %get3A_371 = vector.shape_cast %get3A_370 : vector<1x16xf32> to vector<16xf32>
        %get3A_372 = arith.index_cast %scan3A_336 : i32 to index
        %get3A_373 = arith.constant 32 : index
        %get3A_374 = tpu.vector_load %arg19[%get3A_372, %get3A_373] {strides = array<i32>} : memref<80x128xf32, #tpu.memory_space<vmem>>, vector<1x16xf32>,
        %get3A_375 = vector.shape_cast %get3A_374 : vector<1x16xf32> to vector<16xf32>
        %sub3A_376 = arith.subf %get3A_371, %get3A_375 : vector<16xf32>
        %max3A_377 = arith.constant 0.000000e+00 : f32
        %max3A_378 = vector.broadcast %max3A_377 : f32 to vector<16xf32>
        %max3A_379 = arith.maximumf %sub3A_376, %max3A_378 : vector<16xf32>
        %swap3A_380 = arith.index_cast %scan3A_336 : i32 to index
        %swap3A_381 = arith.constant 32 : index
        %swap3A_382 = tpu.vector_load %arg17[%swap3A_380, %swap3A_381] {strides = array<i32>} : memref<80x128xf32, #tpu.memory_space<vmem>>, vector<1x16xf32>,
        %swap3A_383 = vector.shape_cast %swap3A_382 : vector<1x16xf32> to vector<16xf32>
        %swap3A_384 = vector.shape_cast %max3A_379 : vector<16xf32> to vector<1x16xf32>
        tpu.vector_store %arg17[%swap3A_380, %swap3A_381], %swap3A_384 {strides = array<i32>} : memref<80x128xf32, #tpu.memory_space<vmem>>, vector<1x16xf32>,
        %get3A_385 = arith.index_cast %scan3A_336 : i32 to index
        %get3A_386 = arith.constant 48 : index
        %get3A_387 = tpu.vector_load %arg17[%get3A_385, %get3A_386] {strides = array<i32>} : memref<80x128xf32, #tpu.memory_space<vmem>>, vector<1x16xf32>,
        %get3A_388 = vector.shape_cast %get3A_387 : vector<1x16xf32> to vector<16xf32>
        %get3A_389 = arith.index_cast %scan3A_336 : i32 to index
        %get3A_390 = arith.constant 48 : index
        %get3A_391 = tpu.vector_load %arg19[%get3A_389, %get3A_390] {strides = array<i32>} : memref<80x128xf32, #tpu.memory_space<vmem>>, vector<1x16xf32>,
        %get3A_392 = vector.shape_cast %get3A_391 : vector<1x16xf32> to vector<16xf32>
        %sub3A_393 = arith.subf %get3A_388, %get3A_392 : vector<16xf32>
        %max3A_394 = arith.constant 0.000000e+00 : f32
        %max3A_395 = vector.broadcast %max3A_394 : f32 to vector<16xf32>
        %max3A_396 = arith.maximumf %sub3A_393, %max3A_395 : vector<16xf32>
        %swap3A_397 = arith.index_cast %scan3A_336 : i32 to index
        %swap3A_398 = arith.constant 48 : index
        %swap3A_399 = tpu.vector_load %arg17[%swap3A_397, %swap3A_398] {strides = array<i32>} : memref<80x128xf32, #tpu.memory_space<vmem>>, vector<1x16xf32>,
        %swap3A_400 = vector.shape_cast %swap3A_399 : vector<1x16xf32> to vector<16xf32>
        %swap3A_401 = vector.shape_cast %max3A_396 : vector<16xf32> to vector<1x16xf32>
        tpu.vector_store %arg17[%swap3A_397, %swap3A_398], %swap3A_401 {strides = array<i32>} : memref<80x128xf32, #tpu.memory_space<vmem>>, vector<1x16xf32>,
        %get3A_402 = arith.index_cast %scan3A_336 : i32 to index
        %get3A_403 = arith.constant 64 : index
        %get3A_404 = tpu.vector_load %arg17[%get3A_402, %get3A_403] {strides = array<i32>} : memref<80x128xf32, #tpu.memory_space<vmem>>, vector<1x16xf32>,
        %get3A_405 = vector.shape_cast %get3A_404 : vector<1x16xf32> to vector<16xf32>
        %get3A_406 = arith.index_cast %scan3A_336 : i32 to index
        %get3A_407 = arith.constant 64 : index
        %get3A_408 = tpu.vector_load %arg19[%get3A_406, %get3A_407] {strides = array<i32>} : memref<80x128xf32, #tpu.memory_space<vmem>>, vector<1x16xf32>,
        %get3A_409 = vector.shape_cast %get3A_408 : vector<1x16xf32> to vector<16xf32>
        %sub3A_410 = arith.subf %get3A_405, %get3A_409 : vector<16xf32>
        %max3A_411 = arith.constant 0.000000e+00 : f32
        %max3A_412 = vector.broadcast %max3A_411 : f32 to vector<16xf32>
        %max3A_413 = arith.maximumf %sub3A_410, %max3A_412 : vector<16xf32>
        %swap3A_414 = arith.index_cast %scan3A_336 : i32 to index
        %swap3A_415 = arith.constant 64 : index
        %swap3A_416 = tpu.vector_load %arg17[%swap3A_414, %swap3A_415] {strides = array<i32>} : memref<80x128xf32, #tpu.memory_space<vmem>>, vector<1x16xf32>,
        %swap3A_417 = vector.shape_cast %swap3A_416 : vector<1x16xf32> to vector<16xf32>
        %swap3A_418 = vector.shape_cast %max3A_413 : vector<16xf32> to vector<1x16xf32>
        tpu.vector_store %arg17[%swap3A_414, %swap3A_415], %swap3A_418 {strides = array<i32>} : memref<80x128xf32, #tpu.memory_space<vmem>>, vector<1x16xf32>,
        %get3A_419 = arith.index_cast %scan3A_336 : i32 to index
        %get3A_420 = arith.constant 80 : index
        %get3A_421 = tpu.vector_load %arg17[%get3A_419, %get3A_420] {strides = array<i32>} : memref<80x128xf32, #tpu.memory_space<vmem>>, vector<1x16xf32>,
        %get3A_422 = vector.shape_cast %get3A_421 : vector<1x16xf32> to vector<16xf32>
        %get3A_423 = arith.index_cast %scan3A_336 : i32 to index
        %get3A_424 = arith.constant 80 : index
        %get3A_425 = tpu.vector_load %arg19[%get3A_423, %get3A_424] {strides = array<i32>} : memref<80x128xf32, #tpu.memory_space<vmem>>, vector<1x16xf32>,
        %get3A_426 = vector.shape_cast %get3A_425 : vector<1x16xf32> to vector<16xf32>
        %sub3A_427 = arith.subf %get3A_422, %get3A_426 : vector<16xf32>
        %max3A_428 = arith.constant 0.000000e+00 : f32
        %max3A_429 = vector.broadcast %max3A_428 : f32 to vector<16xf32>
        %max3A_430 = arith.maximumf %sub3A_427, %max3A_429 : vector<16xf32>
        %swap3A_431 = arith.index_cast %scan3A_336 : i32 to index
        %swap3A_432 = arith.constant 80 : index
        %swap3A_433 = tpu.vector_load %arg17[%swap3A_431, %swap3A_432] {strides = array<i32>} : memref<80x128xf32, #tpu.memory_space<vmem>>, vector<1x16xf32>,
        %swap3A_434 = vector.shape_cast %swap3A_433 : vector<1x16xf32> to vector<16xf32>
        %swap3A_435 = vector.shape_cast %max3A_430 : vector<16xf32> to vector<1x16xf32>
        tpu.vector_store %arg17[%swap3A_431, %swap3A_432], %swap3A_435 {strides = array<i32>} : memref<80x128xf32, #tpu.memory_space<vmem>>, vector<1x16xf32>,
        %get3A_436 = arith.index_cast %scan3A_336 : i32 to index
        %get3A_437 = arith.constant 96 : index
        %get3A_438 = tpu.vector_load %arg17[%get3A_436, %get3A_437] {strides = array<i32>} : memref<80x128xf32, #tpu.memory_space<vmem>>, vector<1x16xf32>,
        %get3A_439 = vector.shape_cast %get3A_438 : vector<1x16xf32> to vector<16xf32>
        %get3A_440 = arith.index_cast %scan3A_336 : i32 to index
        %get3A_441 = arith.constant 96 : index
        %get3A_442 = tpu.vector_load %arg19[%get3A_440, %get3A_441] {strides = array<i32>} : memref<80x128xf32, #tpu.memory_space<vmem>>, vector<1x16xf32>,
        %get3A_443 = vector.shape_cast %get3A_442 : vector<1x16xf32> to vector<16xf32>
        %sub3A_444 = arith.subf %get3A_439, %get3A_443 : vector<16xf32>
        %max3A_445 = arith.constant 0.000000e+00 : f32
        %max3A_446 = vector.broadcast %max3A_445 : f32 to vector<16xf32>
        %max3A_447 = arith.maximumf %sub3A_444, %max3A_446 : vector<16xf32>
        %swap3A_448 = arith.index_cast %scan3A_336 : i32 to index
        %swap3A_449 = arith.constant 96 : index
        %swap3A_450 = tpu.vector_load %arg17[%swap3A_448, %swap3A_449] {strides = array<i32>} : memref<80x128xf32, #tpu.memory_space<vmem>>, vector<1x16xf32>,
        %swap3A_451 = vector.shape_cast %swap3A_450 : vector<1x16xf32> to vector<16xf32>
        %swap3A_452 = vector.shape_cast %max3A_447 : vector<16xf32> to vector<1x16xf32>
        tpu.vector_store %arg17[%swap3A_448, %swap3A_449], %swap3A_452 {strides = array<i32>} : memref<80x128xf32, #tpu.memory_space<vmem>>, vector<1x16xf32>,
        %get3A_453 = arith.index_cast %scan3A_336 : i32 to index
        %get3A_454 = arith.constant 112 : index
        %get3A_455 = tpu.vector_load %arg17[%get3A_453, %get3A_454] {strides = array<i32>} : memref<80x128xf32, #tpu.memory_space<vmem>>, vector<1x16xf32>,
        %get3A_456 = vector.shape_cast %get3A_455 : vector<1x16xf32> to vector<16xf32>
        %get3A_457 = arith.index_cast %scan3A_336 : i32 to index
        %get3A_458 = arith.constant 112 : index
        %get3A_459 = tpu.vector_load %arg19[%get3A_457, %get3A_458] {strides = array<i32>} : memref<80x128xf32, #tpu.memory_space<vmem>>, vector<1x16xf32>,
        %get3A_460 = vector.shape_cast %get3A_459 : vector<1x16xf32> to vector<16xf32>
        %sub3A_461 = arith.subf %get3A_456, %get3A_460 : vector<16xf32>
        %max3A_462 = arith.constant 0.000000e+00 : f32
        %max3A_463 = vector.broadcast %max3A_462 : f32 to vector<16xf32>
        %max3A_464 = arith.maximumf %sub3A_461, %max3A_463 : vector<16xf32>
        %swap3A_465 = arith.index_cast %scan3A_336 : i32 to index
        %swap3A_466 = arith.constant 112 : index
        %swap3A_467 = tpu.vector_load %arg17[%swap3A_465, %swap3A_466] {strides = array<i32>} : memref<80x128xf32, #tpu.memory_space<vmem>>, vector<1x16xf32>,
        %swap3A_468 = vector.shape_cast %swap3A_467 : vector<1x16xf32> to vector<16xf32>
        %swap3A_469 = vector.shape_cast %max3A_464 : vector<16xf32> to vector<1x16xf32>
        tpu.vector_store %arg17[%swap3A_465, %swap3A_466], %swap3A_469 {strides = array<i32>} : memref<80x128xf32, #tpu.memory_space<vmem>>, vector<1x16xf32>,
        %scan3A_470 = arith.constant 0 : i32
        scf.yield %scan3A_470 : i32
      }
      %scan3A_320 = arith.constant 80 : i32
      "tpu.region"() ({
        %run_scoped3A = tpu.sem_alloc : memref<!tpu.dma_semaphore, #tpu.memory_space<semaphore_mem>>
        %dma_start3A_336 = arith.constant 0 : i32
        %dma_start3A_337 = arith.constant 0 : i32
        %dma_start3A_338 = tpu.memref_slice %arg20[%dma_start3A_336, %dma_start3A_337] : memref<10240x128xf32, #tpu.memory_space<vmem_shared>> -> memref<10240x128xf32, #tpu.memory_space<vmem_shared>>
        tpu.enqueue_indirect_dma source(%arg17 : memref<80x128xf32, #tpu.memory_space<vmem>>) target(%dma_start3A_338 : memref<10240x128xf32, #tpu.memory_space<vmem_shared>>) offsets(%arg15 : memref<80xi32, #tpu.memory_space<vmem>>) semaphore(%run_scoped3A : memref<!tpu.dma_semaphore, #tpu.memory_space<semaphore_mem>>) {add = true}
        %dma_wait3A_339 = arith.constant 0 : i32
        %dma_wait3A_340 = arith.constant 0 : i32
        %dma_wait3A_341 = tpu.memref_slice %arg20[%dma_wait3A_339, %dma_wait3A_340] : memref<10240x128xf32, #tpu.memory_space<vmem_shared>> -> memref<10240x128xf32, #tpu.memory_space<vmem_shared>>
        tpu.wait_indirect_dma semaphore(%run_scoped3A : memref<!tpu.dma_semaphore, #tpu.memory_space<semaphore_mem>>) src(%arg17 : memref<80x128xf32, #tpu.memory_space<vmem>>) dst(%dma_wait3A_341 : memref<10240x128xf32, #tpu.memory_space<vmem_shared>>)
        tpu.yield
      }) : () -> ()
      %add3A_321 = arith.constant 4 : i32
      %add3A_322 = arith.addi %add3A_307, %add3A_321 : i32
      %lt3A_323 = arith.constant 128 : i32
      %lt3A_324 = arith.cmpi slt, %add3A_322, %lt3A_323 : i32
      %convert_element_type3A_325 = arith.extui %lt3A_324 : i1 to i32
      %cond3A_326 = arith.constant 0 : i32
      %cond3A_327 = arith.cmpi ne, %convert_element_type3A_325, %cond3A_326 : i32
      scf.if %cond3A_327 {
        %add3A_336 = arith.constant 4 : i32
        %add3A_337 = arith.addi %add3A_307, %add3A_336 : i32
        %mul3A_338 = arith.constant 80 : i32
        %mul3A_339 = arith.muli %add3A_337, %mul3A_338 : i32
        %add3A_340 = arith.addi %mul3A_2, %mul3A_339 : i32
        %dma_start3A_341 = tpu.memref_slice %arg4[%add3A_340] : memref<327680xi32, #tpu.memory_space<hbm>> -> memref<80xi32, #tpu.memory_space<hbm>>
        %dma_start3A_342 = tpu.memref_slice %arg4[%add3A_340] : memref<327680xi32, #tpu.memory_space<hbm>> -> memref<80xi32, #tpu.memory_space<hbm>>
        tpu.enqueue_dma source(%dma_start3A_342 : memref<80xi32, #tpu.memory_space<hbm>>) target(%arg11 : memref<80xi32, #tpu.memory_space<vmem>>) target_semaphore(%arg28 : memref<!tpu.dma_semaphore, #tpu.memory_space<semaphore_mem>>)
        %dma_start3A_343 = tpu.memref_slice %arg5[%add3A_340] : memref<327680xi32, #tpu.memory_space<hbm>> -> memref<80xi32, #tpu.memory_space<hbm>>
        %dma_start3A_344 = tpu.memref_slice %arg5[%add3A_340] : memref<327680xi32, #tpu.memory_space<hbm>> -> memref<80xi32, #tpu.memory_space<hbm>>
        tpu.enqueue_dma source(%dma_start3A_344 : memref<80xi32, #tpu.memory_space<hbm>>) target(%arg15 : memref<80xi32, #tpu.memory_space<vmem>>) target_semaphore(%arg28 : memref<!tpu.dma_semaphore, #tpu.memory_space<semaphore_mem>>)
      } else {
      }
      %add3A_328 = arith.constant 2 : i32
      %add3A_329 = arith.addi %add3A_307, %add3A_328 : i32
      %lt3A_330 = arith.constant 128 : i32
      %lt3A_331 = arith.cmpi slt, %add3A_329, %lt3A_330 : i32
      %convert_element_type3A_332 = arith.extui %lt3A_331 : i1 to i32
      %cond3A_333 = arith.constant 0 : i32
      %cond3A_334 = arith.cmpi ne, %convert_element_type3A_332, %cond3A_333 : i32
      scf.if %cond3A_334 {
        %dma_wait3A_336 = arith.constant 0 : i32
        %dma_wait3A_337 = tpu.memref_slice %arg4[%dma_wait3A_336] : memref<327680xi32, #tpu.memory_space<hbm>> -> memref<80xi32, #tpu.memory_space<hbm>>
        %dma_wait3A_338 = arith.constant 0 : i32
        %dma_wait3A_339 = tpu.memref_slice %arg4[%dma_wait3A_338] : memref<327680xi32, #tpu.memory_space<hbm>> -> memref<80xi32, #tpu.memory_space<hbm>>
        tpu.wait_dma2 semaphore(%arg26 : memref<!tpu.dma_semaphore, #tpu.memory_space<semaphore_mem>>) src(%dma_wait3A_339 : memref<80xi32, #tpu.memory_space<hbm>>) dst(%arg9 : memref<80xi32, #tpu.memory_space<vmem>>)
        %dma_wait3A_340 = arith.constant 0 : i32
        %dma_wait3A_341 = tpu.memref_slice %arg5[%dma_wait3A_340] : memref<327680xi32, #tpu.memory_space<hbm>> -> memref<80xi32, #tpu.memory_space<hbm>>
        %dma_wait3A_342 = arith.constant 0 : i32
        %dma_wait3A_343 = tpu.memref_slice %arg5[%dma_wait3A_342] : memref<327680xi32, #tpu.memory_space<hbm>> -> memref<80xi32, #tpu.memory_space<hbm>>
        tpu.wait_dma2 semaphore(%arg26 : memref<!tpu.dma_semaphore, #tpu.memory_space<semaphore_mem>>) src(%dma_wait3A_343 : memref<80xi32, #tpu.memory_space<hbm>>) dst(%arg13 : memref<80xi32, #tpu.memory_space<vmem>>)
        %dma_start3A_344 = arith.constant 0 : i32
        %dma_start3A_345 = arith.constant 0 : i32
        %dma_start3A_346 = tpu.memref_slice %arg2[%dma_start3A_344, %dma_start3A_345] : memref<10000x128xf32, #tpu.memory_space<hbm>> -> memref<10000x128xf32, #tpu.memory_space<hbm>>
        tpu.enqueue_indirect_dma source(%dma_start3A_346 : memref<10000x128xf32, #tpu.memory_space<hbm>>) target(%arg17 : memref<80x128xf32, #tpu.memory_space<vmem>>) offsets(%arg9 : memref<80xi32, #tpu.memory_space<vmem>>) semaphore(%arg22 : memref<!tpu.dma_semaphore, #tpu.memory_space<semaphore_mem>>)
        %dma_start3A_347 = arith.constant 0 : i32
        %dma_start3A_348 = arith.constant 0 : i32
        %dma_start3A_349 = tpu.memref_slice %arg2[%dma_start3A_347, %dma_start3A_348] : memref<10000x128xf32, #tpu.memory_space<hbm>> -> memref<10000x128xf32, #tpu.memory_space<hbm>>
        tpu.enqueue_indirect_dma source(%dma_start3A_349 : memref<10000x128xf32, #tpu.memory_space<hbm>>) target(%arg19 : memref<80x128xf32, #tpu.memory_space<vmem>>) offsets(%arg13 : memref<80xi32, #tpu.memory_space<vmem>>) semaphore(%arg24 : memref<!tpu.dma_semaphore, #tpu.memory_space<semaphore_mem>>)
      } else {
      }
      %scan3A_335 = arith.constant 0 : i32
      scf.yield %scan3A_335 : i32
    }
    %scan3A_97 = arith.constant 32 : i32
    %barrier3A_98 = arith.constant 0 : index
    tpu.barrier barrier_id(%barrier3A_98)
    %mul3A_99 = arith.constant 640 : i32
    %mul3A_100 = arith.muli %arg1, %mul3A_99 : i32
    %mul3A_101 = arith.constant 640 : i32
    %mul3A_102 = arith.muli %arg1, %mul3A_101 : i32
    "tpu.region"() ({
      %run_scoped3A = tpu.sem_alloc : memref<!tpu.dma_semaphore, #tpu.memory_space<semaphore_mem>>
      %dma_start3A_212 = arith.constant 0 : i32
      %dma_start3A_213 = tpu.memref_slice %arg6[%arg0, %mul3A_102, %dma_start3A_212] : memref<2x10240x128xf32, #tpu.memory_space<hbm>> -> memref<1x640x128xf32, #tpu.memory_space<hbm>>
      %dma_start3A_214 = tpu.memref_squeeze %dma_start3A_213 : memref<1x640x128xf32, #tpu.memory_space<hbm>> -> memref<640x128xf32, #tpu.memory_space<hbm>>
      %dma_start3A_215 = arith.constant 0 : i32
      %dma_start3A_216 = tpu.memref_slice %arg20[%mul3A_100, %dma_start3A_215] : memref<10240x128xf32, #tpu.memory_space<vmem_shared>> -> memref<640x128xf32, #tpu.memory_space<vmem_shared>>
      tpu.enqueue_dma source(%dma_start3A_216 : memref<640x128xf32, #tpu.memory_space<vmem_shared>>) target(%dma_start3A_214 : memref<640x128xf32, #tpu.memory_space<hbm>>) target_semaphore(%run_scoped3A : memref<!tpu.dma_semaphore, #tpu.memory_space<semaphore_mem>>)
      %dma_wait3A_217 = arith.constant 0 : i32
      %dma_wait3A_218 = tpu.memref_slice %arg6[%arg0, %mul3A_102, %dma_wait3A_217] : memref<2x10240x128xf32, #tpu.memory_space<hbm>> -> memref<1x640x128xf32, #tpu.memory_space<hbm>>
      %dma_wait3A_219 = tpu.memref_squeeze %dma_wait3A_218 : memref<1x640x128xf32, #tpu.memory_space<hbm>> -> memref<640x128xf32, #tpu.memory_space<hbm>>
      %dma_wait3A_220 = arith.constant 0 : i32
      %dma_wait3A_221 = tpu.memref_slice %arg20[%mul3A_100, %dma_wait3A_220] : memref<10240x128xf32, #tpu.memory_space<vmem_shared>> -> memref<640x128xf32, #tpu.memory_space<vmem_shared>>
      tpu.wait_dma2 semaphore(%run_scoped3A : memref<!tpu.dma_semaphore, #tpu.memory_space<semaphore_mem>>) src(%dma_wait3A_221 : memref<640x128xf32, #tpu.memory_space<vmem_shared>>) dst(%dma_wait3A_219 : memref<640x128xf32, #tpu.memory_space<hbm>>)
      tpu.yield
    }) : () -> ()
    %scan3A_103 = arith.constant 0 : i32
    %scan3A_104 = arith.constant 0 : i32
    %scan3A_105 = arith.constant 80 : i32
    %scan3A_106 = arith.addi %scan3A_104, %scan3A_105 : i32
    %scan3A_107 = arith.constant 1 : i32
    %scan3A_108 = scf.for %scan3A_212 = %scan3A_104 to %scan3A_106 step %scan3A_107 iter_args(%scan3A_213 = %scan3A_103) -> (i32)  : i32 {
      %broadcast_in_dim3A = arith.constant 0.000000e+00 : f32
      %broadcast_in_dim3A_214 = vector.broadcast %broadcast_in_dim3A : f32 to vector<16xf32>
      %swap3A = arith.index_cast %scan3A_212 : i32 to index
      %swap3A_215 = arith.constant 0 : index
      %swap3A_216 = tpu.vector_load %arg18[%swap3A, %swap3A_215] {strides = array<i32>} : memref<80x128xf32, #tpu.memory_space<vmem>>, vector<1x16xf32>,
      %swap3A_217 = vector.shape_cast %swap3A_216 : vector<1x16xf32> to vector<16xf32>
      %swap3A_218 = vector.shape_cast %broadcast_in_dim3A_214 : vector<16xf32> to vector<1x16xf32>
      tpu.vector_store %arg18[%swap3A, %swap3A_215], %swap3A_218 {strides = array<i32>} : memref<80x128xf32, #tpu.memory_space<vmem>>, vector<1x16xf32>,
      %broadcast_in_dim3A_219 = arith.constant 0.000000e+00 : f32
      %broadcast_in_dim3A_220 = vector.broadcast %broadcast_in_dim3A_219 : f32 to vector<16xf32>
      %swap3A_221 = arith.index_cast %scan3A_212 : i32 to index
      %swap3A_222 = arith.constant 16 : index
      %swap3A_223 = tpu.vector_load %arg18[%swap3A_221, %swap3A_222] {strides = array<i32>} : memref<80x128xf32, #tpu.memory_space<vmem>>, vector<1x16xf32>,
      %swap3A_224 = vector.shape_cast %swap3A_223 : vector<1x16xf32> to vector<16xf32>
      %swap3A_225 = vector.shape_cast %broadcast_in_dim3A_220 : vector<16xf32> to vector<1x16xf32>
      tpu.vector_store %arg18[%swap3A_221, %swap3A_222], %swap3A_225 {strides = array<i32>} : memref<80x128xf32, #tpu.memory_space<vmem>>, vector<1x16xf32>,
      %broadcast_in_dim3A_226 = arith.constant 0.000000e+00 : f32
      %broadcast_in_dim3A_227 = vector.broadcast %broadcast_in_dim3A_226 : f32 to vector<16xf32>
      %swap3A_228 = arith.index_cast %scan3A_212 : i32 to index
      %swap3A_229 = arith.constant 32 : index
      %swap3A_230 = tpu.vector_load %arg18[%swap3A_228, %swap3A_229] {strides = array<i32>} : memref<80x128xf32, #tpu.memory_space<vmem>>, vector<1x16xf32>,
      %swap3A_231 = vector.shape_cast %swap3A_230 : vector<1x16xf32> to vector<16xf32>
      %swap3A_232 = vector.shape_cast %broadcast_in_dim3A_227 : vector<16xf32> to vector<1x16xf32>
      tpu.vector_store %arg18[%swap3A_228, %swap3A_229], %swap3A_232 {strides = array<i32>} : memref<80x128xf32, #tpu.memory_space<vmem>>, vector<1x16xf32>,
      %broadcast_in_dim3A_233 = arith.constant 0.000000e+00 : f32
      %broadcast_in_dim3A_234 = vector.broadcast %broadcast_in_dim3A_233 : f32 to vector<16xf32>
      %swap3A_235 = arith.index_cast %scan3A_212 : i32 to index
      %swap3A_236 = arith.constant 48 : index
      %swap3A_237 = tpu.vector_load %arg18[%swap3A_235, %swap3A_236] {strides = array<i32>} : memref<80x128xf32, #tpu.memory_space<vmem>>, vector<1x16xf32>,
      %swap3A_238 = vector.shape_cast %swap3A_237 : vector<1x16xf32> to vector<16xf32>
      %swap3A_239 = vector.shape_cast %broadcast_in_dim3A_234 : vector<16xf32> to vector<1x16xf32>
      tpu.vector_store %arg18[%swap3A_235, %swap3A_236], %swap3A_239 {strides = array<i32>} : memref<80x128xf32, #tpu.memory_space<vmem>>, vector<1x16xf32>,
      %broadcast_in_dim3A_240 = arith.constant 0.000000e+00 : f32
      %broadcast_in_dim3A_241 = vector.broadcast %broadcast_in_dim3A_240 : f32 to vector<16xf32>
      %swap3A_242 = arith.index_cast %scan3A_212 : i32 to index
      %swap3A_243 = arith.constant 64 : index
      %swap3A_244 = tpu.vector_load %arg18[%swap3A_242, %swap3A_243] {strides = array<i32>} : memref<80x128xf32, #tpu.memory_space<vmem>>, vector<1x16xf32>,
      %swap3A_245 = vector.shape_cast %swap3A_244 : vector<1x16xf32> to vector<16xf32>
      %swap3A_246 = vector.shape_cast %broadcast_in_dim3A_241 : vector<16xf32> to vector<1x16xf32>
      tpu.vector_store %arg18[%swap3A_242, %swap3A_243], %swap3A_246 {strides = array<i32>} : memref<80x128xf32, #tpu.memory_space<vmem>>, vector<1x16xf32>,
      %broadcast_in_dim3A_247 = arith.constant 0.000000e+00 : f32
      %broadcast_in_dim3A_248 = vector.broadcast %broadcast_in_dim3A_247 : f32 to vector<16xf32>
      %swap3A_249 = arith.index_cast %scan3A_212 : i32 to index
      %swap3A_250 = arith.constant 80 : index
      %swap3A_251 = tpu.vector_load %arg18[%swap3A_249, %swap3A_250] {strides = array<i32>} : memref<80x128xf32, #tpu.memory_space<vmem>>, vector<1x16xf32>,
      %swap3A_252 = vector.shape_cast %swap3A_251 : vector<1x16xf32> to vector<16xf32>
      %swap3A_253 = vector.shape_cast %broadcast_in_dim3A_248 : vector<16xf32> to vector<1x16xf32>
      tpu.vector_store %arg18[%swap3A_249, %swap3A_250], %swap3A_253 {strides = array<i32>} : memref<80x128xf32, #tpu.memory_space<vmem>>, vector<1x16xf32>,
      %broadcast_in_dim3A_254 = arith.constant 0.000000e+00 : f32
      %broadcast_in_dim3A_255 = vector.broadcast %broadcast_in_dim3A_254 : f32 to vector<16xf32>
      %swap3A_256 = arith.index_cast %scan3A_212 : i32 to index
      %swap3A_257 = arith.constant 96 : index
      %swap3A_258 = tpu.vector_load %arg18[%swap3A_256, %swap3A_257] {strides = array<i32>} : memref<80x128xf32, #tpu.memory_space<vmem>>, vector<1x16xf32>,
      %swap3A_259 = vector.shape_cast %swap3A_258 : vector<1x16xf32> to vector<16xf32>
      %swap3A_260 = vector.shape_cast %broadcast_in_dim3A_255 : vector<16xf32> to vector<1x16xf32>
      tpu.vector_store %arg18[%swap3A_256, %swap3A_257], %swap3A_260 {strides = array<i32>} : memref<80x128xf32, #tpu.memory_space<vmem>>, vector<1x16xf32>,
      %broadcast_in_dim3A_261 = arith.constant 0.000000e+00 : f32
      %broadcast_in_dim3A_262 = vector.broadcast %broadcast_in_dim3A_261 : f32 to vector<16xf32>
      %swap3A_263 = arith.index_cast %scan3A_212 : i32 to index
      %swap3A_264 = arith.constant 112 : index
      %swap3A_265 = tpu.vector_load %arg18[%swap3A_263, %swap3A_264] {strides = array<i32>} : memref<80x128xf32, #tpu.memory_space<vmem>>, vector<1x16xf32>,
      %swap3A_266 = vector.shape_cast %swap3A_265 : vector<1x16xf32> to vector<16xf32>
      %swap3A_267 = vector.shape_cast %broadcast_in_dim3A_262 : vector<16xf32> to vector<1x16xf32>
      tpu.vector_store %arg18[%swap3A_263, %swap3A_264], %swap3A_267 {strides = array<i32>} : memref<80x128xf32, #tpu.memory_space<vmem>>, vector<1x16xf32>,
      %scan3A_268 = arith.constant 0 : i32
      scf.yield %scan3A_268 : i32
    }
    %scan3A_109 = arith.constant 80 : i32
    %mul3A_110 = arith.constant 640 : i32
    %mul3A_111 = arith.muli %arg1, %mul3A_110 : i32
    %add3A_112 = arith.constant 0 : i32
    %add3A_113 = arith.addi %mul3A_111, %add3A_112 : i32
    "tpu.region"() ({
      %run_scoped3A = tpu.sem_alloc : memref<!tpu.dma_semaphore, #tpu.memory_space<semaphore_mem>>
      %dma_start3A_212 = arith.constant 0 : i32
      %dma_start3A_213 = tpu.memref_slice %arg20[%add3A_113, %dma_start3A_212] : memref<10240x128xf32, #tpu.memory_space<vmem_shared>> -> memref<80x128xf32, #tpu.memory_space<vmem_shared>>
      %dma_start3A_214 = arith.constant 0 : i32
      %dma_start3A_215 = tpu.memref_slice %arg20[%add3A_113, %dma_start3A_214] : memref<10240x128xf32, #tpu.memory_space<vmem_shared>> -> memref<80x128xf32, #tpu.memory_space<vmem_shared>>
      tpu.enqueue_dma source(%arg18 : memref<80x128xf32, #tpu.memory_space<vmem>>) target(%dma_start3A_215 : memref<80x128xf32, #tpu.memory_space<vmem_shared>>) target_semaphore(%run_scoped3A : memref<!tpu.dma_semaphore, #tpu.memory_space<semaphore_mem>>)
      %dma_wait3A_216 = arith.constant 0 : i32
      %dma_wait3A_217 = tpu.memref_slice %arg20[%add3A_113, %dma_wait3A_216] : memref<10240x128xf32, #tpu.memory_space<vmem_shared>> -> memref<80x128xf32, #tpu.memory_space<vmem_shared>>
      %dma_wait3A_218 = arith.constant 0 : i32
      %dma_wait3A_219 = tpu.memref_slice %arg20[%add3A_113, %dma_wait3A_218] : memref<10240x128xf32, #tpu.memory_space<vmem_shared>> -> memref<80x128xf32, #tpu.memory_space<vmem_shared>>
      tpu.wait_dma2 semaphore(%run_scoped3A : memref<!tpu.dma_semaphore, #tpu.memory_space<semaphore_mem>>) src(%arg18 : memref<80x128xf32, #tpu.memory_space<vmem>>) dst(%dma_wait3A_219 : memref<80x128xf32, #tpu.memory_space<vmem_shared>>)
      tpu.yield
    }) : () -> ()
    %mul3A_114 = arith.constant 640 : i32
    %mul3A_115 = arith.muli %arg1, %mul3A_114 : i32
    %add3A_116 = arith.constant 80 : i32
    %add3A_117 = arith.addi %mul3A_115, %add3A_116 : i32
    "tpu.region"() ({
      %run_scoped3A = tpu.sem_alloc : memref<!tpu.dma_semaphore, #tpu.memory_space<semaphore_mem>>
      %dma_start3A_212 = arith.constant 0 : i32
      %dma_start3A_213 = tpu.memref_slice %arg20[%add3A_117, %dma_start3A_212] : memref<10240x128xf32, #tpu.memory_space<vmem_shared>> -> memref<80x128xf32, #tpu.memory_space<vmem_shared>>
      %dma_start3A_214 = arith.constant 0 : i32
      %dma_start3A_215 = tpu.memref_slice %arg20[%add3A_117, %dma_start3A_214] : memref<10240x128xf32, #tpu.memory_space<vmem_shared>> -> memref<80x128xf32, #tpu.memory_space<vmem_shared>>
      tpu.enqueue_dma source(%arg18 : memref<80x128xf32, #tpu.memory_space<vmem>>) target(%dma_start3A_215 : memref<80x128xf32, #tpu.memory_space<vmem_shared>>) target_semaphore(%run_scoped3A : memref<!tpu.dma_semaphore, #tpu.memory_space<semaphore_mem>>)
      %dma_wait3A_216 = arith.constant 0 : i32
      %dma_wait3A_217 = tpu.memref_slice %arg20[%add3A_117, %dma_wait3A_216] : memref<10240x128xf32, #tpu.memory_space<vmem_shared>> -> memref<80x128xf32, #tpu.memory_space<vmem_shared>>
      %dma_wait3A_218 = arith.constant 0 : i32
      %dma_wait3A_219 = tpu.memref_slice %arg20[%add3A_117, %dma_wait3A_218] : memref<10240x128xf32, #tpu.memory_space<vmem_shared>> -> memref<80x128xf32, #tpu.memory_space<vmem_shared>>
      tpu.wait_dma2 semaphore(%run_scoped3A : memref<!tpu.dma_semaphore, #tpu.memory_space<semaphore_mem>>) src(%arg18 : memref<80x128xf32, #tpu.memory_space<vmem>>) dst(%dma_wait3A_219 : memref<80x128xf32, #tpu.memory_space<vmem_shared>>)
      tpu.yield
    }) : () -> ()
    %mul3A_118 = arith.constant 640 : i32
    %mul3A_119 = arith.muli %arg1, %mul3A_118 : i32
    %add3A_120 = arith.constant 160 : i32
    %add3A_121 = arith.addi %mul3A_119, %add3A_120 : i32
    "tpu.region"() ({
      %run_scoped3A = tpu.sem_alloc : memref<!tpu.dma_semaphore, #tpu.memory_space<semaphore_mem>>
      %dma_start3A_212 = arith.constant 0 : i32
      %dma_start3A_213 = tpu.memref_slice %arg20[%add3A_121, %dma_start3A_212] : memref<10240x128xf32, #tpu.memory_space<vmem_shared>> -> memref<80x128xf32, #tpu.memory_space<vmem_shared>>
      %dma_start3A_214 = arith.constant 0 : i32
      %dma_start3A_215 = tpu.memref_slice %arg20[%add3A_121, %dma_start3A_214] : memref<10240x128xf32, #tpu.memory_space<vmem_shared>> -> memref<80x128xf32, #tpu.memory_space<vmem_shared>>
      tpu.enqueue_dma source(%arg18 : memref<80x128xf32, #tpu.memory_space<vmem>>) target(%dma_start3A_215 : memref<80x128xf32, #tpu.memory_space<vmem_shared>>) target_semaphore(%run_scoped3A : memref<!tpu.dma_semaphore, #tpu.memory_space<semaphore_mem>>)
      %dma_wait3A_216 = arith.constant 0 : i32
      %dma_wait3A_217 = tpu.memref_slice %arg20[%add3A_121, %dma_wait3A_216] : memref<10240x128xf32, #tpu.memory_space<vmem_shared>> -> memref<80x128xf32, #tpu.memory_space<vmem_shared>>
      %dma_wait3A_218 = arith.constant 0 : i32
      %dma_wait3A_219 = tpu.memref_slice %arg20[%add3A_121, %dma_wait3A_218] : memref<10240x128xf32, #tpu.memory_space<vmem_shared>> -> memref<80x128xf32, #tpu.memory_space<vmem_shared>>
      tpu.wait_dma2 semaphore(%run_scoped3A : memref<!tpu.dma_semaphore, #tpu.memory_space<semaphore_mem>>) src(%arg18 : memref<80x128xf32, #tpu.memory_space<vmem>>) dst(%dma_wait3A_219 : memref<80x128xf32, #tpu.memory_space<vmem_shared>>)
      tpu.yield
    }) : () -> ()
    %mul3A_122 = arith.constant 640 : i32
    %mul3A_123 = arith.muli %arg1, %mul3A_122 : i32
    %add3A_124 = arith.constant 240 : i32
    %add3A_125 = arith.addi %mul3A_123, %add3A_124 : i32
    "tpu.region"() ({
      %run_scoped3A = tpu.sem_alloc : memref<!tpu.dma_semaphore, #tpu.memory_space<semaphore_mem>>
      %dma_start3A_212 = arith.constant 0 : i32
      %dma_start3A_213 = tpu.memref_slice %arg20[%add3A_125, %dma_start3A_212] : memref<10240x128xf32, #tpu.memory_space<vmem_shared>> -> memref<80x128xf32, #tpu.memory_space<vmem_shared>>
      %dma_start3A_214 = arith.constant 0 : i32
      %dma_start3A_215 = tpu.memref_slice %arg20[%add3A_125, %dma_start3A_214] : memref<10240x128xf32, #tpu.memory_space<vmem_shared>> -> memref<80x128xf32, #tpu.memory_space<vmem_shared>>
      tpu.enqueue_dma source(%arg18 : memref<80x128xf32, #tpu.memory_space<vmem>>) target(%dma_start3A_215 : memref<80x128xf32, #tpu.memory_space<vmem_shared>>) target_semaphore(%run_scoped3A : memref<!tpu.dma_semaphore, #tpu.memory_space<semaphore_mem>>)
      %dma_wait3A_216 = arith.constant 0 : i32
      %dma_wait3A_217 = tpu.memref_slice %arg20[%add3A_125, %dma_wait3A_216] : memref<10240x128xf32, #tpu.memory_space<vmem_shared>> -> memref<80x128xf32, #tpu.memory_space<vmem_shared>>
      %dma_wait3A_218 = arith.constant 0 : i32
      %dma_wait3A_219 = tpu.memref_slice %arg20[%add3A_125, %dma_wait3A_218] : memref<10240x128xf32, #tpu.memory_space<vmem_shared>> -> memref<80x128xf32, #tpu.memory_space<vmem_shared>>
      tpu.wait_dma2 semaphore(%run_scoped3A : memref<!tpu.dma_semaphore, #tpu.memory_space<semaphore_mem>>) src(%arg18 : memref<80x128xf32, #tpu.memory_space<vmem>>) dst(%dma_wait3A_219 : memref<80x128xf32, #tpu.memory_space<vmem_shared>>)
      tpu.yield
    }) : () -> ()
    %mul3A_126 = arith.constant 640 : i32
    %mul3A_127 = arith.muli %arg1, %mul3A_126 : i32
    %add3A_128 = arith.constant 320 : i32
    %add3A_129 = arith.addi %mul3A_127, %add3A_128 : i32
    "tpu.region"() ({
      %run_scoped3A = tpu.sem_alloc : memref<!tpu.dma_semaphore, #tpu.memory_space<semaphore_mem>>
      %dma_start3A_212 = arith.constant 0 : i32
      %dma_start3A_213 = tpu.memref_slice %arg20[%add3A_129, %dma_start3A_212] : memref<10240x128xf32, #tpu.memory_space<vmem_shared>> -> memref<80x128xf32, #tpu.memory_space<vmem_shared>>
      %dma_start3A_214 = arith.constant 0 : i32
      %dma_start3A_215 = tpu.memref_slice %arg20[%add3A_129, %dma_start3A_214] : memref<10240x128xf32, #tpu.memory_space<vmem_shared>> -> memref<80x128xf32, #tpu.memory_space<vmem_shared>>
      tpu.enqueue_dma source(%arg18 : memref<80x128xf32, #tpu.memory_space<vmem>>) target(%dma_start3A_215 : memref<80x128xf32, #tpu.memory_space<vmem_shared>>) target_semaphore(%run_scoped3A : memref<!tpu.dma_semaphore, #tpu.memory_space<semaphore_mem>>)
      %dma_wait3A_216 = arith.constant 0 : i32
      %dma_wait3A_217 = tpu.memref_slice %arg20[%add3A_129, %dma_wait3A_216] : memref<10240x128xf32, #tpu.memory_space<vmem_shared>> -> memref<80x128xf32, #tpu.memory_space<vmem_shared>>
      %dma_wait3A_218 = arith.constant 0 : i32
      %dma_wait3A_219 = tpu.memref_slice %arg20[%add3A_129, %dma_wait3A_218] : memref<10240x128xf32, #tpu.memory_space<vmem_shared>> -> memref<80x128xf32, #tpu.memory_space<vmem_shared>>
      tpu.wait_dma2 semaphore(%run_scoped3A : memref<!tpu.dma_semaphore, #tpu.memory_space<semaphore_mem>>) src(%arg18 : memref<80x128xf32, #tpu.memory_space<vmem>>) dst(%dma_wait3A_219 : memref<80x128xf32, #tpu.memory_space<vmem_shared>>)
      tpu.yield
    }) : () -> ()
    %mul3A_130 = arith.constant 640 : i32
    %mul3A_131 = arith.muli %arg1, %mul3A_130 : i32
    %add3A_132 = arith.constant 400 : i32
    %add3A_133 = arith.addi %mul3A_131, %add3A_132 : i32
    "tpu.region"() ({
      %run_scoped3A = tpu.sem_alloc : memref<!tpu.dma_semaphore, #tpu.memory_space<semaphore_mem>>
      %dma_start3A_212 = arith.constant 0 : i32
      %dma_start3A_213 = tpu.memref_slice %arg20[%add3A_133, %dma_start3A_212] : memref<10240x128xf32, #tpu.memory_space<vmem_shared>> -> memref<80x128xf32, #tpu.memory_space<vmem_shared>>
      %dma_start3A_214 = arith.constant 0 : i32
      %dma_start3A_215 = tpu.memref_slice %arg20[%add3A_133, %dma_start3A_214] : memref<10240x128xf32, #tpu.memory_space<vmem_shared>> -> memref<80x128xf32, #tpu.memory_space<vmem_shared>>
      tpu.enqueue_dma source(%arg18 : memref<80x128xf32, #tpu.memory_space<vmem>>) target(%dma_start3A_215 : memref<80x128xf32, #tpu.memory_space<vmem_shared>>) target_semaphore(%run_scoped3A : memref<!tpu.dma_semaphore, #tpu.memory_space<semaphore_mem>>)
      %dma_wait3A_216 = arith.constant 0 : i32
      %dma_wait3A_217 = tpu.memref_slice %arg20[%add3A_133, %dma_wait3A_216] : memref<10240x128xf32, #tpu.memory_space<vmem_shared>> -> memref<80x128xf32, #tpu.memory_space<vmem_shared>>
      %dma_wait3A_218 = arith.constant 0 : i32
      %dma_wait3A_219 = tpu.memref_slice %arg20[%add3A_133, %dma_wait3A_218] : memref<10240x128xf32, #tpu.memory_space<vmem_shared>> -> memref<80x128xf32, #tpu.memory_space<vmem_shared>>
      tpu.wait_dma2 semaphore(%run_scoped3A : memref<!tpu.dma_semaphore, #tpu.memory_space<semaphore_mem>>) src(%arg18 : memref<80x128xf32, #tpu.memory_space<vmem>>) dst(%dma_wait3A_219 : memref<80x128xf32, #tpu.memory_space<vmem_shared>>)
      tpu.yield
    }) : () -> ()
    %mul3A_134 = arith.constant 640 : i32
    %mul3A_135 = arith.muli %arg1, %mul3A_134 : i32
    %add3A_136 = arith.constant 480 : i32
    %add3A_137 = arith.addi %mul3A_135, %add3A_136 : i32
    "tpu.region"() ({
      %run_scoped3A = tpu.sem_alloc : memref<!tpu.dma_semaphore, #tpu.memory_space<semaphore_mem>>
      %dma_start3A_212 = arith.constant 0 : i32
      %dma_start3A_213 = tpu.memref_slice %arg20[%add3A_137, %dma_start3A_212] : memref<10240x128xf32, #tpu.memory_space<vmem_shared>> -> memref<80x128xf32, #tpu.memory_space<vmem_shared>>
      %dma_start3A_214 = arith.constant 0 : i32
      %dma_start3A_215 = tpu.memref_slice %arg20[%add3A_137, %dma_start3A_214] : memref<10240x128xf32, #tpu.memory_space<vmem_shared>> -> memref<80x128xf32, #tpu.memory_space<vmem_shared>>
      tpu.enqueue_dma source(%arg18 : memref<80x128xf32, #tpu.memory_space<vmem>>) target(%dma_start3A_215 : memref<80x128xf32, #tpu.memory_space<vmem_shared>>) target_semaphore(%run_scoped3A : memref<!tpu.dma_semaphore, #tpu.memory_space<semaphore_mem>>)
      %dma_wait3A_216 = arith.constant 0 : i32
      %dma_wait3A_217 = tpu.memref_slice %arg20[%add3A_137, %dma_wait3A_216] : memref<10240x128xf32, #tpu.memory_space<vmem_shared>> -> memref<80x128xf32, #tpu.memory_space<vmem_shared>>
      %dma_wait3A_218 = arith.constant 0 : i32
      %dma_wait3A_219 = tpu.memref_slice %arg20[%add3A_137, %dma_wait3A_218] : memref<10240x128xf32, #tpu.memory_space<vmem_shared>> -> memref<80x128xf32, #tpu.memory_space<vmem_shared>>
      tpu.wait_dma2 semaphore(%run_scoped3A : memref<!tpu.dma_semaphore, #tpu.memory_space<semaphore_mem>>) src(%arg18 : memref<80x128xf32, #tpu.memory_space<vmem>>) dst(%dma_wait3A_219 : memref<80x128xf32, #tpu.memory_space<vmem_shared>>)
      tpu.yield
    }) : () -> ()
    %mul3A_138 = arith.constant 640 : i32
    %mul3A_139 = arith.muli %arg1, %mul3A_138 : i32
    %add3A_140 = arith.constant 560 : i32
    %add3A_141 = arith.addi %mul3A_139, %add3A_140 : i32
    "tpu.region"() ({
      %run_scoped3A = tpu.sem_alloc : memref<!tpu.dma_semaphore, #tpu.memory_space<semaphore_mem>>
      %dma_start3A_212 = arith.constant 0 : i32
      %dma_start3A_213 = tpu.memref_slice %arg20[%add3A_141, %dma_start3A_212] : memref<10240x128xf32, #tpu.memory_space<vmem_shared>> -> memref<80x128xf32, #tpu.memory_space<vmem_shared>>
      %dma_start3A_214 = arith.constant 0 : i32
      %dma_start3A_215 = tpu.memref_slice %arg20[%add3A_141, %dma_start3A_214] : memref<10240x128xf32, #tpu.memory_space<vmem_shared>> -> memref<80x128xf32, #tpu.memory_space<vmem_shared>>
      tpu.enqueue_dma source(%arg18 : memref<80x128xf32, #tpu.memory_space<vmem>>) target(%dma_start3A_215 : memref<80x128xf32, #tpu.memory_space<vmem_shared>>) target_semaphore(%run_scoped3A : memref<!tpu.dma_semaphore, #tpu.memory_space<semaphore_mem>>)
      %dma_wait3A_216 = arith.constant 0 : i32
      %dma_wait3A_217 = tpu.memref_slice %arg20[%add3A_141, %dma_wait3A_216] : memref<10240x128xf32, #tpu.memory_space<vmem_shared>> -> memref<80x128xf32, #tpu.memory_space<vmem_shared>>
      %dma_wait3A_218 = arith.constant 0 : i32
      %dma_wait3A_219 = tpu.memref_slice %arg20[%add3A_141, %dma_wait3A_218] : memref<10240x128xf32, #tpu.memory_space<vmem_shared>> -> memref<80x128xf32, #tpu.memory_space<vmem_shared>>
      tpu.wait_dma2 semaphore(%run_scoped3A : memref<!tpu.dma_semaphore, #tpu.memory_space<semaphore_mem>>) src(%arg18 : memref<80x128xf32, #tpu.memory_space<vmem>>) dst(%dma_wait3A_219 : memref<80x128xf32, #tpu.memory_space<vmem_shared>>)
      tpu.yield
    }) : () -> ()
    %barrier3A_142 = arith.constant 0 : index
    tpu.barrier barrier_id(%barrier3A_142)
    %add3A_143 = arith.constant 0 : i32
    %add3A_144 = arith.addi %mul3A_2, %add3A_143 : i32
    %dma_start3A_145 = tpu.memref_slice %arg4[%add3A_144] : memref<327680xi32, #tpu.memory_space<hbm>> -> memref<80xi32, #tpu.memory_space<hbm>>
    %dma_start3A_146 = tpu.memref_slice %arg4[%add3A_144] : memref<327680xi32, #tpu.memory_space<hbm>> -> memref<80xi32, #tpu.memory_space<hbm>>
    tpu.enqueue_dma source(%dma_start3A_146 : memref<80xi32, #tpu.memory_space<hbm>>) target(%arg8 : memref<80xi32, #tpu.memory_space<vmem>>) target_semaphore(%arg25 : memref<!tpu.dma_semaphore, #tpu.memory_space<semaphore_mem>>)
    %dma_start3A_147 = tpu.memref_slice %arg5[%add3A_144] : memref<327680xi32, #tpu.memory_space<hbm>> -> memref<80xi32, #tpu.memory_space<hbm>>
    %dma_start3A_148 = tpu.memref_slice %arg5[%add3A_144] : memref<327680xi32, #tpu.memory_space<hbm>> -> memref<80xi32, #tpu.memory_space<hbm>>
    tpu.enqueue_dma source(%dma_start3A_148 : memref<80xi32, #tpu.memory_space<hbm>>) target(%arg12 : memref<80xi32, #tpu.memory_space<vmem>>) target_semaphore(%arg25 : memref<!tpu.dma_semaphore, #tpu.memory_space<semaphore_mem>>)
    %add3A_149 = arith.constant 80 : i32
    %add3A_150 = arith.addi %mul3A_2, %add3A_149 : i32
    %dma_start3A_151 = tpu.memref_slice %arg4[%add3A_150] : memref<327680xi32, #tpu.memory_space<hbm>> -> memref<80xi32, #tpu.memory_space<hbm>>
    %dma_start3A_152 = tpu.memref_slice %arg4[%add3A_150] : memref<327680xi32, #tpu.memory_space<hbm>> -> memref<80xi32, #tpu.memory_space<hbm>>
    tpu.enqueue_dma source(%dma_start3A_152 : memref<80xi32, #tpu.memory_space<hbm>>) target(%arg9 : memref<80xi32, #tpu.memory_space<vmem>>) target_semaphore(%arg26 : memref<!tpu.dma_semaphore, #tpu.memory_space<semaphore_mem>>)
    %dma_start3A_153 = tpu.memref_slice %arg5[%add3A_150] : memref<327680xi32, #tpu.memory_space<hbm>> -> memref<80xi32, #tpu.memory_space<hbm>>
    %dma_start3A_154 = tpu.memref_slice %arg5[%add3A_150] : memref<327680xi32, #tpu.memory_space<hbm>> -> memref<80xi32, #tpu.memory_space<hbm>>
    tpu.enqueue_dma source(%dma_start3A_154 : memref<80xi32, #tpu.memory_space<hbm>>) target(%arg13 : memref<80xi32, #tpu.memory_space<vmem>>) target_semaphore(%arg26 : memref<!tpu.dma_semaphore, #tpu.memory_space<semaphore_mem>>)
    %add3A_155 = arith.constant 160 : i32
    %add3A_156 = arith.addi %mul3A_2, %add3A_155 : i32
    %dma_start3A_157 = tpu.memref_slice %arg4[%add3A_156] : memref<327680xi32, #tpu.memory_space<hbm>> -> memref<80xi32, #tpu.memory_space<hbm>>
    %dma_start3A_158 = tpu.memref_slice %arg4[%add3A_156] : memref<327680xi32, #tpu.memory_space<hbm>> -> memref<80xi32, #tpu.memory_space<hbm>>
    tpu.enqueue_dma source(%dma_start3A_158 : memref<80xi32, #tpu.memory_space<hbm>>) target(%arg10 : memref<80xi32, #tpu.memory_space<vmem>>) target_semaphore(%arg27 : memref<!tpu.dma_semaphore, #tpu.memory_space<semaphore_mem>>)
    %dma_start3A_159 = tpu.memref_slice %arg5[%add3A_156] : memref<327680xi32, #tpu.memory_space<hbm>> -> memref<80xi32, #tpu.memory_space<hbm>>
    %dma_start3A_160 = tpu.memref_slice %arg5[%add3A_156] : memref<327680xi32, #tpu.memory_space<hbm>> -> memref<80xi32, #tpu.memory_space<hbm>>
    tpu.enqueue_dma source(%dma_start3A_160 : memref<80xi32, #tpu.memory_space<hbm>>) target(%arg14 : memref<80xi32, #tpu.memory_space<vmem>>) target_semaphore(%arg27 : memref<!tpu.dma_semaphore, #tpu.memory_space<semaphore_mem>>)
    %add3A_161 = arith.constant 240 : i32
    %add3A_162 = arith.addi %mul3A_2, %add3A_161 : i32
    %dma_start3A_163 = tpu.memref_slice %arg4[%add3A_162] : memref<327680xi32, #tpu.memory_space<hbm>> -> memref<80xi32, #tpu.memory_space<hbm>>
    %dma_start3A_164 = tpu.memref_slice %arg4[%add3A_162] : memref<327680xi32, #tpu.memory_space<hbm>> -> memref<80xi32, #tpu.memory_space<hbm>>
    tpu.enqueue_dma source(%dma_start3A_164 : memref<80xi32, #tpu.memory_space<hbm>>) target(%arg11 : memref<80xi32, #tpu.memory_space<vmem>>) target_semaphore(%arg28 : memref<!tpu.dma_semaphore, #tpu.memory_space<semaphore_mem>>)
    %dma_start3A_165 = tpu.memref_slice %arg5[%add3A_162] : memref<327680xi32, #tpu.memory_space<hbm>> -> memref<80xi32, #tpu.memory_space<hbm>>
    %dma_start3A_166 = tpu.memref_slice %arg5[%add3A_162] : memref<327680xi32, #tpu.memory_space<hbm>> -> memref<80xi32, #tpu.memory_space<hbm>>
    tpu.enqueue_dma source(%dma_start3A_166 : memref<80xi32, #tpu.memory_space<hbm>>) target(%arg15 : memref<80xi32, #tpu.memory_space<vmem>>) target_semaphore(%arg28 : memref<!tpu.dma_semaphore, #tpu.memory_space<semaphore_mem>>)
    %dma_wait3A_167 = arith.constant 0 : i32
    %dma_wait3A_168 = tpu.memref_slice %arg4[%dma_wait3A_167] : memref<327680xi32, #tpu.memory_space<hbm>> -> memref<80xi32, #tpu.memory_space<hbm>>
    %dma_wait3A_169 = arith.constant 0 : i32
    %dma_wait3A_170 = tpu.memref_slice %arg4[%dma_wait3A_169] : memref<327680xi32, #tpu.memory_space<hbm>> -> memref<80xi32, #tpu.memory_space<hbm>>
    tpu.wait_dma2 semaphore(%arg25 : memref<!tpu.dma_semaphore, #tpu.memory_space<semaphore_mem>>) src(%dma_wait3A_170 : memref<80xi32, #tpu.memory_space<hbm>>) dst(%arg8 : memref<80xi32, #tpu.memory_space<vmem>>)
    %dma_wait3A_171 = arith.constant 0 : i32
    %dma_wait3A_172 = tpu.memref_slice %arg5[%dma_wait3A_171] : memref<327680xi32, #tpu.memory_space<hbm>> -> memref<80xi32, #tpu.memory_space<hbm>>
    %dma_wait3A_173 = arith.constant 0 : i32
    %dma_wait3A_174 = tpu.memref_slice %arg5[%dma_wait3A_173] : memref<327680xi32, #tpu.memory_space<hbm>> -> memref<80xi32, #tpu.memory_space<hbm>>
    tpu.wait_dma2 semaphore(%arg25 : memref<!tpu.dma_semaphore, #tpu.memory_space<semaphore_mem>>) src(%dma_wait3A_174 : memref<80xi32, #tpu.memory_space<hbm>>) dst(%arg12 : memref<80xi32, #tpu.memory_space<vmem>>)
    %dma_start3A_175 = arith.constant 0 : i32
    %dma_start3A_176 = arith.constant 0 : i32
    %dma_start3A_177 = tpu.memref_slice %arg3[%dma_start3A_175, %dma_start3A_176] : memref<10000x128xf32, #tpu.memory_space<hbm>> -> memref<10000x128xf32, #tpu.memory_space<hbm>>
    tpu.enqueue_indirect_dma source(%dma_start3A_177 : memref<10000x128xf32, #tpu.memory_space<hbm>>) target(%arg16 : memref<80x128xf32, #tpu.memory_space<vmem>>) offsets(%arg8 : memref<80xi32, #tpu.memory_space<vmem>>) semaphore(%arg21 : memref<!tpu.dma_semaphore, #tpu.memory_space<semaphore_mem>>)
    %dma_wait3A_178 = arith.constant 0 : i32
    %dma_wait3A_179 = tpu.memref_slice %arg4[%dma_wait3A_178] : memref<327680xi32, #tpu.memory_space<hbm>> -> memref<80xi32, #tpu.memory_space<hbm>>
    %dma_wait3A_180 = arith.constant 0 : i32
    %dma_wait3A_181 = tpu.memref_slice %arg4[%dma_wait3A_180] : memref<327680xi32, #tpu.memory_space<hbm>> -> memref<80xi32, #tpu.memory_space<hbm>>
    tpu.wait_dma2 semaphore(%arg26 : memref<!tpu.dma_semaphore, #tpu.memory_space<semaphore_mem>>) src(%dma_wait3A_181 : memref<80xi32, #tpu.memory_space<hbm>>) dst(%arg9 : memref<80xi32, #tpu.memory_space<vmem>>)
    %dma_wait3A_182 = arith.constant 0 : i32
    %dma_wait3A_183 = tpu.memref_slice %arg5[%dma_wait3A_182] : memref<327680xi32, #tpu.memory_space<hbm>> -> memref<80xi32, #tpu.memory_space<hbm>>
    %dma_wait3A_184 = arith.constant 0 : i32
    %dma_wait3A_185 = tpu.memref_slice %arg5[%dma_wait3A_184] : memref<327680xi32, #tpu.memory_space<hbm>> -> memref<80xi32, #tpu.memory_space<hbm>>
    tpu.wait_dma2 semaphore(%arg26 : memref<!tpu.dma_semaphore, #tpu.memory_space<semaphore_mem>>) src(%dma_wait3A_185 : memref<80xi32, #tpu.memory_space<hbm>>) dst(%arg13 : memref<80xi32, #tpu.memory_space<vmem>>)
    %dma_start3A_186 = arith.constant 0 : i32
    %dma_start3A_187 = arith.constant 0 : i32
    %dma_start3A_188 = tpu.memref_slice %arg3[%dma_start3A_186, %dma_start3A_187] : memref<10000x128xf32, #tpu.memory_space<hbm>> -> memref<10000x128xf32, #tpu.memory_space<hbm>>
    tpu.enqueue_indirect_dma source(%dma_start3A_188 : memref<10000x128xf32, #tpu.memory_space<hbm>>) target(%arg17 : memref<80x128xf32, #tpu.memory_space<vmem>>) offsets(%arg9 : memref<80xi32, #tpu.memory_space<vmem>>) semaphore(%arg22 : memref<!tpu.dma_semaphore, #tpu.memory_space<semaphore_mem>>)
    %dma_wait3A_189 = arith.constant 0 : i32
    %dma_wait3A_190 = tpu.memref_slice %arg4[%dma_wait3A_189] : memref<327680xi32, #tpu.memory_space<hbm>> -> memref<80xi32, #tpu.memory_space<hbm>>
    %dma_wait3A_191 = arith.constant 0 : i32
    %dma_wait3A_192 = tpu.memref_slice %arg4[%dma_wait3A_191] : memref<327680xi32, #tpu.memory_space<hbm>> -> memref<80xi32, #tpu.memory_space<hbm>>
    tpu.wait_dma2 semaphore(%arg27 : memref<!tpu.dma_semaphore, #tpu.memory_space<semaphore_mem>>) src(%dma_wait3A_192 : memref<80xi32, #tpu.memory_space<hbm>>) dst(%arg10 : memref<80xi32, #tpu.memory_space<vmem>>)
    %dma_wait3A_193 = arith.constant 0 : i32
    %dma_wait3A_194 = tpu.memref_slice %arg5[%dma_wait3A_193] : memref<327680xi32, #tpu.memory_space<hbm>> -> memref<80xi32, #tpu.memory_space<hbm>>
    %dma_wait3A_195 = arith.constant 0 : i32
    %dma_wait3A_196 = tpu.memref_slice %arg5[%dma_wait3A_195] : memref<327680xi32, #tpu.memory_space<hbm>> -> memref<80xi32, #tpu.memory_space<hbm>>
    tpu.wait_dma2 semaphore(%arg27 : memref<!tpu.dma_semaphore, #tpu.memory_space<semaphore_mem>>) src(%dma_wait3A_196 : memref<80xi32, #tpu.memory_space<hbm>>) dst(%arg14 : memref<80xi32, #tpu.memory_space<vmem>>)
    %dma_start3A_197 = arith.constant 0 : i32
    %dma_start3A_198 = arith.constant 0 : i32
    %dma_start3A_199 = tpu.memref_slice %arg3[%dma_start3A_197, %dma_start3A_198] : memref<10000x128xf32, #tpu.memory_space<hbm>> -> memref<10000x128xf32, #tpu.memory_space<hbm>>
    tpu.enqueue_indirect_dma source(%dma_start3A_199 : memref<10000x128xf32, #tpu.memory_space<hbm>>) target(%arg18 : memref<80x128xf32, #tpu.memory_space<vmem>>) offsets(%arg10 : memref<80xi32, #tpu.memory_space<vmem>>) semaphore(%arg23 : memref<!tpu.dma_semaphore, #tpu.memory_space<semaphore_mem>>)
    %scan3A_200 = arith.constant 0 : i32
    %scan3A_201 = arith.constant 0 : i32
    %scan3A_202 = arith.constant 32 : i32
    %scan3A_203 = arith.addi %scan3A_201, %scan3A_202 : i32
    %scan3A_204 = arith.constant 1 : i32
    %scan3A_205 = scf.for %scan3A_212 = %scan3A_201 to %scan3A_203 step %scan3A_204 iter_args(%scan3A_213 = %scan3A_200) -> (i32)  : i32 {
      %mul3A_214 = arith.constant 4 : i32
      %mul3A_215 = arith.muli %mul3A_214, %scan3A_212 : i32
      %add3A_216 = arith.constant 0 : i32
      %add3A_217 = arith.addi %mul3A_215, %add3A_216 : i32
      %dma_wait3A_218 = arith.constant 0 : i32
      %dma_wait3A_219 = arith.constant 0 : i32
      %dma_wait3A_220 = tpu.memref_slice %arg3[%dma_wait3A_218, %dma_wait3A_219] : memref<10000x128xf32, #tpu.memory_space<hbm>> -> memref<10000x128xf32, #tpu.memory_space<hbm>>
      tpu.wait_indirect_dma semaphore(%arg21 : memref<!tpu.dma_semaphore, #tpu.memory_space<semaphore_mem>>) src(%dma_wait3A_220 : memref<10000x128xf32, #tpu.memory_space<hbm>>) dst(%arg16 : memref<80x128xf32, #tpu.memory_space<vmem>>)
      "tpu.region"() ({
        %run_scoped3A = tpu.sem_alloc : memref<!tpu.dma_semaphore, #tpu.memory_space<semaphore_mem>>
        %dma_start3A_296 = arith.constant 0 : i32
        %dma_start3A_297 = arith.constant 0 : i32
        %dma_start3A_298 = tpu.memref_slice %arg20[%dma_start3A_296, %dma_start3A_297] : memref<10240x128xf32, #tpu.memory_space<vmem_shared>> -> memref<10240x128xf32, #tpu.memory_space<vmem_shared>>
        tpu.enqueue_indirect_dma source(%arg16 : memref<80x128xf32, #tpu.memory_space<vmem>>) target(%dma_start3A_298 : memref<10240x128xf32, #tpu.memory_space<vmem_shared>>) offsets(%arg12 : memref<80xi32, #tpu.memory_space<vmem>>) semaphore(%run_scoped3A : memref<!tpu.dma_semaphore, #tpu.memory_space<semaphore_mem>>) {add = true}
        %dma_wait3A_299 = arith.constant 0 : i32
        %dma_wait3A_300 = arith.constant 0 : i32
        %dma_wait3A_301 = tpu.memref_slice %arg20[%dma_wait3A_299, %dma_wait3A_300] : memref<10240x128xf32, #tpu.memory_space<vmem_shared>> -> memref<10240x128xf32, #tpu.memory_space<vmem_shared>>
        tpu.wait_indirect_dma semaphore(%run_scoped3A : memref<!tpu.dma_semaphore, #tpu.memory_space<semaphore_mem>>) src(%arg16 : memref<80x128xf32, #tpu.memory_space<vmem>>) dst(%dma_wait3A_301 : memref<10240x128xf32, #tpu.memory_space<vmem_shared>>)
        tpu.yield
      }) : () -> ()
      %add3A_221 = arith.constant 4 : i32
      %add3A_222 = arith.addi %add3A_217, %add3A_221 : i32
      %lt3A = arith.constant 128 : i32
      %lt3A_223 = arith.cmpi slt, %add3A_222, %lt3A : i32
      %convert_element_type3A = arith.extui %lt3A_223 : i1 to i32
      %cond3A = arith.constant 0 : i32
      %cond3A_224 = arith.cmpi ne, %convert_element_type3A, %cond3A : i32
      scf.if %cond3A_224 {
        %add3A_296 = arith.constant 4 : i32
        %add3A_297 = arith.addi %add3A_217, %add3A_296 : i32
        %mul3A_298 = arith.constant 80 : i32
        %mul3A_299 = arith.muli %add3A_297, %mul3A_298 : i32
        %add3A_300 = arith.addi %mul3A_2, %mul3A_299 : i32
        %dma_start3A_301 = tpu.memref_slice %arg4[%add3A_300] : memref<327680xi32, #tpu.memory_space<hbm>> -> memref<80xi32, #tpu.memory_space<hbm>>
        %dma_start3A_302 = tpu.memref_slice %arg4[%add3A_300] : memref<327680xi32, #tpu.memory_space<hbm>> -> memref<80xi32, #tpu.memory_space<hbm>>
        tpu.enqueue_dma source(%dma_start3A_302 : memref<80xi32, #tpu.memory_space<hbm>>) target(%arg8 : memref<80xi32, #tpu.memory_space<vmem>>) target_semaphore(%arg25 : memref<!tpu.dma_semaphore, #tpu.memory_space<semaphore_mem>>)
        %dma_start3A_303 = tpu.memref_slice %arg5[%add3A_300] : memref<327680xi32, #tpu.memory_space<hbm>> -> memref<80xi32, #tpu.memory_space<hbm>>
        %dma_start3A_304 = tpu.memref_slice %arg5[%add3A_300] : memref<327680xi32, #tpu.memory_space<hbm>> -> memref<80xi32, #tpu.memory_space<hbm>>
        tpu.enqueue_dma source(%dma_start3A_304 : memref<80xi32, #tpu.memory_space<hbm>>) target(%arg12 : memref<80xi32, #tpu.memory_space<vmem>>) target_semaphore(%arg25 : memref<!tpu.dma_semaphore, #tpu.memory_space<semaphore_mem>>)
      } else {
      }
      %add3A_225 = arith.constant 3 : i32
      %add3A_226 = arith.addi %add3A_217, %add3A_225 : i32
      %lt3A_227 = arith.constant 128 : i32
      %lt3A_228 = arith.cmpi slt, %add3A_226, %lt3A_227 : i32
      %convert_element_type3A_229 = arith.extui %lt3A_228 : i1 to i32
      %cond3A_230 = arith.constant 0 : i32
      %cond3A_231 = arith.cmpi ne, %convert_element_type3A_229, %cond3A_230 : i32
      scf.if %cond3A_231 {
        %dma_wait3A_296 = arith.constant 0 : i32
        %dma_wait3A_297 = tpu.memref_slice %arg4[%dma_wait3A_296] : memref<327680xi32, #tpu.memory_space<hbm>> -> memref<80xi32, #tpu.memory_space<hbm>>
        %dma_wait3A_298 = arith.constant 0 : i32
        %dma_wait3A_299 = tpu.memref_slice %arg4[%dma_wait3A_298] : memref<327680xi32, #tpu.memory_space<hbm>> -> memref<80xi32, #tpu.memory_space<hbm>>
        tpu.wait_dma2 semaphore(%arg28 : memref<!tpu.dma_semaphore, #tpu.memory_space<semaphore_mem>>) src(%dma_wait3A_299 : memref<80xi32, #tpu.memory_space<hbm>>) dst(%arg11 : memref<80xi32, #tpu.memory_space<vmem>>)
        %dma_wait3A_300 = arith.constant 0 : i32
        %dma_wait3A_301 = tpu.memref_slice %arg5[%dma_wait3A_300] : memref<327680xi32, #tpu.memory_space<hbm>> -> memref<80xi32, #tpu.memory_space<hbm>>
        %dma_wait3A_302 = arith.constant 0 : i32
        %dma_wait3A_303 = tpu.memref_slice %arg5[%dma_wait3A_302] : memref<327680xi32, #tpu.memory_space<hbm>> -> memref<80xi32, #tpu.memory_space<hbm>>
        tpu.wait_dma2 semaphore(%arg28 : memref<!tpu.dma_semaphore, #tpu.memory_space<semaphore_mem>>) src(%dma_wait3A_303 : memref<80xi32, #tpu.memory_space<hbm>>) dst(%arg15 : memref<80xi32, #tpu.memory_space<vmem>>)
        %dma_start3A_304 = arith.constant 0 : i32
        %dma_start3A_305 = arith.constant 0 : i32
        %dma_start3A_306 = tpu.memref_slice %arg3[%dma_start3A_304, %dma_start3A_305] : memref<10000x128xf32, #tpu.memory_space<hbm>> -> memref<10000x128xf32, #tpu.memory_space<hbm>>
        tpu.enqueue_indirect_dma source(%dma_start3A_306 : memref<10000x128xf32, #tpu.memory_space<hbm>>) target(%arg19 : memref<80x128xf32, #tpu.memory_space<vmem>>) offsets(%arg11 : memref<80xi32, #tpu.memory_space<vmem>>) semaphore(%arg24 : memref<!tpu.dma_semaphore, #tpu.memory_space<semaphore_mem>>)
      } else {
      }
      %mul3A_232 = arith.constant 4 : i32
      %mul3A_233 = arith.muli %mul3A_232, %scan3A_212 : i32
      %add3A_234 = arith.constant 1 : i32
      %add3A_235 = arith.addi %mul3A_233, %add3A_234 : i32
      %dma_wait3A_236 = arith.constant 0 : i32
      %dma_wait3A_237 = arith.constant 0 : i32
      %dma_wait3A_238 = tpu.memref_slice %arg3[%dma_wait3A_236, %dma_wait3A_237] : memref<10000x128xf32, #tpu.memory_space<hbm>> -> memref<10000x128xf32, #tpu.memory_space<hbm>>
      tpu.wait_indirect_dma semaphore(%arg22 : memref<!tpu.dma_semaphore, #tpu.memory_space<semaphore_mem>>) src(%dma_wait3A_238 : memref<10000x128xf32, #tpu.memory_space<hbm>>) dst(%arg17 : memref<80x128xf32, #tpu.memory_space<vmem>>)
      "tpu.region"() ({
        %run_scoped3A = tpu.sem_alloc : memref<!tpu.dma_semaphore, #tpu.memory_space<semaphore_mem>>
        %dma_start3A_296 = arith.constant 0 : i32
        %dma_start3A_297 = arith.constant 0 : i32
        %dma_start3A_298 = tpu.memref_slice %arg20[%dma_start3A_296, %dma_start3A_297] : memref<10240x128xf32, #tpu.memory_space<vmem_shared>> -> memref<10240x128xf32, #tpu.memory_space<vmem_shared>>
        tpu.enqueue_indirect_dma source(%arg17 : memref<80x128xf32, #tpu.memory_space<vmem>>) target(%dma_start3A_298 : memref<10240x128xf32, #tpu.memory_space<vmem_shared>>) offsets(%arg13 : memref<80xi32, #tpu.memory_space<vmem>>) semaphore(%run_scoped3A : memref<!tpu.dma_semaphore, #tpu.memory_space<semaphore_mem>>) {add = true}
        %dma_wait3A_299 = arith.constant 0 : i32
        %dma_wait3A_300 = arith.constant 0 : i32
        %dma_wait3A_301 = tpu.memref_slice %arg20[%dma_wait3A_299, %dma_wait3A_300] : memref<10240x128xf32, #tpu.memory_space<vmem_shared>> -> memref<10240x128xf32, #tpu.memory_space<vmem_shared>>
        tpu.wait_indirect_dma semaphore(%run_scoped3A : memref<!tpu.dma_semaphore, #tpu.memory_space<semaphore_mem>>) src(%arg17 : memref<80x128xf32, #tpu.memory_space<vmem>>) dst(%dma_wait3A_301 : memref<10240x128xf32, #tpu.memory_space<vmem_shared>>)
        tpu.yield
      }) : () -> ()
      %add3A_239 = arith.constant 4 : i32
      %add3A_240 = arith.addi %add3A_235, %add3A_239 : i32
      %lt3A_241 = arith.constant 128 : i32
      %lt3A_242 = arith.cmpi slt, %add3A_240, %lt3A_241 : i32
      %convert_element_type3A_243 = arith.extui %lt3A_242 : i1 to i32
      %cond3A_244 = arith.constant 0 : i32
      %cond3A_245 = arith.cmpi ne, %convert_element_type3A_243, %cond3A_244 : i32
      scf.if %cond3A_245 {
        %add3A_296 = arith.constant 4 : i32
        %add3A_297 = arith.addi %add3A_235, %add3A_296 : i32
        %mul3A_298 = arith.constant 80 : i32
        %mul3A_299 = arith.muli %add3A_297, %mul3A_298 : i32
        %add3A_300 = arith.addi %mul3A_2, %mul3A_299 : i32
        %dma_start3A_301 = tpu.memref_slice %arg4[%add3A_300] : memref<327680xi32, #tpu.memory_space<hbm>> -> memref<80xi32, #tpu.memory_space<hbm>>
        %dma_start3A_302 = tpu.memref_slice %arg4[%add3A_300] : memref<327680xi32, #tpu.memory_space<hbm>> -> memref<80xi32, #tpu.memory_space<hbm>>
        tpu.enqueue_dma source(%dma_start3A_302 : memref<80xi32, #tpu.memory_space<hbm>>) target(%arg9 : memref<80xi32, #tpu.memory_space<vmem>>) target_semaphore(%arg26 : memref<!tpu.dma_semaphore, #tpu.memory_space<semaphore_mem>>)
        %dma_start3A_303 = tpu.memref_slice %arg5[%add3A_300] : memref<327680xi32, #tpu.memory_space<hbm>> -> memref<80xi32, #tpu.memory_space<hbm>>
        %dma_start3A_304 = tpu.memref_slice %arg5[%add3A_300] : memref<327680xi32, #tpu.memory_space<hbm>> -> memref<80xi32, #tpu.memory_space<hbm>>
        tpu.enqueue_dma source(%dma_start3A_304 : memref<80xi32, #tpu.memory_space<hbm>>) target(%arg13 : memref<80xi32, #tpu.memory_space<vmem>>) target_semaphore(%arg26 : memref<!tpu.dma_semaphore, #tpu.memory_space<semaphore_mem>>)
      } else {
      }
      %add3A_246 = arith.constant 3 : i32
      %add3A_247 = arith.addi %add3A_235, %add3A_246 : i32
      %lt3A_248 = arith.constant 128 : i32
      %lt3A_249 = arith.cmpi slt, %add3A_247, %lt3A_248 : i32
      %convert_element_type3A_250 = arith.extui %lt3A_249 : i1 to i32
      %cond3A_251 = arith.constant 0 : i32
      %cond3A_252 = arith.cmpi ne, %convert_element_type3A_250, %cond3A_251 : i32
      scf.if %cond3A_252 {
        %dma_wait3A_296 = arith.constant 0 : i32
        %dma_wait3A_297 = tpu.memref_slice %arg4[%dma_wait3A_296] : memref<327680xi32, #tpu.memory_space<hbm>> -> memref<80xi32, #tpu.memory_space<hbm>>
        %dma_wait3A_298 = arith.constant 0 : i32
        %dma_wait3A_299 = tpu.memref_slice %arg4[%dma_wait3A_298] : memref<327680xi32, #tpu.memory_space<hbm>> -> memref<80xi32, #tpu.memory_space<hbm>>
        tpu.wait_dma2 semaphore(%arg25 : memref<!tpu.dma_semaphore, #tpu.memory_space<semaphore_mem>>) src(%dma_wait3A_299 : memref<80xi32, #tpu.memory_space<hbm>>) dst(%arg8 : memref<80xi32, #tpu.memory_space<vmem>>)
        %dma_wait3A_300 = arith.constant 0 : i32
        %dma_wait3A_301 = tpu.memref_slice %arg5[%dma_wait3A_300] : memref<327680xi32, #tpu.memory_space<hbm>> -> memref<80xi32, #tpu.memory_space<hbm>>
        %dma_wait3A_302 = arith.constant 0 : i32
        %dma_wait3A_303 = tpu.memref_slice %arg5[%dma_wait3A_302] : memref<327680xi32, #tpu.memory_space<hbm>> -> memref<80xi32, #tpu.memory_space<hbm>>
        tpu.wait_dma2 semaphore(%arg25 : memref<!tpu.dma_semaphore, #tpu.memory_space<semaphore_mem>>) src(%dma_wait3A_303 : memref<80xi32, #tpu.memory_space<hbm>>) dst(%arg12 : memref<80xi32, #tpu.memory_space<vmem>>)
        %dma_start3A_304 = arith.constant 0 : i32
        %dma_start3A_305 = arith.constant 0 : i32
        %dma_start3A_306 = tpu.memref_slice %arg3[%dma_start3A_304, %dma_start3A_305] : memref<10000x128xf32, #tpu.memory_space<hbm>> -> memref<10000x128xf32, #tpu.memory_space<hbm>>
        tpu.enqueue_indirect_dma source(%dma_start3A_306 : memref<10000x128xf32, #tpu.memory_space<hbm>>) target(%arg16 : memref<80x128xf32, #tpu.memory_space<vmem>>) offsets(%arg8 : memref<80xi32, #tpu.memory_space<vmem>>) semaphore(%arg21 : memref<!tpu.dma_semaphore, #tpu.memory_space<semaphore_mem>>)
      } else {
      }
      %mul3A_253 = arith.constant 4 : i32
      %mul3A_254 = arith.muli %mul3A_253, %scan3A_212 : i32
      %add3A_255 = arith.constant 2 : i32
      %add3A_256 = arith.addi %mul3A_254, %add3A_255 : i32
      %dma_wait3A_257 = arith.constant 0 : i32
      %dma_wait3A_258 = arith.constant 0 : i32
      %dma_wait3A_259 = tpu.memref_slice %arg3[%dma_wait3A_257, %dma_wait3A_258] : memref<10000x128xf32, #tpu.memory_space<hbm>> -> memref<10000x128xf32, #tpu.memory_space<hbm>>
      tpu.wait_indirect_dma semaphore(%arg23 : memref<!tpu.dma_semaphore, #tpu.memory_space<semaphore_mem>>) src(%dma_wait3A_259 : memref<10000x128xf32, #tpu.memory_space<hbm>>) dst(%arg18 : memref<80x128xf32, #tpu.memory_space<vmem>>)
      "tpu.region"() ({
        %run_scoped3A = tpu.sem_alloc : memref<!tpu.dma_semaphore, #tpu.memory_space<semaphore_mem>>
        %dma_start3A_296 = arith.constant 0 : i32
        %dma_start3A_297 = arith.constant 0 : i32
        %dma_start3A_298 = tpu.memref_slice %arg20[%dma_start3A_296, %dma_start3A_297] : memref<10240x128xf32, #tpu.memory_space<vmem_shared>> -> memref<10240x128xf32, #tpu.memory_space<vmem_shared>>
        tpu.enqueue_indirect_dma source(%arg18 : memref<80x128xf32, #tpu.memory_space<vmem>>) target(%dma_start3A_298 : memref<10240x128xf32, #tpu.memory_space<vmem_shared>>) offsets(%arg14 : memref<80xi32, #tpu.memory_space<vmem>>) semaphore(%run_scoped3A : memref<!tpu.dma_semaphore, #tpu.memory_space<semaphore_mem>>) {add = true}
        %dma_wait3A_299 = arith.constant 0 : i32
        %dma_wait3A_300 = arith.constant 0 : i32
        %dma_wait3A_301 = tpu.memref_slice %arg20[%dma_wait3A_299, %dma_wait3A_300] : memref<10240x128xf32, #tpu.memory_space<vmem_shared>> -> memref<10240x128xf32, #tpu.memory_space<vmem_shared>>
        tpu.wait_indirect_dma semaphore(%run_scoped3A : memref<!tpu.dma_semaphore, #tpu.memory_space<semaphore_mem>>) src(%arg18 : memref<80x128xf32, #tpu.memory_space<vmem>>) dst(%dma_wait3A_301 : memref<10240x128xf32, #tpu.memory_space<vmem_shared>>)
        tpu.yield
      }) : () -> ()
      %add3A_260 = arith.constant 4 : i32
      %add3A_261 = arith.addi %add3A_256, %add3A_260 : i32
      %lt3A_262 = arith.constant 128 : i32
      %lt3A_263 = arith.cmpi slt, %add3A_261, %lt3A_262 : i32
      %convert_element_type3A_264 = arith.extui %lt3A_263 : i1 to i32
      %cond3A_265 = arith.constant 0 : i32
      %cond3A_266 = arith.cmpi ne, %convert_element_type3A_264, %cond3A_265 : i32
      scf.if %cond3A_266 {
        %add3A_296 = arith.constant 4 : i32
        %add3A_297 = arith.addi %add3A_256, %add3A_296 : i32
        %mul3A_298 = arith.constant 80 : i32
        %mul3A_299 = arith.muli %add3A_297, %mul3A_298 : i32
        %add3A_300 = arith.addi %mul3A_2, %mul3A_299 : i32
        %dma_start3A_301 = tpu.memref_slice %arg4[%add3A_300] : memref<327680xi32, #tpu.memory_space<hbm>> -> memref<80xi32, #tpu.memory_space<hbm>>
        %dma_start3A_302 = tpu.memref_slice %arg4[%add3A_300] : memref<327680xi32, #tpu.memory_space<hbm>> -> memref<80xi32, #tpu.memory_space<hbm>>
        tpu.enqueue_dma source(%dma_start3A_302 : memref<80xi32, #tpu.memory_space<hbm>>) target(%arg10 : memref<80xi32, #tpu.memory_space<vmem>>) target_semaphore(%arg27 : memref<!tpu.dma_semaphore, #tpu.memory_space<semaphore_mem>>)
        %dma_start3A_303 = tpu.memref_slice %arg5[%add3A_300] : memref<327680xi32, #tpu.memory_space<hbm>> -> memref<80xi32, #tpu.memory_space<hbm>>
        %dma_start3A_304 = tpu.memref_slice %arg5[%add3A_300] : memref<327680xi32, #tpu.memory_space<hbm>> -> memref<80xi32, #tpu.memory_space<hbm>>
        tpu.enqueue_dma source(%dma_start3A_304 : memref<80xi32, #tpu.memory_space<hbm>>) target(%arg14 : memref<80xi32, #tpu.memory_space<vmem>>) target_semaphore(%arg27 : memref<!tpu.dma_semaphore, #tpu.memory_space<semaphore_mem>>)
      } else {
      }
      %add3A_267 = arith.constant 3 : i32
      %add3A_268 = arith.addi %add3A_256, %add3A_267 : i32
      %lt3A_269 = arith.constant 128 : i32
      %lt3A_270 = arith.cmpi slt, %add3A_268, %lt3A_269 : i32
      %convert_element_type3A_271 = arith.extui %lt3A_270 : i1 to i32
      %cond3A_272 = arith.constant 0 : i32
      %cond3A_273 = arith.cmpi ne, %convert_element_type3A_271, %cond3A_272 : i32
      scf.if %cond3A_273 {
        %dma_wait3A_296 = arith.constant 0 : i32
        %dma_wait3A_297 = tpu.memref_slice %arg4[%dma_wait3A_296] : memref<327680xi32, #tpu.memory_space<hbm>> -> memref<80xi32, #tpu.memory_space<hbm>>
        %dma_wait3A_298 = arith.constant 0 : i32
        %dma_wait3A_299 = tpu.memref_slice %arg4[%dma_wait3A_298] : memref<327680xi32, #tpu.memory_space<hbm>> -> memref<80xi32, #tpu.memory_space<hbm>>
        tpu.wait_dma2 semaphore(%arg26 : memref<!tpu.dma_semaphore, #tpu.memory_space<semaphore_mem>>) src(%dma_wait3A_299 : memref<80xi32, #tpu.memory_space<hbm>>) dst(%arg9 : memref<80xi32, #tpu.memory_space<vmem>>)
        %dma_wait3A_300 = arith.constant 0 : i32
        %dma_wait3A_301 = tpu.memref_slice %arg5[%dma_wait3A_300] : memref<327680xi32, #tpu.memory_space<hbm>> -> memref<80xi32, #tpu.memory_space<hbm>>
        %dma_wait3A_302 = arith.constant 0 : i32
        %dma_wait3A_303 = tpu.memref_slice %arg5[%dma_wait3A_302] : memref<327680xi32, #tpu.memory_space<hbm>> -> memref<80xi32, #tpu.memory_space<hbm>>
        tpu.wait_dma2 semaphore(%arg26 : memref<!tpu.dma_semaphore, #tpu.memory_space<semaphore_mem>>) src(%dma_wait3A_303 : memref<80xi32, #tpu.memory_space<hbm>>) dst(%arg13 : memref<80xi32, #tpu.memory_space<vmem>>)
        %dma_start3A_304 = arith.constant 0 : i32
        %dma_start3A_305 = arith.constant 0 : i32
        %dma_start3A_306 = tpu.memref_slice %arg3[%dma_start3A_304, %dma_start3A_305] : memref<10000x128xf32, #tpu.memory_space<hbm>> -> memref<10000x128xf32, #tpu.memory_space<hbm>>
        tpu.enqueue_indirect_dma source(%dma_start3A_306 : memref<10000x128xf32, #tpu.memory_space<hbm>>) target(%arg17 : memref<80x128xf32, #tpu.memory_space<vmem>>) offsets(%arg9 : memref<80xi32, #tpu.memory_space<vmem>>) semaphore(%arg22 : memref<!tpu.dma_semaphore, #tpu.memory_space<semaphore_mem>>)
      } else {
      }
      %mul3A_274 = arith.constant 4 : i32
      %mul3A_275 = arith.muli %mul3A_274, %scan3A_212 : i32
      %add3A_276 = arith.constant 3 : i32
      %add3A_277 = arith.addi %mul3A_275, %add3A_276 : i32
      %dma_wait3A_278 = arith.constant 0 : i32
      %dma_wait3A_279 = arith.constant 0 : i32
      %dma_wait3A_280 = tpu.memref_slice %arg3[%dma_wait3A_278, %dma_wait3A_279] : memref<10000x128xf32, #tpu.memory_space<hbm>> -> memref<10000x128xf32, #tpu.memory_space<hbm>>
      tpu.wait_indirect_dma semaphore(%arg24 : memref<!tpu.dma_semaphore, #tpu.memory_space<semaphore_mem>>) src(%dma_wait3A_280 : memref<10000x128xf32, #tpu.memory_space<hbm>>) dst(%arg19 : memref<80x128xf32, #tpu.memory_space<vmem>>)
      "tpu.region"() ({
        %run_scoped3A = tpu.sem_alloc : memref<!tpu.dma_semaphore, #tpu.memory_space<semaphore_mem>>
        %dma_start3A_296 = arith.constant 0 : i32
        %dma_start3A_297 = arith.constant 0 : i32
        %dma_start3A_298 = tpu.memref_slice %arg20[%dma_start3A_296, %dma_start3A_297] : memref<10240x128xf32, #tpu.memory_space<vmem_shared>> -> memref<10240x128xf32, #tpu.memory_space<vmem_shared>>
        tpu.enqueue_indirect_dma source(%arg19 : memref<80x128xf32, #tpu.memory_space<vmem>>) target(%dma_start3A_298 : memref<10240x128xf32, #tpu.memory_space<vmem_shared>>) offsets(%arg15 : memref<80xi32, #tpu.memory_space<vmem>>) semaphore(%run_scoped3A : memref<!tpu.dma_semaphore, #tpu.memory_space<semaphore_mem>>) {add = true}
        %dma_wait3A_299 = arith.constant 0 : i32
        %dma_wait3A_300 = arith.constant 0 : i32
        %dma_wait3A_301 = tpu.memref_slice %arg20[%dma_wait3A_299, %dma_wait3A_300] : memref<10240x128xf32, #tpu.memory_space<vmem_shared>> -> memref<10240x128xf32, #tpu.memory_space<vmem_shared>>
        tpu.wait_indirect_dma semaphore(%run_scoped3A : memref<!tpu.dma_semaphore, #tpu.memory_space<semaphore_mem>>) src(%arg19 : memref<80x128xf32, #tpu.memory_space<vmem>>) dst(%dma_wait3A_301 : memref<10240x128xf32, #tpu.memory_space<vmem_shared>>)
        tpu.yield
      }) : () -> ()
      %add3A_281 = arith.constant 4 : i32
      %add3A_282 = arith.addi %add3A_277, %add3A_281 : i32
      %lt3A_283 = arith.constant 128 : i32
      %lt3A_284 = arith.cmpi slt, %add3A_282, %lt3A_283 : i32
      %convert_element_type3A_285 = arith.extui %lt3A_284 : i1 to i32
      %cond3A_286 = arith.constant 0 : i32
      %cond3A_287 = arith.cmpi ne, %convert_element_type3A_285, %cond3A_286 : i32
      scf.if %cond3A_287 {
        %add3A_296 = arith.constant 4 : i32
        %add3A_297 = arith.addi %add3A_277, %add3A_296 : i32
        %mul3A_298 = arith.constant 80 : i32
        %mul3A_299 = arith.muli %add3A_297, %mul3A_298 : i32
        %add3A_300 = arith.addi %mul3A_2, %mul3A_299 : i32
        %dma_start3A_301 = tpu.memref_slice %arg4[%add3A_300] : memref<327680xi32, #tpu.memory_space<hbm>> -> memref<80xi32, #tpu.memory_space<hbm>>
        %dma_start3A_302 = tpu.memref_slice %arg4[%add3A_300] : memref<327680xi32, #tpu.memory_space<hbm>> -> memref<80xi32, #tpu.memory_space<hbm>>
        tpu.enqueue_dma source(%dma_start3A_302 : memref<80xi32, #tpu.memory_space<hbm>>) target(%arg11 : memref<80xi32, #tpu.memory_space<vmem>>) target_semaphore(%arg28 : memref<!tpu.dma_semaphore, #tpu.memory_space<semaphore_mem>>)
        %dma_start3A_303 = tpu.memref_slice %arg5[%add3A_300] : memref<327680xi32, #tpu.memory_space<hbm>> -> memref<80xi32, #tpu.memory_space<hbm>>
        %dma_start3A_304 = tpu.memref_slice %arg5[%add3A_300] : memref<327680xi32, #tpu.memory_space<hbm>> -> memref<80xi32, #tpu.memory_space<hbm>>
        tpu.enqueue_dma source(%dma_start3A_304 : memref<80xi32, #tpu.memory_space<hbm>>) target(%arg15 : memref<80xi32, #tpu.memory_space<vmem>>) target_semaphore(%arg28 : memref<!tpu.dma_semaphore, #tpu.memory_space<semaphore_mem>>)
      } else {
      }
      %add3A_288 = arith.constant 3 : i32
      %add3A_289 = arith.addi %add3A_277, %add3A_288 : i32
      %lt3A_290 = arith.constant 128 : i32
      %lt3A_291 = arith.cmpi slt, %add3A_289, %lt3A_290 : i32
      %convert_element_type3A_292 = arith.extui %lt3A_291 : i1 to i32
      %cond3A_293 = arith.constant 0 : i32
      %cond3A_294 = arith.cmpi ne, %convert_element_type3A_292, %cond3A_293 : i32
      scf.if %cond3A_294 {
        %dma_wait3A_296 = arith.constant 0 : i32
        %dma_wait3A_297 = tpu.memref_slice %arg4[%dma_wait3A_296] : memref<327680xi32, #tpu.memory_space<hbm>> -> memref<80xi32, #tpu.memory_space<hbm>>
        %dma_wait3A_298 = arith.constant 0 : i32
        %dma_wait3A_299 = tpu.memref_slice %arg4[%dma_wait3A_298] : memref<327680xi32, #tpu.memory_space<hbm>> -> memref<80xi32, #tpu.memory_space<hbm>>
        tpu.wait_dma2 semaphore(%arg27 : memref<!tpu.dma_semaphore, #tpu.memory_space<semaphore_mem>>) src(%dma_wait3A_299 : memref<80xi32, #tpu.memory_space<hbm>>) dst(%arg10 : memref<80xi32, #tpu.memory_space<vmem>>)
        %dma_wait3A_300 = arith.constant 0 : i32
        %dma_wait3A_301 = tpu.memref_slice %arg5[%dma_wait3A_300] : memref<327680xi32, #tpu.memory_space<hbm>> -> memref<80xi32, #tpu.memory_space<hbm>>
        %dma_wait3A_302 = arith.constant 0 : i32
        %dma_wait3A_303 = tpu.memref_slice %arg5[%dma_wait3A_302] : memref<327680xi32, #tpu.memory_space<hbm>> -> memref<80xi32, #tpu.memory_space<hbm>>
        tpu.wait_dma2 semaphore(%arg27 : memref<!tpu.dma_semaphore, #tpu.memory_space<semaphore_mem>>) src(%dma_wait3A_303 : memref<80xi32, #tpu.memory_space<hbm>>) dst(%arg14 : memref<80xi32, #tpu.memory_space<vmem>>)
        %dma_start3A_304 = arith.constant 0 : i32
        %dma_start3A_305 = arith.constant 0 : i32
        %dma_start3A_306 = tpu.memref_slice %arg3[%dma_start3A_304, %dma_start3A_305] : memref<10000x128xf32, #tpu.memory_space<hbm>> -> memref<10000x128xf32, #tpu.memory_space<hbm>>
        tpu.enqueue_indirect_dma source(%dma_start3A_306 : memref<10000x128xf32, #tpu.memory_space<hbm>>) target(%arg18 : memref<80x128xf32, #tpu.memory_space<vmem>>) offsets(%arg10 : memref<80xi32, #tpu.memory_space<vmem>>) semaphore(%arg23 : memref<!tpu.dma_semaphore, #tpu.memory_space<semaphore_mem>>)
      } else {
      }
      %scan3A_295 = arith.constant 0 : i32
      scf.yield %scan3A_295 : i32
    }
    %scan3A_206 = arith.constant 32 : i32
    %barrier3A_207 = arith.constant 0 : index
    tpu.barrier barrier_id(%barrier3A_207)
    %mul3A_208 = arith.constant 640 : i32
    %mul3A_209 = arith.muli %arg1, %mul3A_208 : i32
    %mul3A_210 = arith.constant 640 : i32
    %mul3A_211 = arith.muli %arg1, %mul3A_210 : i32
    "tpu.region"() ({
      %run_scoped3A = tpu.sem_alloc : memref<!tpu.dma_semaphore, #tpu.memory_space<semaphore_mem>>
      %dma_start3A_212 = arith.constant 0 : i32
      %dma_start3A_213 = tpu.memref_slice %arg7[%arg0, %mul3A_211, %dma_start3A_212] : memref<2x10240x128xf32, #tpu.memory_space<hbm>> -> memref<1x640x128xf32, #tpu.memory_space<hbm>>
      %dma_start3A_214 = tpu.memref_squeeze %dma_start3A_213 : memref<1x640x128xf32, #tpu.memory_space<hbm>> -> memref<640x128xf32, #tpu.memory_space<hbm>>
      %dma_start3A_215 = arith.constant 0 : i32
      %dma_start3A_216 = tpu.memref_slice %arg20[%mul3A_209, %dma_start3A_215] : memref<10240x128xf32, #tpu.memory_space<vmem_shared>> -> memref<640x128xf32, #tpu.memory_space<vmem_shared>>
      tpu.enqueue_dma source(%dma_start3A_216 : memref<640x128xf32, #tpu.memory_space<vmem_shared>>) target(%dma_start3A_214 : memref<640x128xf32, #tpu.memory_space<hbm>>) target_semaphore(%run_scoped3A : memref<!tpu.dma_semaphore, #tpu.memory_space<semaphore_mem>>)
      %dma_wait3A_217 = arith.constant 0 : i32
      %dma_wait3A_218 = tpu.memref_slice %arg7[%arg0, %mul3A_211, %dma_wait3A_217] : memref<2x10240x128xf32, #tpu.memory_space<hbm>> -> memref<1x640x128xf32, #tpu.memory_space<hbm>>
      %dma_wait3A_219 = tpu.memref_squeeze %dma_wait3A_218 : memref<1x640x128xf32, #tpu.memory_space<hbm>> -> memref<640x128xf32, #tpu.memory_space<hbm>>
      %dma_wait3A_220 = arith.constant 0 : i32
      %dma_wait3A_221 = tpu.memref_slice %arg20[%mul3A_209, %dma_wait3A_220] : memref<10240x128xf32, #tpu.memory_space<vmem_shared>> -> memref<640x128xf32, #tpu.memory_space<vmem_shared>>
      tpu.wait_dma2 semaphore(%run_scoped3A : memref<!tpu.dma_semaphore, #tpu.memory_space<semaphore_mem>>) src(%dma_wait3A_221 : memref<640x128xf32, #tpu.memory_space<vmem_shared>>) dst(%dma_wait3A_219 : memref<640x128xf32, #tpu.memory_space<hbm>>)
      tpu.yield
    }) : () -> ()
    return
  }
}

#map = affine_map<(d0, d1) -> (0, 0)>
#map1 = affine_map<(d0, d1) -> (0)>
#map2 = affine_map<(d0, d1) -> (0, 0, 0)>
module attributes {stable_mosaic.version = 14 : i64} {
  func.func @_sc_edges(%arg0: i32, %arg1: i32, %arg2: memref<10000x128xf32, #tpu.memory_space<hbm>>, %arg3: memref<10000x128xf32, #tpu.memory_space<hbm>>, %arg4: memref<327680xi32, #tpu.memory_space<hbm>>, %arg5: memref<327680xi32, #tpu.memory_space<hbm>>, %arg6: memref<2x10240x128xf32, #tpu.memory_space<hbm>>, %arg7: memref<2x10240x128xf32, #tpu.memory_space<hbm>>, %arg8: memref<80xi32, #tpu.memory_space<vmem>>, %arg9: memref<80xi32, #tpu.memory_space<vmem>>, %arg10: memref<80xi32, #tpu.memory_space<vmem>>, %arg11: memref<80xi32, #tpu.memory_space<vmem>>, %arg12: memref<80xi32, #tpu.memory_space<vmem>>, %arg13: memref<80xi32, #tpu.memory_space<vmem>>, %arg14: memref<80xi32, #tpu.memory_space<vmem>>, %arg15: memref<80xi32, #tpu.memory_space<vmem>>, %arg16: memref<80x128xf32, #tpu.memory_space<vmem>>, %arg17: memref<80x128xf32, #tpu.memory_space<vmem>>, %arg18: memref<80x128xf32, #tpu.memory_space<vmem>>, %arg19: memref<80x128xf32, #tpu.memory_space<vmem>>, %arg20: memref<10240x128xf32, #tpu.memory_space<vmem_shared>>, %arg21: memref<!tpu.dma_semaphore, #tpu.memory_space<semaphore_mem>>, %arg22: memref<!tpu.dma_semaphore, #tpu.memory_space<semaphore_mem>>, %arg23: memref<!tpu.dma_semaphore, #tpu.memory_space<semaphore_mem>>, %arg24: memref<!tpu.dma_semaphore, #tpu.memory_space<semaphore_mem>>, %arg25: memref<!tpu.dma_semaphore, #tpu.memory_space<semaphore_mem>>, %arg26: memref<!tpu.dma_semaphore, #tpu.memory_space<semaphore_mem>>, %arg27: memref<!tpu.dma_semaphore, #tpu.memory_space<semaphore_mem>>, %arg28: memref<!tpu.dma_semaphore, #tpu.memory_space<semaphore_mem>>) attributes {dimension_semantics = [#tpu.dimension_semantics<core_parallel>, #tpu.dimension_semantics<subcore_parallel>], iteration_bounds = array<i64: 2, 16>, scalar_prefetch = 0 : i64, scratch_operands = 21 : i64, tpu.core_type = #tpu.core_type<sc_vector_subcore>, window_params = [{transform_indices = #map}, {transform_indices = #map}, {transform_indices = #map1}, {transform_indices = #map1}, {transform_indices = #map2}, {transform_indices = #map2}]} {
    %mul3A = arith.constant 16 : i32
    %mul3A_0 = arith.muli %arg0, %mul3A : i32
    %add3A = arith.addi %mul3A_0, %arg1 : i32
    %mul3A_1 = arith.constant 10240 : i32
    %mul3A_2 = arith.muli %add3A, %mul3A_1 : i32
    %scan3A = arith.constant 0 : i32
    %scan3A_3 = arith.constant 0 : i32
    %scan3A_4 = arith.constant 80 : i32
    %scan3A_5 = arith.addi %scan3A_3, %scan3A_4 : i32
    %scan3A_6 = arith.constant 1 : i32
    %scan3A_7 = scf.for %scan3A_212 = %scan3A_3 to %scan3A_5 step %scan3A_6 iter_args(%scan3A_213 = %scan3A) -> (i32)  : i32 {
      %broadcast_in_dim3A = arith.constant 0.000000e+00 : f32
      %broadcast_in_dim3A_214 = vector.broadcast %broadcast_in_dim3A : f32 to vector<16xf32>
      %swap3A = arith.index_cast %scan3A_212 : i32 to index
      %swap3A_215 = arith.constant 0 : index
      %swap3A_216 = tpu.vector_load %arg18[%swap3A, %swap3A_215] {strides = array<i32>} : memref<80x128xf32, #tpu.memory_space<vmem>>, vector<1x16xf32>,
      %swap3A_217 = vector.shape_cast %swap3A_216 : vector<1x16xf32> to vector<16xf32>
      %swap3A_218 = vector.shape_cast %broadcast_in_dim3A_214 : vector<16xf32> to vector<1x16xf32>
      tpu.vector_store %arg18[%swap3A, %swap3A_215], %swap3A_218 {strides = array<i32>} : memref<80x128xf32, #tpu.memory_space<vmem>>, vector<1x16xf32>,
      %broadcast_in_dim3A_219 = arith.constant 0.000000e+00 : f32
      %broadcast_in_dim3A_220 = vector.broadcast %broadcast_in_dim3A_219 : f32 to vector<16xf32>
      %swap3A_221 = arith.index_cast %scan3A_212 : i32 to index
      %swap3A_222 = arith.constant 16 : index
      %swap3A_223 = tpu.vector_load %arg18[%swap3A_221, %swap3A_222] {strides = array<i32>} : memref<80x128xf32, #tpu.memory_space<vmem>>, vector<1x16xf32>,
      %swap3A_224 = vector.shape_cast %swap3A_223 : vector<1x16xf32> to vector<16xf32>
      %swap3A_225 = vector.shape_cast %broadcast_in_dim3A_220 : vector<16xf32> to vector<1x16xf32>
      tpu.vector_store %arg18[%swap3A_221, %swap3A_222], %swap3A_225 {strides = array<i32>} : memref<80x128xf32, #tpu.memory_space<vmem>>, vector<1x16xf32>,
      %broadcast_in_dim3A_226 = arith.constant 0.000000e+00 : f32
      %broadcast_in_dim3A_227 = vector.broadcast %broadcast_in_dim3A_226 : f32 to vector<16xf32>
      %swap3A_228 = arith.index_cast %scan3A_212 : i32 to index
      %swap3A_229 = arith.constant 32 : index
      %swap3A_230 = tpu.vector_load %arg18[%swap3A_228, %swap3A_229] {strides = array<i32>} : memref<80x128xf32, #tpu.memory_space<vmem>>, vector<1x16xf32>,
      %swap3A_231 = vector.shape_cast %swap3A_230 : vector<1x16xf32> to vector<16xf32>
      %swap3A_232 = vector.shape_cast %broadcast_in_dim3A_227 : vector<16xf32> to vector<1x16xf32>
      tpu.vector_store %arg18[%swap3A_228, %swap3A_229], %swap3A_232 {strides = array<i32>} : memref<80x128xf32, #tpu.memory_space<vmem>>, vector<1x16xf32>,
      %broadcast_in_dim3A_233 = arith.constant 0.000000e+00 : f32
      %broadcast_in_dim3A_234 = vector.broadcast %broadcast_in_dim3A_233 : f32 to vector<16xf32>
      %swap3A_235 = arith.index_cast %scan3A_212 : i32 to index
      %swap3A_236 = arith.constant 48 : index
      %swap3A_237 = tpu.vector_load %arg18[%swap3A_235, %swap3A_236] {strides = array<i32>} : memref<80x128xf32, #tpu.memory_space<vmem>>, vector<1x16xf32>,
      %swap3A_238 = vector.shape_cast %swap3A_237 : vector<1x16xf32> to vector<16xf32>
      %swap3A_239 = vector.shape_cast %broadcast_in_dim3A_234 : vector<16xf32> to vector<1x16xf32>
      tpu.vector_store %arg18[%swap3A_235, %swap3A_236], %swap3A_239 {strides = array<i32>} : memref<80x128xf32, #tpu.memory_space<vmem>>, vector<1x16xf32>,
      %broadcast_in_dim3A_240 = arith.constant 0.000000e+00 : f32
      %broadcast_in_dim3A_241 = vector.broadcast %broadcast_in_dim3A_240 : f32 to vector<16xf32>
      %swap3A_242 = arith.index_cast %scan3A_212 : i32 to index
      %swap3A_243 = arith.constant 64 : index
      %swap3A_244 = tpu.vector_load %arg18[%swap3A_242, %swap3A_243] {strides = array<i32>} : memref<80x128xf32, #tpu.memory_space<vmem>>, vector<1x16xf32>,
      %swap3A_245 = vector.shape_cast %swap3A_244 : vector<1x16xf32> to vector<16xf32>
      %swap3A_246 = vector.shape_cast %broadcast_in_dim3A_241 : vector<16xf32> to vector<1x16xf32>
      tpu.vector_store %arg18[%swap3A_242, %swap3A_243], %swap3A_246 {strides = array<i32>} : memref<80x128xf32, #tpu.memory_space<vmem>>, vector<1x16xf32>,
      %broadcast_in_dim3A_247 = arith.constant 0.000000e+00 : f32
      %broadcast_in_dim3A_248 = vector.broadcast %broadcast_in_dim3A_247 : f32 to vector<16xf32>
      %swap3A_249 = arith.index_cast %scan3A_212 : i32 to index
      %swap3A_250 = arith.constant 80 : index
      %swap3A_251 = tpu.vector_load %arg18[%swap3A_249, %swap3A_250] {strides = array<i32>} : memref<80x128xf32, #tpu.memory_space<vmem>>, vector<1x16xf32>,
      %swap3A_252 = vector.shape_cast %swap3A_251 : vector<1x16xf32> to vector<16xf32>
      %swap3A_253 = vector.shape_cast %broadcast_in_dim3A_248 : vector<16xf32> to vector<1x16xf32>
      tpu.vector_store %arg18[%swap3A_249, %swap3A_250], %swap3A_253 {strides = array<i32>} : memref<80x128xf32, #tpu.memory_space<vmem>>, vector<1x16xf32>,
      %broadcast_in_dim3A_254 = arith.constant 0.000000e+00 : f32
      %broadcast_in_dim3A_255 = vector.broadcast %broadcast_in_dim3A_254 : f32 to vector<16xf32>
      %swap3A_256 = arith.index_cast %scan3A_212 : i32 to index
      %swap3A_257 = arith.constant 96 : index
      %swap3A_258 = tpu.vector_load %arg18[%swap3A_256, %swap3A_257] {strides = array<i32>} : memref<80x128xf32, #tpu.memory_space<vmem>>, vector<1x16xf32>,
      %swap3A_259 = vector.shape_cast %swap3A_258 : vector<1x16xf32> to vector<16xf32>
      %swap3A_260 = vector.shape_cast %broadcast_in_dim3A_255 : vector<16xf32> to vector<1x16xf32>
      tpu.vector_store %arg18[%swap3A_256, %swap3A_257], %swap3A_260 {strides = array<i32>} : memref<80x128xf32, #tpu.memory_space<vmem>>, vector<1x16xf32>,
      %broadcast_in_dim3A_261 = arith.constant 0.000000e+00 : f32
      %broadcast_in_dim3A_262 = vector.broadcast %broadcast_in_dim3A_261 : f32 to vector<16xf32>
      %swap3A_263 = arith.index_cast %scan3A_212 : i32 to index
      %swap3A_264 = arith.constant 112 : index
      %swap3A_265 = tpu.vector_load %arg18[%swap3A_263, %swap3A_264] {strides = array<i32>} : memref<80x128xf32, #tpu.memory_space<vmem>>, vector<1x16xf32>,
      %swap3A_266 = vector.shape_cast %swap3A_265 : vector<1x16xf32> to vector<16xf32>
      %swap3A_267 = vector.shape_cast %broadcast_in_dim3A_262 : vector<16xf32> to vector<1x16xf32>
      tpu.vector_store %arg18[%swap3A_263, %swap3A_264], %swap3A_267 {strides = array<i32>} : memref<80x128xf32, #tpu.memory_space<vmem>>, vector<1x16xf32>,
      %scan3A_268 = arith.constant 0 : i32
      scf.yield %scan3A_268 : i32
    }
    %scan3A_8 = arith.constant 80 : i32
    %mul3A_9 = arith.constant 640 : i32
    %mul3A_10 = arith.muli %arg1, %mul3A_9 : i32
    %add3A_11 = arith.constant 0 : i32
    %add3A_12 = arith.addi %mul3A_10, %add3A_11 : i32
    "tpu.region"() ({
      %run_scoped3A = tpu.sem_alloc : memref<!tpu.dma_semaphore, #tpu.memory_space<semaphore_mem>>
      %dma_start3A_212 = arith.constant 0 : i32
      %dma_start3A_213 = tpu.memref_slice %arg20[%add3A_12, %dma_start3A_212] : memref<10240x128xf32, #tpu.memory_space<vmem_shared>> -> memref<80x128xf32, #tpu.memory_space<vmem_shared>>
      %dma_start3A_214 = arith.constant 0 : i32
      %dma_start3A_215 = tpu.memref_slice %arg20[%add3A_12, %dma_start3A_214] : memref<10240x128xf32, #tpu.memory_space<vmem_shared>> -> memref<80x128xf32, #tpu.memory_space<vmem_shared>>
      tpu.enqueue_dma source(%arg18 : memref<80x128xf32, #tpu.memory_space<vmem>>) target(%dma_start3A_215 : memref<80x128xf32, #tpu.memory_space<vmem_shared>>) target_semaphore(%run_scoped3A : memref<!tpu.dma_semaphore, #tpu.memory_space<semaphore_mem>>)
      %dma_wait3A_216 = arith.constant 0 : i32
      %dma_wait3A_217 = tpu.memref_slice %arg20[%add3A_12, %dma_wait3A_216] : memref<10240x128xf32, #tpu.memory_space<vmem_shared>> -> memref<80x128xf32, #tpu.memory_space<vmem_shared>>
      %dma_wait3A_218 = arith.constant 0 : i32
      %dma_wait3A_219 = tpu.memref_slice %arg20[%add3A_12, %dma_wait3A_218] : memref<10240x128xf32, #tpu.memory_space<vmem_shared>> -> memref<80x128xf32, #tpu.memory_space<vmem_shared>>
      tpu.wait_dma2 semaphore(%run_scoped3A : memref<!tpu.dma_semaphore, #tpu.memory_space<semaphore_mem>>) src(%arg18 : memref<80x128xf32, #tpu.memory_space<vmem>>) dst(%dma_wait3A_219 : memref<80x128xf32, #tpu.memory_space<vmem_shared>>)
      tpu.yield
    }) : () -> ()
    %mul3A_13 = arith.constant 640 : i32
    %mul3A_14 = arith.muli %arg1, %mul3A_13 : i32
    %add3A_15 = arith.constant 80 : i32
    %add3A_16 = arith.addi %mul3A_14, %add3A_15 : i32
    "tpu.region"() ({
      %run_scoped3A = tpu.sem_alloc : memref<!tpu.dma_semaphore, #tpu.memory_space<semaphore_mem>>
      %dma_start3A_212 = arith.constant 0 : i32
      %dma_start3A_213 = tpu.memref_slice %arg20[%add3A_16, %dma_start3A_212] : memref<10240x128xf32, #tpu.memory_space<vmem_shared>> -> memref<80x128xf32, #tpu.memory_space<vmem_shared>>
      %dma_start3A_214 = arith.constant 0 : i32
      %dma_start3A_215 = tpu.memref_slice %arg20[%add3A_16, %dma_start3A_214] : memref<10240x128xf32, #tpu.memory_space<vmem_shared>> -> memref<80x128xf32, #tpu.memory_space<vmem_shared>>
      tpu.enqueue_dma source(%arg18 : memref<80x128xf32, #tpu.memory_space<vmem>>) target(%dma_start3A_215 : memref<80x128xf32, #tpu.memory_space<vmem_shared>>) target_semaphore(%run_scoped3A : memref<!tpu.dma_semaphore, #tpu.memory_space<semaphore_mem>>)
      %dma_wait3A_216 = arith.constant 0 : i32
      %dma_wait3A_217 = tpu.memref_slice %arg20[%add3A_16, %dma_wait3A_216] : memref<10240x128xf32, #tpu.memory_space<vmem_shared>> -> memref<80x128xf32, #tpu.memory_space<vmem_shared>>
      %dma_wait3A_218 = arith.constant 0 : i32
      %dma_wait3A_219 = tpu.memref_slice %arg20[%add3A_16, %dma_wait3A_218] : memref<10240x128xf32, #tpu.memory_space<vmem_shared>> -> memref<80x128xf32, #tpu.memory_space<vmem_shared>>
      tpu.wait_dma2 semaphore(%run_scoped3A : memref<!tpu.dma_semaphore, #tpu.memory_space<semaphore_mem>>) src(%arg18 : memref<80x128xf32, #tpu.memory_space<vmem>>) dst(%dma_wait3A_219 : memref<80x128xf32, #tpu.memory_space<vmem_shared>>)
      tpu.yield
    }) : () -> ()
    %mul3A_17 = arith.constant 640 : i32
    %mul3A_18 = arith.muli %arg1, %mul3A_17 : i32
    %add3A_19 = arith.constant 160 : i32
    %add3A_20 = arith.addi %mul3A_18, %add3A_19 : i32
    "tpu.region"() ({
      %run_scoped3A = tpu.sem_alloc : memref<!tpu.dma_semaphore, #tpu.memory_space<semaphore_mem>>
      %dma_start3A_212 = arith.constant 0 : i32
      %dma_start3A_213 = tpu.memref_slice %arg20[%add3A_20, %dma_start3A_212] : memref<10240x128xf32, #tpu.memory_space<vmem_shared>> -> memref<80x128xf32, #tpu.memory_space<vmem_shared>>
      %dma_start3A_214 = arith.constant 0 : i32
      %dma_start3A_215 = tpu.memref_slice %arg20[%add3A_20, %dma_start3A_214] : memref<10240x128xf32, #tpu.memory_space<vmem_shared>> -> memref<80x128xf32, #tpu.memory_space<vmem_shared>>
      tpu.enqueue_dma source(%arg18 : memref<80x128xf32, #tpu.memory_space<vmem>>) target(%dma_start3A_215 : memref<80x128xf32, #tpu.memory_space<vmem_shared>>) target_semaphore(%run_scoped3A : memref<!tpu.dma_semaphore, #tpu.memory_space<semaphore_mem>>)
      %dma_wait3A_216 = arith.constant 0 : i32
      %dma_wait3A_217 = tpu.memref_slice %arg20[%add3A_20, %dma_wait3A_216] : memref<10240x128xf32, #tpu.memory_space<vmem_shared>> -> memref<80x128xf32, #tpu.memory_space<vmem_shared>>
      %dma_wait3A_218 = arith.constant 0 : i32
      %dma_wait3A_219 = tpu.memref_slice %arg20[%add3A_20, %dma_wait3A_218] : memref<10240x128xf32, #tpu.memory_space<vmem_shared>> -> memref<80x128xf32, #tpu.memory_space<vmem_shared>>
      tpu.wait_dma2 semaphore(%run_scoped3A : memref<!tpu.dma_semaphore, #tpu.memory_space<semaphore_mem>>) src(%arg18 : memref<80x128xf32, #tpu.memory_space<vmem>>) dst(%dma_wait3A_219 : memref<80x128xf32, #tpu.memory_space<vmem_shared>>)
      tpu.yield
    }) : () -> ()
    %mul3A_21 = arith.constant 640 : i32
    %mul3A_22 = arith.muli %arg1, %mul3A_21 : i32
    %add3A_23 = arith.constant 240 : i32
    %add3A_24 = arith.addi %mul3A_22, %add3A_23 : i32
    "tpu.region"() ({
      %run_scoped3A = tpu.sem_alloc : memref<!tpu.dma_semaphore, #tpu.memory_space<semaphore_mem>>
      %dma_start3A_212 = arith.constant 0 : i32
      %dma_start3A_213 = tpu.memref_slice %arg20[%add3A_24, %dma_start3A_212] : memref<10240x128xf32, #tpu.memory_space<vmem_shared>> -> memref<80x128xf32, #tpu.memory_space<vmem_shared>>
      %dma_start3A_214 = arith.constant 0 : i32
      %dma_start3A_215 = tpu.memref_slice %arg20[%add3A_24, %dma_start3A_214] : memref<10240x128xf32, #tpu.memory_space<vmem_shared>> -> memref<80x128xf32, #tpu.memory_space<vmem_shared>>
      tpu.enqueue_dma source(%arg18 : memref<80x128xf32, #tpu.memory_space<vmem>>) target(%dma_start3A_215 : memref<80x128xf32, #tpu.memory_space<vmem_shared>>) target_semaphore(%run_scoped3A : memref<!tpu.dma_semaphore, #tpu.memory_space<semaphore_mem>>)
      %dma_wait3A_216 = arith.constant 0 : i32
      %dma_wait3A_217 = tpu.memref_slice %arg20[%add3A_24, %dma_wait3A_216] : memref<10240x128xf32, #tpu.memory_space<vmem_shared>> -> memref<80x128xf32, #tpu.memory_space<vmem_shared>>
      %dma_wait3A_218 = arith.constant 0 : i32
      %dma_wait3A_219 = tpu.memref_slice %arg20[%add3A_24, %dma_wait3A_218] : memref<10240x128xf32, #tpu.memory_space<vmem_shared>> -> memref<80x128xf32, #tpu.memory_space<vmem_shared>>
      tpu.wait_dma2 semaphore(%run_scoped3A : memref<!tpu.dma_semaphore, #tpu.memory_space<semaphore_mem>>) src(%arg18 : memref<80x128xf32, #tpu.memory_space<vmem>>) dst(%dma_wait3A_219 : memref<80x128xf32, #tpu.memory_space<vmem_shared>>)
      tpu.yield
    }) : () -> ()
    %mul3A_25 = arith.constant 640 : i32
    %mul3A_26 = arith.muli %arg1, %mul3A_25 : i32
    %add3A_27 = arith.constant 320 : i32
    %add3A_28 = arith.addi %mul3A_26, %add3A_27 : i32
    "tpu.region"() ({
      %run_scoped3A = tpu.sem_alloc : memref<!tpu.dma_semaphore, #tpu.memory_space<semaphore_mem>>
      %dma_start3A_212 = arith.constant 0 : i32
      %dma_start3A_213 = tpu.memref_slice %arg20[%add3A_28, %dma_start3A_212] : memref<10240x128xf32, #tpu.memory_space<vmem_shared>> -> memref<80x128xf32, #tpu.memory_space<vmem_shared>>
      %dma_start3A_214 = arith.constant 0 : i32
      %dma_start3A_215 = tpu.memref_slice %arg20[%add3A_28, %dma_start3A_214] : memref<10240x128xf32, #tpu.memory_space<vmem_shared>> -> memref<80x128xf32, #tpu.memory_space<vmem_shared>>
      tpu.enqueue_dma source(%arg18 : memref<80x128xf32, #tpu.memory_space<vmem>>) target(%dma_start3A_215 : memref<80x128xf32, #tpu.memory_space<vmem_shared>>) target_semaphore(%run_scoped3A : memref<!tpu.dma_semaphore, #tpu.memory_space<semaphore_mem>>)
      %dma_wait3A_216 = arith.constant 0 : i32
      %dma_wait3A_217 = tpu.memref_slice %arg20[%add3A_28, %dma_wait3A_216] : memref<10240x128xf32, #tpu.memory_space<vmem_shared>> -> memref<80x128xf32, #tpu.memory_space<vmem_shared>>
      %dma_wait3A_218 = arith.constant 0 : i32
      %dma_wait3A_219 = tpu.memref_slice %arg20[%add3A_28, %dma_wait3A_218] : memref<10240x128xf32, #tpu.memory_space<vmem_shared>> -> memref<80x128xf32, #tpu.memory_space<vmem_shared>>
      tpu.wait_dma2 semaphore(%run_scoped3A : memref<!tpu.dma_semaphore, #tpu.memory_space<semaphore_mem>>) src(%arg18 : memref<80x128xf32, #tpu.memory_space<vmem>>) dst(%dma_wait3A_219 : memref<80x128xf32, #tpu.memory_space<vmem_shared>>)
      tpu.yield
    }) : () -> ()
    %mul3A_29 = arith.constant 640 : i32
    %mul3A_30 = arith.muli %arg1, %mul3A_29 : i32
    %add3A_31 = arith.constant 400 : i32
    %add3A_32 = arith.addi %mul3A_30, %add3A_31 : i32
    "tpu.region"() ({
      %run_scoped3A = tpu.sem_alloc : memref<!tpu.dma_semaphore, #tpu.memory_space<semaphore_mem>>
      %dma_start3A_212 = arith.constant 0 : i32
      %dma_start3A_213 = tpu.memref_slice %arg20[%add3A_32, %dma_start3A_212] : memref<10240x128xf32, #tpu.memory_space<vmem_shared>> -> memref<80x128xf32, #tpu.memory_space<vmem_shared>>
      %dma_start3A_214 = arith.constant 0 : i32
      %dma_start3A_215 = tpu.memref_slice %arg20[%add3A_32, %dma_start3A_214] : memref<10240x128xf32, #tpu.memory_space<vmem_shared>> -> memref<80x128xf32, #tpu.memory_space<vmem_shared>>
      tpu.enqueue_dma source(%arg18 : memref<80x128xf32, #tpu.memory_space<vmem>>) target(%dma_start3A_215 : memref<80x128xf32, #tpu.memory_space<vmem_shared>>) target_semaphore(%run_scoped3A : memref<!tpu.dma_semaphore, #tpu.memory_space<semaphore_mem>>)
      %dma_wait3A_216 = arith.constant 0 : i32
      %dma_wait3A_217 = tpu.memref_slice %arg20[%add3A_32, %dma_wait3A_216] : memref<10240x128xf32, #tpu.memory_space<vmem_shared>> -> memref<80x128xf32, #tpu.memory_space<vmem_shared>>
      %dma_wait3A_218 = arith.constant 0 : i32
      %dma_wait3A_219 = tpu.memref_slice %arg20[%add3A_32, %dma_wait3A_218] : memref<10240x128xf32, #tpu.memory_space<vmem_shared>> -> memref<80x128xf32, #tpu.memory_space<vmem_shared>>
      tpu.wait_dma2 semaphore(%run_scoped3A : memref<!tpu.dma_semaphore, #tpu.memory_space<semaphore_mem>>) src(%arg18 : memref<80x128xf32, #tpu.memory_space<vmem>>) dst(%dma_wait3A_219 : memref<80x128xf32, #tpu.memory_space<vmem_shared>>)
      tpu.yield
    }) : () -> ()
    %mul3A_33 = arith.constant 640 : i32
    %mul3A_34 = arith.muli %arg1, %mul3A_33 : i32
    %add3A_35 = arith.constant 480 : i32
    %add3A_36 = arith.addi %mul3A_34, %add3A_35 : i32
    "tpu.region"() ({
      %run_scoped3A = tpu.sem_alloc : memref<!tpu.dma_semaphore, #tpu.memory_space<semaphore_mem>>
      %dma_start3A_212 = arith.constant 0 : i32
      %dma_start3A_213 = tpu.memref_slice %arg20[%add3A_36, %dma_start3A_212] : memref<10240x128xf32, #tpu.memory_space<vmem_shared>> -> memref<80x128xf32, #tpu.memory_space<vmem_shared>>
      %dma_start3A_214 = arith.constant 0 : i32
      %dma_start3A_215 = tpu.memref_slice %arg20[%add3A_36, %dma_start3A_214] : memref<10240x128xf32, #tpu.memory_space<vmem_shared>> -> memref<80x128xf32, #tpu.memory_space<vmem_shared>>
      tpu.enqueue_dma source(%arg18 : memref<80x128xf32, #tpu.memory_space<vmem>>) target(%dma_start3A_215 : memref<80x128xf32, #tpu.memory_space<vmem_shared>>) target_semaphore(%run_scoped3A : memref<!tpu.dma_semaphore, #tpu.memory_space<semaphore_mem>>)
      %dma_wait3A_216 = arith.constant 0 : i32
      %dma_wait3A_217 = tpu.memref_slice %arg20[%add3A_36, %dma_wait3A_216] : memref<10240x128xf32, #tpu.memory_space<vmem_shared>> -> memref<80x128xf32, #tpu.memory_space<vmem_shared>>
      %dma_wait3A_218 = arith.constant 0 : i32
      %dma_wait3A_219 = tpu.memref_slice %arg20[%add3A_36, %dma_wait3A_218] : memref<10240x128xf32, #tpu.memory_space<vmem_shared>> -> memref<80x128xf32, #tpu.memory_space<vmem_shared>>
      tpu.wait_dma2 semaphore(%run_scoped3A : memref<!tpu.dma_semaphore, #tpu.memory_space<semaphore_mem>>) src(%arg18 : memref<80x128xf32, #tpu.memory_space<vmem>>) dst(%dma_wait3A_219 : memref<80x128xf32, #tpu.memory_space<vmem_shared>>)
      tpu.yield
    }) : () -> ()
    %mul3A_37 = arith.constant 640 : i32
    %mul3A_38 = arith.muli %arg1, %mul3A_37 : i32
    %add3A_39 = arith.constant 560 : i32
    %add3A_40 = arith.addi %mul3A_38, %add3A_39 : i32
    "tpu.region"() ({
      %run_scoped3A = tpu.sem_alloc : memref<!tpu.dma_semaphore, #tpu.memory_space<semaphore_mem>>
      %dma_start3A_212 = arith.constant 0 : i32
      %dma_start3A_213 = tpu.memref_slice %arg20[%add3A_40, %dma_start3A_212] : memref<10240x128xf32, #tpu.memory_space<vmem_shared>> -> memref<80x128xf32, #tpu.memory_space<vmem_shared>>
      %dma_start3A_214 = arith.constant 0 : i32
      %dma_start3A_215 = tpu.memref_slice %arg20[%add3A_40, %dma_start3A_214] : memref<10240x128xf32, #tpu.memory_space<vmem_shared>> -> memref<80x128xf32, #tpu.memory_space<vmem_shared>>
      tpu.enqueue_dma source(%arg18 : memref<80x128xf32, #tpu.memory_space<vmem>>) target(%dma_start3A_215 : memref<80x128xf32, #tpu.memory_space<vmem_shared>>) target_semaphore(%run_scoped3A : memref<!tpu.dma_semaphore, #tpu.memory_space<semaphore_mem>>)
      %dma_wait3A_216 = arith.constant 0 : i32
      %dma_wait3A_217 = tpu.memref_slice %arg20[%add3A_40, %dma_wait3A_216] : memref<10240x128xf32, #tpu.memory_space<vmem_shared>> -> memref<80x128xf32, #tpu.memory_space<vmem_shared>>
      %dma_wait3A_218 = arith.constant 0 : i32
      %dma_wait3A_219 = tpu.memref_slice %arg20[%add3A_40, %dma_wait3A_218] : memref<10240x128xf32, #tpu.memory_space<vmem_shared>> -> memref<80x128xf32, #tpu.memory_space<vmem_shared>>
      tpu.wait_dma2 semaphore(%run_scoped3A : memref<!tpu.dma_semaphore, #tpu.memory_space<semaphore_mem>>) src(%arg18 : memref<80x128xf32, #tpu.memory_space<vmem>>) dst(%dma_wait3A_219 : memref<80x128xf32, #tpu.memory_space<vmem_shared>>)
      tpu.yield
    }) : () -> ()
    %barrier3A = arith.constant 0 : index
    tpu.barrier barrier_id(%barrier3A)
    %add3A_41 = arith.constant 0 : i32
    %add3A_42 = arith.addi %mul3A_2, %add3A_41 : i32
    %dma_start3A = tpu.memref_slice %arg4[%add3A_42] : memref<327680xi32, #tpu.memory_space<hbm>> -> memref<80xi32, #tpu.memory_space<hbm>>
    %dma_start3A_43 = tpu.memref_slice %arg4[%add3A_42] : memref<327680xi32, #tpu.memory_space<hbm>> -> memref<80xi32, #tpu.memory_space<hbm>>
    tpu.enqueue_dma source(%dma_start3A_43 : memref<80xi32, #tpu.memory_space<hbm>>) target(%arg8 : memref<80xi32, #tpu.memory_space<vmem>>) target_semaphore(%arg25 : memref<!tpu.dma_semaphore, #tpu.memory_space<semaphore_mem>>)
    %dma_start3A_44 = tpu.memref_slice %arg5[%add3A_42] : memref<327680xi32, #tpu.memory_space<hbm>> -> memref<80xi32, #tpu.memory_space<hbm>>
    %dma_start3A_45 = tpu.memref_slice %arg5[%add3A_42] : memref<327680xi32, #tpu.memory_space<hbm>> -> memref<80xi32, #tpu.memory_space<hbm>>
    tpu.enqueue_dma source(%dma_start3A_45 : memref<80xi32, #tpu.memory_space<hbm>>) target(%arg12 : memref<80xi32, #tpu.memory_space<vmem>>) target_semaphore(%arg25 : memref<!tpu.dma_semaphore, #tpu.memory_space<semaphore_mem>>)
    %add3A_46 = arith.constant 80 : i32
    %add3A_47 = arith.addi %mul3A_2, %add3A_46 : i32
    %dma_start3A_48 = tpu.memref_slice %arg4[%add3A_47] : memref<327680xi32, #tpu.memory_space<hbm>> -> memref<80xi32, #tpu.memory_space<hbm>>
    %dma_start3A_49 = tpu.memref_slice %arg4[%add3A_47] : memref<327680xi32, #tpu.memory_space<hbm>> -> memref<80xi32, #tpu.memory_space<hbm>>
    tpu.enqueue_dma source(%dma_start3A_49 : memref<80xi32, #tpu.memory_space<hbm>>) target(%arg9 : memref<80xi32, #tpu.memory_space<vmem>>) target_semaphore(%arg26 : memref<!tpu.dma_semaphore, #tpu.memory_space<semaphore_mem>>)
    %dma_start3A_50 = tpu.memref_slice %arg5[%add3A_47] : memref<327680xi32, #tpu.memory_space<hbm>> -> memref<80xi32, #tpu.memory_space<hbm>>
    %dma_start3A_51 = tpu.memref_slice %arg5[%add3A_47] : memref<327680xi32, #tpu.memory_space<hbm>> -> memref<80xi32, #tpu.memory_space<hbm>>
    tpu.enqueue_dma source(%dma_start3A_51 : memref<80xi32, #tpu.memory_space<hbm>>) target(%arg13 : memref<80xi32, #tpu.memory_space<vmem>>) target_semaphore(%arg26 : memref<!tpu.dma_semaphore, #tpu.memory_space<semaphore_mem>>)
    %add3A_52 = arith.constant 160 : i32
    %add3A_53 = arith.addi %mul3A_2, %add3A_52 : i32
    %dma_start3A_54 = tpu.memref_slice %arg4[%add3A_53] : memref<327680xi32, #tpu.memory_space<hbm>> -> memref<80xi32, #tpu.memory_space<hbm>>
    %dma_start3A_55 = tpu.memref_slice %arg4[%add3A_53] : memref<327680xi32, #tpu.memory_space<hbm>> -> memref<80xi32, #tpu.memory_space<hbm>>
    tpu.enqueue_dma source(%dma_start3A_55 : memref<80xi32, #tpu.memory_space<hbm>>) target(%arg10 : memref<80xi32, #tpu.memory_space<vmem>>) target_semaphore(%arg27 : memref<!tpu.dma_semaphore, #tpu.memory_space<semaphore_mem>>)
    %dma_start3A_56 = tpu.memref_slice %arg5[%add3A_53] : memref<327680xi32, #tpu.memory_space<hbm>> -> memref<80xi32, #tpu.memory_space<hbm>>
    %dma_start3A_57 = tpu.memref_slice %arg5[%add3A_53] : memref<327680xi32, #tpu.memory_space<hbm>> -> memref<80xi32, #tpu.memory_space<hbm>>
    tpu.enqueue_dma source(%dma_start3A_57 : memref<80xi32, #tpu.memory_space<hbm>>) target(%arg14 : memref<80xi32, #tpu.memory_space<vmem>>) target_semaphore(%arg27 : memref<!tpu.dma_semaphore, #tpu.memory_space<semaphore_mem>>)
    %add3A_58 = arith.constant 240 : i32
    %add3A_59 = arith.addi %mul3A_2, %add3A_58 : i32
    %dma_start3A_60 = tpu.memref_slice %arg4[%add3A_59] : memref<327680xi32, #tpu.memory_space<hbm>> -> memref<80xi32, #tpu.memory_space<hbm>>
    %dma_start3A_61 = tpu.memref_slice %arg4[%add3A_59] : memref<327680xi32, #tpu.memory_space<hbm>> -> memref<80xi32, #tpu.memory_space<hbm>>
    tpu.enqueue_dma source(%dma_start3A_61 : memref<80xi32, #tpu.memory_space<hbm>>) target(%arg11 : memref<80xi32, #tpu.memory_space<vmem>>) target_semaphore(%arg28 : memref<!tpu.dma_semaphore, #tpu.memory_space<semaphore_mem>>)
    %dma_start3A_62 = tpu.memref_slice %arg5[%add3A_59] : memref<327680xi32, #tpu.memory_space<hbm>> -> memref<80xi32, #tpu.memory_space<hbm>>
    %dma_start3A_63 = tpu.memref_slice %arg5[%add3A_59] : memref<327680xi32, #tpu.memory_space<hbm>> -> memref<80xi32, #tpu.memory_space<hbm>>
    tpu.enqueue_dma source(%dma_start3A_63 : memref<80xi32, #tpu.memory_space<hbm>>) target(%arg15 : memref<80xi32, #tpu.memory_space<vmem>>) target_semaphore(%arg28 : memref<!tpu.dma_semaphore, #tpu.memory_space<semaphore_mem>>)
    %dma_wait3A = arith.constant 0 : i32
    %dma_wait3A_64 = tpu.memref_slice %arg4[%dma_wait3A] : memref<327680xi32, #tpu.memory_space<hbm>> -> memref<80xi32, #tpu.memory_space<hbm>>
    %dma_wait3A_65 = arith.constant 0 : i32
    %dma_wait3A_66 = tpu.memref_slice %arg4[%dma_wait3A_65] : memref<327680xi32, #tpu.memory_space<hbm>> -> memref<80xi32, #tpu.memory_space<hbm>>
    tpu.wait_dma2 semaphore(%arg25 : memref<!tpu.dma_semaphore, #tpu.memory_space<semaphore_mem>>) src(%dma_wait3A_66 : memref<80xi32, #tpu.memory_space<hbm>>) dst(%arg8 : memref<80xi32, #tpu.memory_space<vmem>>)
    %dma_wait3A_67 = arith.constant 0 : i32
    %dma_wait3A_68 = tpu.memref_slice %arg5[%dma_wait3A_67] : memref<327680xi32, #tpu.memory_space<hbm>> -> memref<80xi32, #tpu.memory_space<hbm>>
    %dma_wait3A_69 = arith.constant 0 : i32
    %dma_wait3A_70 = tpu.memref_slice %arg5[%dma_wait3A_69] : memref<327680xi32, #tpu.memory_space<hbm>> -> memref<80xi32, #tpu.memory_space<hbm>>
    tpu.wait_dma2 semaphore(%arg25 : memref<!tpu.dma_semaphore, #tpu.memory_space<semaphore_mem>>) src(%dma_wait3A_70 : memref<80xi32, #tpu.memory_space<hbm>>) dst(%arg12 : memref<80xi32, #tpu.memory_space<vmem>>)
    %dma_start3A_71 = arith.constant 0 : i32
    %dma_start3A_72 = arith.constant 0 : i32
    %dma_start3A_73 = tpu.memref_slice %arg2[%dma_start3A_71, %dma_start3A_72] : memref<10000x128xf32, #tpu.memory_space<hbm>> -> memref<10000x128xf32, #tpu.memory_space<hbm>>
    tpu.enqueue_indirect_dma source(%dma_start3A_73 : memref<10000x128xf32, #tpu.memory_space<hbm>>) target(%arg16 : memref<80x128xf32, #tpu.memory_space<vmem>>) offsets(%arg8 : memref<80xi32, #tpu.memory_space<vmem>>) semaphore(%arg21 : memref<!tpu.dma_semaphore, #tpu.memory_space<semaphore_mem>>)
    %dma_start3A_74 = arith.constant 0 : i32
    %dma_start3A_75 = arith.constant 0 : i32
    %dma_start3A_76 = tpu.memref_slice %arg2[%dma_start3A_74, %dma_start3A_75] : memref<10000x128xf32, #tpu.memory_space<hbm>> -> memref<10000x128xf32, #tpu.memory_space<hbm>>
    tpu.enqueue_indirect_dma source(%dma_start3A_76 : memref<10000x128xf32, #tpu.memory_space<hbm>>) target(%arg18 : memref<80x128xf32, #tpu.memory_space<vmem>>) offsets(%arg12 : memref<80xi32, #tpu.memory_space<vmem>>) semaphore(%arg23 : memref<!tpu.dma_semaphore, #tpu.memory_space<semaphore_mem>>)
    %dma_wait3A_77 = arith.constant 0 : i32
    %dma_wait3A_78 = tpu.memref_slice %arg4[%dma_wait3A_77] : memref<327680xi32, #tpu.memory_space<hbm>> -> memref<80xi32, #tpu.memory_space<hbm>>
    %dma_wait3A_79 = arith.constant 0 : i32
    %dma_wait3A_80 = tpu.memref_slice %arg4[%dma_wait3A_79] : memref<327680xi32, #tpu.memory_space<hbm>> -> memref<80xi32, #tpu.memory_space<hbm>>
    tpu.wait_dma2 semaphore(%arg26 : memref<!tpu.dma_semaphore, #tpu.memory_space<semaphore_mem>>) src(%dma_wait3A_80 : memref<80xi32, #tpu.memory_space<hbm>>) dst(%arg9 : memref<80xi32, #tpu.memory_space<vmem>>)
    %dma_wait3A_81 = arith.constant 0 : i32
    %dma_wait3A_82 = tpu.memref_slice %arg5[%dma_wait3A_81] : memref<327680xi32, #tpu.memory_space<hbm>> -> memref<80xi32, #tpu.memory_space<hbm>>
    %dma_wait3A_83 = arith.constant 0 : i32
    %dma_wait3A_84 = tpu.memref_slice %arg5[%dma_wait3A_83] : memref<327680xi32, #tpu.memory_space<hbm>> -> memref<80xi32, #tpu.memory_space<hbm>>
    tpu.wait_dma2 semaphore(%arg26 : memref<!tpu.dma_semaphore, #tpu.memory_space<semaphore_mem>>) src(%dma_wait3A_84 : memref<80xi32, #tpu.memory_space<hbm>>) dst(%arg13 : memref<80xi32, #tpu.memory_space<vmem>>)
    %dma_start3A_85 = arith.constant 0 : i32
    %dma_start3A_86 = arith.constant 0 : i32
    %dma_start3A_87 = tpu.memref_slice %arg2[%dma_start3A_85, %dma_start3A_86] : memref<10000x128xf32, #tpu.memory_space<hbm>> -> memref<10000x128xf32, #tpu.memory_space<hbm>>
    tpu.enqueue_indirect_dma source(%dma_start3A_87 : memref<10000x128xf32, #tpu.memory_space<hbm>>) target(%arg17 : memref<80x128xf32, #tpu.memory_space<vmem>>) offsets(%arg9 : memref<80xi32, #tpu.memory_space<vmem>>) semaphore(%arg22 : memref<!tpu.dma_semaphore, #tpu.memory_space<semaphore_mem>>)
    %dma_start3A_88 = arith.constant 0 : i32
    %dma_start3A_89 = arith.constant 0 : i32
    %dma_start3A_90 = tpu.memref_slice %arg2[%dma_start3A_88, %dma_start3A_89] : memref<10000x128xf32, #tpu.memory_space<hbm>> -> memref<10000x128xf32, #tpu.memory_space<hbm>>
    tpu.enqueue_indirect_dma source(%dma_start3A_90 : memref<10000x128xf32, #tpu.memory_space<hbm>>) target(%arg19 : memref<80x128xf32, #tpu.memory_space<vmem>>) offsets(%arg13 : memref<80xi32, #tpu.memory_space<vmem>>) semaphore(%arg24 : memref<!tpu.dma_semaphore, #tpu.memory_space<semaphore_mem>>)
    %scan3A_91 = arith.constant 0 : i32
    %scan3A_92 = arith.constant 0 : i32
    %scan3A_93 = arith.constant 32 : i32
    %scan3A_94 = arith.addi %scan3A_92, %scan3A_93 : i32
    %scan3A_95 = arith.constant 1 : i32
    %scan3A_96 = scf.for %scan3A_212 = %scan3A_92 to %scan3A_94 step %scan3A_95 iter_args(%scan3A_213 = %scan3A_91) -> (i32)  : i32 {
      %mul3A_214 = arith.constant 4 : i32
      %mul3A_215 = arith.muli %mul3A_214, %scan3A_212 : i32
      %add3A_216 = arith.constant 0 : i32
      %add3A_217 = arith.addi %mul3A_215, %add3A_216 : i32
      %dma_wait3A_218 = arith.constant 0 : i32
      %dma_wait3A_219 = arith.constant 0 : i32
      %dma_wait3A_220 = tpu.memref_slice %arg2[%dma_wait3A_218, %dma_wait3A_219] : memref<10000x128xf32, #tpu.memory_space<hbm>> -> memref<10000x128xf32, #tpu.memory_space<hbm>>
      tpu.wait_indirect_dma semaphore(%arg21 : memref<!tpu.dma_semaphore, #tpu.memory_space<semaphore_mem>>) src(%dma_wait3A_220 : memref<10000x128xf32, #tpu.memory_space<hbm>>) dst(%arg16 : memref<80x128xf32, #tpu.memory_space<vmem>>)
      %dma_wait3A_221 = arith.constant 0 : i32
      %dma_wait3A_222 = arith.constant 0 : i32
      %dma_wait3A_223 = tpu.memref_slice %arg2[%dma_wait3A_221, %dma_wait3A_222] : memref<10000x128xf32, #tpu.memory_space<hbm>> -> memref<10000x128xf32, #tpu.memory_space<hbm>>
      tpu.wait_indirect_dma semaphore(%arg23 : memref<!tpu.dma_semaphore, #tpu.memory_space<semaphore_mem>>) src(%dma_wait3A_223 : memref<10000x128xf32, #tpu.memory_space<hbm>>) dst(%arg18 : memref<80x128xf32, #tpu.memory_space<vmem>>)
      %scan3A_224 = arith.constant 0 : i32
      %scan3A_225 = arith.constant 0 : i32
      %scan3A_226 = arith.constant 80 : i32
      %scan3A_227 = arith.addi %scan3A_225, %scan3A_226 : i32
      %scan3A_228 = arith.constant 1 : i32
      %scan3A_229 = scf.for %scan3A_336 = %scan3A_225 to %scan3A_227 step %scan3A_228 iter_args(%scan3A_337 = %scan3A_224) -> (i32)  : i32 {
        %get3A = arith.index_cast %scan3A_336 : i32 to index
        %get3A_338 = arith.constant 0 : index
        %get3A_339 = tpu.vector_load %arg16[%get3A, %get3A_338] {strides = array<i32>} : memref<80x128xf32, #tpu.memory_space<vmem>>, vector<1x16xf32>,
        %get3A_340 = vector.shape_cast %get3A_339 : vector<1x16xf32> to vector<16xf32>
        %get3A_341 = arith.index_cast %scan3A_336 : i32 to index
        %get3A_342 = arith.constant 0 : index
        %get3A_343 = tpu.vector_load %arg18[%get3A_341, %get3A_342] {strides = array<i32>} : memref<80x128xf32, #tpu.memory_space<vmem>>, vector<1x16xf32>,
        %get3A_344 = vector.shape_cast %get3A_343 : vector<1x16xf32> to vector<16xf32>
        %sub3A = arith.subf %get3A_340, %get3A_344 : vector<16xf32>
        %max3A = arith.constant 0.000000e+00 : f32
        %max3A_345 = vector.broadcast %max3A : f32 to vector<16xf32>
        %max3A_346 = arith.maximumf %sub3A, %max3A_345 : vector<16xf32>
        %swap3A = arith.index_cast %scan3A_336 : i32 to index
        %swap3A_347 = arith.constant 0 : index
        %swap3A_348 = tpu.vector_load %arg16[%swap3A, %swap3A_347] {strides = array<i32>} : memref<80x128xf32, #tpu.memory_space<vmem>>, vector<1x16xf32>,
        %swap3A_349 = vector.shape_cast %swap3A_348 : vector<1x16xf32> to vector<16xf32>
        %swap3A_350 = vector.shape_cast %max3A_346 : vector<16xf32> to vector<1x16xf32>
        tpu.vector_store %arg16[%swap3A, %swap3A_347], %swap3A_350 {strides = array<i32>} : memref<80x128xf32, #tpu.memory_space<vmem>>, vector<1x16xf32>,
        %get3A_351 = arith.index_cast %scan3A_336 : i32 to index
        %get3A_352 = arith.constant 16 : index
        %get3A_353 = tpu.vector_load %arg16[%get3A_351, %get3A_352] {strides = array<i32>} : memref<80x128xf32, #tpu.memory_space<vmem>>, vector<1x16xf32>,
        %get3A_354 = vector.shape_cast %get3A_353 : vector<1x16xf32> to vector<16xf32>
        %get3A_355 = arith.index_cast %scan3A_336 : i32 to index
        %get3A_356 = arith.constant 16 : index
        %get3A_357 = tpu.vector_load %arg18[%get3A_355, %get3A_356] {strides = array<i32>} : memref<80x128xf32, #tpu.memory_space<vmem>>, vector<1x16xf32>,
        %get3A_358 = vector.shape_cast %get3A_357 : vector<1x16xf32> to vector<16xf32>
        %sub3A_359 = arith.subf %get3A_354, %get3A_358 : vector<16xf32>
        %max3A_360 = arith.constant 0.000000e+00 : f32
        %max3A_361 = vector.broadcast %max3A_360 : f32 to vector<16xf32>
        %max3A_362 = arith.maximumf %sub3A_359, %max3A_361 : vector<16xf32>
        %swap3A_363 = arith.index_cast %scan3A_336 : i32 to index
        %swap3A_364 = arith.constant 16 : index
        %swap3A_365 = tpu.vector_load %arg16[%swap3A_363, %swap3A_364] {strides = array<i32>} : memref<80x128xf32, #tpu.memory_space<vmem>>, vector<1x16xf32>,
        %swap3A_366 = vector.shape_cast %swap3A_365 : vector<1x16xf32> to vector<16xf32>
        %swap3A_367 = vector.shape_cast %max3A_362 : vector<16xf32> to vector<1x16xf32>
        tpu.vector_store %arg16[%swap3A_363, %swap3A_364], %swap3A_367 {strides = array<i32>} : memref<80x128xf32, #tpu.memory_space<vmem>>, vector<1x16xf32>,
        %get3A_368 = arith.index_cast %scan3A_336 : i32 to index
        %get3A_369 = arith.constant 32 : index
        %get3A_370 = tpu.vector_load %arg16[%get3A_368, %get3A_369] {strides = array<i32>} : memref<80x128xf32, #tpu.memory_space<vmem>>, vector<1x16xf32>,
        %get3A_371 = vector.shape_cast %get3A_370 : vector<1x16xf32> to vector<16xf32>
        %get3A_372 = arith.index_cast %scan3A_336 : i32 to index
        %get3A_373 = arith.constant 32 : index
        %get3A_374 = tpu.vector_load %arg18[%get3A_372, %get3A_373] {strides = array<i32>} : memref<80x128xf32, #tpu.memory_space<vmem>>, vector<1x16xf32>,
        %get3A_375 = vector.shape_cast %get3A_374 : vector<1x16xf32> to vector<16xf32>
        %sub3A_376 = arith.subf %get3A_371, %get3A_375 : vector<16xf32>
        %max3A_377 = arith.constant 0.000000e+00 : f32
        %max3A_378 = vector.broadcast %max3A_377 : f32 to vector<16xf32>
        %max3A_379 = arith.maximumf %sub3A_376, %max3A_378 : vector<16xf32>
        %swap3A_380 = arith.index_cast %scan3A_336 : i32 to index
        %swap3A_381 = arith.constant 32 : index
        %swap3A_382 = tpu.vector_load %arg16[%swap3A_380, %swap3A_381] {strides = array<i32>} : memref<80x128xf32, #tpu.memory_space<vmem>>, vector<1x16xf32>,
        %swap3A_383 = vector.shape_cast %swap3A_382 : vector<1x16xf32> to vector<16xf32>
        %swap3A_384 = vector.shape_cast %max3A_379 : vector<16xf32> to vector<1x16xf32>
        tpu.vector_store %arg16[%swap3A_380, %swap3A_381], %swap3A_384 {strides = array<i32>} : memref<80x128xf32, #tpu.memory_space<vmem>>, vector<1x16xf32>,
        %get3A_385 = arith.index_cast %scan3A_336 : i32 to index
        %get3A_386 = arith.constant 48 : index
        %get3A_387 = tpu.vector_load %arg16[%get3A_385, %get3A_386] {strides = array<i32>} : memref<80x128xf32, #tpu.memory_space<vmem>>, vector<1x16xf32>,
        %get3A_388 = vector.shape_cast %get3A_387 : vector<1x16xf32> to vector<16xf32>
        %get3A_389 = arith.index_cast %scan3A_336 : i32 to index
        %get3A_390 = arith.constant 48 : index
        %get3A_391 = tpu.vector_load %arg18[%get3A_389, %get3A_390] {strides = array<i32>} : memref<80x128xf32, #tpu.memory_space<vmem>>, vector<1x16xf32>,
        %get3A_392 = vector.shape_cast %get3A_391 : vector<1x16xf32> to vector<16xf32>
        %sub3A_393 = arith.subf %get3A_388, %get3A_392 : vector<16xf32>
        %max3A_394 = arith.constant 0.000000e+00 : f32
        %max3A_395 = vector.broadcast %max3A_394 : f32 to vector<16xf32>
        %max3A_396 = arith.maximumf %sub3A_393, %max3A_395 : vector<16xf32>
        %swap3A_397 = arith.index_cast %scan3A_336 : i32 to index
        %swap3A_398 = arith.constant 48 : index
        %swap3A_399 = tpu.vector_load %arg16[%swap3A_397, %swap3A_398] {strides = array<i32>} : memref<80x128xf32, #tpu.memory_space<vmem>>, vector<1x16xf32>,
        %swap3A_400 = vector.shape_cast %swap3A_399 : vector<1x16xf32> to vector<16xf32>
        %swap3A_401 = vector.shape_cast %max3A_396 : vector<16xf32> to vector<1x16xf32>
        tpu.vector_store %arg16[%swap3A_397, %swap3A_398], %swap3A_401 {strides = array<i32>} : memref<80x128xf32, #tpu.memory_space<vmem>>, vector<1x16xf32>,
        %get3A_402 = arith.index_cast %scan3A_336 : i32 to index
        %get3A_403 = arith.constant 64 : index
        %get3A_404 = tpu.vector_load %arg16[%get3A_402, %get3A_403] {strides = array<i32>} : memref<80x128xf32, #tpu.memory_space<vmem>>, vector<1x16xf32>,
        %get3A_405 = vector.shape_cast %get3A_404 : vector<1x16xf32> to vector<16xf32>
        %get3A_406 = arith.index_cast %scan3A_336 : i32 to index
        %get3A_407 = arith.constant 64 : index
        %get3A_408 = tpu.vector_load %arg18[%get3A_406, %get3A_407] {strides = array<i32>} : memref<80x128xf32, #tpu.memory_space<vmem>>, vector<1x16xf32>,
        %get3A_409 = vector.shape_cast %get3A_408 : vector<1x16xf32> to vector<16xf32>
        %sub3A_410 = arith.subf %get3A_405, %get3A_409 : vector<16xf32>
        %max3A_411 = arith.constant 0.000000e+00 : f32
        %max3A_412 = vector.broadcast %max3A_411 : f32 to vector<16xf32>
        %max3A_413 = arith.maximumf %sub3A_410, %max3A_412 : vector<16xf32>
        %swap3A_414 = arith.index_cast %scan3A_336 : i32 to index
        %swap3A_415 = arith.constant 64 : index
        %swap3A_416 = tpu.vector_load %arg16[%swap3A_414, %swap3A_415] {strides = array<i32>} : memref<80x128xf32, #tpu.memory_space<vmem>>, vector<1x16xf32>,
        %swap3A_417 = vector.shape_cast %swap3A_416 : vector<1x16xf32> to vector<16xf32>
        %swap3A_418 = vector.shape_cast %max3A_413 : vector<16xf32> to vector<1x16xf32>
        tpu.vector_store %arg16[%swap3A_414, %swap3A_415], %swap3A_418 {strides = array<i32>} : memref<80x128xf32, #tpu.memory_space<vmem>>, vector<1x16xf32>,
        %get3A_419 = arith.index_cast %scan3A_336 : i32 to index
        %get3A_420 = arith.constant 80 : index
        %get3A_421 = tpu.vector_load %arg16[%get3A_419, %get3A_420] {strides = array<i32>} : memref<80x128xf32, #tpu.memory_space<vmem>>, vector<1x16xf32>,
        %get3A_422 = vector.shape_cast %get3A_421 : vector<1x16xf32> to vector<16xf32>
        %get3A_423 = arith.index_cast %scan3A_336 : i32 to index
        %get3A_424 = arith.constant 80 : index
        %get3A_425 = tpu.vector_load %arg18[%get3A_423, %get3A_424] {strides = array<i32>} : memref<80x128xf32, #tpu.memory_space<vmem>>, vector<1x16xf32>,
        %get3A_426 = vector.shape_cast %get3A_425 : vector<1x16xf32> to vector<16xf32>
        %sub3A_427 = arith.subf %get3A_422, %get3A_426 : vector<16xf32>
        %max3A_428 = arith.constant 0.000000e+00 : f32
        %max3A_429 = vector.broadcast %max3A_428 : f32 to vector<16xf32>
        %max3A_430 = arith.maximumf %sub3A_427, %max3A_429 : vector<16xf32>
        %swap3A_431 = arith.index_cast %scan3A_336 : i32 to index
        %swap3A_432 = arith.constant 80 : index
        %swap3A_433 = tpu.vector_load %arg16[%swap3A_431, %swap3A_432] {strides = array<i32>} : memref<80x128xf32, #tpu.memory_space<vmem>>, vector<1x16xf32>,
        %swap3A_434 = vector.shape_cast %swap3A_433 : vector<1x16xf32> to vector<16xf32>
        %swap3A_435 = vector.shape_cast %max3A_430 : vector<16xf32> to vector<1x16xf32>
        tpu.vector_store %arg16[%swap3A_431, %swap3A_432], %swap3A_435 {strides = array<i32>} : memref<80x128xf32, #tpu.memory_space<vmem>>, vector<1x16xf32>,
        %get3A_436 = arith.index_cast %scan3A_336 : i32 to index
        %get3A_437 = arith.constant 96 : index
        %get3A_438 = tpu.vector_load %arg16[%get3A_436, %get3A_437] {strides = array<i32>} : memref<80x128xf32, #tpu.memory_space<vmem>>, vector<1x16xf32>,
        %get3A_439 = vector.shape_cast %get3A_438 : vector<1x16xf32> to vector<16xf32>
        %get3A_440 = arith.index_cast %scan3A_336 : i32 to index
        %get3A_441 = arith.constant 96 : index
        %get3A_442 = tpu.vector_load %arg18[%get3A_440, %get3A_441] {strides = array<i32>} : memref<80x128xf32, #tpu.memory_space<vmem>>, vector<1x16xf32>,
        %get3A_443 = vector.shape_cast %get3A_442 : vector<1x16xf32> to vector<16xf32>
        %sub3A_444 = arith.subf %get3A_439, %get3A_443 : vector<16xf32>
        %max3A_445 = arith.constant 0.000000e+00 : f32
        %max3A_446 = vector.broadcast %max3A_445 : f32 to vector<16xf32>
        %max3A_447 = arith.maximumf %sub3A_444, %max3A_446 : vector<16xf32>
        %swap3A_448 = arith.index_cast %scan3A_336 : i32 to index
        %swap3A_449 = arith.constant 96 : index
        %swap3A_450 = tpu.vector_load %arg16[%swap3A_448, %swap3A_449] {strides = array<i32>} : memref<80x128xf32, #tpu.memory_space<vmem>>, vector<1x16xf32>,
        %swap3A_451 = vector.shape_cast %swap3A_450 : vector<1x16xf32> to vector<16xf32>
        %swap3A_452 = vector.shape_cast %max3A_447 : vector<16xf32> to vector<1x16xf32>
        tpu.vector_store %arg16[%swap3A_448, %swap3A_449], %swap3A_452 {strides = array<i32>} : memref<80x128xf32, #tpu.memory_space<vmem>>, vector<1x16xf32>,
        %get3A_453 = arith.index_cast %scan3A_336 : i32 to index
        %get3A_454 = arith.constant 112 : index
        %get3A_455 = tpu.vector_load %arg16[%get3A_453, %get3A_454] {strides = array<i32>} : memref<80x128xf32, #tpu.memory_space<vmem>>, vector<1x16xf32>,
        %get3A_456 = vector.shape_cast %get3A_455 : vector<1x16xf32> to vector<16xf32>
        %get3A_457 = arith.index_cast %scan3A_336 : i32 to index
        %get3A_458 = arith.constant 112 : index
        %get3A_459 = tpu.vector_load %arg18[%get3A_457, %get3A_458] {strides = array<i32>} : memref<80x128xf32, #tpu.memory_space<vmem>>, vector<1x16xf32>,
        %get3A_460 = vector.shape_cast %get3A_459 : vector<1x16xf32> to vector<16xf32>
        %sub3A_461 = arith.subf %get3A_456, %get3A_460 : vector<16xf32>
        %max3A_462 = arith.constant 0.000000e+00 : f32
        %max3A_463 = vector.broadcast %max3A_462 : f32 to vector<16xf32>
        %max3A_464 = arith.maximumf %sub3A_461, %max3A_463 : vector<16xf32>
        %swap3A_465 = arith.index_cast %scan3A_336 : i32 to index
        %swap3A_466 = arith.constant 112 : index
        %swap3A_467 = tpu.vector_load %arg16[%swap3A_465, %swap3A_466] {strides = array<i32>} : memref<80x128xf32, #tpu.memory_space<vmem>>, vector<1x16xf32>,
        %swap3A_468 = vector.shape_cast %swap3A_467 : vector<1x16xf32> to vector<16xf32>
        %swap3A_469 = vector.shape_cast %max3A_464 : vector<16xf32> to vector<1x16xf32>
        tpu.vector_store %arg16[%swap3A_465, %swap3A_466], %swap3A_469 {strides = array<i32>} : memref<80x128xf32, #tpu.memory_space<vmem>>, vector<1x16xf32>,
        %scan3A_470 = arith.constant 0 : i32
        scf.yield %scan3A_470 : i32
      }
      %scan3A_230 = arith.constant 80 : i32
      "tpu.region"() ({
        %run_scoped3A = tpu.sem_alloc : memref<!tpu.dma_semaphore, #tpu.memory_space<semaphore_mem>>
        %dma_start3A_336 = arith.constant 0 : i32
        %dma_start3A_337 = arith.constant 0 : i32
        %dma_start3A_338 = tpu.memref_slice %arg20[%dma_start3A_336, %dma_start3A_337] : memref<10240x128xf32, #tpu.memory_space<vmem_shared>> -> memref<10240x128xf32, #tpu.memory_space<vmem_shared>>
        tpu.enqueue_indirect_dma source(%arg16 : memref<80x128xf32, #tpu.memory_space<vmem>>) target(%dma_start3A_338 : memref<10240x128xf32, #tpu.memory_space<vmem_shared>>) offsets(%arg12 : memref<80xi32, #tpu.memory_space<vmem>>) semaphore(%run_scoped3A : memref<!tpu.dma_semaphore, #tpu.memory_space<semaphore_mem>>) {add = true}
        %dma_wait3A_339 = arith.constant 0 : i32
        %dma_wait3A_340 = arith.constant 0 : i32
        %dma_wait3A_341 = tpu.memref_slice %arg20[%dma_wait3A_339, %dma_wait3A_340] : memref<10240x128xf32, #tpu.memory_space<vmem_shared>> -> memref<10240x128xf32, #tpu.memory_space<vmem_shared>>
        tpu.wait_indirect_dma semaphore(%run_scoped3A : memref<!tpu.dma_semaphore, #tpu.memory_space<semaphore_mem>>) src(%arg16 : memref<80x128xf32, #tpu.memory_space<vmem>>) dst(%dma_wait3A_341 : memref<10240x128xf32, #tpu.memory_space<vmem_shared>>)
        tpu.yield
      }) : () -> ()
      %add3A_231 = arith.constant 4 : i32
      %add3A_232 = arith.addi %add3A_217, %add3A_231 : i32
      %lt3A = arith.constant 128 : i32
      %lt3A_233 = arith.cmpi slt, %add3A_232, %lt3A : i32
      %convert_element_type3A = arith.extui %lt3A_233 : i1 to i32
      %cond3A = arith.constant 0 : i32
      %cond3A_234 = arith.cmpi ne, %convert_element_type3A, %cond3A : i32
      scf.if %cond3A_234 {
        %add3A_336 = arith.constant 4 : i32
        %add3A_337 = arith.addi %add3A_217, %add3A_336 : i32
        %mul3A_338 = arith.constant 80 : i32
        %mul3A_339 = arith.muli %add3A_337, %mul3A_338 : i32
        %add3A_340 = arith.addi %mul3A_2, %mul3A_339 : i32
        %dma_start3A_341 = tpu.memref_slice %arg4[%add3A_340] : memref<327680xi32, #tpu.memory_space<hbm>> -> memref<80xi32, #tpu.memory_space<hbm>>
        %dma_start3A_342 = tpu.memref_slice %arg4[%add3A_340] : memref<327680xi32, #tpu.memory_space<hbm>> -> memref<80xi32, #tpu.memory_space<hbm>>
        tpu.enqueue_dma source(%dma_start3A_342 : memref<80xi32, #tpu.memory_space<hbm>>) target(%arg8 : memref<80xi32, #tpu.memory_space<vmem>>) target_semaphore(%arg25 : memref<!tpu.dma_semaphore, #tpu.memory_space<semaphore_mem>>)
        %dma_start3A_343 = tpu.memref_slice %arg5[%add3A_340] : memref<327680xi32, #tpu.memory_space<hbm>> -> memref<80xi32, #tpu.memory_space<hbm>>
        %dma_start3A_344 = tpu.memref_slice %arg5[%add3A_340] : memref<327680xi32, #tpu.memory_space<hbm>> -> memref<80xi32, #tpu.memory_space<hbm>>
        tpu.enqueue_dma source(%dma_start3A_344 : memref<80xi32, #tpu.memory_space<hbm>>) target(%arg12 : memref<80xi32, #tpu.memory_space<vmem>>) target_semaphore(%arg25 : memref<!tpu.dma_semaphore, #tpu.memory_space<semaphore_mem>>)
      } else {
      }
      %add3A_235 = arith.constant 2 : i32
      %add3A_236 = arith.addi %add3A_217, %add3A_235 : i32
      %lt3A_237 = arith.constant 128 : i32
      %lt3A_238 = arith.cmpi slt, %add3A_236, %lt3A_237 : i32
      %convert_element_type3A_239 = arith.extui %lt3A_238 : i1 to i32
      %cond3A_240 = arith.constant 0 : i32
      %cond3A_241 = arith.cmpi ne, %convert_element_type3A_239, %cond3A_240 : i32
      scf.if %cond3A_241 {
        %dma_wait3A_336 = arith.constant 0 : i32
        %dma_wait3A_337 = tpu.memref_slice %arg4[%dma_wait3A_336] : memref<327680xi32, #tpu.memory_space<hbm>> -> memref<80xi32, #tpu.memory_space<hbm>>
        %dma_wait3A_338 = arith.constant 0 : i32
        %dma_wait3A_339 = tpu.memref_slice %arg4[%dma_wait3A_338] : memref<327680xi32, #tpu.memory_space<hbm>> -> memref<80xi32, #tpu.memory_space<hbm>>
        tpu.wait_dma2 semaphore(%arg27 : memref<!tpu.dma_semaphore, #tpu.memory_space<semaphore_mem>>) src(%dma_wait3A_339 : memref<80xi32, #tpu.memory_space<hbm>>) dst(%arg10 : memref<80xi32, #tpu.memory_space<vmem>>)
        %dma_wait3A_340 = arith.constant 0 : i32
        %dma_wait3A_341 = tpu.memref_slice %arg5[%dma_wait3A_340] : memref<327680xi32, #tpu.memory_space<hbm>> -> memref<80xi32, #tpu.memory_space<hbm>>
        %dma_wait3A_342 = arith.constant 0 : i32
        %dma_wait3A_343 = tpu.memref_slice %arg5[%dma_wait3A_342] : memref<327680xi32, #tpu.memory_space<hbm>> -> memref<80xi32, #tpu.memory_space<hbm>>
        tpu.wait_dma2 semaphore(%arg27 : memref<!tpu.dma_semaphore, #tpu.memory_space<semaphore_mem>>) src(%dma_wait3A_343 : memref<80xi32, #tpu.memory_space<hbm>>) dst(%arg14 : memref<80xi32, #tpu.memory_space<vmem>>)
        %dma_start3A_344 = arith.constant 0 : i32
        %dma_start3A_345 = arith.constant 0 : i32
        %dma_start3A_346 = tpu.memref_slice %arg2[%dma_start3A_344, %dma_start3A_345] : memref<10000x128xf32, #tpu.memory_space<hbm>> -> memref<10000x128xf32, #tpu.memory_space<hbm>>
        tpu.enqueue_indirect_dma source(%dma_start3A_346 : memref<10000x128xf32, #tpu.memory_space<hbm>>) target(%arg16 : memref<80x128xf32, #tpu.memory_space<vmem>>) offsets(%arg10 : memref<80xi32, #tpu.memory_space<vmem>>) semaphore(%arg21 : memref<!tpu.dma_semaphore, #tpu.memory_space<semaphore_mem>>)
        %dma_start3A_347 = arith.constant 0 : i32
        %dma_start3A_348 = arith.constant 0 : i32
        %dma_start3A_349 = tpu.memref_slice %arg2[%dma_start3A_347, %dma_start3A_348] : memref<10000x128xf32, #tpu.memory_space<hbm>> -> memref<10000x128xf32, #tpu.memory_space<hbm>>
        tpu.enqueue_indirect_dma source(%dma_start3A_349 : memref<10000x128xf32, #tpu.memory_space<hbm>>) target(%arg18 : memref<80x128xf32, #tpu.memory_space<vmem>>) offsets(%arg14 : memref<80xi32, #tpu.memory_space<vmem>>) semaphore(%arg23 : memref<!tpu.dma_semaphore, #tpu.memory_space<semaphore_mem>>)
      } else {
      }
      %mul3A_242 = arith.constant 4 : i32
      %mul3A_243 = arith.muli %mul3A_242, %scan3A_212 : i32
      %add3A_244 = arith.constant 1 : i32
      %add3A_245 = arith.addi %mul3A_243, %add3A_244 : i32
      %dma_wait3A_246 = arith.constant 0 : i32
      %dma_wait3A_247 = arith.constant 0 : i32
      %dma_wait3A_248 = tpu.memref_slice %arg2[%dma_wait3A_246, %dma_wait3A_247] : memref<10000x128xf32, #tpu.memory_space<hbm>> -> memref<10000x128xf32, #tpu.memory_space<hbm>>
      tpu.wait_indirect_dma semaphore(%arg22 : memref<!tpu.dma_semaphore, #tpu.memory_space<semaphore_mem>>) src(%dma_wait3A_248 : memref<10000x128xf32, #tpu.memory_space<hbm>>) dst(%arg17 : memref<80x128xf32, #tpu.memory_space<vmem>>)
      %dma_wait3A_249 = arith.constant 0 : i32
      %dma_wait3A_250 = arith.constant 0 : i32
      %dma_wait3A_251 = tpu.memref_slice %arg2[%dma_wait3A_249, %dma_wait3A_250] : memref<10000x128xf32, #tpu.memory_space<hbm>> -> memref<10000x128xf32, #tpu.memory_space<hbm>>
      tpu.wait_indirect_dma semaphore(%arg24 : memref<!tpu.dma_semaphore, #tpu.memory_space<semaphore_mem>>) src(%dma_wait3A_251 : memref<10000x128xf32, #tpu.memory_space<hbm>>) dst(%arg19 : memref<80x128xf32, #tpu.memory_space<vmem>>)
      %scan3A_252 = arith.constant 0 : i32
      %scan3A_253 = arith.constant 0 : i32
      %scan3A_254 = arith.constant 80 : i32
      %scan3A_255 = arith.addi %scan3A_253, %scan3A_254 : i32
      %scan3A_256 = arith.constant 1 : i32
      %scan3A_257 = scf.for %scan3A_336 = %scan3A_253 to %scan3A_255 step %scan3A_256 iter_args(%scan3A_337 = %scan3A_252) -> (i32)  : i32 {
        %get3A = arith.index_cast %scan3A_336 : i32 to index
        %get3A_338 = arith.constant 0 : index
        %get3A_339 = tpu.vector_load %arg17[%get3A, %get3A_338] {strides = array<i32>} : memref<80x128xf32, #tpu.memory_space<vmem>>, vector<1x16xf32>,
        %get3A_340 = vector.shape_cast %get3A_339 : vector<1x16xf32> to vector<16xf32>
        %get3A_341 = arith.index_cast %scan3A_336 : i32 to index
        %get3A_342 = arith.constant 0 : index
        %get3A_343 = tpu.vector_load %arg19[%get3A_341, %get3A_342] {strides = array<i32>} : memref<80x128xf32, #tpu.memory_space<vmem>>, vector<1x16xf32>,
        %get3A_344 = vector.shape_cast %get3A_343 : vector<1x16xf32> to vector<16xf32>
        %sub3A = arith.subf %get3A_340, %get3A_344 : vector<16xf32>
        %max3A = arith.constant 0.000000e+00 : f32
        %max3A_345 = vector.broadcast %max3A : f32 to vector<16xf32>
        %max3A_346 = arith.maximumf %sub3A, %max3A_345 : vector<16xf32>
        %swap3A = arith.index_cast %scan3A_336 : i32 to index
        %swap3A_347 = arith.constant 0 : index
        %swap3A_348 = tpu.vector_load %arg17[%swap3A, %swap3A_347] {strides = array<i32>} : memref<80x128xf32, #tpu.memory_space<vmem>>, vector<1x16xf32>,
        %swap3A_349 = vector.shape_cast %swap3A_348 : vector<1x16xf32> to vector<16xf32>
        %swap3A_350 = vector.shape_cast %max3A_346 : vector<16xf32> to vector<1x16xf32>
        tpu.vector_store %arg17[%swap3A, %swap3A_347], %swap3A_350 {strides = array<i32>} : memref<80x128xf32, #tpu.memory_space<vmem>>, vector<1x16xf32>,
        %get3A_351 = arith.index_cast %scan3A_336 : i32 to index
        %get3A_352 = arith.constant 16 : index
        %get3A_353 = tpu.vector_load %arg17[%get3A_351, %get3A_352] {strides = array<i32>} : memref<80x128xf32, #tpu.memory_space<vmem>>, vector<1x16xf32>,
        %get3A_354 = vector.shape_cast %get3A_353 : vector<1x16xf32> to vector<16xf32>
        %get3A_355 = arith.index_cast %scan3A_336 : i32 to index
        %get3A_356 = arith.constant 16 : index
        %get3A_357 = tpu.vector_load %arg19[%get3A_355, %get3A_356] {strides = array<i32>} : memref<80x128xf32, #tpu.memory_space<vmem>>, vector<1x16xf32>,
        %get3A_358 = vector.shape_cast %get3A_357 : vector<1x16xf32> to vector<16xf32>
        %sub3A_359 = arith.subf %get3A_354, %get3A_358 : vector<16xf32>
        %max3A_360 = arith.constant 0.000000e+00 : f32
        %max3A_361 = vector.broadcast %max3A_360 : f32 to vector<16xf32>
        %max3A_362 = arith.maximumf %sub3A_359, %max3A_361 : vector<16xf32>
        %swap3A_363 = arith.index_cast %scan3A_336 : i32 to index
        %swap3A_364 = arith.constant 16 : index
        %swap3A_365 = tpu.vector_load %arg17[%swap3A_363, %swap3A_364] {strides = array<i32>} : memref<80x128xf32, #tpu.memory_space<vmem>>, vector<1x16xf32>,
        %swap3A_366 = vector.shape_cast %swap3A_365 : vector<1x16xf32> to vector<16xf32>
        %swap3A_367 = vector.shape_cast %max3A_362 : vector<16xf32> to vector<1x16xf32>
        tpu.vector_store %arg17[%swap3A_363, %swap3A_364], %swap3A_367 {strides = array<i32>} : memref<80x128xf32, #tpu.memory_space<vmem>>, vector<1x16xf32>,
        %get3A_368 = arith.index_cast %scan3A_336 : i32 to index
        %get3A_369 = arith.constant 32 : index
        %get3A_370 = tpu.vector_load %arg17[%get3A_368, %get3A_369] {strides = array<i32>} : memref<80x128xf32, #tpu.memory_space<vmem>>, vector<1x16xf32>,
        %get3A_371 = vector.shape_cast %get3A_370 : vector<1x16xf32> to vector<16xf32>
        %get3A_372 = arith.index_cast %scan3A_336 : i32 to index
        %get3A_373 = arith.constant 32 : index
        %get3A_374 = tpu.vector_load %arg19[%get3A_372, %get3A_373] {strides = array<i32>} : memref<80x128xf32, #tpu.memory_space<vmem>>, vector<1x16xf32>,
        %get3A_375 = vector.shape_cast %get3A_374 : vector<1x16xf32> to vector<16xf32>
        %sub3A_376 = arith.subf %get3A_371, %get3A_375 : vector<16xf32>
        %max3A_377 = arith.constant 0.000000e+00 : f32
        %max3A_378 = vector.broadcast %max3A_377 : f32 to vector<16xf32>
        %max3A_379 = arith.maximumf %sub3A_376, %max3A_378 : vector<16xf32>
        %swap3A_380 = arith.index_cast %scan3A_336 : i32 to index
        %swap3A_381 = arith.constant 32 : index
        %swap3A_382 = tpu.vector_load %arg17[%swap3A_380, %swap3A_381] {strides = array<i32>} : memref<80x128xf32, #tpu.memory_space<vmem>>, vector<1x16xf32>,
        %swap3A_383 = vector.shape_cast %swap3A_382 : vector<1x16xf32> to vector<16xf32>
        %swap3A_384 = vector.shape_cast %max3A_379 : vector<16xf32> to vector<1x16xf32>
        tpu.vector_store %arg17[%swap3A_380, %swap3A_381], %swap3A_384 {strides = array<i32>} : memref<80x128xf32, #tpu.memory_space<vmem>>, vector<1x16xf32>,
        %get3A_385 = arith.index_cast %scan3A_336 : i32 to index
        %get3A_386 = arith.constant 48 : index
        %get3A_387 = tpu.vector_load %arg17[%get3A_385, %get3A_386] {strides = array<i32>} : memref<80x128xf32, #tpu.memory_space<vmem>>, vector<1x16xf32>,
        %get3A_388 = vector.shape_cast %get3A_387 : vector<1x16xf32> to vector<16xf32>
        %get3A_389 = arith.index_cast %scan3A_336 : i32 to index
        %get3A_390 = arith.constant 48 : index
        %get3A_391 = tpu.vector_load %arg19[%get3A_389, %get3A_390] {strides = array<i32>} : memref<80x128xf32, #tpu.memory_space<vmem>>, vector<1x16xf32>,
        %get3A_392 = vector.shape_cast %get3A_391 : vector<1x16xf32> to vector<16xf32>
        %sub3A_393 = arith.subf %get3A_388, %get3A_392 : vector<16xf32>
        %max3A_394 = arith.constant 0.000000e+00 : f32
        %max3A_395 = vector.broadcast %max3A_394 : f32 to vector<16xf32>
        %max3A_396 = arith.maximumf %sub3A_393, %max3A_395 : vector<16xf32>
        %swap3A_397 = arith.index_cast %scan3A_336 : i32 to index
        %swap3A_398 = arith.constant 48 : index
        %swap3A_399 = tpu.vector_load %arg17[%swap3A_397, %swap3A_398] {strides = array<i32>} : memref<80x128xf32, #tpu.memory_space<vmem>>, vector<1x16xf32>,
        %swap3A_400 = vector.shape_cast %swap3A_399 : vector<1x16xf32> to vector<16xf32>
        %swap3A_401 = vector.shape_cast %max3A_396 : vector<16xf32> to vector<1x16xf32>
        tpu.vector_store %arg17[%swap3A_397, %swap3A_398], %swap3A_401 {strides = array<i32>} : memref<80x128xf32, #tpu.memory_space<vmem>>, vector<1x16xf32>,
        %get3A_402 = arith.index_cast %scan3A_336 : i32 to index
        %get3A_403 = arith.constant 64 : index
        %get3A_404 = tpu.vector_load %arg17[%get3A_402, %get3A_403] {strides = array<i32>} : memref<80x128xf32, #tpu.memory_space<vmem>>, vector<1x16xf32>,
        %get3A_405 = vector.shape_cast %get3A_404 : vector<1x16xf32> to vector<16xf32>
        %get3A_406 = arith.index_cast %scan3A_336 : i32 to index
        %get3A_407 = arith.constant 64 : index
        %get3A_408 = tpu.vector_load %arg19[%get3A_406, %get3A_407] {strides = array<i32>} : memref<80x128xf32, #tpu.memory_space<vmem>>, vector<1x16xf32>,
        %get3A_409 = vector.shape_cast %get3A_408 : vector<1x16xf32> to vector<16xf32>
        %sub3A_410 = arith.subf %get3A_405, %get3A_409 : vector<16xf32>
        %max3A_411 = arith.constant 0.000000e+00 : f32
        %max3A_412 = vector.broadcast %max3A_411 : f32 to vector<16xf32>
        %max3A_413 = arith.maximumf %sub3A_410, %max3A_412 : vector<16xf32>
        %swap3A_414 = arith.index_cast %scan3A_336 : i32 to index
        %swap3A_415 = arith.constant 64 : index
        %swap3A_416 = tpu.vector_load %arg17[%swap3A_414, %swap3A_415] {strides = array<i32>} : memref<80x128xf32, #tpu.memory_space<vmem>>, vector<1x16xf32>,
        %swap3A_417 = vector.shape_cast %swap3A_416 : vector<1x16xf32> to vector<16xf32>
        %swap3A_418 = vector.shape_cast %max3A_413 : vector<16xf32> to vector<1x16xf32>
        tpu.vector_store %arg17[%swap3A_414, %swap3A_415], %swap3A_418 {strides = array<i32>} : memref<80x128xf32, #tpu.memory_space<vmem>>, vector<1x16xf32>,
        %get3A_419 = arith.index_cast %scan3A_336 : i32 to index
        %get3A_420 = arith.constant 80 : index
        %get3A_421 = tpu.vector_load %arg17[%get3A_419, %get3A_420] {strides = array<i32>} : memref<80x128xf32, #tpu.memory_space<vmem>>, vector<1x16xf32>,
        %get3A_422 = vector.shape_cast %get3A_421 : vector<1x16xf32> to vector<16xf32>
        %get3A_423 = arith.index_cast %scan3A_336 : i32 to index
        %get3A_424 = arith.constant 80 : index
        %get3A_425 = tpu.vector_load %arg19[%get3A_423, %get3A_424] {strides = array<i32>} : memref<80x128xf32, #tpu.memory_space<vmem>>, vector<1x16xf32>,
        %get3A_426 = vector.shape_cast %get3A_425 : vector<1x16xf32> to vector<16xf32>
        %sub3A_427 = arith.subf %get3A_422, %get3A_426 : vector<16xf32>
        %max3A_428 = arith.constant 0.000000e+00 : f32
        %max3A_429 = vector.broadcast %max3A_428 : f32 to vector<16xf32>
        %max3A_430 = arith.maximumf %sub3A_427, %max3A_429 : vector<16xf32>
        %swap3A_431 = arith.index_cast %scan3A_336 : i32 to index
        %swap3A_432 = arith.constant 80 : index
        %swap3A_433 = tpu.vector_load %arg17[%swap3A_431, %swap3A_432] {strides = array<i32>} : memref<80x128xf32, #tpu.memory_space<vmem>>, vector<1x16xf32>,
        %swap3A_434 = vector.shape_cast %swap3A_433 : vector<1x16xf32> to vector<16xf32>
        %swap3A_435 = vector.shape_cast %max3A_430 : vector<16xf32> to vector<1x16xf32>
        tpu.vector_store %arg17[%swap3A_431, %swap3A_432], %swap3A_435 {strides = array<i32>} : memref<80x128xf32, #tpu.memory_space<vmem>>, vector<1x16xf32>,
        %get3A_436 = arith.index_cast %scan3A_336 : i32 to index
        %get3A_437 = arith.constant 96 : index
        %get3A_438 = tpu.vector_load %arg17[%get3A_436, %get3A_437] {strides = array<i32>} : memref<80x128xf32, #tpu.memory_space<vmem>>, vector<1x16xf32>,
        %get3A_439 = vector.shape_cast %get3A_438 : vector<1x16xf32> to vector<16xf32>
        %get3A_440 = arith.index_cast %scan3A_336 : i32 to index
        %get3A_441 = arith.constant 96 : index
        %get3A_442 = tpu.vector_load %arg19[%get3A_440, %get3A_441] {strides = array<i32>} : memref<80x128xf32, #tpu.memory_space<vmem>>, vector<1x16xf32>,
        %get3A_443 = vector.shape_cast %get3A_442 : vector<1x16xf32> to vector<16xf32>
        %sub3A_444 = arith.subf %get3A_439, %get3A_443 : vector<16xf32>
        %max3A_445 = arith.constant 0.000000e+00 : f32
        %max3A_446 = vector.broadcast %max3A_445 : f32 to vector<16xf32>
        %max3A_447 = arith.maximumf %sub3A_444, %max3A_446 : vector<16xf32>
        %swap3A_448 = arith.index_cast %scan3A_336 : i32 to index
        %swap3A_449 = arith.constant 96 : index
        %swap3A_450 = tpu.vector_load %arg17[%swap3A_448, %swap3A_449] {strides = array<i32>} : memref<80x128xf32, #tpu.memory_space<vmem>>, vector<1x16xf32>,
        %swap3A_451 = vector.shape_cast %swap3A_450 : vector<1x16xf32> to vector<16xf32>
        %swap3A_452 = vector.shape_cast %max3A_447 : vector<16xf32> to vector<1x16xf32>
        tpu.vector_store %arg17[%swap3A_448, %swap3A_449], %swap3A_452 {strides = array<i32>} : memref<80x128xf32, #tpu.memory_space<vmem>>, vector<1x16xf32>,
        %get3A_453 = arith.index_cast %scan3A_336 : i32 to index
        %get3A_454 = arith.constant 112 : index
        %get3A_455 = tpu.vector_load %arg17[%get3A_453, %get3A_454] {strides = array<i32>} : memref<80x128xf32, #tpu.memory_space<vmem>>, vector<1x16xf32>,
        %get3A_456 = vector.shape_cast %get3A_455 : vector<1x16xf32> to vector<16xf32>
        %get3A_457 = arith.index_cast %scan3A_336 : i32 to index
        %get3A_458 = arith.constant 112 : index
        %get3A_459 = tpu.vector_load %arg19[%get3A_457, %get3A_458] {strides = array<i32>} : memref<80x128xf32, #tpu.memory_space<vmem>>, vector<1x16xf32>,
        %get3A_460 = vector.shape_cast %get3A_459 : vector<1x16xf32> to vector<16xf32>
        %sub3A_461 = arith.subf %get3A_456, %get3A_460 : vector<16xf32>
        %max3A_462 = arith.constant 0.000000e+00 : f32
        %max3A_463 = vector.broadcast %max3A_462 : f32 to vector<16xf32>
        %max3A_464 = arith.maximumf %sub3A_461, %max3A_463 : vector<16xf32>
        %swap3A_465 = arith.index_cast %scan3A_336 : i32 to index
        %swap3A_466 = arith.constant 112 : index
        %swap3A_467 = tpu.vector_load %arg17[%swap3A_465, %swap3A_466] {strides = array<i32>} : memref<80x128xf32, #tpu.memory_space<vmem>>, vector<1x16xf32>,
        %swap3A_468 = vector.shape_cast %swap3A_467 : vector<1x16xf32> to vector<16xf32>
        %swap3A_469 = vector.shape_cast %max3A_464 : vector<16xf32> to vector<1x16xf32>
        tpu.vector_store %arg17[%swap3A_465, %swap3A_466], %swap3A_469 {strides = array<i32>} : memref<80x128xf32, #tpu.memory_space<vmem>>, vector<1x16xf32>,
        %scan3A_470 = arith.constant 0 : i32
        scf.yield %scan3A_470 : i32
      }
      %scan3A_258 = arith.constant 80 : i32
      "tpu.region"() ({
        %run_scoped3A = tpu.sem_alloc : memref<!tpu.dma_semaphore, #tpu.memory_space<semaphore_mem>>
        %dma_start3A_336 = arith.constant 0 : i32
        %dma_start3A_337 = arith.constant 0 : i32
        %dma_start3A_338 = tpu.memref_slice %arg20[%dma_start3A_336, %dma_start3A_337] : memref<10240x128xf32, #tpu.memory_space<vmem_shared>> -> memref<10240x128xf32, #tpu.memory_space<vmem_shared>>
        tpu.enqueue_indirect_dma source(%arg17 : memref<80x128xf32, #tpu.memory_space<vmem>>) target(%dma_start3A_338 : memref<10240x128xf32, #tpu.memory_space<vmem_shared>>) offsets(%arg13 : memref<80xi32, #tpu.memory_space<vmem>>) semaphore(%run_scoped3A : memref<!tpu.dma_semaphore, #tpu.memory_space<semaphore_mem>>) {add = true}
        %dma_wait3A_339 = arith.constant 0 : i32
        %dma_wait3A_340 = arith.constant 0 : i32
        %dma_wait3A_341 = tpu.memref_slice %arg20[%dma_wait3A_339, %dma_wait3A_340] : memref<10240x128xf32, #tpu.memory_space<vmem_shared>> -> memref<10240x128xf32, #tpu.memory_space<vmem_shared>>
        tpu.wait_indirect_dma semaphore(%run_scoped3A : memref<!tpu.dma_semaphore, #tpu.memory_space<semaphore_mem>>) src(%arg17 : memref<80x128xf32, #tpu.memory_space<vmem>>) dst(%dma_wait3A_341 : memref<10240x128xf32, #tpu.memory_space<vmem_shared>>)
        tpu.yield
      }) : () -> ()
      %add3A_259 = arith.constant 4 : i32
      %add3A_260 = arith.addi %add3A_245, %add3A_259 : i32
      %lt3A_261 = arith.constant 128 : i32
      %lt3A_262 = arith.cmpi slt, %add3A_260, %lt3A_261 : i32
      %convert_element_type3A_263 = arith.extui %lt3A_262 : i1 to i32
      %cond3A_264 = arith.constant 0 : i32
      %cond3A_265 = arith.cmpi ne, %convert_element_type3A_263, %cond3A_264 : i32
      scf.if %cond3A_265 {
        %add3A_336 = arith.constant 4 : i32
        %add3A_337 = arith.addi %add3A_245, %add3A_336 : i32
        %mul3A_338 = arith.constant 80 : i32
        %mul3A_339 = arith.muli %add3A_337, %mul3A_338 : i32
        %add3A_340 = arith.addi %mul3A_2, %mul3A_339 : i32
        %dma_start3A_341 = tpu.memref_slice %arg4[%add3A_340] : memref<327680xi32, #tpu.memory_space<hbm>> -> memref<80xi32, #tpu.memory_space<hbm>>
        %dma_start3A_342 = tpu.memref_slice %arg4[%add3A_340] : memref<327680xi32, #tpu.memory_space<hbm>> -> memref<80xi32, #tpu.memory_space<hbm>>
        tpu.enqueue_dma source(%dma_start3A_342 : memref<80xi32, #tpu.memory_space<hbm>>) target(%arg9 : memref<80xi32, #tpu.memory_space<vmem>>) target_semaphore(%arg26 : memref<!tpu.dma_semaphore, #tpu.memory_space<semaphore_mem>>)
        %dma_start3A_343 = tpu.memref_slice %arg5[%add3A_340] : memref<327680xi32, #tpu.memory_space<hbm>> -> memref<80xi32, #tpu.memory_space<hbm>>
        %dma_start3A_344 = tpu.memref_slice %arg5[%add3A_340] : memref<327680xi32, #tpu.memory_space<hbm>> -> memref<80xi32, #tpu.memory_space<hbm>>
        tpu.enqueue_dma source(%dma_start3A_344 : memref<80xi32, #tpu.memory_space<hbm>>) target(%arg13 : memref<80xi32, #tpu.memory_space<vmem>>) target_semaphore(%arg26 : memref<!tpu.dma_semaphore, #tpu.memory_space<semaphore_mem>>)
      } else {
      }
      %add3A_266 = arith.constant 2 : i32
      %add3A_267 = arith.addi %add3A_245, %add3A_266 : i32
      %lt3A_268 = arith.constant 128 : i32
      %lt3A_269 = arith.cmpi slt, %add3A_267, %lt3A_268 : i32
      %convert_element_type3A_270 = arith.extui %lt3A_269 : i1 to i32
      %cond3A_271 = arith.constant 0 : i32
      %cond3A_272 = arith.cmpi ne, %convert_element_type3A_270, %cond3A_271 : i32
      scf.if %cond3A_272 {
        %dma_wait3A_336 = arith.constant 0 : i32
        %dma_wait3A_337 = tpu.memref_slice %arg4[%dma_wait3A_336] : memref<327680xi32, #tpu.memory_space<hbm>> -> memref<80xi32, #tpu.memory_space<hbm>>
        %dma_wait3A_338 = arith.constant 0 : i32
        %dma_wait3A_339 = tpu.memref_slice %arg4[%dma_wait3A_338] : memref<327680xi32, #tpu.memory_space<hbm>> -> memref<80xi32, #tpu.memory_space<hbm>>
        tpu.wait_dma2 semaphore(%arg28 : memref<!tpu.dma_semaphore, #tpu.memory_space<semaphore_mem>>) src(%dma_wait3A_339 : memref<80xi32, #tpu.memory_space<hbm>>) dst(%arg11 : memref<80xi32, #tpu.memory_space<vmem>>)
        %dma_wait3A_340 = arith.constant 0 : i32
        %dma_wait3A_341 = tpu.memref_slice %arg5[%dma_wait3A_340] : memref<327680xi32, #tpu.memory_space<hbm>> -> memref<80xi32, #tpu.memory_space<hbm>>
        %dma_wait3A_342 = arith.constant 0 : i32
        %dma_wait3A_343 = tpu.memref_slice %arg5[%dma_wait3A_342] : memref<327680xi32, #tpu.memory_space<hbm>> -> memref<80xi32, #tpu.memory_space<hbm>>
        tpu.wait_dma2 semaphore(%arg28 : memref<!tpu.dma_semaphore, #tpu.memory_space<semaphore_mem>>) src(%dma_wait3A_343 : memref<80xi32, #tpu.memory_space<hbm>>) dst(%arg15 : memref<80xi32, #tpu.memory_space<vmem>>)
        %dma_start3A_344 = arith.constant 0 : i32
        %dma_start3A_345 = arith.constant 0 : i32
        %dma_start3A_346 = tpu.memref_slice %arg2[%dma_start3A_344, %dma_start3A_345] : memref<10000x128xf32, #tpu.memory_space<hbm>> -> memref<10000x128xf32, #tpu.memory_space<hbm>>
        tpu.enqueue_indirect_dma source(%dma_start3A_346 : memref<10000x128xf32, #tpu.memory_space<hbm>>) target(%arg17 : memref<80x128xf32, #tpu.memory_space<vmem>>) offsets(%arg11 : memref<80xi32, #tpu.memory_space<vmem>>) semaphore(%arg22 : memref<!tpu.dma_semaphore, #tpu.memory_space<semaphore_mem>>)
        %dma_start3A_347 = arith.constant 0 : i32
        %dma_start3A_348 = arith.constant 0 : i32
        %dma_start3A_349 = tpu.memref_slice %arg2[%dma_start3A_347, %dma_start3A_348] : memref<10000x128xf32, #tpu.memory_space<hbm>> -> memref<10000x128xf32, #tpu.memory_space<hbm>>
        tpu.enqueue_indirect_dma source(%dma_start3A_349 : memref<10000x128xf32, #tpu.memory_space<hbm>>) target(%arg19 : memref<80x128xf32, #tpu.memory_space<vmem>>) offsets(%arg15 : memref<80xi32, #tpu.memory_space<vmem>>) semaphore(%arg24 : memref<!tpu.dma_semaphore, #tpu.memory_space<semaphore_mem>>)
      } else {
      }
      %mul3A_273 = arith.constant 4 : i32
      %mul3A_274 = arith.muli %mul3A_273, %scan3A_212 : i32
      %add3A_275 = arith.constant 2 : i32
      %add3A_276 = arith.addi %mul3A_274, %add3A_275 : i32
      %dma_wait3A_277 = arith.constant 0 : i32
      %dma_wait3A_278 = arith.constant 0 : i32
      %dma_wait3A_279 = tpu.memref_slice %arg2[%dma_wait3A_277, %dma_wait3A_278] : memref<10000x128xf32, #tpu.memory_space<hbm>> -> memref<10000x128xf32, #tpu.memory_space<hbm>>
      tpu.wait_indirect_dma semaphore(%arg21 : memref<!tpu.dma_semaphore, #tpu.memory_space<semaphore_mem>>) src(%dma_wait3A_279 : memref<10000x128xf32, #tpu.memory_space<hbm>>) dst(%arg16 : memref<80x128xf32, #tpu.memory_space<vmem>>)
      %dma_wait3A_280 = arith.constant 0 : i32
      %dma_wait3A_281 = arith.constant 0 : i32
      %dma_wait3A_282 = tpu.memref_slice %arg2[%dma_wait3A_280, %dma_wait3A_281] : memref<10000x128xf32, #tpu.memory_space<hbm>> -> memref<10000x128xf32, #tpu.memory_space<hbm>>
      tpu.wait_indirect_dma semaphore(%arg23 : memref<!tpu.dma_semaphore, #tpu.memory_space<semaphore_mem>>) src(%dma_wait3A_282 : memref<10000x128xf32, #tpu.memory_space<hbm>>) dst(%arg18 : memref<80x128xf32, #tpu.memory_space<vmem>>)
      %scan3A_283 = arith.constant 0 : i32
      %scan3A_284 = arith.constant 0 : i32
      %scan3A_285 = arith.constant 80 : i32
      %scan3A_286 = arith.addi %scan3A_284, %scan3A_285 : i32
      %scan3A_287 = arith.constant 1 : i32
      %scan3A_288 = scf.for %scan3A_336 = %scan3A_284 to %scan3A_286 step %scan3A_287 iter_args(%scan3A_337 = %scan3A_283) -> (i32)  : i32 {
        %get3A = arith.index_cast %scan3A_336 : i32 to index
        %get3A_338 = arith.constant 0 : index
        %get3A_339 = tpu.vector_load %arg16[%get3A, %get3A_338] {strides = array<i32>} : memref<80x128xf32, #tpu.memory_space<vmem>>, vector<1x16xf32>,
        %get3A_340 = vector.shape_cast %get3A_339 : vector<1x16xf32> to vector<16xf32>
        %get3A_341 = arith.index_cast %scan3A_336 : i32 to index
        %get3A_342 = arith.constant 0 : index
        %get3A_343 = tpu.vector_load %arg18[%get3A_341, %get3A_342] {strides = array<i32>} : memref<80x128xf32, #tpu.memory_space<vmem>>, vector<1x16xf32>,
        %get3A_344 = vector.shape_cast %get3A_343 : vector<1x16xf32> to vector<16xf32>
        %sub3A = arith.subf %get3A_340, %get3A_344 : vector<16xf32>
        %max3A = arith.constant 0.000000e+00 : f32
        %max3A_345 = vector.broadcast %max3A : f32 to vector<16xf32>
        %max3A_346 = arith.maximumf %sub3A, %max3A_345 : vector<16xf32>
        %swap3A = arith.index_cast %scan3A_336 : i32 to index
        %swap3A_347 = arith.constant 0 : index
        %swap3A_348 = tpu.vector_load %arg16[%swap3A, %swap3A_347] {strides = array<i32>} : memref<80x128xf32, #tpu.memory_space<vmem>>, vector<1x16xf32>,
        %swap3A_349 = vector.shape_cast %swap3A_348 : vector<1x16xf32> to vector<16xf32>
        %swap3A_350 = vector.shape_cast %max3A_346 : vector<16xf32> to vector<1x16xf32>
        tpu.vector_store %arg16[%swap3A, %swap3A_347], %swap3A_350 {strides = array<i32>} : memref<80x128xf32, #tpu.memory_space<vmem>>, vector<1x16xf32>,
        %get3A_351 = arith.index_cast %scan3A_336 : i32 to index
        %get3A_352 = arith.constant 16 : index
        %get3A_353 = tpu.vector_load %arg16[%get3A_351, %get3A_352] {strides = array<i32>} : memref<80x128xf32, #tpu.memory_space<vmem>>, vector<1x16xf32>,
        %get3A_354 = vector.shape_cast %get3A_353 : vector<1x16xf32> to vector<16xf32>
        %get3A_355 = arith.index_cast %scan3A_336 : i32 to index
        %get3A_356 = arith.constant 16 : index
        %get3A_357 = tpu.vector_load %arg18[%get3A_355, %get3A_356] {strides = array<i32>} : memref<80x128xf32, #tpu.memory_space<vmem>>, vector<1x16xf32>,
        %get3A_358 = vector.shape_cast %get3A_357 : vector<1x16xf32> to vector<16xf32>
        %sub3A_359 = arith.subf %get3A_354, %get3A_358 : vector<16xf32>
        %max3A_360 = arith.constant 0.000000e+00 : f32
        %max3A_361 = vector.broadcast %max3A_360 : f32 to vector<16xf32>
        %max3A_362 = arith.maximumf %sub3A_359, %max3A_361 : vector<16xf32>
        %swap3A_363 = arith.index_cast %scan3A_336 : i32 to index
        %swap3A_364 = arith.constant 16 : index
        %swap3A_365 = tpu.vector_load %arg16[%swap3A_363, %swap3A_364] {strides = array<i32>} : memref<80x128xf32, #tpu.memory_space<vmem>>, vector<1x16xf32>,
        %swap3A_366 = vector.shape_cast %swap3A_365 : vector<1x16xf32> to vector<16xf32>
        %swap3A_367 = vector.shape_cast %max3A_362 : vector<16xf32> to vector<1x16xf32>
        tpu.vector_store %arg16[%swap3A_363, %swap3A_364], %swap3A_367 {strides = array<i32>} : memref<80x128xf32, #tpu.memory_space<vmem>>, vector<1x16xf32>,
        %get3A_368 = arith.index_cast %scan3A_336 : i32 to index
        %get3A_369 = arith.constant 32 : index
        %get3A_370 = tpu.vector_load %arg16[%get3A_368, %get3A_369] {strides = array<i32>} : memref<80x128xf32, #tpu.memory_space<vmem>>, vector<1x16xf32>,
        %get3A_371 = vector.shape_cast %get3A_370 : vector<1x16xf32> to vector<16xf32>
        %get3A_372 = arith.index_cast %scan3A_336 : i32 to index
        %get3A_373 = arith.constant 32 : index
        %get3A_374 = tpu.vector_load %arg18[%get3A_372, %get3A_373] {strides = array<i32>} : memref<80x128xf32, #tpu.memory_space<vmem>>, vector<1x16xf32>,
        %get3A_375 = vector.shape_cast %get3A_374 : vector<1x16xf32> to vector<16xf32>
        %sub3A_376 = arith.subf %get3A_371, %get3A_375 : vector<16xf32>
        %max3A_377 = arith.constant 0.000000e+00 : f32
        %max3A_378 = vector.broadcast %max3A_377 : f32 to vector<16xf32>
        %max3A_379 = arith.maximumf %sub3A_376, %max3A_378 : vector<16xf32>
        %swap3A_380 = arith.index_cast %scan3A_336 : i32 to index
        %swap3A_381 = arith.constant 32 : index
        %swap3A_382 = tpu.vector_load %arg16[%swap3A_380, %swap3A_381] {strides = array<i32>} : memref<80x128xf32, #tpu.memory_space<vmem>>, vector<1x16xf32>,
        %swap3A_383 = vector.shape_cast %swap3A_382 : vector<1x16xf32> to vector<16xf32>
        %swap3A_384 = vector.shape_cast %max3A_379 : vector<16xf32> to vector<1x16xf32>
        tpu.vector_store %arg16[%swap3A_380, %swap3A_381], %swap3A_384 {strides = array<i32>} : memref<80x128xf32, #tpu.memory_space<vmem>>, vector<1x16xf32>,
        %get3A_385 = arith.index_cast %scan3A_336 : i32 to index
        %get3A_386 = arith.constant 48 : index
        %get3A_387 = tpu.vector_load %arg16[%get3A_385, %get3A_386] {strides = array<i32>} : memref<80x128xf32, #tpu.memory_space<vmem>>, vector<1x16xf32>,
        %get3A_388 = vector.shape_cast %get3A_387 : vector<1x16xf32> to vector<16xf32>
        %get3A_389 = arith.index_cast %scan3A_336 : i32 to index
        %get3A_390 = arith.constant 48 : index
        %get3A_391 = tpu.vector_load %arg18[%get3A_389, %get3A_390] {strides = array<i32>} : memref<80x128xf32, #tpu.memory_space<vmem>>, vector<1x16xf32>,
        %get3A_392 = vector.shape_cast %get3A_391 : vector<1x16xf32> to vector<16xf32>
        %sub3A_393 = arith.subf %get3A_388, %get3A_392 : vector<16xf32>
        %max3A_394 = arith.constant 0.000000e+00 : f32
        %max3A_395 = vector.broadcast %max3A_394 : f32 to vector<16xf32>
        %max3A_396 = arith.maximumf %sub3A_393, %max3A_395 : vector<16xf32>
        %swap3A_397 = arith.index_cast %scan3A_336 : i32 to index
        %swap3A_398 = arith.constant 48 : index
        %swap3A_399 = tpu.vector_load %arg16[%swap3A_397, %swap3A_398] {strides = array<i32>} : memref<80x128xf32, #tpu.memory_space<vmem>>, vector<1x16xf32>,
        %swap3A_400 = vector.shape_cast %swap3A_399 : vector<1x16xf32> to vector<16xf32>
        %swap3A_401 = vector.shape_cast %max3A_396 : vector<16xf32> to vector<1x16xf32>
        tpu.vector_store %arg16[%swap3A_397, %swap3A_398], %swap3A_401 {strides = array<i32>} : memref<80x128xf32, #tpu.memory_space<vmem>>, vector<1x16xf32>,
        %get3A_402 = arith.index_cast %scan3A_336 : i32 to index
        %get3A_403 = arith.constant 64 : index
        %get3A_404 = tpu.vector_load %arg16[%get3A_402, %get3A_403] {strides = array<i32>} : memref<80x128xf32, #tpu.memory_space<vmem>>, vector<1x16xf32>,
        %get3A_405 = vector.shape_cast %get3A_404 : vector<1x16xf32> to vector<16xf32>
        %get3A_406 = arith.index_cast %scan3A_336 : i32 to index
        %get3A_407 = arith.constant 64 : index
        %get3A_408 = tpu.vector_load %arg18[%get3A_406, %get3A_407] {strides = array<i32>} : memref<80x128xf32, #tpu.memory_space<vmem>>, vector<1x16xf32>,
        %get3A_409 = vector.shape_cast %get3A_408 : vector<1x16xf32> to vector<16xf32>
        %sub3A_410 = arith.subf %get3A_405, %get3A_409 : vector<16xf32>
        %max3A_411 = arith.constant 0.000000e+00 : f32
        %max3A_412 = vector.broadcast %max3A_411 : f32 to vector<16xf32>
        %max3A_413 = arith.maximumf %sub3A_410, %max3A_412 : vector<16xf32>
        %swap3A_414 = arith.index_cast %scan3A_336 : i32 to index
        %swap3A_415 = arith.constant 64 : index
        %swap3A_416 = tpu.vector_load %arg16[%swap3A_414, %swap3A_415] {strides = array<i32>} : memref<80x128xf32, #tpu.memory_space<vmem>>, vector<1x16xf32>,
        %swap3A_417 = vector.shape_cast %swap3A_416 : vector<1x16xf32> to vector<16xf32>
        %swap3A_418 = vector.shape_cast %max3A_413 : vector<16xf32> to vector<1x16xf32>
        tpu.vector_store %arg16[%swap3A_414, %swap3A_415], %swap3A_418 {strides = array<i32>} : memref<80x128xf32, #tpu.memory_space<vmem>>, vector<1x16xf32>,
        %get3A_419 = arith.index_cast %scan3A_336 : i32 to index
        %get3A_420 = arith.constant 80 : index
        %get3A_421 = tpu.vector_load %arg16[%get3A_419, %get3A_420] {strides = array<i32>} : memref<80x128xf32, #tpu.memory_space<vmem>>, vector<1x16xf32>,
        %get3A_422 = vector.shape_cast %get3A_421 : vector<1x16xf32> to vector<16xf32>
        %get3A_423 = arith.index_cast %scan3A_336 : i32 to index
        %get3A_424 = arith.constant 80 : index
        %get3A_425 = tpu.vector_load %arg18[%get3A_423, %get3A_424] {strides = array<i32>} : memref<80x128xf32, #tpu.memory_space<vmem>>, vector<1x16xf32>,
        %get3A_426 = vector.shape_cast %get3A_425 : vector<1x16xf32> to vector<16xf32>
        %sub3A_427 = arith.subf %get3A_422, %get3A_426 : vector<16xf32>
        %max3A_428 = arith.constant 0.000000e+00 : f32
        %max3A_429 = vector.broadcast %max3A_428 : f32 to vector<16xf32>
        %max3A_430 = arith.maximumf %sub3A_427, %max3A_429 : vector<16xf32>
        %swap3A_431 = arith.index_cast %scan3A_336 : i32 to index
        %swap3A_432 = arith.constant 80 : index
        %swap3A_433 = tpu.vector_load %arg16[%swap3A_431, %swap3A_432] {strides = array<i32>} : memref<80x128xf32, #tpu.memory_space<vmem>>, vector<1x16xf32>,
        %swap3A_434 = vector.shape_cast %swap3A_433 : vector<1x16xf32> to vector<16xf32>
        %swap3A_435 = vector.shape_cast %max3A_430 : vector<16xf32> to vector<1x16xf32>
        tpu.vector_store %arg16[%swap3A_431, %swap3A_432], %swap3A_435 {strides = array<i32>} : memref<80x128xf32, #tpu.memory_space<vmem>>, vector<1x16xf32>,
        %get3A_436 = arith.index_cast %scan3A_336 : i32 to index
        %get3A_437 = arith.constant 96 : index
        %get3A_438 = tpu.vector_load %arg16[%get3A_436, %get3A_437] {strides = array<i32>} : memref<80x128xf32, #tpu.memory_space<vmem>>, vector<1x16xf32>,
        %get3A_439 = vector.shape_cast %get3A_438 : vector<1x16xf32> to vector<16xf32>
        %get3A_440 = arith.index_cast %scan3A_336 : i32 to index
        %get3A_441 = arith.constant 96 : index
        %get3A_442 = tpu.vector_load %arg18[%get3A_440, %get3A_441] {strides = array<i32>} : memref<80x128xf32, #tpu.memory_space<vmem>>, vector<1x16xf32>,
        %get3A_443 = vector.shape_cast %get3A_442 : vector<1x16xf32> to vector<16xf32>
        %sub3A_444 = arith.subf %get3A_439, %get3A_443 : vector<16xf32>
        %max3A_445 = arith.constant 0.000000e+00 : f32
        %max3A_446 = vector.broadcast %max3A_445 : f32 to vector<16xf32>
        %max3A_447 = arith.maximumf %sub3A_444, %max3A_446 : vector<16xf32>
        %swap3A_448 = arith.index_cast %scan3A_336 : i32 to index
        %swap3A_449 = arith.constant 96 : index
        %swap3A_450 = tpu.vector_load %arg16[%swap3A_448, %swap3A_449] {strides = array<i32>} : memref<80x128xf32, #tpu.memory_space<vmem>>, vector<1x16xf32>,
        %swap3A_451 = vector.shape_cast %swap3A_450 : vector<1x16xf32> to vector<16xf32>
        %swap3A_452 = vector.shape_cast %max3A_447 : vector<16xf32> to vector<1x16xf32>
        tpu.vector_store %arg16[%swap3A_448, %swap3A_449], %swap3A_452 {strides = array<i32>} : memref<80x128xf32, #tpu.memory_space<vmem>>, vector<1x16xf32>,
        %get3A_453 = arith.index_cast %scan3A_336 : i32 to index
        %get3A_454 = arith.constant 112 : index
        %get3A_455 = tpu.vector_load %arg16[%get3A_453, %get3A_454] {strides = array<i32>} : memref<80x128xf32, #tpu.memory_space<vmem>>, vector<1x16xf32>,
        %get3A_456 = vector.shape_cast %get3A_455 : vector<1x16xf32> to vector<16xf32>
        %get3A_457 = arith.index_cast %scan3A_336 : i32 to index
        %get3A_458 = arith.constant 112 : index
        %get3A_459 = tpu.vector_load %arg18[%get3A_457, %get3A_458] {strides = array<i32>} : memref<80x128xf32, #tpu.memory_space<vmem>>, vector<1x16xf32>,
        %get3A_460 = vector.shape_cast %get3A_459 : vector<1x16xf32> to vector<16xf32>
        %sub3A_461 = arith.subf %get3A_456, %get3A_460 : vector<16xf32>
        %max3A_462 = arith.constant 0.000000e+00 : f32
        %max3A_463 = vector.broadcast %max3A_462 : f32 to vector<16xf32>
        %max3A_464 = arith.maximumf %sub3A_461, %max3A_463 : vector<16xf32>
        %swap3A_465 = arith.index_cast %scan3A_336 : i32 to index
        %swap3A_466 = arith.constant 112 : index
        %swap3A_467 = tpu.vector_load %arg16[%swap3A_465, %swap3A_466] {strides = array<i32>} : memref<80x128xf32, #tpu.memory_space<vmem>>, vector<1x16xf32>,
        %swap3A_468 = vector.shape_cast %swap3A_467 : vector<1x16xf32> to vector<16xf32>
        %swap3A_469 = vector.shape_cast %max3A_464 : vector<16xf32> to vector<1x16xf32>
        tpu.vector_store %arg16[%swap3A_465, %swap3A_466], %swap3A_469 {strides = array<i32>} : memref<80x128xf32, #tpu.memory_space<vmem>>, vector<1x16xf32>,
        %scan3A_470 = arith.constant 0 : i32
        scf.yield %scan3A_470 : i32
      }
      %scan3A_289 = arith.constant 80 : i32
      "tpu.region"() ({
        %run_scoped3A = tpu.sem_alloc : memref<!tpu.dma_semaphore, #tpu.memory_space<semaphore_mem>>
        %dma_start3A_336 = arith.constant 0 : i32
        %dma_start3A_337 = arith.constant 0 : i32
        %dma_start3A_338 = tpu.memref_slice %arg20[%dma_start3A_336, %dma_start3A_337] : memref<10240x128xf32, #tpu.memory_space<vmem_shared>> -> memref<10240x128xf32, #tpu.memory_space<vmem_shared>>
        tpu.enqueue_indirect_dma source(%arg16 : memref<80x128xf32, #tpu.memory_space<vmem>>) target(%dma_start3A_338 : memref<10240x128xf32, #tpu.memory_space<vmem_shared>>) offsets(%arg14 : memref<80xi32, #tpu.memory_space<vmem>>) semaphore(%run_scoped3A : memref<!tpu.dma_semaphore, #tpu.memory_space<semaphore_mem>>) {add = true}
        %dma_wait3A_339 = arith.constant 0 : i32
        %dma_wait3A_340 = arith.constant 0 : i32
        %dma_wait3A_341 = tpu.memref_slice %arg20[%dma_wait3A_339, %dma_wait3A_340] : memref<10240x128xf32, #tpu.memory_space<vmem_shared>> -> memref<10240x128xf32, #tpu.memory_space<vmem_shared>>
        tpu.wait_indirect_dma semaphore(%run_scoped3A : memref<!tpu.dma_semaphore, #tpu.memory_space<semaphore_mem>>) src(%arg16 : memref<80x128xf32, #tpu.memory_space<vmem>>) dst(%dma_wait3A_341 : memref<10240x128xf32, #tpu.memory_space<vmem_shared>>)
        tpu.yield
      }) : () -> ()
      %add3A_290 = arith.constant 4 : i32
      %add3A_291 = arith.addi %add3A_276, %add3A_290 : i32
      %lt3A_292 = arith.constant 128 : i32
      %lt3A_293 = arith.cmpi slt, %add3A_291, %lt3A_292 : i32
      %convert_element_type3A_294 = arith.extui %lt3A_293 : i1 to i32
      %cond3A_295 = arith.constant 0 : i32
      %cond3A_296 = arith.cmpi ne, %convert_element_type3A_294, %cond3A_295 : i32
      scf.if %cond3A_296 {
        %add3A_336 = arith.constant 4 : i32
        %add3A_337 = arith.addi %add3A_276, %add3A_336 : i32
        %mul3A_338 = arith.constant 80 : i32
        %mul3A_339 = arith.muli %add3A_337, %mul3A_338 : i32
        %add3A_340 = arith.addi %mul3A_2, %mul3A_339 : i32
        %dma_start3A_341 = tpu.memref_slice %arg4[%add3A_340] : memref<327680xi32, #tpu.memory_space<hbm>> -> memref<80xi32, #tpu.memory_space<hbm>>
        %dma_start3A_342 = tpu.memref_slice %arg4[%add3A_340] : memref<327680xi32, #tpu.memory_space<hbm>> -> memref<80xi32, #tpu.memory_space<hbm>>
        tpu.enqueue_dma source(%dma_start3A_342 : memref<80xi32, #tpu.memory_space<hbm>>) target(%arg10 : memref<80xi32, #tpu.memory_space<vmem>>) target_semaphore(%arg27 : memref<!tpu.dma_semaphore, #tpu.memory_space<semaphore_mem>>)
        %dma_start3A_343 = tpu.memref_slice %arg5[%add3A_340] : memref<327680xi32, #tpu.memory_space<hbm>> -> memref<80xi32, #tpu.memory_space<hbm>>
        %dma_start3A_344 = tpu.memref_slice %arg5[%add3A_340] : memref<327680xi32, #tpu.memory_space<hbm>> -> memref<80xi32, #tpu.memory_space<hbm>>
        tpu.enqueue_dma source(%dma_start3A_344 : memref<80xi32, #tpu.memory_space<hbm>>) target(%arg14 : memref<80xi32, #tpu.memory_space<vmem>>) target_semaphore(%arg27 : memref<!tpu.dma_semaphore, #tpu.memory_space<semaphore_mem>>)
      } else {
      }
      %add3A_297 = arith.constant 2 : i32
      %add3A_298 = arith.addi %add3A_276, %add3A_297 : i32
      %lt3A_299 = arith.constant 128 : i32
      %lt3A_300 = arith.cmpi slt, %add3A_298, %lt3A_299 : i32
      %convert_element_type3A_301 = arith.extui %lt3A_300 : i1 to i32
      %cond3A_302 = arith.constant 0 : i32
      %cond3A_303 = arith.cmpi ne, %convert_element_type3A_301, %cond3A_302 : i32
      scf.if %cond3A_303 {
        %dma_wait3A_336 = arith.constant 0 : i32
        %dma_wait3A_337 = tpu.memref_slice %arg4[%dma_wait3A_336] : memref<327680xi32, #tpu.memory_space<hbm>> -> memref<80xi32, #tpu.memory_space<hbm>>
        %dma_wait3A_338 = arith.constant 0 : i32
        %dma_wait3A_339 = tpu.memref_slice %arg4[%dma_wait3A_338] : memref<327680xi32, #tpu.memory_space<hbm>> -> memref<80xi32, #tpu.memory_space<hbm>>
        tpu.wait_dma2 semaphore(%arg25 : memref<!tpu.dma_semaphore, #tpu.memory_space<semaphore_mem>>) src(%dma_wait3A_339 : memref<80xi32, #tpu.memory_space<hbm>>) dst(%arg8 : memref<80xi32, #tpu.memory_space<vmem>>)
        %dma_wait3A_340 = arith.constant 0 : i32
        %dma_wait3A_341 = tpu.memref_slice %arg5[%dma_wait3A_340] : memref<327680xi32, #tpu.memory_space<hbm>> -> memref<80xi32, #tpu.memory_space<hbm>>
        %dma_wait3A_342 = arith.constant 0 : i32
        %dma_wait3A_343 = tpu.memref_slice %arg5[%dma_wait3A_342] : memref<327680xi32, #tpu.memory_space<hbm>> -> memref<80xi32, #tpu.memory_space<hbm>>
        tpu.wait_dma2 semaphore(%arg25 : memref<!tpu.dma_semaphore, #tpu.memory_space<semaphore_mem>>) src(%dma_wait3A_343 : memref<80xi32, #tpu.memory_space<hbm>>) dst(%arg12 : memref<80xi32, #tpu.memory_space<vmem>>)
        %dma_start3A_344 = arith.constant 0 : i32
        %dma_start3A_345 = arith.constant 0 : i32
        %dma_start3A_346 = tpu.memref_slice %arg2[%dma_start3A_344, %dma_start3A_345] : memref<10000x128xf32, #tpu.memory_space<hbm>> -> memref<10000x128xf32, #tpu.memory_space<hbm>>
        tpu.enqueue_indirect_dma source(%dma_start3A_346 : memref<10000x128xf32, #tpu.memory_space<hbm>>) target(%arg16 : memref<80x128xf32, #tpu.memory_space<vmem>>) offsets(%arg8 : memref<80xi32, #tpu.memory_space<vmem>>) semaphore(%arg21 : memref<!tpu.dma_semaphore, #tpu.memory_space<semaphore_mem>>)
        %dma_start3A_347 = arith.constant 0 : i32
        %dma_start3A_348 = arith.constant 0 : i32
        %dma_start3A_349 = tpu.memref_slice %arg2[%dma_start3A_347, %dma_start3A_348] : memref<10000x128xf32, #tpu.memory_space<hbm>> -> memref<10000x128xf32, #tpu.memory_space<hbm>>
        tpu.enqueue_indirect_dma source(%dma_start3A_349 : memref<10000x128xf32, #tpu.memory_space<hbm>>) target(%arg18 : memref<80x128xf32, #tpu.memory_space<vmem>>) offsets(%arg12 : memref<80xi32, #tpu.memory_space<vmem>>) semaphore(%arg23 : memref<!tpu.dma_semaphore, #tpu.memory_space<semaphore_mem>>)
      } else {
      }
      %mul3A_304 = arith.constant 4 : i32
      %mul3A_305 = arith.muli %mul3A_304, %scan3A_212 : i32
      %add3A_306 = arith.constant 3 : i32
      %add3A_307 = arith.addi %mul3A_305, %add3A_306 : i32
      %dma_wait3A_308 = arith.constant 0 : i32
      %dma_wait3A_309 = arith.constant 0 : i32
      %dma_wait3A_310 = tpu.memref_slice %arg2[%dma_wait3A_308, %dma_wait3A_309] : memref<10000x128xf32, #tpu.memory_space<hbm>> -> memref<10000x128xf32, #tpu.memory_space<hbm>>
      tpu.wait_indirect_dma semaphore(%arg22 : memref<!tpu.dma_semaphore, #tpu.memory_space<semaphore_mem>>) src(%dma_wait3A_310 : memref<10000x128xf32, #tpu.memory_space<hbm>>) dst(%arg17 : memref<80x128xf32, #tpu.memory_space<vmem>>)
      %dma_wait3A_311 = arith.constant 0 : i32
      %dma_wait3A_312 = arith.constant 0 : i32
      %dma_wait3A_313 = tpu.memref_slice %arg2[%dma_wait3A_311, %dma_wait3A_312] : memref<10000x128xf32, #tpu.memory_space<hbm>> -> memref<10000x128xf32, #tpu.memory_space<hbm>>
      tpu.wait_indirect_dma semaphore(%arg24 : memref<!tpu.dma_semaphore, #tpu.memory_space<semaphore_mem>>) src(%dma_wait3A_313 : memref<10000x128xf32, #tpu.memory_space<hbm>>) dst(%arg19 : memref<80x128xf32, #tpu.memory_space<vmem>>)
      %scan3A_314 = arith.constant 0 : i32
      %scan3A_315 = arith.constant 0 : i32
      %scan3A_316 = arith.constant 80 : i32
      %scan3A_317 = arith.addi %scan3A_315, %scan3A_316 : i32
      %scan3A_318 = arith.constant 1 : i32
      %scan3A_319 = scf.for %scan3A_336 = %scan3A_315 to %scan3A_317 step %scan3A_318 iter_args(%scan3A_337 = %scan3A_314) -> (i32)  : i32 {
        %get3A = arith.index_cast %scan3A_336 : i32 to index
        %get3A_338 = arith.constant 0 : index
        %get3A_339 = tpu.vector_load %arg17[%get3A, %get3A_338] {strides = array<i32>} : memref<80x128xf32, #tpu.memory_space<vmem>>, vector<1x16xf32>,
        %get3A_340 = vector.shape_cast %get3A_339 : vector<1x16xf32> to vector<16xf32>
        %get3A_341 = arith.index_cast %scan3A_336 : i32 to index
        %get3A_342 = arith.constant 0 : index
        %get3A_343 = tpu.vector_load %arg19[%get3A_341, %get3A_342] {strides = array<i32>} : memref<80x128xf32, #tpu.memory_space<vmem>>, vector<1x16xf32>,
        %get3A_344 = vector.shape_cast %get3A_343 : vector<1x16xf32> to vector<16xf32>
        %sub3A = arith.subf %get3A_340, %get3A_344 : vector<16xf32>
        %max3A = arith.constant 0.000000e+00 : f32
        %max3A_345 = vector.broadcast %max3A : f32 to vector<16xf32>
        %max3A_346 = arith.maximumf %sub3A, %max3A_345 : vector<16xf32>
        %swap3A = arith.index_cast %scan3A_336 : i32 to index
        %swap3A_347 = arith.constant 0 : index
        %swap3A_348 = tpu.vector_load %arg17[%swap3A, %swap3A_347] {strides = array<i32>} : memref<80x128xf32, #tpu.memory_space<vmem>>, vector<1x16xf32>,
        %swap3A_349 = vector.shape_cast %swap3A_348 : vector<1x16xf32> to vector<16xf32>
        %swap3A_350 = vector.shape_cast %max3A_346 : vector<16xf32> to vector<1x16xf32>
        tpu.vector_store %arg17[%swap3A, %swap3A_347], %swap3A_350 {strides = array<i32>} : memref<80x128xf32, #tpu.memory_space<vmem>>, vector<1x16xf32>,
        %get3A_351 = arith.index_cast %scan3A_336 : i32 to index
        %get3A_352 = arith.constant 16 : index
        %get3A_353 = tpu.vector_load %arg17[%get3A_351, %get3A_352] {strides = array<i32>} : memref<80x128xf32, #tpu.memory_space<vmem>>, vector<1x16xf32>,
        %get3A_354 = vector.shape_cast %get3A_353 : vector<1x16xf32> to vector<16xf32>
        %get3A_355 = arith.index_cast %scan3A_336 : i32 to index
        %get3A_356 = arith.constant 16 : index
        %get3A_357 = tpu.vector_load %arg19[%get3A_355, %get3A_356] {strides = array<i32>} : memref<80x128xf32, #tpu.memory_space<vmem>>, vector<1x16xf32>,
        %get3A_358 = vector.shape_cast %get3A_357 : vector<1x16xf32> to vector<16xf32>
        %sub3A_359 = arith.subf %get3A_354, %get3A_358 : vector<16xf32>
        %max3A_360 = arith.constant 0.000000e+00 : f32
        %max3A_361 = vector.broadcast %max3A_360 : f32 to vector<16xf32>
        %max3A_362 = arith.maximumf %sub3A_359, %max3A_361 : vector<16xf32>
        %swap3A_363 = arith.index_cast %scan3A_336 : i32 to index
        %swap3A_364 = arith.constant 16 : index
        %swap3A_365 = tpu.vector_load %arg17[%swap3A_363, %swap3A_364] {strides = array<i32>} : memref<80x128xf32, #tpu.memory_space<vmem>>, vector<1x16xf32>,
        %swap3A_366 = vector.shape_cast %swap3A_365 : vector<1x16xf32> to vector<16xf32>
        %swap3A_367 = vector.shape_cast %max3A_362 : vector<16xf32> to vector<1x16xf32>
        tpu.vector_store %arg17[%swap3A_363, %swap3A_364], %swap3A_367 {strides = array<i32>} : memref<80x128xf32, #tpu.memory_space<vmem>>, vector<1x16xf32>,
        %get3A_368 = arith.index_cast %scan3A_336 : i32 to index
        %get3A_369 = arith.constant 32 : index
        %get3A_370 = tpu.vector_load %arg17[%get3A_368, %get3A_369] {strides = array<i32>} : memref<80x128xf32, #tpu.memory_space<vmem>>, vector<1x16xf32>,
        %get3A_371 = vector.shape_cast %get3A_370 : vector<1x16xf32> to vector<16xf32>
        %get3A_372 = arith.index_cast %scan3A_336 : i32 to index
        %get3A_373 = arith.constant 32 : index
        %get3A_374 = tpu.vector_load %arg19[%get3A_372, %get3A_373] {strides = array<i32>} : memref<80x128xf32, #tpu.memory_space<vmem>>, vector<1x16xf32>,
        %get3A_375 = vector.shape_cast %get3A_374 : vector<1x16xf32> to vector<16xf32>
        %sub3A_376 = arith.subf %get3A_371, %get3A_375 : vector<16xf32>
        %max3A_377 = arith.constant 0.000000e+00 : f32
        %max3A_378 = vector.broadcast %max3A_377 : f32 to vector<16xf32>
        %max3A_379 = arith.maximumf %sub3A_376, %max3A_378 : vector<16xf32>
        %swap3A_380 = arith.index_cast %scan3A_336 : i32 to index
        %swap3A_381 = arith.constant 32 : index
        %swap3A_382 = tpu.vector_load %arg17[%swap3A_380, %swap3A_381] {strides = array<i32>} : memref<80x128xf32, #tpu.memory_space<vmem>>, vector<1x16xf32>,
        %swap3A_383 = vector.shape_cast %swap3A_382 : vector<1x16xf32> to vector<16xf32>
        %swap3A_384 = vector.shape_cast %max3A_379 : vector<16xf32> to vector<1x16xf32>
        tpu.vector_store %arg17[%swap3A_380, %swap3A_381], %swap3A_384 {strides = array<i32>} : memref<80x128xf32, #tpu.memory_space<vmem>>, vector<1x16xf32>,
        %get3A_385 = arith.index_cast %scan3A_336 : i32 to index
        %get3A_386 = arith.constant 48 : index
        %get3A_387 = tpu.vector_load %arg17[%get3A_385, %get3A_386] {strides = array<i32>} : memref<80x128xf32, #tpu.memory_space<vmem>>, vector<1x16xf32>,
        %get3A_388 = vector.shape_cast %get3A_387 : vector<1x16xf32> to vector<16xf32>
        %get3A_389 = arith.index_cast %scan3A_336 : i32 to index
        %get3A_390 = arith.constant 48 : index
        %get3A_391 = tpu.vector_load %arg19[%get3A_389, %get3A_390] {strides = array<i32>} : memref<80x128xf32, #tpu.memory_space<vmem>>, vector<1x16xf32>,
        %get3A_392 = vector.shape_cast %get3A_391 : vector<1x16xf32> to vector<16xf32>
        %sub3A_393 = arith.subf %get3A_388, %get3A_392 : vector<16xf32>
        %max3A_394 = arith.constant 0.000000e+00 : f32
        %max3A_395 = vector.broadcast %max3A_394 : f32 to vector<16xf32>
        %max3A_396 = arith.maximumf %sub3A_393, %max3A_395 : vector<16xf32>
        %swap3A_397 = arith.index_cast %scan3A_336 : i32 to index
        %swap3A_398 = arith.constant 48 : index
        %swap3A_399 = tpu.vector_load %arg17[%swap3A_397, %swap3A_398] {strides = array<i32>} : memref<80x128xf32, #tpu.memory_space<vmem>>, vector<1x16xf32>,
        %swap3A_400 = vector.shape_cast %swap3A_399 : vector<1x16xf32> to vector<16xf32>
        %swap3A_401 = vector.shape_cast %max3A_396 : vector<16xf32> to vector<1x16xf32>
        tpu.vector_store %arg17[%swap3A_397, %swap3A_398], %swap3A_401 {strides = array<i32>} : memref<80x128xf32, #tpu.memory_space<vmem>>, vector<1x16xf32>,
        %get3A_402 = arith.index_cast %scan3A_336 : i32 to index
        %get3A_403 = arith.constant 64 : index
        %get3A_404 = tpu.vector_load %arg17[%get3A_402, %get3A_403] {strides = array<i32>} : memref<80x128xf32, #tpu.memory_space<vmem>>, vector<1x16xf32>,
        %get3A_405 = vector.shape_cast %get3A_404 : vector<1x16xf32> to vector<16xf32>
        %get3A_406 = arith.index_cast %scan3A_336 : i32 to index
        %get3A_407 = arith.constant 64 : index
        %get3A_408 = tpu.vector_load %arg19[%get3A_406, %get3A_407] {strides = array<i32>} : memref<80x128xf32, #tpu.memory_space<vmem>>, vector<1x16xf32>,
        %get3A_409 = vector.shape_cast %get3A_408 : vector<1x16xf32> to vector<16xf32>
        %sub3A_410 = arith.subf %get3A_405, %get3A_409 : vector<16xf32>
        %max3A_411 = arith.constant 0.000000e+00 : f32
        %max3A_412 = vector.broadcast %max3A_411 : f32 to vector<16xf32>
        %max3A_413 = arith.maximumf %sub3A_410, %max3A_412 : vector<16xf32>
        %swap3A_414 = arith.index_cast %scan3A_336 : i32 to index
        %swap3A_415 = arith.constant 64 : index
        %swap3A_416 = tpu.vector_load %arg17[%swap3A_414, %swap3A_415] {strides = array<i32>} : memref<80x128xf32, #tpu.memory_space<vmem>>, vector<1x16xf32>,
        %swap3A_417 = vector.shape_cast %swap3A_416 : vector<1x16xf32> to vector<16xf32>
        %swap3A_418 = vector.shape_cast %max3A_413 : vector<16xf32> to vector<1x16xf32>
        tpu.vector_store %arg17[%swap3A_414, %swap3A_415], %swap3A_418 {strides = array<i32>} : memref<80x128xf32, #tpu.memory_space<vmem>>, vector<1x16xf32>,
        %get3A_419 = arith.index_cast %scan3A_336 : i32 to index
        %get3A_420 = arith.constant 80 : index
        %get3A_421 = tpu.vector_load %arg17[%get3A_419, %get3A_420] {strides = array<i32>} : memref<80x128xf32, #tpu.memory_space<vmem>>, vector<1x16xf32>,
        %get3A_422 = vector.shape_cast %get3A_421 : vector<1x16xf32> to vector<16xf32>
        %get3A_423 = arith.index_cast %scan3A_336 : i32 to index
        %get3A_424 = arith.constant 80 : index
        %get3A_425 = tpu.vector_load %arg19[%get3A_423, %get3A_424] {strides = array<i32>} : memref<80x128xf32, #tpu.memory_space<vmem>>, vector<1x16xf32>,
        %get3A_426 = vector.shape_cast %get3A_425 : vector<1x16xf32> to vector<16xf32>
        %sub3A_427 = arith.subf %get3A_422, %get3A_426 : vector<16xf32>
        %max3A_428 = arith.constant 0.000000e+00 : f32
        %max3A_429 = vector.broadcast %max3A_428 : f32 to vector<16xf32>
        %max3A_430 = arith.maximumf %sub3A_427, %max3A_429 : vector<16xf32>
        %swap3A_431 = arith.index_cast %scan3A_336 : i32 to index
        %swap3A_432 = arith.constant 80 : index
        %swap3A_433 = tpu.vector_load %arg17[%swap3A_431, %swap3A_432] {strides = array<i32>} : memref<80x128xf32, #tpu.memory_space<vmem>>, vector<1x16xf32>,
        %swap3A_434 = vector.shape_cast %swap3A_433 : vector<1x16xf32> to vector<16xf32>
        %swap3A_435 = vector.shape_cast %max3A_430 : vector<16xf32> to vector<1x16xf32>
        tpu.vector_store %arg17[%swap3A_431, %swap3A_432], %swap3A_435 {strides = array<i32>} : memref<80x128xf32, #tpu.memory_space<vmem>>, vector<1x16xf32>,
        %get3A_436 = arith.index_cast %scan3A_336 : i32 to index
        %get3A_437 = arith.constant 96 : index
        %get3A_438 = tpu.vector_load %arg17[%get3A_436, %get3A_437] {strides = array<i32>} : memref<80x128xf32, #tpu.memory_space<vmem>>, vector<1x16xf32>,
        %get3A_439 = vector.shape_cast %get3A_438 : vector<1x16xf32> to vector<16xf32>
        %get3A_440 = arith.index_cast %scan3A_336 : i32 to index
        %get3A_441 = arith.constant 96 : index
        %get3A_442 = tpu.vector_load %arg19[%get3A_440, %get3A_441] {strides = array<i32>} : memref<80x128xf32, #tpu.memory_space<vmem>>, vector<1x16xf32>,
        %get3A_443 = vector.shape_cast %get3A_442 : vector<1x16xf32> to vector<16xf32>
        %sub3A_444 = arith.subf %get3A_439, %get3A_443 : vector<16xf32>
        %max3A_445 = arith.constant 0.000000e+00 : f32
        %max3A_446 = vector.broadcast %max3A_445 : f32 to vector<16xf32>
        %max3A_447 = arith.maximumf %sub3A_444, %max3A_446 : vector<16xf32>
        %swap3A_448 = arith.index_cast %scan3A_336 : i32 to index
        %swap3A_449 = arith.constant 96 : index
        %swap3A_450 = tpu.vector_load %arg17[%swap3A_448, %swap3A_449] {strides = array<i32>} : memref<80x128xf32, #tpu.memory_space<vmem>>, vector<1x16xf32>,
        %swap3A_451 = vector.shape_cast %swap3A_450 : vector<1x16xf32> to vector<16xf32>
        %swap3A_452 = vector.shape_cast %max3A_447 : vector<16xf32> to vector<1x16xf32>
        tpu.vector_store %arg17[%swap3A_448, %swap3A_449], %swap3A_452 {strides = array<i32>} : memref<80x128xf32, #tpu.memory_space<vmem>>, vector<1x16xf32>,
        %get3A_453 = arith.index_cast %scan3A_336 : i32 to index
        %get3A_454 = arith.constant 112 : index
        %get3A_455 = tpu.vector_load %arg17[%get3A_453, %get3A_454] {strides = array<i32>} : memref<80x128xf32, #tpu.memory_space<vmem>>, vector<1x16xf32>,
        %get3A_456 = vector.shape_cast %get3A_455 : vector<1x16xf32> to vector<16xf32>
        %get3A_457 = arith.index_cast %scan3A_336 : i32 to index
        %get3A_458 = arith.constant 112 : index
        %get3A_459 = tpu.vector_load %arg19[%get3A_457, %get3A_458] {strides = array<i32>} : memref<80x128xf32, #tpu.memory_space<vmem>>, vector<1x16xf32>,
        %get3A_460 = vector.shape_cast %get3A_459 : vector<1x16xf32> to vector<16xf32>
        %sub3A_461 = arith.subf %get3A_456, %get3A_460 : vector<16xf32>
        %max3A_462 = arith.constant 0.000000e+00 : f32
        %max3A_463 = vector.broadcast %max3A_462 : f32 to vector<16xf32>
        %max3A_464 = arith.maximumf %sub3A_461, %max3A_463 : vector<16xf32>
        %swap3A_465 = arith.index_cast %scan3A_336 : i32 to index
        %swap3A_466 = arith.constant 112 : index
        %swap3A_467 = tpu.vector_load %arg17[%swap3A_465, %swap3A_466] {strides = array<i32>} : memref<80x128xf32, #tpu.memory_space<vmem>>, vector<1x16xf32>,
        %swap3A_468 = vector.shape_cast %swap3A_467 : vector<1x16xf32> to vector<16xf32>
        %swap3A_469 = vector.shape_cast %max3A_464 : vector<16xf32> to vector<1x16xf32>
        tpu.vector_store %arg17[%swap3A_465, %swap3A_466], %swap3A_469 {strides = array<i32>} : memref<80x128xf32, #tpu.memory_space<vmem>>, vector<1x16xf32>,
        %scan3A_470 = arith.constant 0 : i32
        scf.yield %scan3A_470 : i32
      }
      %scan3A_320 = arith.constant 80 : i32
      "tpu.region"() ({
        %run_scoped3A = tpu.sem_alloc : memref<!tpu.dma_semaphore, #tpu.memory_space<semaphore_mem>>
        %dma_start3A_336 = arith.constant 0 : i32
        %dma_start3A_337 = arith.constant 0 : i32
        %dma_start3A_338 = tpu.memref_slice %arg20[%dma_start3A_336, %dma_start3A_337] : memref<10240x128xf32, #tpu.memory_space<vmem_shared>> -> memref<10240x128xf32, #tpu.memory_space<vmem_shared>>
        tpu.enqueue_indirect_dma source(%arg17 : memref<80x128xf32, #tpu.memory_space<vmem>>) target(%dma_start3A_338 : memref<10240x128xf32, #tpu.memory_space<vmem_shared>>) offsets(%arg15 : memref<80xi32, #tpu.memory_space<vmem>>) semaphore(%run_scoped3A : memref<!tpu.dma_semaphore, #tpu.memory_space<semaphore_mem>>) {add = true}
        %dma_wait3A_339 = arith.constant 0 : i32
        %dma_wait3A_340 = arith.constant 0 : i32
        %dma_wait3A_341 = tpu.memref_slice %arg20[%dma_wait3A_339, %dma_wait3A_340] : memref<10240x128xf32, #tpu.memory_space<vmem_shared>> -> memref<10240x128xf32, #tpu.memory_space<vmem_shared>>
        tpu.wait_indirect_dma semaphore(%run_scoped3A : memref<!tpu.dma_semaphore, #tpu.memory_space<semaphore_mem>>) src(%arg17 : memref<80x128xf32, #tpu.memory_space<vmem>>) dst(%dma_wait3A_341 : memref<10240x128xf32, #tpu.memory_space<vmem_shared>>)
        tpu.yield
      }) : () -> ()
      %add3A_321 = arith.constant 4 : i32
      %add3A_322 = arith.addi %add3A_307, %add3A_321 : i32
      %lt3A_323 = arith.constant 128 : i32
      %lt3A_324 = arith.cmpi slt, %add3A_322, %lt3A_323 : i32
      %convert_element_type3A_325 = arith.extui %lt3A_324 : i1 to i32
      %cond3A_326 = arith.constant 0 : i32
      %cond3A_327 = arith.cmpi ne, %convert_element_type3A_325, %cond3A_326 : i32
      scf.if %cond3A_327 {
        %add3A_336 = arith.constant 4 : i32
        %add3A_337 = arith.addi %add3A_307, %add3A_336 : i32
        %mul3A_338 = arith.constant 80 : i32
        %mul3A_339 = arith.muli %add3A_337, %mul3A_338 : i32
        %add3A_340 = arith.addi %mul3A_2, %mul3A_339 : i32
        %dma_start3A_341 = tpu.memref_slice %arg4[%add3A_340] : memref<327680xi32, #tpu.memory_space<hbm>> -> memref<80xi32, #tpu.memory_space<hbm>>
        %dma_start3A_342 = tpu.memref_slice %arg4[%add3A_340] : memref<327680xi32, #tpu.memory_space<hbm>> -> memref<80xi32, #tpu.memory_space<hbm>>
        tpu.enqueue_dma source(%dma_start3A_342 : memref<80xi32, #tpu.memory_space<hbm>>) target(%arg11 : memref<80xi32, #tpu.memory_space<vmem>>) target_semaphore(%arg28 : memref<!tpu.dma_semaphore, #tpu.memory_space<semaphore_mem>>)
        %dma_start3A_343 = tpu.memref_slice %arg5[%add3A_340] : memref<327680xi32, #tpu.memory_space<hbm>> -> memref<80xi32, #tpu.memory_space<hbm>>
        %dma_start3A_344 = tpu.memref_slice %arg5[%add3A_340] : memref<327680xi32, #tpu.memory_space<hbm>> -> memref<80xi32, #tpu.memory_space<hbm>>
        tpu.enqueue_dma source(%dma_start3A_344 : memref<80xi32, #tpu.memory_space<hbm>>) target(%arg15 : memref<80xi32, #tpu.memory_space<vmem>>) target_semaphore(%arg28 : memref<!tpu.dma_semaphore, #tpu.memory_space<semaphore_mem>>)
      } else {
      }
      %add3A_328 = arith.constant 2 : i32
      %add3A_329 = arith.addi %add3A_307, %add3A_328 : i32
      %lt3A_330 = arith.constant 128 : i32
      %lt3A_331 = arith.cmpi slt, %add3A_329, %lt3A_330 : i32
      %convert_element_type3A_332 = arith.extui %lt3A_331 : i1 to i32
      %cond3A_333 = arith.constant 0 : i32
      %cond3A_334 = arith.cmpi ne, %convert_element_type3A_332, %cond3A_333 : i32
      scf.if %cond3A_334 {
        %dma_wait3A_336 = arith.constant 0 : i32
        %dma_wait3A_337 = tpu.memref_slice %arg4[%dma_wait3A_336] : memref<327680xi32, #tpu.memory_space<hbm>> -> memref<80xi32, #tpu.memory_space<hbm>>
        %dma_wait3A_338 = arith.constant 0 : i32
        %dma_wait3A_339 = tpu.memref_slice %arg4[%dma_wait3A_338] : memref<327680xi32, #tpu.memory_space<hbm>> -> memref<80xi32, #tpu.memory_space<hbm>>
        tpu.wait_dma2 semaphore(%arg26 : memref<!tpu.dma_semaphore, #tpu.memory_space<semaphore_mem>>) src(%dma_wait3A_339 : memref<80xi32, #tpu.memory_space<hbm>>) dst(%arg9 : memref<80xi32, #tpu.memory_space<vmem>>)
        %dma_wait3A_340 = arith.constant 0 : i32
        %dma_wait3A_341 = tpu.memref_slice %arg5[%dma_wait3A_340] : memref<327680xi32, #tpu.memory_space<hbm>> -> memref<80xi32, #tpu.memory_space<hbm>>
        %dma_wait3A_342 = arith.constant 0 : i32
        %dma_wait3A_343 = tpu.memref_slice %arg5[%dma_wait3A_342] : memref<327680xi32, #tpu.memory_space<hbm>> -> memref<80xi32, #tpu.memory_space<hbm>>
        tpu.wait_dma2 semaphore(%arg26 : memref<!tpu.dma_semaphore, #tpu.memory_space<semaphore_mem>>) src(%dma_wait3A_343 : memref<80xi32, #tpu.memory_space<hbm>>) dst(%arg13 : memref<80xi32, #tpu.memory_space<vmem>>)
        %dma_start3A_344 = arith.constant 0 : i32
        %dma_start3A_345 = arith.constant 0 : i32
        %dma_start3A_346 = tpu.memref_slice %arg2[%dma_start3A_344, %dma_start3A_345] : memref<10000x128xf32, #tpu.memory_space<hbm>> -> memref<10000x128xf32, #tpu.memory_space<hbm>>
        tpu.enqueue_indirect_dma source(%dma_start3A_346 : memref<10000x128xf32, #tpu.memory_space<hbm>>) target(%arg17 : memref<80x128xf32, #tpu.memory_space<vmem>>) offsets(%arg9 : memref<80xi32, #tpu.memory_space<vmem>>) semaphore(%arg22 : memref<!tpu.dma_semaphore, #tpu.memory_space<semaphore_mem>>)
        %dma_start3A_347 = arith.constant 0 : i32
        %dma_start3A_348 = arith.constant 0 : i32
        %dma_start3A_349 = tpu.memref_slice %arg2[%dma_start3A_347, %dma_start3A_348] : memref<10000x128xf32, #tpu.memory_space<hbm>> -> memref<10000x128xf32, #tpu.memory_space<hbm>>
        tpu.enqueue_indirect_dma source(%dma_start3A_349 : memref<10000x128xf32, #tpu.memory_space<hbm>>) target(%arg19 : memref<80x128xf32, #tpu.memory_space<vmem>>) offsets(%arg13 : memref<80xi32, #tpu.memory_space<vmem>>) semaphore(%arg24 : memref<!tpu.dma_semaphore, #tpu.memory_space<semaphore_mem>>)
      } else {
      }
      %scan3A_335 = arith.constant 0 : i32
      scf.yield %scan3A_335 : i32
    }
    %scan3A_97 = arith.constant 32 : i32
    %barrier3A_98 = arith.constant 0 : index
    tpu.barrier barrier_id(%barrier3A_98)
    %mul3A_99 = arith.constant 640 : i32
    %mul3A_100 = arith.muli %arg1, %mul3A_99 : i32
    %mul3A_101 = arith.constant 640 : i32
    %mul3A_102 = arith.muli %arg1, %mul3A_101 : i32
    "tpu.region"() ({
      %run_scoped3A = tpu.sem_alloc : memref<!tpu.dma_semaphore, #tpu.memory_space<semaphore_mem>>
      %dma_start3A_212 = arith.constant 0 : i32
      %dma_start3A_213 = tpu.memref_slice %arg6[%arg0, %mul3A_102, %dma_start3A_212] : memref<2x10240x128xf32, #tpu.memory_space<hbm>> -> memref<1x640x128xf32, #tpu.memory_space<hbm>>
      %dma_start3A_214 = tpu.memref_squeeze %dma_start3A_213 : memref<1x640x128xf32, #tpu.memory_space<hbm>> -> memref<640x128xf32, #tpu.memory_space<hbm>>
      %dma_start3A_215 = arith.constant 0 : i32
      %dma_start3A_216 = tpu.memref_slice %arg20[%mul3A_100, %dma_start3A_215] : memref<10240x128xf32, #tpu.memory_space<vmem_shared>> -> memref<640x128xf32, #tpu.memory_space<vmem_shared>>
      tpu.enqueue_dma source(%dma_start3A_216 : memref<640x128xf32, #tpu.memory_space<vmem_shared>>) target(%dma_start3A_214 : memref<640x128xf32, #tpu.memory_space<hbm>>) target_semaphore(%run_scoped3A : memref<!tpu.dma_semaphore, #tpu.memory_space<semaphore_mem>>)
      %dma_wait3A_217 = arith.constant 0 : i32
      %dma_wait3A_218 = tpu.memref_slice %arg6[%arg0, %mul3A_102, %dma_wait3A_217] : memref<2x10240x128xf32, #tpu.memory_space<hbm>> -> memref<1x640x128xf32, #tpu.memory_space<hbm>>
      %dma_wait3A_219 = tpu.memref_squeeze %dma_wait3A_218 : memref<1x640x128xf32, #tpu.memory_space<hbm>> -> memref<640x128xf32, #tpu.memory_space<hbm>>
      %dma_wait3A_220 = arith.constant 0 : i32
      %dma_wait3A_221 = tpu.memref_slice %arg20[%mul3A_100, %dma_wait3A_220] : memref<10240x128xf32, #tpu.memory_space<vmem_shared>> -> memref<640x128xf32, #tpu.memory_space<vmem_shared>>
      tpu.wait_dma2 semaphore(%run_scoped3A : memref<!tpu.dma_semaphore, #tpu.memory_space<semaphore_mem>>) src(%dma_wait3A_221 : memref<640x128xf32, #tpu.memory_space<vmem_shared>>) dst(%dma_wait3A_219 : memref<640x128xf32, #tpu.memory_space<hbm>>)
      tpu.yield
    }) : () -> ()
    %scan3A_103 = arith.constant 0 : i32
    %scan3A_104 = arith.constant 0 : i32
    %scan3A_105 = arith.constant 80 : i32
    %scan3A_106 = arith.addi %scan3A_104, %scan3A_105 : i32
    %scan3A_107 = arith.constant 1 : i32
    %scan3A_108 = scf.for %scan3A_212 = %scan3A_104 to %scan3A_106 step %scan3A_107 iter_args(%scan3A_213 = %scan3A_103) -> (i32)  : i32 {
      %broadcast_in_dim3A = arith.constant 0.000000e+00 : f32
      %broadcast_in_dim3A_214 = vector.broadcast %broadcast_in_dim3A : f32 to vector<16xf32>
      %swap3A = arith.index_cast %scan3A_212 : i32 to index
      %swap3A_215 = arith.constant 0 : index
      %swap3A_216 = tpu.vector_load %arg18[%swap3A, %swap3A_215] {strides = array<i32>} : memref<80x128xf32, #tpu.memory_space<vmem>>, vector<1x16xf32>,
      %swap3A_217 = vector.shape_cast %swap3A_216 : vector<1x16xf32> to vector<16xf32>
      %swap3A_218 = vector.shape_cast %broadcast_in_dim3A_214 : vector<16xf32> to vector<1x16xf32>
      tpu.vector_store %arg18[%swap3A, %swap3A_215], %swap3A_218 {strides = array<i32>} : memref<80x128xf32, #tpu.memory_space<vmem>>, vector<1x16xf32>,
      %broadcast_in_dim3A_219 = arith.constant 0.000000e+00 : f32
      %broadcast_in_dim3A_220 = vector.broadcast %broadcast_in_dim3A_219 : f32 to vector<16xf32>
      %swap3A_221 = arith.index_cast %scan3A_212 : i32 to index
      %swap3A_222 = arith.constant 16 : index
      %swap3A_223 = tpu.vector_load %arg18[%swap3A_221, %swap3A_222] {strides = array<i32>} : memref<80x128xf32, #tpu.memory_space<vmem>>, vector<1x16xf32>,
      %swap3A_224 = vector.shape_cast %swap3A_223 : vector<1x16xf32> to vector<16xf32>
      %swap3A_225 = vector.shape_cast %broadcast_in_dim3A_220 : vector<16xf32> to vector<1x16xf32>
      tpu.vector_store %arg18[%swap3A_221, %swap3A_222], %swap3A_225 {strides = array<i32>} : memref<80x128xf32, #tpu.memory_space<vmem>>, vector<1x16xf32>,
      %broadcast_in_dim3A_226 = arith.constant 0.000000e+00 : f32
      %broadcast_in_dim3A_227 = vector.broadcast %broadcast_in_dim3A_226 : f32 to vector<16xf32>
      %swap3A_228 = arith.index_cast %scan3A_212 : i32 to index
      %swap3A_229 = arith.constant 32 : index
      %swap3A_230 = tpu.vector_load %arg18[%swap3A_228, %swap3A_229] {strides = array<i32>} : memref<80x128xf32, #tpu.memory_space<vmem>>, vector<1x16xf32>,
      %swap3A_231 = vector.shape_cast %swap3A_230 : vector<1x16xf32> to vector<16xf32>
      %swap3A_232 = vector.shape_cast %broadcast_in_dim3A_227 : vector<16xf32> to vector<1x16xf32>
      tpu.vector_store %arg18[%swap3A_228, %swap3A_229], %swap3A_232 {strides = array<i32>} : memref<80x128xf32, #tpu.memory_space<vmem>>, vector<1x16xf32>,
      %broadcast_in_dim3A_233 = arith.constant 0.000000e+00 : f32
      %broadcast_in_dim3A_234 = vector.broadcast %broadcast_in_dim3A_233 : f32 to vector<16xf32>
      %swap3A_235 = arith.index_cast %scan3A_212 : i32 to index
      %swap3A_236 = arith.constant 48 : index
      %swap3A_237 = tpu.vector_load %arg18[%swap3A_235, %swap3A_236] {strides = array<i32>} : memref<80x128xf32, #tpu.memory_space<vmem>>, vector<1x16xf32>,
      %swap3A_238 = vector.shape_cast %swap3A_237 : vector<1x16xf32> to vector<16xf32>
      %swap3A_239 = vector.shape_cast %broadcast_in_dim3A_234 : vector<16xf32> to vector<1x16xf32>
      tpu.vector_store %arg18[%swap3A_235, %swap3A_236], %swap3A_239 {strides = array<i32>} : memref<80x128xf32, #tpu.memory_space<vmem>>, vector<1x16xf32>,
      %broadcast_in_dim3A_240 = arith.constant 0.000000e+00 : f32
      %broadcast_in_dim3A_241 = vector.broadcast %broadcast_in_dim3A_240 : f32 to vector<16xf32>
      %swap3A_242 = arith.index_cast %scan3A_212 : i32 to index
      %swap3A_243 = arith.constant 64 : index
      %swap3A_244 = tpu.vector_load %arg18[%swap3A_242, %swap3A_243] {strides = array<i32>} : memref<80x128xf32, #tpu.memory_space<vmem>>, vector<1x16xf32>,
      %swap3A_245 = vector.shape_cast %swap3A_244 : vector<1x16xf32> to vector<16xf32>
      %swap3A_246 = vector.shape_cast %broadcast_in_dim3A_241 : vector<16xf32> to vector<1x16xf32>
      tpu.vector_store %arg18[%swap3A_242, %swap3A_243], %swap3A_246 {strides = array<i32>} : memref<80x128xf32, #tpu.memory_space<vmem>>, vector<1x16xf32>,
      %broadcast_in_dim3A_247 = arith.constant 0.000000e+00 : f32
      %broadcast_in_dim3A_248 = vector.broadcast %broadcast_in_dim3A_247 : f32 to vector<16xf32>
      %swap3A_249 = arith.index_cast %scan3A_212 : i32 to index
      %swap3A_250 = arith.constant 80 : index
      %swap3A_251 = tpu.vector_load %arg18[%swap3A_249, %swap3A_250] {strides = array<i32>} : memref<80x128xf32, #tpu.memory_space<vmem>>, vector<1x16xf32>,
      %swap3A_252 = vector.shape_cast %swap3A_251 : vector<1x16xf32> to vector<16xf32>
      %swap3A_253 = vector.shape_cast %broadcast_in_dim3A_248 : vector<16xf32> to vector<1x16xf32>
      tpu.vector_store %arg18[%swap3A_249, %swap3A_250], %swap3A_253 {strides = array<i32>} : memref<80x128xf32, #tpu.memory_space<vmem>>, vector<1x16xf32>,
      %broadcast_in_dim3A_254 = arith.constant 0.000000e+00 : f32
      %broadcast_in_dim3A_255 = vector.broadcast %broadcast_in_dim3A_254 : f32 to vector<16xf32>
      %swap3A_256 = arith.index_cast %scan3A_212 : i32 to index
      %swap3A_257 = arith.constant 96 : index
      %swap3A_258 = tpu.vector_load %arg18[%swap3A_256, %swap3A_257] {strides = array<i32>} : memref<80x128xf32, #tpu.memory_space<vmem>>, vector<1x16xf32>,
      %swap3A_259 = vector.shape_cast %swap3A_258 : vector<1x16xf32> to vector<16xf32>
      %swap3A_260 = vector.shape_cast %broadcast_in_dim3A_255 : vector<16xf32> to vector<1x16xf32>
      tpu.vector_store %arg18[%swap3A_256, %swap3A_257], %swap3A_260 {strides = array<i32>} : memref<80x128xf32, #tpu.memory_space<vmem>>, vector<1x16xf32>,
      %broadcast_in_dim3A_261 = arith.constant 0.000000e+00 : f32
      %broadcast_in_dim3A_262 = vector.broadcast %broadcast_in_dim3A_261 : f32 to vector<16xf32>
      %swap3A_263 = arith.index_cast %scan3A_212 : i32 to index
      %swap3A_264 = arith.constant 112 : index
      %swap3A_265 = tpu.vector_load %arg18[%swap3A_263, %swap3A_264] {strides = array<i32>} : memref<80x128xf32, #tpu.memory_space<vmem>>, vector<1x16xf32>,
      %swap3A_266 = vector.shape_cast %swap3A_265 : vector<1x16xf32> to vector<16xf32>
      %swap3A_267 = vector.shape_cast %broadcast_in_dim3A_262 : vector<16xf32> to vector<1x16xf32>
      tpu.vector_store %arg18[%swap3A_263, %swap3A_264], %swap3A_267 {strides = array<i32>} : memref<80x128xf32, #tpu.memory_space<vmem>>, vector<1x16xf32>,
      %scan3A_268 = arith.constant 0 : i32
      scf.yield %scan3A_268 : i32
    }
    %scan3A_109 = arith.constant 80 : i32
    %mul3A_110 = arith.constant 640 : i32
    %mul3A_111 = arith.muli %arg1, %mul3A_110 : i32
    %add3A_112 = arith.constant 0 : i32
    %add3A_113 = arith.addi %mul3A_111, %add3A_112 : i32
    "tpu.region"() ({
      %run_scoped3A = tpu.sem_alloc : memref<!tpu.dma_semaphore, #tpu.memory_space<semaphore_mem>>
      %dma_start3A_212 = arith.constant 0 : i32
      %dma_start3A_213 = tpu.memref_slice %arg20[%add3A_113, %dma_start3A_212] : memref<10240x128xf32, #tpu.memory_space<vmem_shared>> -> memref<80x128xf32, #tpu.memory_space<vmem_shared>>
      %dma_start3A_214 = arith.constant 0 : i32
      %dma_start3A_215 = tpu.memref_slice %arg20[%add3A_113, %dma_start3A_214] : memref<10240x128xf32, #tpu.memory_space<vmem_shared>> -> memref<80x128xf32, #tpu.memory_space<vmem_shared>>
      tpu.enqueue_dma source(%arg18 : memref<80x128xf32, #tpu.memory_space<vmem>>) target(%dma_start3A_215 : memref<80x128xf32, #tpu.memory_space<vmem_shared>>) target_semaphore(%run_scoped3A : memref<!tpu.dma_semaphore, #tpu.memory_space<semaphore_mem>>)
      %dma_wait3A_216 = arith.constant 0 : i32
      %dma_wait3A_217 = tpu.memref_slice %arg20[%add3A_113, %dma_wait3A_216] : memref<10240x128xf32, #tpu.memory_space<vmem_shared>> -> memref<80x128xf32, #tpu.memory_space<vmem_shared>>
      %dma_wait3A_218 = arith.constant 0 : i32
      %dma_wait3A_219 = tpu.memref_slice %arg20[%add3A_113, %dma_wait3A_218] : memref<10240x128xf32, #tpu.memory_space<vmem_shared>> -> memref<80x128xf32, #tpu.memory_space<vmem_shared>>
      tpu.wait_dma2 semaphore(%run_scoped3A : memref<!tpu.dma_semaphore, #tpu.memory_space<semaphore_mem>>) src(%arg18 : memref<80x128xf32, #tpu.memory_space<vmem>>) dst(%dma_wait3A_219 : memref<80x128xf32, #tpu.memory_space<vmem_shared>>)
      tpu.yield
    }) : () -> ()
    %mul3A_114 = arith.constant 640 : i32
    %mul3A_115 = arith.muli %arg1, %mul3A_114 : i32
    %add3A_116 = arith.constant 80 : i32
    %add3A_117 = arith.addi %mul3A_115, %add3A_116 : i32
    "tpu.region"() ({
      %run_scoped3A = tpu.sem_alloc : memref<!tpu.dma_semaphore, #tpu.memory_space<semaphore_mem>>
      %dma_start3A_212 = arith.constant 0 : i32
      %dma_start3A_213 = tpu.memref_slice %arg20[%add3A_117, %dma_start3A_212] : memref<10240x128xf32, #tpu.memory_space<vmem_shared>> -> memref<80x128xf32, #tpu.memory_space<vmem_shared>>
      %dma_start3A_214 = arith.constant 0 : i32
      %dma_start3A_215 = tpu.memref_slice %arg20[%add3A_117, %dma_start3A_214] : memref<10240x128xf32, #tpu.memory_space<vmem_shared>> -> memref<80x128xf32, #tpu.memory_space<vmem_shared>>
      tpu.enqueue_dma source(%arg18 : memref<80x128xf32, #tpu.memory_space<vmem>>) target(%dma_start3A_215 : memref<80x128xf32, #tpu.memory_space<vmem_shared>>) target_semaphore(%run_scoped3A : memref<!tpu.dma_semaphore, #tpu.memory_space<semaphore_mem>>)
      %dma_wait3A_216 = arith.constant 0 : i32
      %dma_wait3A_217 = tpu.memref_slice %arg20[%add3A_117, %dma_wait3A_216] : memref<10240x128xf32, #tpu.memory_space<vmem_shared>> -> memref<80x128xf32, #tpu.memory_space<vmem_shared>>
      %dma_wait3A_218 = arith.constant 0 : i32
      %dma_wait3A_219 = tpu.memref_slice %arg20[%add3A_117, %dma_wait3A_218] : memref<10240x128xf32, #tpu.memory_space<vmem_shared>> -> memref<80x128xf32, #tpu.memory_space<vmem_shared>>
      tpu.wait_dma2 semaphore(%run_scoped3A : memref<!tpu.dma_semaphore, #tpu.memory_space<semaphore_mem>>) src(%arg18 : memref<80x128xf32, #tpu.memory_space<vmem>>) dst(%dma_wait3A_219 : memref<80x128xf32, #tpu.memory_space<vmem_shared>>)
      tpu.yield
    }) : () -> ()
    %mul3A_118 = arith.constant 640 : i32
    %mul3A_119 = arith.muli %arg1, %mul3A_118 : i32
    %add3A_120 = arith.constant 160 : i32
    %add3A_121 = arith.addi %mul3A_119, %add3A_120 : i32
    "tpu.region"() ({
      %run_scoped3A = tpu.sem_alloc : memref<!tpu.dma_semaphore, #tpu.memory_space<semaphore_mem>>
      %dma_start3A_212 = arith.constant 0 : i32
      %dma_start3A_213 = tpu.memref_slice %arg20[%add3A_121, %dma_start3A_212] : memref<10240x128xf32, #tpu.memory_space<vmem_shared>> -> memref<80x128xf32, #tpu.memory_space<vmem_shared>>
      %dma_start3A_214 = arith.constant 0 : i32
      %dma_start3A_215 = tpu.memref_slice %arg20[%add3A_121, %dma_start3A_214] : memref<10240x128xf32, #tpu.memory_space<vmem_shared>> -> memref<80x128xf32, #tpu.memory_space<vmem_shared>>
      tpu.enqueue_dma source(%arg18 : memref<80x128xf32, #tpu.memory_space<vmem>>) target(%dma_start3A_215 : memref<80x128xf32, #tpu.memory_space<vmem_shared>>) target_semaphore(%run_scoped3A : memref<!tpu.dma_semaphore, #tpu.memory_space<semaphore_mem>>)
      %dma_wait3A_216 = arith.constant 0 : i32
      %dma_wait3A_217 = tpu.memref_slice %arg20[%add3A_121, %dma_wait3A_216] : memref<10240x128xf32, #tpu.memory_space<vmem_shared>> -> memref<80x128xf32, #tpu.memory_space<vmem_shared>>
      %dma_wait3A_218 = arith.constant 0 : i32
      %dma_wait3A_219 = tpu.memref_slice %arg20[%add3A_121, %dma_wait3A_218] : memref<10240x128xf32, #tpu.memory_space<vmem_shared>> -> memref<80x128xf32, #tpu.memory_space<vmem_shared>>
      tpu.wait_dma2 semaphore(%run_scoped3A : memref<!tpu.dma_semaphore, #tpu.memory_space<semaphore_mem>>) src(%arg18 : memref<80x128xf32, #tpu.memory_space<vmem>>) dst(%dma_wait3A_219 : memref<80x128xf32, #tpu.memory_space<vmem_shared>>)
      tpu.yield
    }) : () -> ()
    %mul3A_122 = arith.constant 640 : i32
    %mul3A_123 = arith.muli %arg1, %mul3A_122 : i32
    %add3A_124 = arith.constant 240 : i32
    %add3A_125 = arith.addi %mul3A_123, %add3A_124 : i32
    "tpu.region"() ({
      %run_scoped3A = tpu.sem_alloc : memref<!tpu.dma_semaphore, #tpu.memory_space<semaphore_mem>>
      %dma_start3A_212 = arith.constant 0 : i32
      %dma_start3A_213 = tpu.memref_slice %arg20[%add3A_125, %dma_start3A_212] : memref<10240x128xf32, #tpu.memory_space<vmem_shared>> -> memref<80x128xf32, #tpu.memory_space<vmem_shared>>
      %dma_start3A_214 = arith.constant 0 : i32
      %dma_start3A_215 = tpu.memref_slice %arg20[%add3A_125, %dma_start3A_214] : memref<10240x128xf32, #tpu.memory_space<vmem_shared>> -> memref<80x128xf32, #tpu.memory_space<vmem_shared>>
      tpu.enqueue_dma source(%arg18 : memref<80x128xf32, #tpu.memory_space<vmem>>) target(%dma_start3A_215 : memref<80x128xf32, #tpu.memory_space<vmem_shared>>) target_semaphore(%run_scoped3A : memref<!tpu.dma_semaphore, #tpu.memory_space<semaphore_mem>>)
      %dma_wait3A_216 = arith.constant 0 : i32
      %dma_wait3A_217 = tpu.memref_slice %arg20[%add3A_125, %dma_wait3A_216] : memref<10240x128xf32, #tpu.memory_space<vmem_shared>> -> memref<80x128xf32, #tpu.memory_space<vmem_shared>>
      %dma_wait3A_218 = arith.constant 0 : i32
      %dma_wait3A_219 = tpu.memref_slice %arg20[%add3A_125, %dma_wait3A_218] : memref<10240x128xf32, #tpu.memory_space<vmem_shared>> -> memref<80x128xf32, #tpu.memory_space<vmem_shared>>
      tpu.wait_dma2 semaphore(%run_scoped3A : memref<!tpu.dma_semaphore, #tpu.memory_space<semaphore_mem>>) src(%arg18 : memref<80x128xf32, #tpu.memory_space<vmem>>) dst(%dma_wait3A_219 : memref<80x128xf32, #tpu.memory_space<vmem_shared>>)
      tpu.yield
    }) : () -> ()
    %mul3A_126 = arith.constant 640 : i32
    %mul3A_127 = arith.muli %arg1, %mul3A_126 : i32
    %add3A_128 = arith.constant 320 : i32
    %add3A_129 = arith.addi %mul3A_127, %add3A_128 : i32
    "tpu.region"() ({
      %run_scoped3A = tpu.sem_alloc : memref<!tpu.dma_semaphore, #tpu.memory_space<semaphore_mem>>
      %dma_start3A_212 = arith.constant 0 : i32
      %dma_start3A_213 = tpu.memref_slice %arg20[%add3A_129, %dma_start3A_212] : memref<10240x128xf32, #tpu.memory_space<vmem_shared>> -> memref<80x128xf32, #tpu.memory_space<vmem_shared>>
      %dma_start3A_214 = arith.constant 0 : i32
      %dma_start3A_215 = tpu.memref_slice %arg20[%add3A_129, %dma_start3A_214] : memref<10240x128xf32, #tpu.memory_space<vmem_shared>> -> memref<80x128xf32, #tpu.memory_space<vmem_shared>>
      tpu.enqueue_dma source(%arg18 : memref<80x128xf32, #tpu.memory_space<vmem>>) target(%dma_start3A_215 : memref<80x128xf32, #tpu.memory_space<vmem_shared>>) target_semaphore(%run_scoped3A : memref<!tpu.dma_semaphore, #tpu.memory_space<semaphore_mem>>)
      %dma_wait3A_216 = arith.constant 0 : i32
      %dma_wait3A_217 = tpu.memref_slice %arg20[%add3A_129, %dma_wait3A_216] : memref<10240x128xf32, #tpu.memory_space<vmem_shared>> -> memref<80x128xf32, #tpu.memory_space<vmem_shared>>
      %dma_wait3A_218 = arith.constant 0 : i32
      %dma_wait3A_219 = tpu.memref_slice %arg20[%add3A_129, %dma_wait3A_218] : memref<10240x128xf32, #tpu.memory_space<vmem_shared>> -> memref<80x128xf32, #tpu.memory_space<vmem_shared>>
      tpu.wait_dma2 semaphore(%run_scoped3A : memref<!tpu.dma_semaphore, #tpu.memory_space<semaphore_mem>>) src(%arg18 : memref<80x128xf32, #tpu.memory_space<vmem>>) dst(%dma_wait3A_219 : memref<80x128xf32, #tpu.memory_space<vmem_shared>>)
      tpu.yield
    }) : () -> ()
    %mul3A_130 = arith.constant 640 : i32
    %mul3A_131 = arith.muli %arg1, %mul3A_130 : i32
    %add3A_132 = arith.constant 400 : i32
    %add3A_133 = arith.addi %mul3A_131, %add3A_132 : i32
    "tpu.region"() ({
      %run_scoped3A = tpu.sem_alloc : memref<!tpu.dma_semaphore, #tpu.memory_space<semaphore_mem>>
      %dma_start3A_212 = arith.constant 0 : i32
      %dma_start3A_213 = tpu.memref_slice %arg20[%add3A_133, %dma_start3A_212] : memref<10240x128xf32, #tpu.memory_space<vmem_shared>> -> memref<80x128xf32, #tpu.memory_space<vmem_shared>>
      %dma_start3A_214 = arith.constant 0 : i32
      %dma_start3A_215 = tpu.memref_slice %arg20[%add3A_133, %dma_start3A_214] : memref<10240x128xf32, #tpu.memory_space<vmem_shared>> -> memref<80x128xf32, #tpu.memory_space<vmem_shared>>
      tpu.enqueue_dma source(%arg18 : memref<80x128xf32, #tpu.memory_space<vmem>>) target(%dma_start3A_215 : memref<80x128xf32, #tpu.memory_space<vmem_shared>>) target_semaphore(%run_scoped3A : memref<!tpu.dma_semaphore, #tpu.memory_space<semaphore_mem>>)
      %dma_wait3A_216 = arith.constant 0 : i32
      %dma_wait3A_217 = tpu.memref_slice %arg20[%add3A_133, %dma_wait3A_216] : memref<10240x128xf32, #tpu.memory_space<vmem_shared>> -> memref<80x128xf32, #tpu.memory_space<vmem_shared>>
      %dma_wait3A_218 = arith.constant 0 : i32
      %dma_wait3A_219 = tpu.memref_slice %arg20[%add3A_133, %dma_wait3A_218] : memref<10240x128xf32, #tpu.memory_space<vmem_shared>> -> memref<80x128xf32, #tpu.memory_space<vmem_shared>>
      tpu.wait_dma2 semaphore(%run_scoped3A : memref<!tpu.dma_semaphore, #tpu.memory_space<semaphore_mem>>) src(%arg18 : memref<80x128xf32, #tpu.memory_space<vmem>>) dst(%dma_wait3A_219 : memref<80x128xf32, #tpu.memory_space<vmem_shared>>)
      tpu.yield
    }) : () -> ()
    %mul3A_134 = arith.constant 640 : i32
    %mul3A_135 = arith.muli %arg1, %mul3A_134 : i32
    %add3A_136 = arith.constant 480 : i32
    %add3A_137 = arith.addi %mul3A_135, %add3A_136 : i32
    "tpu.region"() ({
      %run_scoped3A = tpu.sem_alloc : memref<!tpu.dma_semaphore, #tpu.memory_space<semaphore_mem>>
      %dma_start3A_212 = arith.constant 0 : i32
      %dma_start3A_213 = tpu.memref_slice %arg20[%add3A_137, %dma_start3A_212] : memref<10240x128xf32, #tpu.memory_space<vmem_shared>> -> memref<80x128xf32, #tpu.memory_space<vmem_shared>>
      %dma_start3A_214 = arith.constant 0 : i32
      %dma_start3A_215 = tpu.memref_slice %arg20[%add3A_137, %dma_start3A_214] : memref<10240x128xf32, #tpu.memory_space<vmem_shared>> -> memref<80x128xf32, #tpu.memory_space<vmem_shared>>
      tpu.enqueue_dma source(%arg18 : memref<80x128xf32, #tpu.memory_space<vmem>>) target(%dma_start3A_215 : memref<80x128xf32, #tpu.memory_space<vmem_shared>>) target_semaphore(%run_scoped3A : memref<!tpu.dma_semaphore, #tpu.memory_space<semaphore_mem>>)
      %dma_wait3A_216 = arith.constant 0 : i32
      %dma_wait3A_217 = tpu.memref_slice %arg20[%add3A_137, %dma_wait3A_216] : memref<10240x128xf32, #tpu.memory_space<vmem_shared>> -> memref<80x128xf32, #tpu.memory_space<vmem_shared>>
      %dma_wait3A_218 = arith.constant 0 : i32
      %dma_wait3A_219 = tpu.memref_slice %arg20[%add3A_137, %dma_wait3A_218] : memref<10240x128xf32, #tpu.memory_space<vmem_shared>> -> memref<80x128xf32, #tpu.memory_space<vmem_shared>>
      tpu.wait_dma2 semaphore(%run_scoped3A : memref<!tpu.dma_semaphore, #tpu.memory_space<semaphore_mem>>) src(%arg18 : memref<80x128xf32, #tpu.memory_space<vmem>>) dst(%dma_wait3A_219 : memref<80x128xf32, #tpu.memory_space<vmem_shared>>)
      tpu.yield
    }) : () -> ()
    %mul3A_138 = arith.constant 640 : i32
    %mul3A_139 = arith.muli %arg1, %mul3A_138 : i32
    %add3A_140 = arith.constant 560 : i32
    %add3A_141 = arith.addi %mul3A_139, %add3A_140 : i32
    "tpu.region"() ({
      %run_scoped3A = tpu.sem_alloc : memref<!tpu.dma_semaphore, #tpu.memory_space<semaphore_mem>>
      %dma_start3A_212 = arith.constant 0 : i32
      %dma_start3A_213 = tpu.memref_slice %arg20[%add3A_141, %dma_start3A_212] : memref<10240x128xf32, #tpu.memory_space<vmem_shared>> -> memref<80x128xf32, #tpu.memory_space<vmem_shared>>
      %dma_start3A_214 = arith.constant 0 : i32
      %dma_start3A_215 = tpu.memref_slice %arg20[%add3A_141, %dma_start3A_214] : memref<10240x128xf32, #tpu.memory_space<vmem_shared>> -> memref<80x128xf32, #tpu.memory_space<vmem_shared>>
      tpu.enqueue_dma source(%arg18 : memref<80x128xf32, #tpu.memory_space<vmem>>) target(%dma_start3A_215 : memref<80x128xf32, #tpu.memory_space<vmem_shared>>) target_semaphore(%run_scoped3A : memref<!tpu.dma_semaphore, #tpu.memory_space<semaphore_mem>>)
      %dma_wait3A_216 = arith.constant 0 : i32
      %dma_wait3A_217 = tpu.memref_slice %arg20[%add3A_141, %dma_wait3A_216] : memref<10240x128xf32, #tpu.memory_space<vmem_shared>> -> memref<80x128xf32, #tpu.memory_space<vmem_shared>>
      %dma_wait3A_218 = arith.constant 0 : i32
      %dma_wait3A_219 = tpu.memref_slice %arg20[%add3A_141, %dma_wait3A_218] : memref<10240x128xf32, #tpu.memory_space<vmem_shared>> -> memref<80x128xf32, #tpu.memory_space<vmem_shared>>
      tpu.wait_dma2 semaphore(%run_scoped3A : memref<!tpu.dma_semaphore, #tpu.memory_space<semaphore_mem>>) src(%arg18 : memref<80x128xf32, #tpu.memory_space<vmem>>) dst(%dma_wait3A_219 : memref<80x128xf32, #tpu.memory_space<vmem_shared>>)
      tpu.yield
    }) : () -> ()
    %barrier3A_142 = arith.constant 0 : index
    tpu.barrier barrier_id(%barrier3A_142)
    %add3A_143 = arith.constant 0 : i32
    %add3A_144 = arith.addi %mul3A_2, %add3A_143 : i32
    %dma_start3A_145 = tpu.memref_slice %arg4[%add3A_144] : memref<327680xi32, #tpu.memory_space<hbm>> -> memref<80xi32, #tpu.memory_space<hbm>>
    %dma_start3A_146 = tpu.memref_slice %arg4[%add3A_144] : memref<327680xi32, #tpu.memory_space<hbm>> -> memref<80xi32, #tpu.memory_space<hbm>>
    tpu.enqueue_dma source(%dma_start3A_146 : memref<80xi32, #tpu.memory_space<hbm>>) target(%arg8 : memref<80xi32, #tpu.memory_space<vmem>>) target_semaphore(%arg25 : memref<!tpu.dma_semaphore, #tpu.memory_space<semaphore_mem>>)
    %dma_start3A_147 = tpu.memref_slice %arg5[%add3A_144] : memref<327680xi32, #tpu.memory_space<hbm>> -> memref<80xi32, #tpu.memory_space<hbm>>
    %dma_start3A_148 = tpu.memref_slice %arg5[%add3A_144] : memref<327680xi32, #tpu.memory_space<hbm>> -> memref<80xi32, #tpu.memory_space<hbm>>
    tpu.enqueue_dma source(%dma_start3A_148 : memref<80xi32, #tpu.memory_space<hbm>>) target(%arg12 : memref<80xi32, #tpu.memory_space<vmem>>) target_semaphore(%arg25 : memref<!tpu.dma_semaphore, #tpu.memory_space<semaphore_mem>>)
    %add3A_149 = arith.constant 80 : i32
    %add3A_150 = arith.addi %mul3A_2, %add3A_149 : i32
    %dma_start3A_151 = tpu.memref_slice %arg4[%add3A_150] : memref<327680xi32, #tpu.memory_space<hbm>> -> memref<80xi32, #tpu.memory_space<hbm>>
    %dma_start3A_152 = tpu.memref_slice %arg4[%add3A_150] : memref<327680xi32, #tpu.memory_space<hbm>> -> memref<80xi32, #tpu.memory_space<hbm>>
    tpu.enqueue_dma source(%dma_start3A_152 : memref<80xi32, #tpu.memory_space<hbm>>) target(%arg9 : memref<80xi32, #tpu.memory_space<vmem>>) target_semaphore(%arg26 : memref<!tpu.dma_semaphore, #tpu.memory_space<semaphore_mem>>)
    %dma_start3A_153 = tpu.memref_slice %arg5[%add3A_150] : memref<327680xi32, #tpu.memory_space<hbm>> -> memref<80xi32, #tpu.memory_space<hbm>>
    %dma_start3A_154 = tpu.memref_slice %arg5[%add3A_150] : memref<327680xi32, #tpu.memory_space<hbm>> -> memref<80xi32, #tpu.memory_space<hbm>>
    tpu.enqueue_dma source(%dma_start3A_154 : memref<80xi32, #tpu.memory_space<hbm>>) target(%arg13 : memref<80xi32, #tpu.memory_space<vmem>>) target_semaphore(%arg26 : memref<!tpu.dma_semaphore, #tpu.memory_space<semaphore_mem>>)
    %add3A_155 = arith.constant 160 : i32
    %add3A_156 = arith.addi %mul3A_2, %add3A_155 : i32
    %dma_start3A_157 = tpu.memref_slice %arg4[%add3A_156] : memref<327680xi32, #tpu.memory_space<hbm>> -> memref<80xi32, #tpu.memory_space<hbm>>
    %dma_start3A_158 = tpu.memref_slice %arg4[%add3A_156] : memref<327680xi32, #tpu.memory_space<hbm>> -> memref<80xi32, #tpu.memory_space<hbm>>
    tpu.enqueue_dma source(%dma_start3A_158 : memref<80xi32, #tpu.memory_space<hbm>>) target(%arg10 : memref<80xi32, #tpu.memory_space<vmem>>) target_semaphore(%arg27 : memref<!tpu.dma_semaphore, #tpu.memory_space<semaphore_mem>>)
    %dma_start3A_159 = tpu.memref_slice %arg5[%add3A_156] : memref<327680xi32, #tpu.memory_space<hbm>> -> memref<80xi32, #tpu.memory_space<hbm>>
    %dma_start3A_160 = tpu.memref_slice %arg5[%add3A_156] : memref<327680xi32, #tpu.memory_space<hbm>> -> memref<80xi32, #tpu.memory_space<hbm>>
    tpu.enqueue_dma source(%dma_start3A_160 : memref<80xi32, #tpu.memory_space<hbm>>) target(%arg14 : memref<80xi32, #tpu.memory_space<vmem>>) target_semaphore(%arg27 : memref<!tpu.dma_semaphore, #tpu.memory_space<semaphore_mem>>)
    %add3A_161 = arith.constant 240 : i32
    %add3A_162 = arith.addi %mul3A_2, %add3A_161 : i32
    %dma_start3A_163 = tpu.memref_slice %arg4[%add3A_162] : memref<327680xi32, #tpu.memory_space<hbm>> -> memref<80xi32, #tpu.memory_space<hbm>>
    %dma_start3A_164 = tpu.memref_slice %arg4[%add3A_162] : memref<327680xi32, #tpu.memory_space<hbm>> -> memref<80xi32, #tpu.memory_space<hbm>>
    tpu.enqueue_dma source(%dma_start3A_164 : memref<80xi32, #tpu.memory_space<hbm>>) target(%arg11 : memref<80xi32, #tpu.memory_space<vmem>>) target_semaphore(%arg28 : memref<!tpu.dma_semaphore, #tpu.memory_space<semaphore_mem>>)
    %dma_start3A_165 = tpu.memref_slice %arg5[%add3A_162] : memref<327680xi32, #tpu.memory_space<hbm>> -> memref<80xi32, #tpu.memory_space<hbm>>
    %dma_start3A_166 = tpu.memref_slice %arg5[%add3A_162] : memref<327680xi32, #tpu.memory_space<hbm>> -> memref<80xi32, #tpu.memory_space<hbm>>
    tpu.enqueue_dma source(%dma_start3A_166 : memref<80xi32, #tpu.memory_space<hbm>>) target(%arg15 : memref<80xi32, #tpu.memory_space<vmem>>) target_semaphore(%arg28 : memref<!tpu.dma_semaphore, #tpu.memory_space<semaphore_mem>>)
    %dma_wait3A_167 = arith.constant 0 : i32
    %dma_wait3A_168 = tpu.memref_slice %arg4[%dma_wait3A_167] : memref<327680xi32, #tpu.memory_space<hbm>> -> memref<80xi32, #tpu.memory_space<hbm>>
    %dma_wait3A_169 = arith.constant 0 : i32
    %dma_wait3A_170 = tpu.memref_slice %arg4[%dma_wait3A_169] : memref<327680xi32, #tpu.memory_space<hbm>> -> memref<80xi32, #tpu.memory_space<hbm>>
    tpu.wait_dma2 semaphore(%arg25 : memref<!tpu.dma_semaphore, #tpu.memory_space<semaphore_mem>>) src(%dma_wait3A_170 : memref<80xi32, #tpu.memory_space<hbm>>) dst(%arg8 : memref<80xi32, #tpu.memory_space<vmem>>)
    %dma_wait3A_171 = arith.constant 0 : i32
    %dma_wait3A_172 = tpu.memref_slice %arg5[%dma_wait3A_171] : memref<327680xi32, #tpu.memory_space<hbm>> -> memref<80xi32, #tpu.memory_space<hbm>>
    %dma_wait3A_173 = arith.constant 0 : i32
    %dma_wait3A_174 = tpu.memref_slice %arg5[%dma_wait3A_173] : memref<327680xi32, #tpu.memory_space<hbm>> -> memref<80xi32, #tpu.memory_space<hbm>>
    tpu.wait_dma2 semaphore(%arg25 : memref<!tpu.dma_semaphore, #tpu.memory_space<semaphore_mem>>) src(%dma_wait3A_174 : memref<80xi32, #tpu.memory_space<hbm>>) dst(%arg12 : memref<80xi32, #tpu.memory_space<vmem>>)
    %dma_start3A_175 = arith.constant 0 : i32
    %dma_start3A_176 = arith.constant 0 : i32
    %dma_start3A_177 = tpu.memref_slice %arg3[%dma_start3A_175, %dma_start3A_176] : memref<10000x128xf32, #tpu.memory_space<hbm>> -> memref<10000x128xf32, #tpu.memory_space<hbm>>
    tpu.enqueue_indirect_dma source(%dma_start3A_177 : memref<10000x128xf32, #tpu.memory_space<hbm>>) target(%arg16 : memref<80x128xf32, #tpu.memory_space<vmem>>) offsets(%arg8 : memref<80xi32, #tpu.memory_space<vmem>>) semaphore(%arg21 : memref<!tpu.dma_semaphore, #tpu.memory_space<semaphore_mem>>)
    %dma_wait3A_178 = arith.constant 0 : i32
    %dma_wait3A_179 = tpu.memref_slice %arg4[%dma_wait3A_178] : memref<327680xi32, #tpu.memory_space<hbm>> -> memref<80xi32, #tpu.memory_space<hbm>>
    %dma_wait3A_180 = arith.constant 0 : i32
    %dma_wait3A_181 = tpu.memref_slice %arg4[%dma_wait3A_180] : memref<327680xi32, #tpu.memory_space<hbm>> -> memref<80xi32, #tpu.memory_space<hbm>>
    tpu.wait_dma2 semaphore(%arg26 : memref<!tpu.dma_semaphore, #tpu.memory_space<semaphore_mem>>) src(%dma_wait3A_181 : memref<80xi32, #tpu.memory_space<hbm>>) dst(%arg9 : memref<80xi32, #tpu.memory_space<vmem>>)
    %dma_wait3A_182 = arith.constant 0 : i32
    %dma_wait3A_183 = tpu.memref_slice %arg5[%dma_wait3A_182] : memref<327680xi32, #tpu.memory_space<hbm>> -> memref<80xi32, #tpu.memory_space<hbm>>
    %dma_wait3A_184 = arith.constant 0 : i32
    %dma_wait3A_185 = tpu.memref_slice %arg5[%dma_wait3A_184] : memref<327680xi32, #tpu.memory_space<hbm>> -> memref<80xi32, #tpu.memory_space<hbm>>
    tpu.wait_dma2 semaphore(%arg26 : memref<!tpu.dma_semaphore, #tpu.memory_space<semaphore_mem>>) src(%dma_wait3A_185 : memref<80xi32, #tpu.memory_space<hbm>>) dst(%arg13 : memref<80xi32, #tpu.memory_space<vmem>>)
    %dma_start3A_186 = arith.constant 0 : i32
    %dma_start3A_187 = arith.constant 0 : i32
    %dma_start3A_188 = tpu.memref_slice %arg3[%dma_start3A_186, %dma_start3A_187] : memref<10000x128xf32, #tpu.memory_space<hbm>> -> memref<10000x128xf32, #tpu.memory_space<hbm>>
    tpu.enqueue_indirect_dma source(%dma_start3A_188 : memref<10000x128xf32, #tpu.memory_space<hbm>>) target(%arg17 : memref<80x128xf32, #tpu.memory_space<vmem>>) offsets(%arg9 : memref<80xi32, #tpu.memory_space<vmem>>) semaphore(%arg22 : memref<!tpu.dma_semaphore, #tpu.memory_space<semaphore_mem>>)
    %dma_wait3A_189 = arith.constant 0 : i32
    %dma_wait3A_190 = tpu.memref_slice %arg4[%dma_wait3A_189] : memref<327680xi32, #tpu.memory_space<hbm>> -> memref<80xi32, #tpu.memory_space<hbm>>
    %dma_wait3A_191 = arith.constant 0 : i32
    %dma_wait3A_192 = tpu.memref_slice %arg4[%dma_wait3A_191] : memref<327680xi32, #tpu.memory_space<hbm>> -> memref<80xi32, #tpu.memory_space<hbm>>
    tpu.wait_dma2 semaphore(%arg27 : memref<!tpu.dma_semaphore, #tpu.memory_space<semaphore_mem>>) src(%dma_wait3A_192 : memref<80xi32, #tpu.memory_space<hbm>>) dst(%arg10 : memref<80xi32, #tpu.memory_space<vmem>>)
    %dma_wait3A_193 = arith.constant 0 : i32
    %dma_wait3A_194 = tpu.memref_slice %arg5[%dma_wait3A_193] : memref<327680xi32, #tpu.memory_space<hbm>> -> memref<80xi32, #tpu.memory_space<hbm>>
    %dma_wait3A_195 = arith.constant 0 : i32
    %dma_wait3A_196 = tpu.memref_slice %arg5[%dma_wait3A_195] : memref<327680xi32, #tpu.memory_space<hbm>> -> memref<80xi32, #tpu.memory_space<hbm>>
    tpu.wait_dma2 semaphore(%arg27 : memref<!tpu.dma_semaphore, #tpu.memory_space<semaphore_mem>>) src(%dma_wait3A_196 : memref<80xi32, #tpu.memory_space<hbm>>) dst(%arg14 : memref<80xi32, #tpu.memory_space<vmem>>)
    %dma_start3A_197 = arith.constant 0 : i32
    %dma_start3A_198 = arith.constant 0 : i32
    %dma_start3A_199 = tpu.memref_slice %arg3[%dma_start3A_197, %dma_start3A_198] : memref<10000x128xf32, #tpu.memory_space<hbm>> -> memref<10000x128xf32, #tpu.memory_space<hbm>>
    tpu.enqueue_indirect_dma source(%dma_start3A_199 : memref<10000x128xf32, #tpu.memory_space<hbm>>) target(%arg18 : memref<80x128xf32, #tpu.memory_space<vmem>>) offsets(%arg10 : memref<80xi32, #tpu.memory_space<vmem>>) semaphore(%arg23 : memref<!tpu.dma_semaphore, #tpu.memory_space<semaphore_mem>>)
    %scan3A_200 = arith.constant 0 : i32
    %scan3A_201 = arith.constant 0 : i32
    %scan3A_202 = arith.constant 32 : i32
    %scan3A_203 = arith.addi %scan3A_201, %scan3A_202 : i32
    %scan3A_204 = arith.constant 1 : i32
    %scan3A_205 = scf.for %scan3A_212 = %scan3A_201 to %scan3A_203 step %scan3A_204 iter_args(%scan3A_213 = %scan3A_200) -> (i32)  : i32 {
      %mul3A_214 = arith.constant 4 : i32
      %mul3A_215 = arith.muli %mul3A_214, %scan3A_212 : i32
      %add3A_216 = arith.constant 0 : i32
      %add3A_217 = arith.addi %mul3A_215, %add3A_216 : i32
      %dma_wait3A_218 = arith.constant 0 : i32
      %dma_wait3A_219 = arith.constant 0 : i32
      %dma_wait3A_220 = tpu.memref_slice %arg3[%dma_wait3A_218, %dma_wait3A_219] : memref<10000x128xf32, #tpu.memory_space<hbm>> -> memref<10000x128xf32, #tpu.memory_space<hbm>>
      tpu.wait_indirect_dma semaphore(%arg21 : memref<!tpu.dma_semaphore, #tpu.memory_space<semaphore_mem>>) src(%dma_wait3A_220 : memref<10000x128xf32, #tpu.memory_space<hbm>>) dst(%arg16 : memref<80x128xf32, #tpu.memory_space<vmem>>)
      "tpu.region"() ({
        %run_scoped3A = tpu.sem_alloc : memref<!tpu.dma_semaphore, #tpu.memory_space<semaphore_mem>>
        %dma_start3A_296 = arith.constant 0 : i32
        %dma_start3A_297 = arith.constant 0 : i32
        %dma_start3A_298 = tpu.memref_slice %arg20[%dma_start3A_296, %dma_start3A_297] : memref<10240x128xf32, #tpu.memory_space<vmem_shared>> -> memref<10240x128xf32, #tpu.memory_space<vmem_shared>>
        tpu.enqueue_indirect_dma source(%arg16 : memref<80x128xf32, #tpu.memory_space<vmem>>) target(%dma_start3A_298 : memref<10240x128xf32, #tpu.memory_space<vmem_shared>>) offsets(%arg12 : memref<80xi32, #tpu.memory_space<vmem>>) semaphore(%run_scoped3A : memref<!tpu.dma_semaphore, #tpu.memory_space<semaphore_mem>>) {add = true}
        %dma_wait3A_299 = arith.constant 0 : i32
        %dma_wait3A_300 = arith.constant 0 : i32
        %dma_wait3A_301 = tpu.memref_slice %arg20[%dma_wait3A_299, %dma_wait3A_300] : memref<10240x128xf32, #tpu.memory_space<vmem_shared>> -> memref<10240x128xf32, #tpu.memory_space<vmem_shared>>
        tpu.wait_indirect_dma semaphore(%run_scoped3A : memref<!tpu.dma_semaphore, #tpu.memory_space<semaphore_mem>>) src(%arg16 : memref<80x128xf32, #tpu.memory_space<vmem>>) dst(%dma_wait3A_301 : memref<10240x128xf32, #tpu.memory_space<vmem_shared>>)
        tpu.yield
      }) : () -> ()
      %add3A_221 = arith.constant 4 : i32
      %add3A_222 = arith.addi %add3A_217, %add3A_221 : i32
      %lt3A = arith.constant 128 : i32
      %lt3A_223 = arith.cmpi slt, %add3A_222, %lt3A : i32
      %convert_element_type3A = arith.extui %lt3A_223 : i1 to i32
      %cond3A = arith.constant 0 : i32
      %cond3A_224 = arith.cmpi ne, %convert_element_type3A, %cond3A : i32
      scf.if %cond3A_224 {
        %add3A_296 = arith.constant 4 : i32
        %add3A_297 = arith.addi %add3A_217, %add3A_296 : i32
        %mul3A_298 = arith.constant 80 : i32
        %mul3A_299 = arith.muli %add3A_297, %mul3A_298 : i32
        %add3A_300 = arith.addi %mul3A_2, %mul3A_299 : i32
        %dma_start3A_301 = tpu.memref_slice %arg4[%add3A_300] : memref<327680xi32, #tpu.memory_space<hbm>> -> memref<80xi32, #tpu.memory_space<hbm>>
        %dma_start3A_302 = tpu.memref_slice %arg4[%add3A_300] : memref<327680xi32, #tpu.memory_space<hbm>> -> memref<80xi32, #tpu.memory_space<hbm>>
        tpu.enqueue_dma source(%dma_start3A_302 : memref<80xi32, #tpu.memory_space<hbm>>) target(%arg8 : memref<80xi32, #tpu.memory_space<vmem>>) target_semaphore(%arg25 : memref<!tpu.dma_semaphore, #tpu.memory_space<semaphore_mem>>)
        %dma_start3A_303 = tpu.memref_slice %arg5[%add3A_300] : memref<327680xi32, #tpu.memory_space<hbm>> -> memref<80xi32, #tpu.memory_space<hbm>>
        %dma_start3A_304 = tpu.memref_slice %arg5[%add3A_300] : memref<327680xi32, #tpu.memory_space<hbm>> -> memref<80xi32, #tpu.memory_space<hbm>>
        tpu.enqueue_dma source(%dma_start3A_304 : memref<80xi32, #tpu.memory_space<hbm>>) target(%arg12 : memref<80xi32, #tpu.memory_space<vmem>>) target_semaphore(%arg25 : memref<!tpu.dma_semaphore, #tpu.memory_space<semaphore_mem>>)
      } else {
      }
      %add3A_225 = arith.constant 3 : i32
      %add3A_226 = arith.addi %add3A_217, %add3A_225 : i32
      %lt3A_227 = arith.constant 128 : i32
      %lt3A_228 = arith.cmpi slt, %add3A_226, %lt3A_227 : i32
      %convert_element_type3A_229 = arith.extui %lt3A_228 : i1 to i32
      %cond3A_230 = arith.constant 0 : i32
      %cond3A_231 = arith.cmpi ne, %convert_element_type3A_229, %cond3A_230 : i32
      scf.if %cond3A_231 {
        %dma_wait3A_296 = arith.constant 0 : i32
        %dma_wait3A_297 = tpu.memref_slice %arg4[%dma_wait3A_296] : memref<327680xi32, #tpu.memory_space<hbm>> -> memref<80xi32, #tpu.memory_space<hbm>>
        %dma_wait3A_298 = arith.constant 0 : i32
        %dma_wait3A_299 = tpu.memref_slice %arg4[%dma_wait3A_298] : memref<327680xi32, #tpu.memory_space<hbm>> -> memref<80xi32, #tpu.memory_space<hbm>>
        tpu.wait_dma2 semaphore(%arg28 : memref<!tpu.dma_semaphore, #tpu.memory_space<semaphore_mem>>) src(%dma_wait3A_299 : memref<80xi32, #tpu.memory_space<hbm>>) dst(%arg11 : memref<80xi32, #tpu.memory_space<vmem>>)
        %dma_wait3A_300 = arith.constant 0 : i32
        %dma_wait3A_301 = tpu.memref_slice %arg5[%dma_wait3A_300] : memref<327680xi32, #tpu.memory_space<hbm>> -> memref<80xi32, #tpu.memory_space<hbm>>
        %dma_wait3A_302 = arith.constant 0 : i32
        %dma_wait3A_303 = tpu.memref_slice %arg5[%dma_wait3A_302] : memref<327680xi32, #tpu.memory_space<hbm>> -> memref<80xi32, #tpu.memory_space<hbm>>
        tpu.wait_dma2 semaphore(%arg28 : memref<!tpu.dma_semaphore, #tpu.memory_space<semaphore_mem>>) src(%dma_wait3A_303 : memref<80xi32, #tpu.memory_space<hbm>>) dst(%arg15 : memref<80xi32, #tpu.memory_space<vmem>>)
        %dma_start3A_304 = arith.constant 0 : i32
        %dma_start3A_305 = arith.constant 0 : i32
        %dma_start3A_306 = tpu.memref_slice %arg3[%dma_start3A_304, %dma_start3A_305] : memref<10000x128xf32, #tpu.memory_space<hbm>> -> memref<10000x128xf32, #tpu.memory_space<hbm>>
        tpu.enqueue_indirect_dma source(%dma_start3A_306 : memref<10000x128xf32, #tpu.memory_space<hbm>>) target(%arg19 : memref<80x128xf32, #tpu.memory_space<vmem>>) offsets(%arg11 : memref<80xi32, #tpu.memory_space<vmem>>) semaphore(%arg24 : memref<!tpu.dma_semaphore, #tpu.memory_space<semaphore_mem>>)
      } else {
      }
      %mul3A_232 = arith.constant 4 : i32
      %mul3A_233 = arith.muli %mul3A_232, %scan3A_212 : i32
      %add3A_234 = arith.constant 1 : i32
      %add3A_235 = arith.addi %mul3A_233, %add3A_234 : i32
      %dma_wait3A_236 = arith.constant 0 : i32
      %dma_wait3A_237 = arith.constant 0 : i32
      %dma_wait3A_238 = tpu.memref_slice %arg3[%dma_wait3A_236, %dma_wait3A_237] : memref<10000x128xf32, #tpu.memory_space<hbm>> -> memref<10000x128xf32, #tpu.memory_space<hbm>>
      tpu.wait_indirect_dma semaphore(%arg22 : memref<!tpu.dma_semaphore, #tpu.memory_space<semaphore_mem>>) src(%dma_wait3A_238 : memref<10000x128xf32, #tpu.memory_space<hbm>>) dst(%arg17 : memref<80x128xf32, #tpu.memory_space<vmem>>)
      "tpu.region"() ({
        %run_scoped3A = tpu.sem_alloc : memref<!tpu.dma_semaphore, #tpu.memory_space<semaphore_mem>>
        %dma_start3A_296 = arith.constant 0 : i32
        %dma_start3A_297 = arith.constant 0 : i32
        %dma_start3A_298 = tpu.memref_slice %arg20[%dma_start3A_296, %dma_start3A_297] : memref<10240x128xf32, #tpu.memory_space<vmem_shared>> -> memref<10240x128xf32, #tpu.memory_space<vmem_shared>>
        tpu.enqueue_indirect_dma source(%arg17 : memref<80x128xf32, #tpu.memory_space<vmem>>) target(%dma_start3A_298 : memref<10240x128xf32, #tpu.memory_space<vmem_shared>>) offsets(%arg13 : memref<80xi32, #tpu.memory_space<vmem>>) semaphore(%run_scoped3A : memref<!tpu.dma_semaphore, #tpu.memory_space<semaphore_mem>>) {add = true}
        %dma_wait3A_299 = arith.constant 0 : i32
        %dma_wait3A_300 = arith.constant 0 : i32
        %dma_wait3A_301 = tpu.memref_slice %arg20[%dma_wait3A_299, %dma_wait3A_300] : memref<10240x128xf32, #tpu.memory_space<vmem_shared>> -> memref<10240x128xf32, #tpu.memory_space<vmem_shared>>
        tpu.wait_indirect_dma semaphore(%run_scoped3A : memref<!tpu.dma_semaphore, #tpu.memory_space<semaphore_mem>>) src(%arg17 : memref<80x128xf32, #tpu.memory_space<vmem>>) dst(%dma_wait3A_301 : memref<10240x128xf32, #tpu.memory_space<vmem_shared>>)
        tpu.yield
      }) : () -> ()
      %add3A_239 = arith.constant 4 : i32
      %add3A_240 = arith.addi %add3A_235, %add3A_239 : i32
      %lt3A_241 = arith.constant 128 : i32
      %lt3A_242 = arith.cmpi slt, %add3A_240, %lt3A_241 : i32
      %convert_element_type3A_243 = arith.extui %lt3A_242 : i1 to i32
      %cond3A_244 = arith.constant 0 : i32
      %cond3A_245 = arith.cmpi ne, %convert_element_type3A_243, %cond3A_244 : i32
      scf.if %cond3A_245 {
        %add3A_296 = arith.constant 4 : i32
        %add3A_297 = arith.addi %add3A_235, %add3A_296 : i32
        %mul3A_298 = arith.constant 80 : i32
        %mul3A_299 = arith.muli %add3A_297, %mul3A_298 : i32
        %add3A_300 = arith.addi %mul3A_2, %mul3A_299 : i32
        %dma_start3A_301 = tpu.memref_slice %arg4[%add3A_300] : memref<327680xi32, #tpu.memory_space<hbm>> -> memref<80xi32, #tpu.memory_space<hbm>>
        %dma_start3A_302 = tpu.memref_slice %arg4[%add3A_300] : memref<327680xi32, #tpu.memory_space<hbm>> -> memref<80xi32, #tpu.memory_space<hbm>>
        tpu.enqueue_dma source(%dma_start3A_302 : memref<80xi32, #tpu.memory_space<hbm>>) target(%arg9 : memref<80xi32, #tpu.memory_space<vmem>>) target_semaphore(%arg26 : memref<!tpu.dma_semaphore, #tpu.memory_space<semaphore_mem>>)
        %dma_start3A_303 = tpu.memref_slice %arg5[%add3A_300] : memref<327680xi32, #tpu.memory_space<hbm>> -> memref<80xi32, #tpu.memory_space<hbm>>
        %dma_start3A_304 = tpu.memref_slice %arg5[%add3A_300] : memref<327680xi32, #tpu.memory_space<hbm>> -> memref<80xi32, #tpu.memory_space<hbm>>
        tpu.enqueue_dma source(%dma_start3A_304 : memref<80xi32, #tpu.memory_space<hbm>>) target(%arg13 : memref<80xi32, #tpu.memory_space<vmem>>) target_semaphore(%arg26 : memref<!tpu.dma_semaphore, #tpu.memory_space<semaphore_mem>>)
      } else {
      }
      %add3A_246 = arith.constant 3 : i32
      %add3A_247 = arith.addi %add3A_235, %add3A_246 : i32
      %lt3A_248 = arith.constant 128 : i32
      %lt3A_249 = arith.cmpi slt, %add3A_247, %lt3A_248 : i32
      %convert_element_type3A_250 = arith.extui %lt3A_249 : i1 to i32
      %cond3A_251 = arith.constant 0 : i32
      %cond3A_252 = arith.cmpi ne, %convert_element_type3A_250, %cond3A_251 : i32
      scf.if %cond3A_252 {
        %dma_wait3A_296 = arith.constant 0 : i32
        %dma_wait3A_297 = tpu.memref_slice %arg4[%dma_wait3A_296] : memref<327680xi32, #tpu.memory_space<hbm>> -> memref<80xi32, #tpu.memory_space<hbm>>
        %dma_wait3A_298 = arith.constant 0 : i32
        %dma_wait3A_299 = tpu.memref_slice %arg4[%dma_wait3A_298] : memref<327680xi32, #tpu.memory_space<hbm>> -> memref<80xi32, #tpu.memory_space<hbm>>
        tpu.wait_dma2 semaphore(%arg25 : memref<!tpu.dma_semaphore, #tpu.memory_space<semaphore_mem>>) src(%dma_wait3A_299 : memref<80xi32, #tpu.memory_space<hbm>>) dst(%arg8 : memref<80xi32, #tpu.memory_space<vmem>>)
        %dma_wait3A_300 = arith.constant 0 : i32
        %dma_wait3A_301 = tpu.memref_slice %arg5[%dma_wait3A_300] : memref<327680xi32, #tpu.memory_space<hbm>> -> memref<80xi32, #tpu.memory_space<hbm>>
        %dma_wait3A_302 = arith.constant 0 : i32
        %dma_wait3A_303 = tpu.memref_slice %arg5[%dma_wait3A_302] : memref<327680xi32, #tpu.memory_space<hbm>> -> memref<80xi32, #tpu.memory_space<hbm>>
        tpu.wait_dma2 semaphore(%arg25 : memref<!tpu.dma_semaphore, #tpu.memory_space<semaphore_mem>>) src(%dma_wait3A_303 : memref<80xi32, #tpu.memory_space<hbm>>) dst(%arg12 : memref<80xi32, #tpu.memory_space<vmem>>)
        %dma_start3A_304 = arith.constant 0 : i32
        %dma_start3A_305 = arith.constant 0 : i32
        %dma_start3A_306 = tpu.memref_slice %arg3[%dma_start3A_304, %dma_start3A_305] : memref<10000x128xf32, #tpu.memory_space<hbm>> -> memref<10000x128xf32, #tpu.memory_space<hbm>>
        tpu.enqueue_indirect_dma source(%dma_start3A_306 : memref<10000x128xf32, #tpu.memory_space<hbm>>) target(%arg16 : memref<80x128xf32, #tpu.memory_space<vmem>>) offsets(%arg8 : memref<80xi32, #tpu.memory_space<vmem>>) semaphore(%arg21 : memref<!tpu.dma_semaphore, #tpu.memory_space<semaphore_mem>>)
      } else {
      }
      %mul3A_253 = arith.constant 4 : i32
      %mul3A_254 = arith.muli %mul3A_253, %scan3A_212 : i32
      %add3A_255 = arith.constant 2 : i32
      %add3A_256 = arith.addi %mul3A_254, %add3A_255 : i32
      %dma_wait3A_257 = arith.constant 0 : i32
      %dma_wait3A_258 = arith.constant 0 : i32
      %dma_wait3A_259 = tpu.memref_slice %arg3[%dma_wait3A_257, %dma_wait3A_258] : memref<10000x128xf32, #tpu.memory_space<hbm>> -> memref<10000x128xf32, #tpu.memory_space<hbm>>
      tpu.wait_indirect_dma semaphore(%arg23 : memref<!tpu.dma_semaphore, #tpu.memory_space<semaphore_mem>>) src(%dma_wait3A_259 : memref<10000x128xf32, #tpu.memory_space<hbm>>) dst(%arg18 : memref<80x128xf32, #tpu.memory_space<vmem>>)
      "tpu.region"() ({
        %run_scoped3A = tpu.sem_alloc : memref<!tpu.dma_semaphore, #tpu.memory_space<semaphore_mem>>
        %dma_start3A_296 = arith.constant 0 : i32
        %dma_start3A_297 = arith.constant 0 : i32
        %dma_start3A_298 = tpu.memref_slice %arg20[%dma_start3A_296, %dma_start3A_297] : memref<10240x128xf32, #tpu.memory_space<vmem_shared>> -> memref<10240x128xf32, #tpu.memory_space<vmem_shared>>
        tpu.enqueue_indirect_dma source(%arg18 : memref<80x128xf32, #tpu.memory_space<vmem>>) target(%dma_start3A_298 : memref<10240x128xf32, #tpu.memory_space<vmem_shared>>) offsets(%arg14 : memref<80xi32, #tpu.memory_space<vmem>>) semaphore(%run_scoped3A : memref<!tpu.dma_semaphore, #tpu.memory_space<semaphore_mem>>) {add = true}
        %dma_wait3A_299 = arith.constant 0 : i32
        %dma_wait3A_300 = arith.constant 0 : i32
        %dma_wait3A_301 = tpu.memref_slice %arg20[%dma_wait3A_299, %dma_wait3A_300] : memref<10240x128xf32, #tpu.memory_space<vmem_shared>> -> memref<10240x128xf32, #tpu.memory_space<vmem_shared>>
        tpu.wait_indirect_dma semaphore(%run_scoped3A : memref<!tpu.dma_semaphore, #tpu.memory_space<semaphore_mem>>) src(%arg18 : memref<80x128xf32, #tpu.memory_space<vmem>>) dst(%dma_wait3A_301 : memref<10240x128xf32, #tpu.memory_space<vmem_shared>>)
        tpu.yield
      }) : () -> ()
      %add3A_260 = arith.constant 4 : i32
      %add3A_261 = arith.addi %add3A_256, %add3A_260 : i32
      %lt3A_262 = arith.constant 128 : i32
      %lt3A_263 = arith.cmpi slt, %add3A_261, %lt3A_262 : i32
      %convert_element_type3A_264 = arith.extui %lt3A_263 : i1 to i32
      %cond3A_265 = arith.constant 0 : i32
      %cond3A_266 = arith.cmpi ne, %convert_element_type3A_264, %cond3A_265 : i32
      scf.if %cond3A_266 {
        %add3A_296 = arith.constant 4 : i32
        %add3A_297 = arith.addi %add3A_256, %add3A_296 : i32
        %mul3A_298 = arith.constant 80 : i32
        %mul3A_299 = arith.muli %add3A_297, %mul3A_298 : i32
        %add3A_300 = arith.addi %mul3A_2, %mul3A_299 : i32
        %dma_start3A_301 = tpu.memref_slice %arg4[%add3A_300] : memref<327680xi32, #tpu.memory_space<hbm>> -> memref<80xi32, #tpu.memory_space<hbm>>
        %dma_start3A_302 = tpu.memref_slice %arg4[%add3A_300] : memref<327680xi32, #tpu.memory_space<hbm>> -> memref<80xi32, #tpu.memory_space<hbm>>
        tpu.enqueue_dma source(%dma_start3A_302 : memref<80xi32, #tpu.memory_space<hbm>>) target(%arg10 : memref<80xi32, #tpu.memory_space<vmem>>) target_semaphore(%arg27 : memref<!tpu.dma_semaphore, #tpu.memory_space<semaphore_mem>>)
        %dma_start3A_303 = tpu.memref_slice %arg5[%add3A_300] : memref<327680xi32, #tpu.memory_space<hbm>> -> memref<80xi32, #tpu.memory_space<hbm>>
        %dma_start3A_304 = tpu.memref_slice %arg5[%add3A_300] : memref<327680xi32, #tpu.memory_space<hbm>> -> memref<80xi32, #tpu.memory_space<hbm>>
        tpu.enqueue_dma source(%dma_start3A_304 : memref<80xi32, #tpu.memory_space<hbm>>) target(%arg14 : memref<80xi32, #tpu.memory_space<vmem>>) target_semaphore(%arg27 : memref<!tpu.dma_semaphore, #tpu.memory_space<semaphore_mem>>)
      } else {
      }
      %add3A_267 = arith.constant 3 : i32
      %add3A_268 = arith.addi %add3A_256, %add3A_267 : i32
      %lt3A_269 = arith.constant 128 : i32
      %lt3A_270 = arith.cmpi slt, %add3A_268, %lt3A_269 : i32
      %convert_element_type3A_271 = arith.extui %lt3A_270 : i1 to i32
      %cond3A_272 = arith.constant 0 : i32
      %cond3A_273 = arith.cmpi ne, %convert_element_type3A_271, %cond3A_272 : i32
      scf.if %cond3A_273 {
        %dma_wait3A_296 = arith.constant 0 : i32
        %dma_wait3A_297 = tpu.memref_slice %arg4[%dma_wait3A_296] : memref<327680xi32, #tpu.memory_space<hbm>> -> memref<80xi32, #tpu.memory_space<hbm>>
        %dma_wait3A_298 = arith.constant 0 : i32
        %dma_wait3A_299 = tpu.memref_slice %arg4[%dma_wait3A_298] : memref<327680xi32, #tpu.memory_space<hbm>> -> memref<80xi32, #tpu.memory_space<hbm>>
        tpu.wait_dma2 semaphore(%arg26 : memref<!tpu.dma_semaphore, #tpu.memory_space<semaphore_mem>>) src(%dma_wait3A_299 : memref<80xi32, #tpu.memory_space<hbm>>) dst(%arg9 : memref<80xi32, #tpu.memory_space<vmem>>)
        %dma_wait3A_300 = arith.constant 0 : i32
        %dma_wait3A_301 = tpu.memref_slice %arg5[%dma_wait3A_300] : memref<327680xi32, #tpu.memory_space<hbm>> -> memref<80xi32, #tpu.memory_space<hbm>>
        %dma_wait3A_302 = arith.constant 0 : i32
        %dma_wait3A_303 = tpu.memref_slice %arg5[%dma_wait3A_302] : memref<327680xi32, #tpu.memory_space<hbm>> -> memref<80xi32, #tpu.memory_space<hbm>>
        tpu.wait_dma2 semaphore(%arg26 : memref<!tpu.dma_semaphore, #tpu.memory_space<semaphore_mem>>) src(%dma_wait3A_303 : memref<80xi32, #tpu.memory_space<hbm>>) dst(%arg13 : memref<80xi32, #tpu.memory_space<vmem>>)
        %dma_start3A_304 = arith.constant 0 : i32
        %dma_start3A_305 = arith.constant 0 : i32
        %dma_start3A_306 = tpu.memref_slice %arg3[%dma_start3A_304, %dma_start3A_305] : memref<10000x128xf32, #tpu.memory_space<hbm>> -> memref<10000x128xf32, #tpu.memory_space<hbm>>
        tpu.enqueue_indirect_dma source(%dma_start3A_306 : memref<10000x128xf32, #tpu.memory_space<hbm>>) target(%arg17 : memref<80x128xf32, #tpu.memory_space<vmem>>) offsets(%arg9 : memref<80xi32, #tpu.memory_space<vmem>>) semaphore(%arg22 : memref<!tpu.dma_semaphore, #tpu.memory_space<semaphore_mem>>)
      } else {
      }
      %mul3A_274 = arith.constant 4 : i32
      %mul3A_275 = arith.muli %mul3A_274, %scan3A_212 : i32
      %add3A_276 = arith.constant 3 : i32
      %add3A_277 = arith.addi %mul3A_275, %add3A_276 : i32
      %dma_wait3A_278 = arith.constant 0 : i32
      %dma_wait3A_279 = arith.constant 0 : i32
      %dma_wait3A_280 = tpu.memref_slice %arg3[%dma_wait3A_278, %dma_wait3A_279] : memref<10000x128xf32, #tpu.memory_space<hbm>> -> memref<10000x128xf32, #tpu.memory_space<hbm>>
      tpu.wait_indirect_dma semaphore(%arg24 : memref<!tpu.dma_semaphore, #tpu.memory_space<semaphore_mem>>) src(%dma_wait3A_280 : memref<10000x128xf32, #tpu.memory_space<hbm>>) dst(%arg19 : memref<80x128xf32, #tpu.memory_space<vmem>>)
      "tpu.region"() ({
        %run_scoped3A = tpu.sem_alloc : memref<!tpu.dma_semaphore, #tpu.memory_space<semaphore_mem>>
        %dma_start3A_296 = arith.constant 0 : i32
        %dma_start3A_297 = arith.constant 0 : i32
        %dma_start3A_298 = tpu.memref_slice %arg20[%dma_start3A_296, %dma_start3A_297] : memref<10240x128xf32, #tpu.memory_space<vmem_shared>> -> memref<10240x128xf32, #tpu.memory_space<vmem_shared>>
        tpu.enqueue_indirect_dma source(%arg19 : memref<80x128xf32, #tpu.memory_space<vmem>>) target(%dma_start3A_298 : memref<10240x128xf32, #tpu.memory_space<vmem_shared>>) offsets(%arg15 : memref<80xi32, #tpu.memory_space<vmem>>) semaphore(%run_scoped3A : memref<!tpu.dma_semaphore, #tpu.memory_space<semaphore_mem>>) {add = true}
        %dma_wait3A_299 = arith.constant 0 : i32
        %dma_wait3A_300 = arith.constant 0 : i32
        %dma_wait3A_301 = tpu.memref_slice %arg20[%dma_wait3A_299, %dma_wait3A_300] : memref<10240x128xf32, #tpu.memory_space<vmem_shared>> -> memref<10240x128xf32, #tpu.memory_space<vmem_shared>>
        tpu.wait_indirect_dma semaphore(%run_scoped3A : memref<!tpu.dma_semaphore, #tpu.memory_space<semaphore_mem>>) src(%arg19 : memref<80x128xf32, #tpu.memory_space<vmem>>) dst(%dma_wait3A_301 : memref<10240x128xf32, #tpu.memory_space<vmem_shared>>)
        tpu.yield
      }) : () -> ()
      %add3A_281 = arith.constant 4 : i32
      %add3A_282 = arith.addi %add3A_277, %add3A_281 : i32
      %lt3A_283 = arith.constant 128 : i32
      %lt3A_284 = arith.cmpi slt, %add3A_282, %lt3A_283 : i32
      %convert_element_type3A_285 = arith.extui %lt3A_284 : i1 to i32
      %cond3A_286 = arith.constant 0 : i32
      %cond3A_287 = arith.cmpi ne, %convert_element_type3A_285, %cond3A_286 : i32
      scf.if %cond3A_287 {
        %add3A_296 = arith.constant 4 : i32
        %add3A_297 = arith.addi %add3A_277, %add3A_296 : i32
        %mul3A_298 = arith.constant 80 : i32
        %mul3A_299 = arith.muli %add3A_297, %mul3A_298 : i32
        %add3A_300 = arith.addi %mul3A_2, %mul3A_299 : i32
        %dma_start3A_301 = tpu.memref_slice %arg4[%add3A_300] : memref<327680xi32, #tpu.memory_space<hbm>> -> memref<80xi32, #tpu.memory_space<hbm>>
        %dma_start3A_302 = tpu.memref_slice %arg4[%add3A_300] : memref<327680xi32, #tpu.memory_space<hbm>> -> memref<80xi32, #tpu.memory_space<hbm>>
        tpu.enqueue_dma source(%dma_start3A_302 : memref<80xi32, #tpu.memory_space<hbm>>) target(%arg11 : memref<80xi32, #tpu.memory_space<vmem>>) target_semaphore(%arg28 : memref<!tpu.dma_semaphore, #tpu.memory_space<semaphore_mem>>)
        %dma_start3A_303 = tpu.memref_slice %arg5[%add3A_300] : memref<327680xi32, #tpu.memory_space<hbm>> -> memref<80xi32, #tpu.memory_space<hbm>>
        %dma_start3A_304 = tpu.memref_slice %arg5[%add3A_300] : memref<327680xi32, #tpu.memory_space<hbm>> -> memref<80xi32, #tpu.memory_space<hbm>>
        tpu.enqueue_dma source(%dma_start3A_304 : memref<80xi32, #tpu.memory_space<hbm>>) target(%arg15 : memref<80xi32, #tpu.memory_space<vmem>>) target_semaphore(%arg28 : memref<!tpu.dma_semaphore, #tpu.memory_space<semaphore_mem>>)
      } else {
      }
      %add3A_288 = arith.constant 3 : i32
      %add3A_289 = arith.addi %add3A_277, %add3A_288 : i32
      %lt3A_290 = arith.constant 128 : i32
      %lt3A_291 = arith.cmpi slt, %add3A_289, %lt3A_290 : i32
      %convert_element_type3A_292 = arith.extui %lt3A_291 : i1 to i32
      %cond3A_293 = arith.constant 0 : i32
      %cond3A_294 = arith.cmpi ne, %convert_element_type3A_292, %cond3A_293 : i32
      scf.if %cond3A_294 {
        %dma_wait3A_296 = arith.constant 0 : i32
        %dma_wait3A_297 = tpu.memref_slice %arg4[%dma_wait3A_296] : memref<327680xi32, #tpu.memory_space<hbm>> -> memref<80xi32, #tpu.memory_space<hbm>>
        %dma_wait3A_298 = arith.constant 0 : i32
        %dma_wait3A_299 = tpu.memref_slice %arg4[%dma_wait3A_298] : memref<327680xi32, #tpu.memory_space<hbm>> -> memref<80xi32, #tpu.memory_space<hbm>>
        tpu.wait_dma2 semaphore(%arg27 : memref<!tpu.dma_semaphore, #tpu.memory_space<semaphore_mem>>) src(%dma_wait3A_299 : memref<80xi32, #tpu.memory_space<hbm>>) dst(%arg10 : memref<80xi32, #tpu.memory_space<vmem>>)
        %dma_wait3A_300 = arith.constant 0 : i32
        %dma_wait3A_301 = tpu.memref_slice %arg5[%dma_wait3A_300] : memref<327680xi32, #tpu.memory_space<hbm>> -> memref<80xi32, #tpu.memory_space<hbm>>
        %dma_wait3A_302 = arith.constant 0 : i32
        %dma_wait3A_303 = tpu.memref_slice %arg5[%dma_wait3A_302] : memref<327680xi32, #tpu.memory_space<hbm>> -> memref<80xi32, #tpu.memory_space<hbm>>
        tpu.wait_dma2 semaphore(%arg27 : memref<!tpu.dma_semaphore, #tpu.memory_space<semaphore_mem>>) src(%dma_wait3A_303 : memref<80xi32, #tpu.memory_space<hbm>>) dst(%arg14 : memref<80xi32, #tpu.memory_space<vmem>>)
        %dma_start3A_304 = arith.constant 0 : i32
        %dma_start3A_305 = arith.constant 0 : i32
        %dma_start3A_306 = tpu.memref_slice %arg3[%dma_start3A_304, %dma_start3A_305] : memref<10000x128xf32, #tpu.memory_space<hbm>> -> memref<10000x128xf32, #tpu.memory_space<hbm>>
        tpu.enqueue_indirect_dma source(%dma_start3A_306 : memref<10000x128xf32, #tpu.memory_space<hbm>>) target(%arg18 : memref<80x128xf32, #tpu.memory_space<vmem>>) offsets(%arg10 : memref<80xi32, #tpu.memory_space<vmem>>) semaphore(%arg23 : memref<!tpu.dma_semaphore, #tpu.memory_space<semaphore_mem>>)
      } else {
      }
      %scan3A_295 = arith.constant 0 : i32
      scf.yield %scan3A_295 : i32
    }
    %scan3A_206 = arith.constant 32 : i32
    %barrier3A_207 = arith.constant 0 : index
    tpu.barrier barrier_id(%barrier3A_207)
    %mul3A_208 = arith.constant 640 : i32
    %mul3A_209 = arith.muli %arg1, %mul3A_208 : i32
    %mul3A_210 = arith.constant 640 : i32
    %mul3A_211 = arith.muli %arg1, %mul3A_210 : i32
    "tpu.region"() ({
      %run_scoped3A = tpu.sem_alloc : memref<!tpu.dma_semaphore, #tpu.memory_space<semaphore_mem>>
      %dma_start3A_212 = arith.constant 0 : i32
      %dma_start3A_213 = tpu.memref_slice %arg7[%arg0, %mul3A_211, %dma_start3A_212] : memref<2x10240x128xf32, #tpu.memory_space<hbm>> -> memref<1x640x128xf32, #tpu.memory_space<hbm>>
      %dma_start3A_214 = tpu.memref_squeeze %dma_start3A_213 : memref<1x640x128xf32, #tpu.memory_space<hbm>> -> memref<640x128xf32, #tpu.memory_space<hbm>>
      %dma_start3A_215 = arith.constant 0 : i32
      %dma_start3A_216 = tpu.memref_slice %arg20[%mul3A_209, %dma_start3A_215] : memref<10240x128xf32, #tpu.memory_space<vmem_shared>> -> memref<640x128xf32, #tpu.memory_space<vmem_shared>>
      tpu.enqueue_dma source(%dma_start3A_216 : memref<640x128xf32, #tpu.memory_space<vmem_shared>>) target(%dma_start3A_214 : memref<640x128xf32, #tpu.memory_space<hbm>>) target_semaphore(%run_scoped3A : memref<!tpu.dma_semaphore, #tpu.memory_space<semaphore_mem>>)
      %dma_wait3A_217 = arith.constant 0 : i32
      %dma_wait3A_218 = tpu.memref_slice %arg7[%arg0, %mul3A_211, %dma_wait3A_217] : memref<2x10240x128xf32, #tpu.memory_space<hbm>> -> memref<1x640x128xf32, #tpu.memory_space<hbm>>
      %dma_wait3A_219 = tpu.memref_squeeze %dma_wait3A_218 : memref<1x640x128xf32, #tpu.memory_space<hbm>> -> memref<640x128xf32, #tpu.memory_space<hbm>>
      %dma_wait3A_220 = arith.constant 0 : i32
      %dma_wait3A_221 = tpu.memref_slice %arg20[%mul3A_209, %dma_wait3A_220] : memref<10240x128xf32, #tpu.memory_space<vmem_shared>> -> memref<640x128xf32, #tpu.memory_space<vmem_shared>>
      tpu.wait_dma2 semaphore(%run_scoped3A : memref<!tpu.dma_semaphore, #tpu.memory_space<semaphore_mem>>) src(%dma_wait3A_221 : memref<640x128xf32, #tpu.memory_space<vmem_shared>>) dst(%dma_wait3A_219 : memref<640x128xf32, #tpu.memory_space<hbm>>)
      tpu.yield
    }) : () -> ()
    return
  }
}

module attributes {stable_mosaic.version = 14 : i64} {
  func.func @_encpre_body(%arg0: i32, %arg1: memref<2000x128xf32, #tpu.memory_space<vmem>>, %arg2: memref<128x128xf32, #tpu.memory_space<vmem>>, %arg3: memref<1x128xf32, #tpu.memory_space<vmem>>, %arg4: memref<128x256xf32, #tpu.memory_space<vmem>>, %arg5: memref<128x128xf32, #tpu.memory_space<vmem>>, %arg6: memref<1x128xf32, #tpu.memory_space<vmem>>, %arg7: memref<2000x1xf32, #tpu.memory_space<vmem>>, %arg8: memref<2000x128xf32, #tpu.memory_space<vmem>>, %arg9: memref<2000x128xf32, #tpu.memory_space<vmem>>, %arg10: memref<2000x128xf32, #tpu.memory_space<vmem>>, %arg11: memref<2000x128xf32, #tpu.memory_space<vmem>>) attributes {dimension_semantics = [#tpu.dimension_semantics<arbitrary>], iteration_bounds = array<i64: 5>, scalar_prefetch = 0 : i64, scratch_operands = 0 : i64, tpu.core_type = #tpu.core_type<tc>, window_params = [{transform_indices = @transform_0, window_bounds = array<i64: 2000, 128>}, {pipeline_mode = #tpu.pipeline_mode<synchronous>, transform_indices = @transform_1, window_bounds = array<i64: 128, 128>}, {pipeline_mode = #tpu.pipeline_mode<synchronous>, transform_indices = @transform_2, window_bounds = array<i64: 1, 128>}, {pipeline_mode = #tpu.pipeline_mode<synchronous>, transform_indices = @transform_3, window_bounds = array<i64: 128, 256>}, {pipeline_mode = #tpu.pipeline_mode<synchronous>, transform_indices = @transform_4, window_bounds = array<i64: 128, 128>}, {pipeline_mode = #tpu.pipeline_mode<synchronous>, transform_indices = @transform_5, window_bounds = array<i64: 1, 128>}, {transform_indices = @transform_6, window_bounds = array<i64: 2000, 1>}, {transform_indices = @transform_7, window_bounds = array<i64: 2000, 128>}, {transform_indices = @transform_8, window_bounds = array<i64: 2000, 128>}, {transform_indices = @transform_9, window_bounds = array<i64: 2000, 128>}, {transform_indices = @transform_10, window_bounds = array<i64: 2000, 128>}]} {
    %get3A = arith.constant 0 : index
    %get3A_0 = arith.constant 0 : index
    %get3A_1 = vector.load %arg1[%get3A, %get3A_0] : memref<2000x128xf32, #tpu.memory_space<vmem>>, vector<2000x128xf32>
    %get3A_2 = arith.constant 0 : index
    %get3A_3 = arith.constant 0 : index
    %get3A_4 = vector.load %arg2[%get3A_2, %get3A_3] : memref<128x128xf32, #tpu.memory_space<vmem>>, vector<128x128xf32>
    %dot_general3A = arith.constant dense<0.000000e+00> : vector<2000x128xf32>
    %dot_general3A_5 = tpu.matmul %get3A_1, %get3A_4, %dot_general3A {dimension_numbers = #tpu.dot_dimension_numbers<[1], [0], [0], [1], [0, 0, 1, 1], [], []>, transpose_lhs_hint = false} : vector<2000x128xf32>, vector<128x128xf32>, vector<2000x128xf32> -> vector<2000x128xf32>
    %get3A_6 = arith.constant 0 : index
    %get3A_7 = arith.constant 0 : index
    %get3A_8 = vector.load %arg3[%get3A_6, %get3A_7] : memref<1x128xf32, #tpu.memory_space<vmem>>, vector<1x128xf32>
    %add3A = vector.broadcast %get3A_8 : vector<1x128xf32> to vector<2000x128xf32>
    %add3A_9 = arith.addf %dot_general3A_5, %add3A : vector<2000x128xf32>
    %max3A = arith.constant 0.000000e+00 : f32
    %max3A_10 = vector.broadcast %max3A : f32 to vector<2000x128xf32>
    %max3A_11 = arith.maximumf %add3A_9, %max3A_10 : vector<2000x128xf32>
    %swap3A = arith.constant 0 : index
    %swap3A_12 = arith.constant 0 : index
    %swap3A_13 = vector.load %arg8[%swap3A, %swap3A_12] : memref<2000x128xf32, #tpu.memory_space<vmem>>, vector<2000x128xf32>
    tpu.vector_store %arg8[%swap3A, %swap3A_12], %max3A_11 {strides = array<i32>} : memref<2000x128xf32, #tpu.memory_space<vmem>>, vector<2000x128xf32>,
    %get3A_14 = arith.constant 0 : index
    %get3A_15 = arith.constant 0 : index
    %get3A_16 = vector.load %arg4[%get3A_14, %get3A_15] : memref<128x256xf32, #tpu.memory_space<vmem>>, vector<128x256xf32>
    %get3A_17 = arith.constant 0 : index
    %get3A_18 = arith.constant 0 : index
    %get3A_19 = vector.load %arg5[%get3A_17, %get3A_18] : memref<128x128xf32, #tpu.memory_space<vmem>>, vector<128x128xf32>
    %get3A_20 = arith.constant 0 : index
    %get3A_21 = arith.constant 0 : index
    %get3A_22 = vector.load %arg6[%get3A_20, %get3A_21] : memref<1x128xf32, #tpu.memory_space<vmem>>, vector<1x128xf32>
    %get3A_23 = arith.constant 0 : index
    %get3A_24 = arith.constant 0 : index
    %get3A_25 = vector.load %arg7[%get3A_23, %get3A_24] : memref<2000x1xf32, #tpu.memory_space<vmem>>, vector<2000x1xf32>
    %dot_general3A_26 = arith.constant dense<0.000000e+00> : vector<2000x256xf32>
    %dot_general3A_27 = tpu.matmul %max3A_11, %get3A_16, %dot_general3A_26 {dimension_numbers = #tpu.dot_dimension_numbers<[1], [0], [0], [1], [0, 0, 1, 1], [], []>, transpose_lhs_hint = false} : vector<2000x128xf32>, vector<128x256xf32>, vector<2000x256xf32> -> vector<2000x256xf32>
    %slice3A = vector.extract_strided_slice %dot_general3A_27 {offsets = [0, 128], sizes = [2000, 128], strides = [1, 1]} : vector<2000x256xf32> to vector<2000x128xf32>
    %dot_general3A_28 = arith.constant dense<0.000000e+00> : vector<2000x128xf32>
    %dot_general3A_29 = tpu.matmul %slice3A, %get3A_19, %dot_general3A_28 {dimension_numbers = #tpu.dot_dimension_numbers<[1], [0], [0], [1], [0, 0, 1, 1], [], []>, transpose_lhs_hint = false} : vector<2000x128xf32>, vector<128x128xf32>, vector<2000x128xf32> -> vector<2000x128xf32>
    %sub3A = vector.broadcast %get3A_22 : vector<1x128xf32> to vector<2000x128xf32>
    %sub3A_30 = arith.subf %sub3A, %dot_general3A_29 : vector<2000x128xf32>
    %slice3A_31 = vector.extract_strided_slice %dot_general3A_27 {offsets = [0, 0], sizes = [2000, 128], strides = [1, 1]} : vector<2000x256xf32> to vector<2000x128xf32>
    %mul3A = vector.broadcast %get3A_25 : vector<2000x1xf32> to vector<2000x128xf32>
    %mul3A_32 = arith.mulf %slice3A, %mul3A : vector<2000x128xf32>
    %swap3A_33 = arith.constant 0 : index
    %swap3A_34 = arith.constant 0 : index
    %swap3A_35 = vector.load %arg9[%swap3A_33, %swap3A_34] : memref<2000x128xf32, #tpu.memory_space<vmem>>, vector<2000x128xf32>
    tpu.vector_store %arg9[%swap3A_33, %swap3A_34], %slice3A_31 {strides = array<i32>} : memref<2000x128xf32, #tpu.memory_space<vmem>>, vector<2000x128xf32>,
    %swap3A_36 = arith.constant 0 : index
    %swap3A_37 = arith.constant 0 : index
    %swap3A_38 = vector.load %arg10[%swap3A_36, %swap3A_37] : memref<2000x128xf32, #tpu.memory_space<vmem>>, vector<2000x128xf32>
    tpu.vector_store %arg10[%swap3A_36, %swap3A_37], %mul3A_32 {strides = array<i32>} : memref<2000x128xf32, #tpu.memory_space<vmem>>, vector<2000x128xf32>,
    %swap3A_39 = arith.constant 0 : index
    %swap3A_40 = arith.constant 0 : index
    %swap3A_41 = vector.load %arg11[%swap3A_39, %swap3A_40] : memref<2000x128xf32, #tpu.memory_space<vmem>>, vector<2000x128xf32>
    tpu.vector_store %arg11[%swap3A_39, %swap3A_40], %sub3A_30 {strides = array<i32>} : memref<2000x128xf32, #tpu.memory_space<vmem>>, vector<2000x128xf32>,
    return
  }
  func.func @transform_0(%arg0: i32) -> (i32, i32) {
    %c0_i32 = arith.constant 0 : i32
    %c0_i32_0 = arith.constant 0 : i32
    return %arg0, %c0_i32 : i32, i32
  }
  func.func @transform_1(%arg0: i32) -> (i32, i32) {
    %c0_i32 = arith.constant 0 : i32
    %c0_i32_0 = arith.constant 0 : i32
    %c0_i32_1 = arith.constant 0 : i32
    return %c0_i32, %c0_i32_0 : i32, i32
  }
  func.func @transform_2(%arg0: i32) -> (i32, i32) {
    %c0_i32 = arith.constant 0 : i32
    %c0_i32_0 = arith.constant 0 : i32
    %c0_i32_1 = arith.constant 0 : i32
    return %c0_i32, %c0_i32_0 : i32, i32
  }
  func.func @transform_3(%arg0: i32) -> (i32, i32) {
    %c0_i32 = arith.constant 0 : i32
    %c0_i32_0 = arith.constant 0 : i32
    %c0_i32_1 = arith.constant 0 : i32
    return %c0_i32, %c0_i32_0 : i32, i32
  }
  func.func @transform_4(%arg0: i32) -> (i32, i32) {
    %c0_i32 = arith.constant 0 : i32
    %c0_i32_0 = arith.constant 0 : i32
    %c0_i32_1 = arith.constant 0 : i32
    return %c0_i32, %c0_i32_0 : i32, i32
  }
  func.func @transform_5(%arg0: i32) -> (i32, i32) {
    %c0_i32 = arith.constant 0 : i32
    %c0_i32_0 = arith.constant 0 : i32
    %c0_i32_1 = arith.constant 0 : i32
    return %c0_i32, %c0_i32_0 : i32, i32
  }
  func.func @transform_6(%arg0: i32) -> (i32, i32) {
    %c0_i32 = arith.constant 0 : i32
    %c0_i32_0 = arith.constant 0 : i32
    return %arg0, %c0_i32 : i32, i32
  }
  func.func @transform_7(%arg0: i32) -> (i32, i32) {
    %c0_i32 = arith.constant 0 : i32
    %c0_i32_0 = arith.constant 0 : i32
    return %arg0, %c0_i32 : i32, i32
  }
  func.func @transform_8(%arg0: i32) -> (i32, i32) {
    %c0_i32 = arith.constant 0 : i32
    %c0_i32_0 = arith.constant 0 : i32
    return %arg0, %c0_i32 : i32, i32
  }
  func.func @transform_9(%arg0: i32) -> (i32, i32) {
    %c0_i32 = arith.constant 0 : i32
    %c0_i32_0 = arith.constant 0 : i32
    return %arg0, %c0_i32 : i32, i32
  }
  func.func @transform_10(%arg0: i32) -> (i32, i32) {
    %c0_i32 = arith.constant 0 : i32
    %c0_i32_0 = arith.constant 0 : i32
    return %arg0, %c0_i32 : i32, i32
  }
}

module attributes {stable_mosaic.version = 14 : i64} {
  func.func @_postpre_body(%arg0: i32, %arg1: memref<2000x128xf32, #tpu.memory_space<vmem>>, %arg2: memref<2x2000x128xf32, #tpu.memory_space<vmem>>, %arg3: memref<2x2000x128xf32, #tpu.memory_space<vmem>>, %arg4: memref<2000x128xf32, #tpu.memory_space<vmem>>, %arg5: memref<2000x128xf32, #tpu.memory_space<vmem>>, %arg6: memref<2000x1xf32, #tpu.memory_space<vmem>>, %arg7: memref<1x1xf32, #tpu.memory_space<vmem>>, %arg8: memref<128x256xf32, #tpu.memory_space<vmem>>, %arg9: memref<128x128xf32, #tpu.memory_space<vmem>>, %arg10: memref<1x128xf32, #tpu.memory_space<vmem>>, %arg11: memref<2000x128xf32, #tpu.memory_space<vmem>>, %arg12: memref<2000x128xf32, #tpu.memory_space<vmem>>, %arg13: memref<2000x128xf32, #tpu.memory_space<vmem>>, %arg14: memref<2000x128xf32, #tpu.memory_space<vmem>>) attributes {dimension_semantics = [#tpu.dimension_semantics<arbitrary>], iteration_bounds = array<i64: 5>, scalar_prefetch = 0 : i64, scratch_operands = 0 : i64, tpu.core_type = #tpu.core_type<tc>, window_params = [{transform_indices = @transform_0, window_bounds = array<i64: 2000, 128>}, {transform_indices = @transform_1, window_bounds = array<i64: 2, 2000, 128>}, {transform_indices = @transform_2, window_bounds = array<i64: 2, 2000, 128>}, {transform_indices = @transform_3, window_bounds = array<i64: 2000, 128>}, {transform_indices = @transform_4, window_bounds = array<i64: 2000, 128>}, {transform_indices = @transform_5, window_bounds = array<i64: 2000, 1>}, {pipeline_mode = #tpu.pipeline_mode<synchronous>, transform_indices = @transform_6, window_bounds = array<i64: 1, 1>}, {pipeline_mode = #tpu.pipeline_mode<synchronous>, transform_indices = @transform_7, window_bounds = array<i64: 128, 256>}, {pipeline_mode = #tpu.pipeline_mode<synchronous>, transform_indices = @transform_8, window_bounds = array<i64: 128, 128>}, {pipeline_mode = #tpu.pipeline_mode<synchronous>, transform_indices = @transform_9, window_bounds = array<i64: 1, 128>}, {transform_indices = @transform_10, window_bounds = array<i64: 2000, 128>}, {transform_indices = @transform_11, window_bounds = array<i64: 2000, 128>}, {transform_indices = @transform_12, window_bounds = array<i64: 2000, 128>}, {transform_indices = @transform_13, window_bounds = array<i64: 2000, 128>}]} {
    %get3A = arith.constant 0 : index
    %get3A_0 = arith.constant 0 : index
    %get3A_1 = vector.load %arg1[%get3A, %get3A_0] : memref<2000x128xf32, #tpu.memory_space<vmem>>, vector<2000x128xf32>
    %get3A_2 = arith.constant 0 : index
    %get3A_3 = arith.constant 0 : index
    %get3A_4 = vector.load %arg4[%get3A_2, %get3A_3] : memref<2000x128xf32, #tpu.memory_space<vmem>>, vector<2000x128xf32>
    %get3A_5 = arith.constant 0 : index
    %get3A_6 = arith.constant 0 : index
    %get3A_7 = vector.load %arg5[%get3A_5, %get3A_6] : memref<2000x128xf32, #tpu.memory_space<vmem>>, vector<2000x128xf32>
    %get3A_8 = arith.constant 0 : index
    %get3A_9 = arith.constant 0 : index
    %get3A_10 = vector.load %arg6[%get3A_8, %get3A_9] : memref<2000x1xf32, #tpu.memory_space<vmem>>, vector<2000x1xf32>
    %get3A_11 = arith.constant 0 : index
    %get3A_12 = arith.constant 0 : index
    %get3A_13 = vector.load %arg7[%get3A_11, %get3A_12] : memref<1x1xf32, #tpu.memory_space<vmem>>, vector<1x1xf32>
    %get3A_14 = vector.extract %get3A_13[0, 0] : f32 from vector<1x1xf32>
    %get3A_15 = arith.constant 0 : index
    %get3A_16 = arith.constant 0 : index
    %get3A_17 = arith.constant 0 : index
    %get3A_18 = vector.load %arg2[%get3A_15, %get3A_16, %get3A_17] : memref<2x2000x128xf32, #tpu.memory_space<vmem>>, vector<1x2000x128xf32>
    %get3A_19 = vector.shape_cast %get3A_18 : vector<1x2000x128xf32> to vector<2000x128xf32>
    %get3A_20 = arith.constant 1 : index
    %get3A_21 = arith.constant 0 : index
    %get3A_22 = arith.constant 0 : index
    %get3A_23 = vector.load %arg2[%get3A_20, %get3A_21, %get3A_22] : memref<2x2000x128xf32, #tpu.memory_space<vmem>>, vector<1x2000x128xf32>
    %get3A_24 = vector.shape_cast %get3A_23 : vector<1x2000x128xf32> to vector<2000x128xf32>
    %add3A = arith.addf %get3A_19, %get3A_24 : vector<2000x128xf32>
    %get3A_25 = arith.constant 0 : index
    %get3A_26 = arith.constant 0 : index
    %get3A_27 = arith.constant 0 : index
    %get3A_28 = vector.load %arg3[%get3A_25, %get3A_26, %get3A_27] : memref<2x2000x128xf32, #tpu.memory_space<vmem>>, vector<1x2000x128xf32>
    %get3A_29 = vector.shape_cast %get3A_28 : vector<1x2000x128xf32> to vector<2000x128xf32>
    %get3A_30 = arith.constant 1 : index
    %get3A_31 = arith.constant 0 : index
    %get3A_32 = arith.constant 0 : index
    %get3A_33 = vector.load %arg3[%get3A_30, %get3A_31, %get3A_32] : memref<2x2000x128xf32, #tpu.memory_space<vmem>>, vector<1x2000x128xf32>
    %get3A_34 = vector.shape_cast %get3A_33 : vector<1x2000x128xf32> to vector<2000x128xf32>
    %add3A_35 = arith.addf %get3A_29, %get3A_34 : vector<2000x128xf32>
    %add3A_36 = arith.addf %add3A_35, %get3A_4 : vector<2000x128xf32>
    %mul3A = vector.broadcast %get3A_10 : vector<2000x1xf32> to vector<2000x128xf32>
    %mul3A_37 = arith.mulf %mul3A, %add3A_36 : vector<2000x128xf32>
    %add3A_38 = arith.addf %mul3A_37, %get3A_7 : vector<2000x128xf32>
    %max3A = arith.constant 0.000000e+00 : f32
    %max3A_39 = vector.broadcast %max3A : f32 to vector<2000x128xf32>
    %max3A_40 = arith.maximumf %add3A_38, %max3A_39 : vector<2000x128xf32>
    %mul3A_41 = vector.broadcast %get3A_14 : f32 to vector<2000x128xf32>
    %mul3A_42 = arith.mulf %mul3A_41, %get3A_1 : vector<2000x128xf32>
    %mul3A_43 = arith.mulf %mul3A_42, %add3A : vector<2000x128xf32>
    %add3A_44 = arith.addf %max3A_40, %mul3A_43 : vector<2000x128xf32>
    %swap3A = arith.constant 0 : index
    %swap3A_45 = arith.constant 0 : index
    %swap3A_46 = vector.load %arg11[%swap3A, %swap3A_45] : memref<2000x128xf32, #tpu.memory_space<vmem>>, vector<2000x128xf32>
    tpu.vector_store %arg11[%swap3A, %swap3A_45], %add3A_44 {strides = array<i32>} : memref<2000x128xf32, #tpu.memory_space<vmem>>, vector<2000x128xf32>,
    %get3A_47 = arith.constant 0 : index
    %get3A_48 = arith.constant 0 : index
    %get3A_49 = vector.load %arg8[%get3A_47, %get3A_48] : memref<128x256xf32, #tpu.memory_space<vmem>>, vector<128x256xf32>
    %get3A_50 = arith.constant 0 : index
    %get3A_51 = arith.constant 0 : index
    %get3A_52 = vector.load %arg9[%get3A_50, %get3A_51] : memref<128x128xf32, #tpu.memory_space<vmem>>, vector<128x128xf32>
    %get3A_53 = arith.constant 0 : index
    %get3A_54 = arith.constant 0 : index
    %get3A_55 = vector.load %arg10[%get3A_53, %get3A_54] : memref<1x128xf32, #tpu.memory_space<vmem>>, vector<1x128xf32>
    %get3A_56 = arith.constant 0 : index
    %get3A_57 = arith.constant 0 : index
    %get3A_58 = vector.load %arg6[%get3A_56, %get3A_57] : memref<2000x1xf32, #tpu.memory_space<vmem>>, vector<2000x1xf32>
    %dot_general3A = arith.constant dense<0.000000e+00> : vector<2000x256xf32>
    %dot_general3A_59 = tpu.matmul %add3A_44, %get3A_49, %dot_general3A {dimension_numbers = #tpu.dot_dimension_numbers<[1], [0], [0], [1], [0, 0, 1, 1], [], []>, transpose_lhs_hint = false} : vector<2000x128xf32>, vector<128x256xf32>, vector<2000x256xf32> -> vector<2000x256xf32>
    %slice3A = vector.extract_strided_slice %dot_general3A_59 {offsets = [0, 128], sizes = [2000, 128], strides = [1, 1]} : vector<2000x256xf32> to vector<2000x128xf32>
    %dot_general3A_60 = arith.constant dense<0.000000e+00> : vector<2000x128xf32>
    %dot_general3A_61 = tpu.matmul %slice3A, %get3A_52, %dot_general3A_60 {dimension_numbers = #tpu.dot_dimension_numbers<[1], [0], [0], [1], [0, 0, 1, 1], [], []>, transpose_lhs_hint = false} : vector<2000x128xf32>, vector<128x128xf32>, vector<2000x128xf32> -> vector<2000x128xf32>
    %sub3A = vector.broadcast %get3A_55 : vector<1x128xf32> to vector<2000x128xf32>
    %sub3A_62 = arith.subf %sub3A, %dot_general3A_61 : vector<2000x128xf32>
    %slice3A_63 = vector.extract_strided_slice %dot_general3A_59 {offsets = [0, 0], sizes = [2000, 128], strides = [1, 1]} : vector<2000x256xf32> to vector<2000x128xf32>
    %mul3A_64 = vector.broadcast %get3A_58 : vector<2000x1xf32> to vector<2000x128xf32>
    %mul3A_65 = arith.mulf %slice3A, %mul3A_64 : vector<2000x128xf32>
    %swap3A_66 = arith.constant 0 : index
    %swap3A_67 = arith.constant 0 : index
    %swap3A_68 = vector.load %arg12[%swap3A_66, %swap3A_67] : memref<2000x128xf32, #tpu.memory_space<vmem>>, vector<2000x128xf32>
    tpu.vector_store %arg12[%swap3A_66, %swap3A_67], %slice3A_63 {strides = array<i32>} : memref<2000x128xf32, #tpu.memory_space<vmem>>, vector<2000x128xf32>,
    %swap3A_69 = arith.constant 0 : index
    %swap3A_70 = arith.constant 0 : index
    %swap3A_71 = vector.load %arg13[%swap3A_69, %swap3A_70] : memref<2000x128xf32, #tpu.memory_space<vmem>>, vector<2000x128xf32>
    tpu.vector_store %arg13[%swap3A_69, %swap3A_70], %mul3A_65 {strides = array<i32>} : memref<2000x128xf32, #tpu.memory_space<vmem>>, vector<2000x128xf32>,
    %swap3A_72 = arith.constant 0 : index
    %swap3A_73 = arith.constant 0 : index
    %swap3A_74 = vector.load %arg14[%swap3A_72, %swap3A_73] : memref<2000x128xf32, #tpu.memory_space<vmem>>, vector<2000x128xf32>
    tpu.vector_store %arg14[%swap3A_72, %swap3A_73], %sub3A_62 {strides = array<i32>} : memref<2000x128xf32, #tpu.memory_space<vmem>>, vector<2000x128xf32>,
    return
  }
  func.func @transform_0(%arg0: i32) -> (i32, i32) {
    %c0_i32 = arith.constant 0 : i32
    %c0_i32_0 = arith.constant 0 : i32
    return %arg0, %c0_i32 : i32, i32
  }
  func.func @transform_1(%arg0: i32) -> (i32, i32, i32) {
    %c0_i32 = arith.constant 0 : i32
    %c0_i32_0 = arith.constant 0 : i32
    %c0_i32_1 = arith.constant 0 : i32
    return %c0_i32, %arg0, %c0_i32_0 : i32, i32, i32
  }
  func.func @transform_2(%arg0: i32) -> (i32, i32, i32) {
    %c0_i32 = arith.constant 0 : i32
    %c0_i32_0 = arith.constant 0 : i32
    %c0_i32_1 = arith.constant 0 : i32
    return %c0_i32, %arg0, %c0_i32_0 : i32, i32, i32
  }
  func.func @transform_3(%arg0: i32) -> (i32, i32) {
    %c0_i32 = arith.constant 0 : i32
    %c0_i32_0 = arith.constant 0 : i32
    return %arg0, %c0_i32 : i32, i32
  }
  func.func @transform_4(%arg0: i32) -> (i32, i32) {
    %c0_i32 = arith.constant 0 : i32
    %c0_i32_0 = arith.constant 0 : i32
    return %arg0, %c0_i32 : i32, i32
  }
  func.func @transform_5(%arg0: i32) -> (i32, i32) {
    %c0_i32 = arith.constant 0 : i32
    %c0_i32_0 = arith.constant 0 : i32
    return %arg0, %c0_i32 : i32, i32
  }
  func.func @transform_6(%arg0: i32) -> (i32, i32) {
    %c0_i32 = arith.constant 0 : i32
    %c0_i32_0 = arith.constant 0 : i32
    %c0_i32_1 = arith.constant 0 : i32
    return %c0_i32, %c0_i32_0 : i32, i32
  }
  func.func @transform_7(%arg0: i32) -> (i32, i32) {
    %c0_i32 = arith.constant 0 : i32
    %c0_i32_0 = arith.constant 0 : i32
    %c0_i32_1 = arith.constant 0 : i32
    return %c0_i32, %c0_i32_0 : i32, i32
  }
  func.func @transform_8(%arg0: i32) -> (i32, i32) {
    %c0_i32 = arith.constant 0 : i32
    %c0_i32_0 = arith.constant 0 : i32
    %c0_i32_1 = arith.constant 0 : i32
    return %c0_i32, %c0_i32_0 : i32, i32
  }
  func.func @transform_9(%arg0: i32) -> (i32, i32) {
    %c0_i32 = arith.constant 0 : i32
    %c0_i32_0 = arith.constant 0 : i32
    %c0_i32_1 = arith.constant 0 : i32
    return %c0_i32, %c0_i32_0 : i32, i32
  }
  func.func @transform_10(%arg0: i32) -> (i32, i32) {
    %c0_i32 = arith.constant 0 : i32
    %c0_i32_0 = arith.constant 0 : i32
    return %arg0, %c0_i32 : i32, i32
  }
  func.func @transform_11(%arg0: i32) -> (i32, i32) {
    %c0_i32 = arith.constant 0 : i32
    %c0_i32_0 = arith.constant 0 : i32
    return %arg0, %c0_i32 : i32, i32
  }
  func.func @transform_12(%arg0: i32) -> (i32, i32) {
    %c0_i32 = arith.constant 0 : i32
    %c0_i32_0 = arith.constant 0 : i32
    return %arg0, %c0_i32 : i32, i32
  }
  func.func @transform_13(%arg0: i32) -> (i32, i32) {
    %c0_i32 = arith.constant 0 : i32
    %c0_i32_0 = arith.constant 0 : i32
    return %arg0, %c0_i32 : i32, i32
  }
}

module attributes {stable_mosaic.version = 14 : i64} {
  func.func @_postdec_body(%arg0: i32, %arg1: memref<2000x128xf32, #tpu.memory_space<vmem>>, %arg2: memref<2x2000x128xf32, #tpu.memory_space<vmem>>, %arg3: memref<2x2000x128xf32, #tpu.memory_space<vmem>>, %arg4: memref<2000x128xf32, #tpu.memory_space<vmem>>, %arg5: memref<2000x128xf32, #tpu.memory_space<vmem>>, %arg6: memref<2000x1xf32, #tpu.memory_space<vmem>>, %arg7: memref<1x1xf32, #tpu.memory_space<vmem>>, %arg8: memref<128x40xf32, #tpu.memory_space<vmem>>, %arg9: memref<1x40xf32, #tpu.memory_space<vmem>>, %arg10: memref<2000x40xf32, #tpu.memory_space<vmem>>) attributes {dimension_semantics = [#tpu.dimension_semantics<arbitrary>], iteration_bounds = array<i64: 5>, scalar_prefetch = 0 : i64, scratch_operands = 0 : i64, tpu.core_type = #tpu.core_type<tc>, window_params = [{transform_indices = @transform_0, window_bounds = array<i64: 2000, 128>}, {transform_indices = @transform_1, window_bounds = array<i64: 2, 2000, 128>}, {transform_indices = @transform_2, window_bounds = array<i64: 2, 2000, 128>}, {transform_indices = @transform_3, window_bounds = array<i64: 2000, 128>}, {transform_indices = @transform_4, window_bounds = array<i64: 2000, 128>}, {transform_indices = @transform_5, window_bounds = array<i64: 2000, 1>}, {pipeline_mode = #tpu.pipeline_mode<synchronous>, transform_indices = @transform_6, window_bounds = array<i64: 1, 1>}, {pipeline_mode = #tpu.pipeline_mode<synchronous>, transform_indices = @transform_7, window_bounds = array<i64: 128, 40>}, {pipeline_mode = #tpu.pipeline_mode<synchronous>, transform_indices = @transform_8, window_bounds = array<i64: 1, 40>}, {transform_indices = @transform_9, window_bounds = array<i64: 2000, 40>}]} {
    %get3A = arith.constant 0 : index
    %get3A_0 = arith.constant 0 : index
    %get3A_1 = vector.load %arg1[%get3A, %get3A_0] : memref<2000x128xf32, #tpu.memory_space<vmem>>, vector<2000x128xf32>
    %get3A_2 = arith.constant 0 : index
    %get3A_3 = arith.constant 0 : index
    %get3A_4 = vector.load %arg4[%get3A_2, %get3A_3] : memref<2000x128xf32, #tpu.memory_space<vmem>>, vector<2000x128xf32>
    %get3A_5 = arith.constant 0 : index
    %get3A_6 = arith.constant 0 : index
    %get3A_7 = vector.load %arg5[%get3A_5, %get3A_6] : memref<2000x128xf32, #tpu.memory_space<vmem>>, vector<2000x128xf32>
    %get3A_8 = arith.constant 0 : index
    %get3A_9 = arith.constant 0 : index
    %get3A_10 = vector.load %arg6[%get3A_8, %get3A_9] : memref<2000x1xf32, #tpu.memory_space<vmem>>, vector<2000x1xf32>
    %get3A_11 = arith.constant 0 : index
    %get3A_12 = arith.constant 0 : index
    %get3A_13 = vector.load %arg7[%get3A_11, %get3A_12] : memref<1x1xf32, #tpu.memory_space<vmem>>, vector<1x1xf32>
    %get3A_14 = vector.extract %get3A_13[0, 0] : f32 from vector<1x1xf32>
    %get3A_15 = arith.constant 0 : index
    %get3A_16 = arith.constant 0 : index
    %get3A_17 = arith.constant 0 : index
    %get3A_18 = vector.load %arg2[%get3A_15, %get3A_16, %get3A_17] : memref<2x2000x128xf32, #tpu.memory_space<vmem>>, vector<1x2000x128xf32>
    %get3A_19 = vector.shape_cast %get3A_18 : vector<1x2000x128xf32> to vector<2000x128xf32>
    %get3A_20 = arith.constant 1 : index
    %get3A_21 = arith.constant 0 : index
    %get3A_22 = arith.constant 0 : index
    %get3A_23 = vector.load %arg2[%get3A_20, %get3A_21, %get3A_22] : memref<2x2000x128xf32, #tpu.memory_space<vmem>>, vector<1x2000x128xf32>
    %get3A_24 = vector.shape_cast %get3A_23 : vector<1x2000x128xf32> to vector<2000x128xf32>
    %add3A = arith.addf %get3A_19, %get3A_24 : vector<2000x128xf32>
    %get3A_25 = arith.constant 0 : index
    %get3A_26 = arith.constant 0 : index
    %get3A_27 = arith.constant 0 : index
    %get3A_28 = vector.load %arg3[%get3A_25, %get3A_26, %get3A_27] : memref<2x2000x128xf32, #tpu.memory_space<vmem>>, vector<1x2000x128xf32>
    %get3A_29 = vector.shape_cast %get3A_28 : vector<1x2000x128xf32> to vector<2000x128xf32>
    %get3A_30 = arith.constant 1 : index
    %get3A_31 = arith.constant 0 : index
    %get3A_32 = arith.constant 0 : index
    %get3A_33 = vector.load %arg3[%get3A_30, %get3A_31, %get3A_32] : memref<2x2000x128xf32, #tpu.memory_space<vmem>>, vector<1x2000x128xf32>
    %get3A_34 = vector.shape_cast %get3A_33 : vector<1x2000x128xf32> to vector<2000x128xf32>
    %add3A_35 = arith.addf %get3A_29, %get3A_34 : vector<2000x128xf32>
    %add3A_36 = arith.addf %add3A_35, %get3A_4 : vector<2000x128xf32>
    %mul3A = vector.broadcast %get3A_10 : vector<2000x1xf32> to vector<2000x128xf32>
    %mul3A_37 = arith.mulf %mul3A, %add3A_36 : vector<2000x128xf32>
    %add3A_38 = arith.addf %mul3A_37, %get3A_7 : vector<2000x128xf32>
    %max3A = arith.constant 0.000000e+00 : f32
    %max3A_39 = vector.broadcast %max3A : f32 to vector<2000x128xf32>
    %max3A_40 = arith.maximumf %add3A_38, %max3A_39 : vector<2000x128xf32>
    %mul3A_41 = vector.broadcast %get3A_14 : f32 to vector<2000x128xf32>
    %mul3A_42 = arith.mulf %mul3A_41, %get3A_1 : vector<2000x128xf32>
    %mul3A_43 = arith.mulf %mul3A_42, %add3A : vector<2000x128xf32>
    %add3A_44 = arith.addf %max3A_40, %mul3A_43 : vector<2000x128xf32>
    %get3A_45 = arith.constant 0 : index
    %get3A_46 = arith.constant 0 : index
    %get3A_47 = vector.load %arg8[%get3A_45, %get3A_46] : memref<128x40xf32, #tpu.memory_space<vmem>>, vector<128x40xf32>
    %dot_general3A = arith.constant dense<0.000000e+00> : vector<2000x40xf32>
    %dot_general3A_48 = tpu.matmul %add3A_44, %get3A_47, %dot_general3A {dimension_numbers = #tpu.dot_dimension_numbers<[1], [0], [0], [1], [0, 0, 1, 1], [], []>, transpose_lhs_hint = false} : vector<2000x128xf32>, vector<128x40xf32>, vector<2000x40xf32> -> vector<2000x40xf32>
    %get3A_49 = arith.constant 0 : index
    %get3A_50 = arith.constant 0 : index
    %get3A_51 = vector.load %arg9[%get3A_49, %get3A_50] : memref<1x40xf32, #tpu.memory_space<vmem>>, vector<1x40xf32>
    %add3A_52 = vector.broadcast %get3A_51 : vector<1x40xf32> to vector<2000x40xf32>
    %add3A_53 = arith.addf %dot_general3A_48, %add3A_52 : vector<2000x40xf32>
    %swap3A = arith.constant 0 : index
    %swap3A_54 = arith.constant 0 : index
    %swap3A_55 = vector.load %arg10[%swap3A, %swap3A_54] : memref<2000x40xf32, #tpu.memory_space<vmem>>, vector<2000x40xf32>
    tpu.vector_store %arg10[%swap3A, %swap3A_54], %add3A_53 {strides = array<i32>} : memref<2000x40xf32, #tpu.memory_space<vmem>>, vector<2000x40xf32>,
    return
  }
  func.func @transform_0(%arg0: i32) -> (i32, i32) {
    %c0_i32 = arith.constant 0 : i32
    %c0_i32_0 = arith.constant 0 : i32
    return %arg0, %c0_i32 : i32, i32
  }
  func.func @transform_1(%arg0: i32) -> (i32, i32, i32) {
    %c0_i32 = arith.constant 0 : i32
    %c0_i32_0 = arith.constant 0 : i32
    %c0_i32_1 = arith.constant 0 : i32
    return %c0_i32, %arg0, %c0_i32_0 : i32, i32, i32
  }
  func.func @transform_2(%arg0: i32) -> (i32, i32, i32) {
    %c0_i32 = arith.constant 0 : i32
    %c0_i32_0 = arith.constant 0 : i32
    %c0_i32_1 = arith.constant 0 : i32
    return %c0_i32, %arg0, %c0_i32_0 : i32, i32, i32
  }
  func.func @transform_3(%arg0: i32) -> (i32, i32) {
    %c0_i32 = arith.constant 0 : i32
    %c0_i32_0 = arith.constant 0 : i32
    return %arg0, %c0_i32 : i32, i32
  }
  func.func @transform_4(%arg0: i32) -> (i32, i32) {
    %c0_i32 = arith.constant 0 : i32
    %c0_i32_0 = arith.constant 0 : i32
    return %arg0, %c0_i32 : i32, i32
  }
  func.func @transform_5(%arg0: i32) -> (i32, i32) {
    %c0_i32 = arith.constant 0 : i32
    %c0_i32_0 = arith.constant 0 : i32
    return %arg0, %c0_i32 : i32, i32
  }
  func.func @transform_6(%arg0: i32) -> (i32, i32) {
    %c0_i32 = arith.constant 0 : i32
    %c0_i32_0 = arith.constant 0 : i32
    %c0_i32_1 = arith.constant 0 : i32
    return %c0_i32, %c0_i32_0 : i32, i32
  }
  func.func @transform_7(%arg0: i32) -> (i32, i32) {
    %c0_i32 = arith.constant 0 : i32
    %c0_i32_0 = arith.constant 0 : i32
    %c0_i32_1 = arith.constant 0 : i32
    return %c0_i32, %c0_i32_0 : i32, i32
  }
  func.func @transform_8(%arg0: i32) -> (i32, i32) {
    %c0_i32 = arith.constant 0 : i32
    %c0_i32_0 = arith.constant 0 : i32
    %c0_i32_1 = arith.constant 0 : i32
    return %c0_i32, %c0_i32_0 : i32, i32
  }
  func.func @transform_9(%arg0: i32) -> (i32, i32) {
    %c0_i32 = arith.constant 0 : i32
    %c0_i32_0 = arith.constant 0 : i32
    return %arg0, %c0_i32 : i32, i32
  }
}

</mosaic_0001>

<sc_bundles>
// kernel: kernel.11.cloned.1.call-start
scs
__scs_entry_jumppad:
0x0: {  	(pc) =	sbr.rel $0x88, $3  }
0x1: {  	(tag) =	ssettag $0x0;
	lr =	simm.s32 $0x1  }
0x2: {  	[smem:$0x3F95] =	sst lr;
	_ =	strace $0xD0000000  }
0x3: {  	_ = 	snop  }
0x4: {  	_ = 	snop  }
0x5: {  	_ = 	snop  }
0x6: {  	_ = 	snop  }
0x7: {  	_ = 	snop  }
__scs_overlays_trampoline_lowered:
0x8: {  	[smem:$0x3FA4] =	sst s0  }
0x9: {  	[smem:$0x3FA5] =	sst s1  }
0xa: {  	[smem:$0x3FA6] =	sst s2  }
0xb: {  	[smem:$0x3FA7] =	sst s3  }
0xc: {  	[smem:$0x3FA8] =	sst s4  }
0xd: {  	[smem:$0x3FA9] =	sst s5  }
0xe: {  	[smem:$0x3FAA] =	sst s6  }
0xf: {  	[smem:$0x3FAB] =	sst s7  }
0x10: {  	[smem:$0x3FAC] =	sst s8  }
0x11: {  	[smem:$0x3FAD] =	sst s9;
	s0 =	simm.s32 @!p0 $0x0  }
0x12: {  	s1 =	sld [smem:$0x3F93];
	s0 =	simm.s32 @p0 $0x1  }
0x13: {  	[smem:$0x3FAE] =	sst s0;
	s0 =	simm.s32 @!p1 $0x0  }
0x14: {  	s2 =	sld [smem:$0x3F92];
	s0 =	simm.s32 @p1 $0x1  }
0x15: {  	[smem:$0x3FAF] =	sst s0;
	s0 =	simm.s32 @!p2 $0x0  }
0x16: {  	s3 =	sld [smem:$0x3FDB];
	s0 =	simm.s32 @p2 $0x1  }
0x17: {  	s4 =	simm.s32 $0x1BF5;
	[smem:$0x3FB1] =	sst s0  }
0x18: {  	s0 =	sld [smem:$0x3F94];
	_ =	swait.ge [sflag:s4], $0x0  }
0x19: {  	s7 =	sld [smem:$0x3F95]  }
0x1a: {  	s8 =	sadd.s32 $0xFFFFE003, lr  }
0x1b: {  	s9 =	sadd.s32 $0xFFFFFEF7, lr;
	s5 =	simm.s32 $0xFFFFFFFF;
	p2 =	slt.u32 s8, $0xFFFFF086  }
0x1c: {  	p1 =	slt.u32 s9, $0xF7A;
	s5 =	simm.s32 @!p2 $0x0  }
0x1d: {  	s5 =	simm.s32 @p1 $0x1;
	p0 =	seq.s32 s7, s2  }
0x1e: {  	s7 =	smul.u32 @!p0 $0xF7A, s2;
	p2 =	seq.s32 @!p0 s5, $0x0  }
0x1f: {  	s9 =	smul.u32 $0xF7A, s1;
	s8 =	simm.s32 @!p0 $0x1BF5;
	p2 =	por !p2, p0  }
0x20: {  	[sflag:s8] =	ssyncset.s32 @!p0 $0xFFFFF086;
	s6 =	sadd.s32 @!p0 s3, s7;
	s7 =	simm.s32 @!p0 $0x108  }
0x21: {  	s3 =	sadd.s32 s3, s9;
	s6 =	sadd.s32 @!p0 $0x88, s6;
	s7 =	simm.s32 @p2 $0x1082  }
0x22: {  	[simem:s7], [sflag:s8] =	dma.local @!p0 [hbm:s6], $0xF7A  }
0x23: {  	s9 =	sor.u32 $0xD0000000, s2;
	s6 =	simm.s32 $0x108;
	_ =	swait.ge @!p0 [sflag:s8], $0x0  }
0x24: {  	s3 =	sadd.s32 $0x88, s3;
	s6 =	simm.s32 @!p1 $0x1082;
	[sflag:s4] =	ssyncset.s32 $0xFFFFF086  }
0x25: {  	[simem:s6], [sflag:s4] =	dma.local [hbm:s3], $0xF7A  }
0x26: {  	[smem:$0x3F95] =	sst s1;
	(tag) =	ssettag s2;
	_ =	strace s9  }
0x27: {  	s1 =	sld [smem:$0x3FA5]  }
0x28: {  	s2 =	sld [smem:$0x3FA6]  }
0x29: {  	s4 =	sld [smem:$0x3FA8]  }
0x2a: {  	p0 =	seq.s32 s5, $0x0;
	s5 =	sld [smem:$0x3FA9]  }
0x2b: {  	s6 =	sld [smem:$0x3FAA]  }
0x2c: {  	s7 =	sld [smem:$0x3FAB]  }
0x2d: {  	s3 =	simm.s32 $0x108;
	s8 =	sld [smem:$0x3FAC]  }
0x2e: {  	s3 =	simm.s32 @!p0 $0x1082;
	s9 =	sld [smem:$0x3FAD]  }
0x2f: {  	lr =	sadd.s32 s0, s3;
	s0 =	sld [smem:$0x3FA4]  }
0x30: {  	s3 =	sld [smem:$0x3FA7]  }
0x31: {  	[smem:$0x3FB0] =	sst s10  }
0x32: {  	s10 =	sld [smem:$0x3FAE];
	_ =	sdelay $0x3  }
0x33: {  	p0 =	seq.s32 s10, $0x1;
	s10 =	sld [smem:$0x3FB0];
	_ =	sdelay $0x3  }
0x34: {  	[smem:$0x3FB0] =	sst s10  }
0x35: {  	s10 =	sld [smem:$0x3FAF];
	_ =	sdelay $0x3  }
0x36: {  	p1 =	seq.s32 s10, $0x1;
	s10 =	sld [smem:$0x3FB0];
	_ =	sdelay $0x3  }
0x37: {  	[smem:$0x3FB0] =	sst s10  }
0x38: {  	s10 =	sld [smem:$0x3FB1]  }
0x39: {  	_ = 	snop;
	(pc) =	sbr.ind lr, $3  }
0x3a: {  	_ = 	snop  }
0x3b: {  	_ = 	snop  }
0x3c: {  	p2 =	seq.s32 s10, $0x1;
	s10 =	sld [smem:$0x3FB0]  }
0x3d: {  	_ =	shalt  }
0x3e: {  	_ =	shalt  }
0x3f: {  	_ =	shalt  }
0x40: {  	_ =	shalt  }
0x41: {  	_ =	shalt  }
0x42: {  	_ =	shalt  }
0x43: {  	_ =	shalt  }
0x44: {  	_ =	shalt  }
0x45: {  	_ =	shalt  }
0x46: {  	_ =	shalt  }
0x47: {  	_ =	shalt  }
0x48: {  	_ =	shalt  }
0x49: {  	_ =	shalt  }
0x4a: {  	_ =	shalt  }
0x4b: {  	_ =	shalt  }
0x4c: {  	_ =	shalt  }
0x4d: {  	_ =	shalt  }
0x4e: {  	_ =	shalt  }
0x4f: {  	_ =	shalt  }
0x50: {  	_ =	shalt  }
0x51: {  	_ =	shalt  }
0x52: {  	_ =	shalt  }
0x53: {  	_ =	shalt  }
0x54: {  	_ =	shalt  }
0x55: {  	_ =	shalt  }
0x56: {  	_ =	shalt  }
0x57: {  	_ =	shalt  }
0x58: {  	_ =	shalt  }
0x59: {  	_ =	shalt  }
0x5a: {  	_ =	shalt  }
0x5b: {  	_ =	shalt  }
0x5c: {  	_ =	shalt  }
0x5d: {  	_ =	shalt  }
0x5e: {  	_ =	shalt  }
0x5f: {  	_ =	shalt  }
0x60: {  	_ =	shalt  }
0x61: {  	_ =	shalt  }
0x62: {  	_ =	shalt  }
0x63: {  	_ =	shalt  }
0x64: {  	_ =	shalt  }
0x65: {  	_ =	shalt  }
0x66: {  	_ =	shalt  }
0x67: {  	_ =	shalt  }
0x68: {  	_ =	shalt  }
0x69: {  	_ =	shalt  }
0x6a: {  	_ =	shalt  }
0x6b: {  	_ =	shalt  }
0x6c: {  	_ =	shalt  }
0x6d: {  	_ =	shalt  }
0x6e: {  	_ =	shalt  }
0x6f: {  	_ =	shalt  }
0x70: {  	_ =	shalt  }
0x71: {  	_ =	shalt  }
0x72: {  	_ =	shalt  }
0x73: {  	_ =	shalt  }
0x74: {  	_ =	shalt  }
0x75: {  	_ =	shalt  }
0x76: {  	_ =	shalt  }
0x77: {  	_ =	shalt  }
0x78: {  	_ =	shalt  }
0x79: {  	_ =	shalt  }
0x7a: {  	_ =	shalt  }
0x7b: {  	_ =	shalt  }
0x7c: {  	_ =	shalt  }
0x7d: {  	_ =	shalt  }
0x7e: {  	_ =	shalt  }
0x7f: {  	_ =	shalt  }
0x80: {  	_ =	shalt  }
0x81: {  	_ =	shalt  }
0x82: {  	_ =	shalt  }
0x83: {  	_ =	shalt  }
0x84: {  	_ =	shalt  }
0x85: {  	_ =	shalt  }
0x86: {  	_ =	shalt  }
0x87: {  	_ =	shalt  }
.Lfunc_end0:
.L_simem_size_0:
called_computation.1_lowered:
.L_overlay_start_0:
0x88: {  	s2 =	sld [smem:$0x3FD9]  }
0x89: {  	s3 =	sld [smem:$0x3FFE];
	_ =	sdelay $0x1  }
0x8a: {  	s1 =	srdreg.scid  }
0x8b: {  	s0 =	sand.u32 $0x1, s1  }
0x8c: {  	s17 =	sshll.u32 s0, $0xA;
	s2 =	sadd.s32 s3, s2  }
0x8d: {  	s2 =	sadd.s32 s2, s17  }
0x8e: {  	[smem:$0x3FBC] =	sst s2  }
0x8f: {  	_ = 	snop  }
0x90: {  	s2 =	sld [smem:$0x3FD0];
	(tm) =	ssettm $0x1  }
0x91: {  	s18 =	sld [smem:$0x3FFB];
	_ =	sdelay $0x3  }
0x92: {  	_ =	strace s18  }
0x93: {  	s3 =	sld [smem:$0x3FFC];
	_ =	sdelay $0x3  }
0x94: {  	_ =	strace s3  }
0x95: {  	s3 =	sld [smem:$0x3FFD];
	_ =	sdelay $0x3  }
0x96: {  	_ =	strace s3  }
0x97: {  	_ =	strace $0x8FFFFFFF  }
0x98: {  	s19 =	sld [smem:$0x3FDB];
	_ =	sdelay $0x1  }
0x99: {  	s4 =	simm.s32 $_scs_section_size  }
0x9a: {  	s5 =	simm.s32 $_size__tile_overlayer_lowered;
	s6 =	simm.s32 $_tile_overlayer_lowered  }
0x9b: {  	s22 =	simm.s32 $0x1BFF;
	s21 =	sshll.u32 s6, $0x1;
	s3 =	sadd.s32 s4, s19  }
0x9c: {  	s7 =	simm.s32 $0x0;
	s20 =	sshll.u32 s5, $0x1;
	s5 =	sadd.s32 s21, s3  }
0x9d: {  	[timem:s7], [sflag:s22] =	dma.local [hbm:s5], s20  }
0x9e: {  	_ =	swait.ge [sflag:s22], s20  }
0x9f: {  	s4 =	ssub.s32 $0x0, s20;
	[sflag:s22] =	ssyncset.done $0x0  }
0xa0: {  	[sflag:s22] =	ssyncadd.s32 s4;
	_ =	sdelay $0x1  }
0xa1: {  	s23 =	simm.s32 $0x1B8B  }
0xa2: {  	_ =	swait.ge [sflag:s23], $0x1  }
0xa3: {  	[sflag:s23] =	ssyncset.done $0x0  }
0xa4: {  	s25 =	simm.s32 $0x1B8E;
	s24 =	sld [smem:$0x3FFE];
	[sflag:s23] =	ssyncadd.s32 $0xFFFFFFFF  }
0xa5: {  	s26 =	simm.s32 $execute0_lowered;
	[smem:$0x3FD2] =	sst s25  }
0xa6: {  	s5 =	sshll.u32 s26, $0x1;
	_ =	strace $0x80000049;
	[dreg:$0x1] =	wrdreg $0xFFFFFFFF  }
0xa7: {  	s28 =	simm.s32 $_size_execute0_lowered;
	s3 =	sadd.s32 s3, s5;
	[dreg:$0x0] =	wrdreg $0x0  }
0xa8: {  	s5 =	sshll.u32 s28, $0x1;
	[dreg:$0x2] =	wrdreg s3  }
0xa9: {  	[dreg:$0x3] =	wrdreg s5  }
0xaa: {  	[dreg:$0x4] =	wrdreg $0xC0  }
0xab: {  	_ =	task [dreg:s7], $0x5FFFF  }
0xac: {  	[dreg:$0x1] =	wrdreg $0xFFFFFFFF  }
0xad: {  	[dreg:$0x0] =	wrdreg $0x60  }
0xae: {  	[dreg:$0x2] =	wrdreg s24  }
0xaf: {  	[dreg:$0x3] =	wrdreg s2  }
0xb0: {  	[dreg:$0x4] =	wrdreg $0xA4000  }
0xb1: {  	[dreg:$0x5] =	wrdreg $0x9  }
0xb2: {  	_ =	task.clear_ibuf [dreg:s7], $0x6FFFF;
	_ =	strace $0x90000049  }
0xb3: {  	s29 =	simm.s32 $0x9;
	_ =	strace $0x8000004B  }
0xb4: {  	_ =	swait.ge [sflag:s29], $0x1  }
0xb5: {  	[sflag:s29] =	ssyncadd.s32 $0xFFFFFFFF  }
0xb6: {  	_ =	strace $0x9000004B  }
0xb7: {  	_ =	sfence  }
0xb8: {  	s30 =	sld [smem:$0x0];
	_ =	sdelay $0x2  }
0xb9: {  	s31 =	sshll.u32 s1, $0xD;
	s1 =	sshrl.u32 s1, $0x2  }
0xba: {  	s3 =	sand.u32 $0x4000, s31;
	s1 =	sadd.s32 s1, s30  }
0xbb: {  	s0 =	sor.u32 s3, s0;
	s1 =	sshll.u32 s1, $0x11  }
0xbc: {  	s0 =	sor.u32 s1, s0  }
0xbd: {  	s0 =	sadd.s32 $0x8F2B, s0  }
0xbe: {  	[sflag:s0] =	ssyncadd.remote.s32 $0x1  }
0xbf: {  	_ =	sfence.sel $0xFFFF  }
0xc0: {  	[dreg:$0x0] =	wrdreg $0xFFFFFFFF;
	(pc) =	sbr.abs _section_cstart, $3  }
0xc1: {  	[dreg:$0x1] =	wrdreg $0xFFFFFFFF  }
0xc2: {  	_ =	task.clear_ibuf [dreg:s7], $0x2FFFF;
	_ =	strace $0x9FFFFFFF  }
0xc3: {  	(tm) =	ssettm $0x7FFFFFFF  }
tec
execute0_lowered:
.L_overlay_start_1:
0x0: {  	(tag) =	ssettag $0x1  }
0x1: {  	s0 =	rddreg [dreg:$0x0]  }
0x2: {  	s1 =	rddreg [dreg:$0x1]  }
0x3: {  	s2 =	rddreg [dreg:$0x2]  }
0x4: {  	s4 =	simm.s32 $0x0;
	s3 =	srdreg.scid;
	s12 =	stileid.u32  }
0x5: {  	[smem:$0x7FF] =	sst s4;
	s9 =	smul.u32 $0x14000, s12  }
0x6: {  	s3 =	sand.u32 $0x1, s3;
	s5 =	sadd.s32 $0x5BC00, s0;
	s18 =	smul.u32 $0x50000, s12  }
0x7: {  	s6 =	sadd.s32 $0x34A00, s0;
	s7 =	sadd.s32 $0x3800, s0;
	s29 =	smul.u32 $0x2800, s12  }
0x8: {  	s8 =	smul.u32 $0x140000, s3;
	_ =	strace $0x8000004A;
	s10 =	sshll.u32 s3, $0x4  }
0x9: {  	s11 =	ssub.s32 $0x2, s3;
	s3 =	smul.u32 $0x28000, s3;
	s17 =	sor.u32 s12, s10  }
0xa: {  	s19 =	sshrl.u32 s11, $0x1;
	s10 =	sshrl.u32 s18, $0x2;
	s8 =	sadd.s32 s9, s8  }
0xb: {  	s9 =	smul.u32 $0x2800, s17;
	s26 =	sadd.s32 s10, s2;
	s3 =	sadd.s32 s29, s3  }
0xc: {  	s8 =	sshrl.u32 s8, $0x3;
	s29 =	sadd.s32 $0xC800, s26;
	[dreg:$0x4] =	wrdreg s26  }
0xd: {  	s15 =	sor.u32 $0x1E0, s3;
	s30 =	sor.u32 $0x140, s9;
	[smem:$0x7FB] =	sst s29  }
0xe: {  	s18 =	sor.u32 $0x190, s3;
	s31 =	sor.u32 $0x190, s9;
	[dreg:$0xd] =	wrdreg s30  }
0xf: {  	s0 =	sadd.s32 s8, s0;
	s12 =	sor.u32 $0x1E0, s9;
	[dreg:$0xe] =	wrdreg s31  }
0x10: {  	s20 =	sshrl.u32 s9, $0x3;
	s9 =	sor.u32 $0x230, s9;
	[dreg:$0xf] =	wrdreg s12  }
0x11: {  	s8 =	ssub.s32 s11, s19;
	s21 =	sadd.s32 s7, s20;
	[dreg:$0x10] =	wrdreg s9  }
0x12: {  	s17 =	sshrl.u32 s15, $0x3;
	s22 =	sadd.s32 s1, s20;
	[dreg:$0x5] =	wrdreg s21  }
0x13: {  	s15 =	simm.s32 $0x7C00;
	s13 =	sadd.s32 $0xD1200, s0;
	[dreg:$0x6] =	wrdreg s22  }
0x14: {  	s23 =	sor.u32 $0xA, s20;
	s0 =	sadd.s32 $0x121200, s0;
	[dreg:$0x11] =	wrdreg s13  }
0x15: {  	s24 =	sor.u32 $0x14, s20;
	s8 =	smax.u32 s8, $0x1;
	[dreg:$0x12] =	wrdreg s0  }
0x16: {  	s10 =	sor.u32 $0x1E, s20;
	s19 =	sadd.s32 s17, s1;
	[dreg:$0x13] =	wrdreg s8  }
0x17: {  	s20 =	sshrl.u32 s18, $0x3;
	s30 =	sadd.s32 $0xF000, s26;
	[dreg:$0x16] =	wrdreg s19  }
0x18: {  	s31 =	sadd.s32 $0x11800, s26;
	s12 =	simm.s32 $0x5400;
	[smem:$0x7FC] =	sst s30  }
0x19: {  	s9 =	simm.s32 $0x2C00;
	s14 =	sadd.s32 s7, s23;
	[smem:$0x7FD] =	sst s31  }
0x1a: {  	s18 =	simm.s32 $0x4;
	s11 =	sadd.s32 s1, s23;
	[dreg:$0x7] =	wrdreg s14  }
0x1b: {  	s25 =	sadd.s32 s7, s24;
	s28 =	sadd.s32 s7, s10;
	[dreg:$0x8] =	wrdreg s11  }
0x1c: {  	s10 =	sadd.s32 s1, s10;
	s8 =	sadd.s32 s20, s1;
	[dreg:$0x9] =	wrdreg s25  }
0x1d: {  	s23 =	sadd.s32 $0x2800, s26;
	s13 =	simm.s32 $0x9;
	[dreg:$0xb] =	wrdreg s28  }
0x1e: {  	s19 =	simm.s32 $0x8;
	s11 =	sadd.s32 s1, s24;
	[dreg:$0xc] =	wrdreg s10  }
0x1f: {  	s14 =	sor.u32 $0x230, s3;
	s3 =	sor.u32 $0x140, s3;
	[dreg:$0x18] =	wrdreg s8  }
0x20: {  	[dreg:$0x1c] =	wrdreg s23;
	s24 =	sadd.s32 $0x5000, s26;
	s25 =	sadd.s32 $0x7800, s26  }
0x21: {  	s28 =	sadd.s32 $0xA000, s26;
	s23 =	simm.s32 $0x380;
	[dreg:$0xa] =	wrdreg s11  }
0x22: {  	s10 =	simm.s32 $0x50;
	s8 =	simm.s32 $0x6;
	[dreg:$0x1d] =	wrdreg s24  }
0x23: {  	s0 =	sshrl.u32 s14, $0x3;
	s3 =	sshrl.u32 s3, $0x3;
	[dreg:$0x1e] =	wrdreg s25  }
0x24: {  	[dreg:$0x1f] =	wrdreg s28;
	s14 =	simm.s32 $0x200;
	s11 =	simm.s32 $0x400  }
0x25: {  	s24 =	simm.s32 $0x3;
	s25 =	simm.s32 $0x7;
	s16 =	sadd.s32 s0, s1  }
0x26: {  	s0 =	sadd.s32 s0, s7;
	s21 =	sadd.s32 s3, s1;
	[dreg:$0x14] =	wrdreg s16  }
.Ltmp0:
0x27: {  	s22 =	sadd.s32 s3, s7;
	[dreg:$0x15] =	wrdreg s0;
	(pc) =	sbr.rel .LBB2_1-.Ltmp0, $4  }
0x28: {  	s3 =	simm.s32 $0x0;
	s0 =	sadd.s32 s17, s7;
	[dreg:$0x1a] =	wrdreg s21  }
0x29: {  	[dreg:$0x1b] =	wrdreg s22;
	s16 =	simm.s32 $0x280;
	s21 =	simm.s32 $0x100  }
0x2a: {  	s22 =	simm.s32 $0x180;
	[dreg:$0x17] =	wrdreg s0;
	s0 =	sadd.s32 s20, s7  }
0x2b: {  	v0 =	vimm.f32 $0.0e+00;
	s17 =	simm.s32 $0x2;
	s20 =	simm.s32 $0x1;
	[dreg:$0x19] =	wrdreg s0  }
.LBB2_19:
0x2c: {  	[bflag:$0x0] =	sbarrier.arrive $0xFFFF  }
0x2d: {  	s3 =	sld [smem:$0x7F8]  }
0x2e: {  	s26 =	sld [smem:$0x7F9];
	_ =	sdelay $0x1  }
0x2f: {  	s0 =	rddreg [dreg:$0x12]  }
0x30: {  	[hbm:s0], [sflag:s3] =	dma.local [spmem:s26], $0x2800  }
0x31: {  	_ =	swait.ge [sflag:s13], $0x2800  }
0x32: {  	s30 =	sld [smem:$0x7FA];
	_ =	sdelay $0x2  }
0x33: {  	s31 =	rddreg [dreg:$0x13];
	s3 =	sadd.s32 $0x1, s30  }
0x34: {  	p0 =	sne.s32 s3, s31  }
.Ltmp1:
0x35: {  	_ = 	snop;
	(pc) =	sbr.rel @!p0 .LBB2_20-.Ltmp1, $3  }
0x36: {  	_ =	sdelay $0x1  }
0x37: {  	[sflag:s13] =	ssyncset.done $0x0  }
0x38: {  	[sflag:s13] =	ssyncadd.s32 $0xFFFFD800  }
.LBB2_1:
0x39: {  	[smem:$0x7FA] =	sst s3;
	s26 =	simm.s32 $0x0;
	s28 =	simm.s32 $0x200  }
.LBB2_2:
0x3a: {  	p0 =	sne.s32 s28, $0x9E00;
	[tilespmem:s26+$0x5470] =	vst v0  }
0x3b: {  	[tilespmem:s26+$0x5400] =	vst v0  }
0x3c: {  	[tilespmem:s26+$0x5410] =	vst v0  }
.Ltmp2:
0x3d: {  	[tilespmem:s26+$0x5420] =	vst v0;
	(pc) =	sbr.rel @p0 .LBB2_2-.Ltmp2, $4  }
0x3e: {  	[tilespmem:s26+$0x5430] =	vst v0  }
0x3f: {  	[tilespmem:s26+$0x5440] =	vst v0  }
0x40: {  	[tilespmem:s26+$0x5450] =	vst v0  }
0x41: {  	[tilespmem:s26+$0x5460] =	vst v0;
	s26 =	sshra.s32 s28, $0x2;
	s28 =	sadd.s32 $0x200, s28  }
0x42: {  	[tilespmem:s26+$0x5470] =	vst v0  }
0x43: {  	[tilespmem:s26+$0x5400] =	vst v0  }
0x44: {  	[tilespmem:s26+$0x5410] =	vst v0  }
0x45: {  	[tilespmem:s26+$0x5420] =	vst v0  }
0x46: {  	[tilespmem:s26+$0x5430] =	vst v0  }
0x47: {  	[tilespmem:s26+$0x5440] =	vst v0  }
0x48: {  	[tilespmem:s26+$0x5450] =	vst v0  }
0x49: {  	[tilespmem:s26+$0x5460] =	vst v0;
	s0 =	rddreg [dreg:$0x4]  }
0x4a: {  	[spmem:s0] =	stream.linear.scatter [tilespmem:s12], [sflag:$0x9], $0x2800, $0x38;
	[tilespmem:$0x1E400] =	vst v63  }
0x4b: {  	_ =	swait.ge [sflag:s13], $0x2800  }
0x4c: {  	[sflag:s13] =	ssyncset.done $0x0  }
0x4d: {  	s29 =	rddreg [dreg:$0x1c];
	[sflag:s13] =	ssyncadd.s32 $0xFFFFD800  }
0x4e: {  	[spmem:s29] =	stream.linear.scatter [tilespmem:s12], [sflag:$0x9], $0x2800, $0x38;
	[tilespmem:$0x1E400] =	vst v63  }
0x4f: {  	_ =	swait.ge [sflag:s13], $0x2800  }
0x50: {  	[sflag:s13] =	ssyncset.done $0x0  }
0x51: {  	s30 =	rddreg [dreg:$0x1d];
	[sflag:s13] =	ssyncadd.s32 $0xFFFFD800  }
0x52: {  	[spmem:s30] =	stream.linear.scatter [tilespmem:s12], [sflag:$0x9], $0x2800, $0x38;
	[tilespmem:$0x1E400] =	vst v63  }
0x53: {  	_ =	swait.ge [sflag:s13], $0x2800  }
0x54: {  	[sflag:s13] =	ssyncset.done $0x0  }
0x55: {  	s31 =	rddreg [dreg:$0x1e];
	[sflag:s13] =	ssyncadd.s32 $0xFFFFD800  }
0x56: {  	[spmem:s31] =	stream.linear.scatter [tilespmem:s12], [sflag:$0x9], $0x2800, $0x38;
	[tilespmem:$0x1E400] =	vst v63  }
0x57: {  	_ =	swait.ge [sflag:s13], $0x2800  }
0x58: {  	[sflag:s13] =	ssyncset.done $0x0  }
0x59: {  	s3 =	rddreg [dreg:$0x1f];
	[sflag:s13] =	ssyncadd.s32 $0xFFFFD800  }
0x5a: {  	[spmem:s3] =	stream.linear.scatter [tilespmem:s12], [sflag:$0x9], $0x2800, $0x38;
	[tilespmem:$0x1E400] =	vst v63  }
0x5b: {  	_ =	swait.ge [sflag:s13], $0x2800  }
0x5c: {  	s26 =	sld [smem:$0x7FB]  }
0x5d: {  	[sflag:s13] =	ssyncset.done $0x0  }
0x5e: {  	[sflag:s13] =	ssyncadd.s32 $0xFFFFD800  }
0x5f: {  	[spmem:s26] =	stream.linear.scatter [tilespmem:s12], [sflag:$0x9], $0x2800, $0x38;
	[tilespmem:$0x1E400] =	vst v63  }
0x60: {  	_ =	swait.ge [sflag:s13], $0x2800  }
0x61: {  	s28 =	sld [smem:$0x7FC]  }
0x62: {  	[sflag:s13] =	ssyncset.done $0x0  }
0x63: {  	[sflag:s13] =	ssyncadd.s32 $0xFFFFD800  }
0x64: {  	[spmem:s28] =	stream.linear.scatter [tilespmem:s12], [sflag:$0x9], $0x2800, $0x38;
	[tilespmem:$0x1E400] =	vst v63  }
0x65: {  	_ =	swait.ge [sflag:s13], $0x2800  }
0x66: {  	s29 =	sld [smem:$0x7FD]  }
0x67: {  	[sflag:s13] =	ssyncset.done $0x0  }
0x68: {  	[sflag:s13] =	ssyncadd.s32 $0xFFFFD800  }
0x69: {  	[spmem:s29] =	stream.linear.scatter [tilespmem:s12], [sflag:$0x9], $0x2800, $0x38;
	[tilespmem:$0x1E400] =	vst v63  }
0x6a: {  	_ =	swait.ge [sflag:s13], $0x2800  }
0x6b: {  	[sflag:s13] =	ssyncset.done $0x0  }
0x6c: {  	[sflag:s13] =	ssyncadd.s32 $0xFFFFD800  }
0x6d: {  	[bflag:$0x0] =	sbarrier.arrive $0xFFFF  }
0x6e: {  	s26 =	simm.s32 $0x0;
	s30 =	rddreg [dreg:$0x5]  }
0x6f: {  	[tilespmem:s26], [sflag:$0x5] =	stream.linear.gather [hbm4b:s30+s26], $0x50, $0x38;
	[tilespmem:$0x1E400] =	vst v63  }
0x70: {  	s31 =	rddreg [dreg:$0x6]  }
0x71: {  	[tilespmem:s14], [sflag:$0x5] =	stream.linear.gather [hbm4b:s31+s26], $0x50, $0x38;
	[tilespmem:$0x1E400] =	vst v63  }
0x72: {  	s28 =	simm.s32 $0x80;
	s3 =	rddreg [dreg:$0x7]  }
0x73: {  	[tilespmem:s28], [sflag:$0x6] =	stream.linear.gather [hbm4b:s3+s26], $0x50, $0x38;
	[tilespmem:$0x1E400] =	vst v63  }
0x74: {  	s29 =	rddreg [dreg:$0x8]  }
0x75: {  	[tilespmem:s16], [sflag:$0x6] =	stream.linear.gather [hbm4b:s29+s26], $0x50, $0x38;
	[tilespmem:$0x1E400] =	vst v63  }
0x76: {  	s30 =	rddreg [dreg:$0x9]  }
0x77: {  	[tilespmem:s21], [sflag:$0x7] =	stream.linear.gather [hbm4b:s30+s26], $0x50, $0x38;
	[tilespmem:$0x1E400] =	vst v63  }
0x78: {  	s31 =	rddreg [dreg:$0xa];
	s3 =	simm.s32 $0x300  }
0x79: {  	[tilespmem:s3], [sflag:$0x7] =	stream.linear.gather [hbm4b:s31+s26], $0x50, $0x38;
	[tilespmem:$0x1E400] =	vst v63  }
0x7a: {  	s29 =	rddreg [dreg:$0xb]  }
0x7b: {  	[tilespmem:s22], [sflag:$0x8] =	stream.linear.gather [hbm4b:s29+s26], $0x50, $0x38;
	[tilespmem:$0x1E400] =	vst v63  }
0x7c: {  	s30 =	rddreg [dreg:$0xc];
	s31 =	simm.s32 $0x5  }
0x7d: {  	[tilespmem:s23], [sflag:$0x8] =	stream.linear.gather [hbm4b:s30+s26], $0x50, $0x38;
	[tilespmem:$0x1E400] =	vst v63  }
0x7e: {  	_ =	swait.ge [sflag:s31], $0x50  }
0x7f: {  	[sflag:s31] =	ssyncset.done $0x0  }
0x80: {  	[sflag:s31] =	ssyncadd.s32 $0xFFFFFFB0  }
0x81: {  	_ =	swait.ge [sflag:s31], $0x50  }
0x82: {  	[sflag:s31] =	ssyncset.done $0x0  }
0x83: {  	[sflag:s31] =	ssyncadd.s32 $0xFFFFFFB0  }
0x84: {  	[tilespmem:s11], [sflag:$0x1] =	stream.indirect.gather [hbm4b:s5+s10], $0x80, s26, s10, $0xb8;
	[tilespmem:$0x1E400] =	vst v63  }
0x85: {  	_ = 	snop  }
0x86: {  	[tilespmem:s12], [sflag:$0x3] =	stream.indirect.gather [hbm4b:s5+s10], $0x80, s14, s10, $0xb8;
	[tilespmem:$0x1E400] =	vst v63  }
0x87: {  	_ =	swait.ge [sflag:s8], $0x50  }
0x88: {  	[sflag:s8] =	ssyncset.done $0x0  }
0x89: {  	[sflag:s8] =	ssyncadd.s32 $0xFFFFFFB0  }
0x8a: {  	_ =	swait.ge [sflag:s8], $0x50  }
0x8b: {  	[sflag:s8] =	ssyncset.done $0x0  }
0x8c: {  	[sflag:s8] =	ssyncadd.s32 $0xFFFFFFB0  }
0x8d: {  	[tilespmem:s9], [sflag:$0x2] =	stream.indirect.gather [hbm4b:s5+s10], $0x80, s28, s10, $0xb8;
	[tilespmem:$0x1E400] =	vst v63  }
0x8e: {  	s3 =	simm.s32 $0x80  }
0x8f: {  	[tilespmem:s15], [sflag:$0x4] =	stream.indirect.gather [hbm4b:s5+s10], $0x80, s16, s10, $0xb8;
	[tilespmem:$0x1E400] =	vst v63  }
.LBB2_4:
0x90: {  	_ =	swait.ge [sflag:s20], $0x2800  }
0x91: {  	[sflag:s20] =	ssyncset.done $0x0  }
0x92: {  	[sflag:s20] =	ssyncadd.s32 $0xFFFFD800  }
0x93: {  	_ =	swait.ge [sflag:s24], $0x2800  }
0x94: {  	[sflag:s24] =	ssyncset.done $0x0  }
0x95: {  	s28 =	simm.s32 $0x0;
	[sflag:s24] =	ssyncadd.s32 $0xFFFFD800  }
0x96: {  	v7 =	vld [tilespmem:s28+$0x5400]  }
0x97: {  	v12 =	vld [tilespmem:s28+$0x5410]  }
0x98: {  	v6 =	vld [tilespmem:s28+$0x5420]  }
0x99: {  	v5 =	vld [tilespmem:s28+$0x5430]  }
0x9a: {  	v4 =	vld [tilespmem:s28+$0x5440]  }
0x9b: {  	v3 =	vld [tilespmem:s28+$0x5450]  }
0x9c: {  	v2 =	vld [tilespmem:s28+$0x5460]  }
0x9d: {  	v1 =	vld [tilespmem:s28+$0x5470]  }
0x9e: {  	v13 =	vld [tilespmem:s28+$0x400]  }
0x9f: {  	v14 =	vld [tilespmem:s28+$0x410]  }
0xa0: {  	v11 =	vld [tilespmem:s28+$0x420]  }
0xa1: {  	v10 =	vld [tilespmem:s28+$0x430]  }
0xa2: {  	v9 =	vld [tilespmem:s28+$0x440]  }
0xa3: {  	v8 =	vld [tilespmem:s28+$0x450];
	v13 =	vsub.f32 v13, v7  }
0xa4: {  	s29 =	simm.s32 $0x200;
	v12 =	vsub.f32 v14, v12;
	v7 =	vld [tilespmem:s28+$0x460]  }
.LBB2_5:
0xa5: {  	s30 =	sshra.s32 s29, $0x2;
	p0 =	sne.s32 s29, $0x9E00;
	v13 =	vmax.f32 v13, $0.0e+00;
	v6 =	vsub.f32 v11, v6;
	v11 =	vld [tilespmem:s28+$0x470]  }
0xa6: {  	v14 =	vld [tilespmem:s30+$0x5400];
	[tilespmem:s28+$0x400] =	vst v13;
	v12 =	vmax.f32 v12, $0.0e+00;
	v5 =	vsub.f32 v10, v5  }
0xa7: {  	v15 =	vld [tilespmem:s30+$0x5410];
	[tilespmem:s28+$0x410] =	vst v12;
	v10 =	vmax.f32 v6, $0.0e+00;
	v4 =	vsub.f32 v9, v4  }
0xa8: {  	v6 =	vld [tilespmem:s30+$0x5420];
	[tilespmem:s28+$0x420] =	vst v10;
	v9 =	vmax.f32 v5, $0.0e+00;
	v3 =	vsub.f32 v8, v3  }
0xa9: {  	v5 =	vld [tilespmem:s30+$0x5430];
	[tilespmem:s28+$0x430] =	vst v9;
	v8 =	vmax.f32 v4, $0.0e+00;
	v2 =	vsub.f32 v7, v2  }
0xaa: {  	v4 =	vld [tilespmem:s30+$0x5440];
	[tilespmem:s28+$0x440] =	vst v8;
	v7 =	vmax.f32 v3, $0.0e+00;
	v1 =	vsub.f32 v11, v1  }
0xab: {  	v3 =	vld [tilespmem:s30+$0x5450];
	[tilespmem:s28+$0x450] =	vst v7;
	v7 =	vmax.f32 v2, $0.0e+00  }
0xac: {  	v2 =	vld [tilespmem:s30+$0x5460];
	[tilespmem:s28+$0x460] =	vst v7;
	v7 =	vmax.f32 v1, $0.0e+00  }
0xad: {  	v1 =	vld [tilespmem:s30+$0x5470];
	[tilespmem:s28+$0x470] =	vst v7;
	s28 =	smov.u32 s30  }
0xae: {  	v7 =	vld [tilespmem:s28+$0x400]  }
0xaf: {  	v12 =	vld [tilespmem:s28+$0x410]  }
.Ltmp3:
0xb0: {  	v11 =	vld [tilespmem:s28+$0x420];
	(pc) =	sbr.rel @p0 .LBB2_5-.Ltmp3, $4  }
0xb1: {  	v10 =	vld [tilespmem:s28+$0x430]  }
0xb2: {  	v9 =	vld [tilespmem:s28+$0x440]  }
0xb3: {  	v13 =	vsub.f32 v7, v14;
	v8 =	vld [tilespmem:s28+$0x450]  }
0xb4: {  	s29 =	sadd.s32 $0x200, s29;
	v12 =	vsub.f32 v12, v15;
	v7 =	vld [tilespmem:s28+$0x460]  }
0xb5: {  	v13 =	vmax.f32 v13, $0.0e+00;
	v6 =	vsub.f32 v11, v6;
	v11 =	vld [tilespmem:s28+$0x470]  }
0xb6: {  	[tilespmem:s28+$0x400] =	vst v13;
	v12 =	vmax.f32 v12, $0.0e+00;
	v5 =	vsub.f32 v10, v5  }
0xb7: {  	[tilespmem:s28+$0x410] =	vst v12;
	v6 =	vmax.f32 v6, $0.0e+00;
	v4 =	vsub.f32 v9, v4  }
0xb8: {  	[tilespmem:s28+$0x420] =	vst v6;
	v5 =	vmax.f32 v5, $0.0e+00;
	v3 =	vsub.f32 v8, v3  }
0xb9: {  	[tilespmem:s28+$0x430] =	vst v5;
	v4 =	vmax.f32 v4, $0.0e+00;
	v2 =	vsub.f32 v7, v2  }
0xba: {  	[tilespmem:s28+$0x440] =	vst v4;
	v3 =	vmax.f32 v3, $0.0e+00;
	v1 =	vsub.f32 v11, v1  }
0xbb: {  	[tilespmem:s28+$0x450] =	vst v3;
	v2 =	vmax.f32 v2, $0.0e+00  }
0xbc: {  	[tilespmem:s28+$0x460] =	vst v2;
	v1 =	vmax.f32 v1, $0.0e+00  }
0xbd: {  	p0 =	seq.s32 s26, $0x1F;
	[tilespmem:s28+$0x470] =	vst v1  }
0xbe: {  	[spmem:s2] =	stream.indirect.scatter.add.f32 [tilespmem:s11], [sflag:$0x9], $0x80, s14, s10, $0xb8;
	[tilespmem:$0x1E400] =	vst v63  }
0xbf: {  	s28 =	smul.u32 @!p0 $0x140, s26;
	_ =	swait.ge [sflag:s13], $0x2800  }
0xc0: {  	s0 =	rddreg [dreg:$0xd]  }
0xc1: {  	s29 =	sadd.s32 @!p0 s28, s0  }
0xc2: {  	[sflag:s13] =	ssyncset.done $0x0;
	s29 =	sshrl.u32 @!p0 s29, $0x3  }
0xc3: {  	s31 =	simm.s32 @!p0 $0x0;
	[sflag:s13] =	ssyncadd.s32 $0xFFFFD800;
	s30 =	sadd.s32 @!p0 s7, s29  }
0xc4: {  	[tilespmem:s31], [sflag:$0x5] =	stream.linear.gather @!p0 [hbm4b:s30+s31], $0x50, $0x38;
	[tilespmem:$0x1E400] =	vst v63  }
0xc5: {  	s29 =	sadd.s32 @!p0 s1, s29;
	s30 =	simm.s32 @!p0 $0x200  }
0xc6: {  	[tilespmem:s30], [sflag:$0x5] =	stream.linear.gather @!p0 [hbm4b:s29+s31], $0x50, $0x38;
	[tilespmem:$0x1E400] =	vst v63  }
0xc7: {  	_ =	swait.ge [sflag:s25], $0x50  }
0xc8: {  	[sflag:s25] =	ssyncset.done $0x0  }
0xc9: {  	[sflag:s25] =	ssyncadd.s32 $0xFFFFFFB0  }
0xca: {  	_ =	swait.ge [sflag:s25], $0x50  }
0xcb: {  	[sflag:s25] =	ssyncset.done $0x0  }
0xcc: {  	[sflag:s25] =	ssyncadd.s32 $0xFFFFFFB0  }
0xcd: {  	[tilespmem:s11], [sflag:$0x1] =	stream.indirect.gather [hbm4b:s5+s10], $0x80, s21, s10, $0xb8;
	[tilespmem:$0x1E400] =	vst v63  }
0xce: {  	s31 =	simm.s32 $0x300  }
0xcf: {  	[tilespmem:s12], [sflag:$0x3] =	stream.indirect.gather [hbm4b:s5+s10], $0x80, s31, s10, $0xb8;
	[tilespmem:$0x1E400] =	vst v63  }
0xd0: {  	_ =	swait.ge [sflag:s17], $0x2800  }
0xd1: {  	[sflag:s17] =	ssyncset.done $0x0  }
0xd2: {  	[sflag:s17] =	ssyncadd.s32 $0xFFFFD800  }
0xd3: {  	_ =	swait.ge [sflag:s18], $0x2800  }
0xd4: {  	[sflag:s18] =	ssyncset.done $0x0  }
0xd5: {  	s29 =	simm.s32 $0x0;
	[sflag:s18] =	ssyncadd.s32 $0xFFFFD800  }
0xd6: {  	v7 =	vld [tilespmem:s29+$0x7C00]  }
0xd7: {  	v12 =	vld [tilespmem:s29+$0x7C10]  }
0xd8: {  	v6 =	vld [tilespmem:s29+$0x7C20]  }
0xd9: {  	v5 =	vld [tilespmem:s29+$0x7C30]  }
0xda: {  	v4 =	vld [tilespmem:s29+$0x7C40]  }
0xdb: {  	v3 =	vld [tilespmem:s29+$0x7C50]  }
0xdc: {  	v2 =	vld [tilespmem:s29+$0x7C60]  }
0xdd: {  	v1 =	vld [tilespmem:s29+$0x7C70]  }
0xde: {  	v13 =	vld [tilespmem:s29+$0x2C00]  }
0xdf: {  	v14 =	vld [tilespmem:s29+$0x2C10]  }
0xe0: {  	v11 =	vld [tilespmem:s29+$0x2C20]  }
0xe1: {  	v10 =	vld [tilespmem:s29+$0x2C30]  }
0xe2: {  	v9 =	vld [tilespmem:s29+$0x2C40]  }
0xe3: {  	v8 =	vld [tilespmem:s29+$0x2C50];
	v13 =	vsub.f32 v13, v7  }
0xe4: {  	s30 =	simm.s32 $0x200;
	v12 =	vsub.f32 v14, v12;
	v7 =	vld [tilespmem:s29+$0x2C60]  }
.LBB2_7:
0xe5: {  	s31 =	sshra.s32 s30, $0x2;
	p1 =	sne.s32 s30, $0x9E00;
	v13 =	vmax.f32 v13, $0.0e+00;
	v6 =	vsub.f32 v11, v6;
	v11 =	vld [tilespmem:s29+$0x2C70]  }
0xe6: {  	v14 =	vld [tilespmem:s31+$0x7C00];
	[tilespmem:s29+$0x2C00] =	vst v13;
	v12 =	vmax.f32 v12, $0.0e+00;
	v5 =	vsub.f32 v10, v5  }
0xe7: {  	v15 =	vld [tilespmem:s31+$0x7C10];
	[tilespmem:s29+$0x2C10] =	vst v12;
	v10 =	vmax.f32 v6, $0.0e+00;
	v4 =	vsub.f32 v9, v4  }
0xe8: {  	v6 =	vld [tilespmem:s31+$0x7C20];
	[tilespmem:s29+$0x2C20] =	vst v10;
	v9 =	vmax.f32 v5, $0.0e+00;
	v3 =	vsub.f32 v8, v3  }
0xe9: {  	v5 =	vld [tilespmem:s31+$0x7C30];
	[tilespmem:s29+$0x2C30] =	vst v9;
	v8 =	vmax.f32 v4, $0.0e+00;
	v2 =	vsub.f32 v7, v2  }
0xea: {  	v4 =	vld [tilespmem:s31+$0x7C40];
	[tilespmem:s29+$0x2C40] =	vst v8;
	v7 =	vmax.f32 v3, $0.0e+00;
	v1 =	vsub.f32 v11, v1  }
0xeb: {  	v3 =	vld [tilespmem:s31+$0x7C50];
	[tilespmem:s29+$0x2C50] =	vst v7;
	v7 =	vmax.f32 v2, $0.0e+00  }
0xec: {  	v2 =	vld [tilespmem:s31+$0x7C60];
	[tilespmem:s29+$0x2C60] =	vst v7;
	v7 =	vmax.f32 v1, $0.0e+00  }
0xed: {  	v1 =	vld [tilespmem:s31+$0x7C70];
	[tilespmem:s29+$0x2C70] =	vst v7;
	s29 =	smov.u32 s31  }
0xee: {  	v7 =	vld [tilespmem:s29+$0x2C00]  }
0xef: {  	v12 =	vld [tilespmem:s29+$0x2C10]  }
.Ltmp4:
0xf0: {  	v11 =	vld [tilespmem:s29+$0x2C20];
	(pc) =	sbr.rel @p1 .LBB2_7-.Ltmp4, $4  }
0xf1: {  	v10 =	vld [tilespmem:s29+$0x2C30]  }
0xf2: {  	v9 =	vld [tilespmem:s29+$0x2C40]  }
0xf3: {  	v13 =	vsub.f32 v7, v14;
	v8 =	vld [tilespmem:s29+$0x2C50]  }
0xf4: {  	s30 =	sadd.s32 $0x200, s30;
	v12 =	vsub.f32 v12, v15;
	v7 =	vld [tilespmem:s29+$0x2C60]  }
0xf5: {  	v13 =	vmax.f32 v13, $0.0e+00;
	v6 =	vsub.f32 v11, v6;
	v11 =	vld [tilespmem:s29+$0x2C70]  }
0xf6: {  	[tilespmem:s29+$0x2C00] =	vst v13;
	v12 =	vmax.f32 v12, $0.0e+00;
	v5 =	vsub.f32 v10, v5  }
0xf7: {  	[tilespmem:s29+$0x2C10] =	vst v12;
	v6 =	vmax.f32 v6, $0.0e+00;
	v4 =	vsub.f32 v9, v4  }
0xf8: {  	[tilespmem:s29+$0x2C20] =	vst v6;
	v5 =	vmax.f32 v5, $0.0e+00;
	v3 =	vsub.f32 v8, v3  }
0xf9: {  	[tilespmem:s29+$0x2C30] =	vst v5;
	v4 =	vmax.f32 v4, $0.0e+00;
	v2 =	vsub.f32 v7, v2  }
0xfa: {  	[tilespmem:s29+$0x2C40] =	vst v4;
	v3 =	vmax.f32 v3, $0.0e+00;
	v1 =	vsub.f32 v11, v1  }
0xfb: {  	[tilespmem:s29+$0x2C50] =	vst v3;
	v2 =	vmax.f32 v2, $0.0e+00  }
0xfc: {  	[tilespmem:s29+$0x2C60] =	vst v2;
	v1 =	vmax.f32 v1, $0.0e+00  }
0xfd: {  	[tilespmem:s29+$0x2C70] =	vst v1  }
0xfe: {  	[spmem:s2] =	stream.indirect.scatter.add.f32 [tilespmem:s9], [sflag:$0x9], $0x80, s16, s10, $0xb8;
	[tilespmem:$0x1E400] =	vst v63  }
0xff: {  	_ =	swait.ge [sflag:s13], $0x2800  }
0x100: {  	s0 =	rddreg [dreg:$0xe]  }
0x101: {  	s29 =	sadd.s32 @!p0 s28, s0  }
0x102: {  	s31 =	simm.s32 @!p0 $0x0;
	[sflag:s13] =	ssyncset.done $0x0;
	s29 =	sshrl.u32 @!p0 s29, $0x3  }
0x103: {  	[sflag:s13] =	ssyncadd.s32 $0xFFFFD800;
	s0 =	simm.s32 @!p0 $0x80;
	s30 =	sadd.s32 @!p0 s7, s29  }
0x104: {  	[tilespmem:s0], [sflag:$0x6] =	stream.linear.gather @!p0 [hbm4b:s30+s31], $0x50, $0x38;
	[tilespmem:$0x1E400] =	vst v63  }
0x105: {  	s0 =	sadd.s32 @!p0 s1, s29;
	s29 =	simm.s32 @!p0 $0x280  }
0x106: {  	[tilespmem:s29], [sflag:$0x6] =	stream.linear.gather @!p0 [hbm4b:s0+s31], $0x50, $0x38;
	[tilespmem:$0x1E400] =	vst v63  }
0x107: {  	_ =	swait.ge [sflag:s19], $0x50  }
0x108: {  	[sflag:s19] =	ssyncset.done $0x0  }
0x109: {  	[sflag:s19] =	ssyncadd.s32 $0xFFFFFFB0  }
0x10a: {  	_ =	swait.ge [sflag:s19], $0x50  }
0x10b: {  	[sflag:s19] =	ssyncset.done $0x0  }
0x10c: {  	[sflag:s19] =	ssyncadd.s32 $0xFFFFFFB0  }
0x10d: {  	[tilespmem:s9], [sflag:$0x2] =	stream.indirect.gather [hbm4b:s5+s10], $0x80, s22, s10, $0xb8;
	[tilespmem:$0x1E400] =	vst v63  }
0x10e: {  	_ = 	snop  }
0x10f: {  	[tilespmem:s15], [sflag:$0x4] =	stream.indirect.gather [hbm4b:s5+s10], $0x80, s23, s10, $0xb8;
	[tilespmem:$0x1E400] =	vst v63  }
0x110: {  	_ =	swait.ge [sflag:s20], $0x2800  }
0x111: {  	[sflag:s20] =	ssyncset.done $0x0  }
0x112: {  	[sflag:s20] =	ssyncadd.s32 $0xFFFFD800  }
0x113: {  	_ =	swait.ge [sflag:s24], $0x2800  }
0x114: {  	[sflag:s24] =	ssyncset.done $0x0  }
0x115: {  	s29 =	simm.s32 $0x0;
	[sflag:s24] =	ssyncadd.s32 $0xFFFFD800  }
0x116: {  	v7 =	vld [tilespmem:s29+$0x5400]  }
0x117: {  	v12 =	vld [tilespmem:s29+$0x5410]  }
0x118: {  	v6 =	vld [tilespmem:s29+$0x5420]  }
0x119: {  	v5 =	vld [tilespmem:s29+$0x5430]  }
0x11a: {  	v4 =	vld [tilespmem:s29+$0x5440]  }
0x11b: {  	v3 =	vld [tilespmem:s29+$0x5450]  }
0x11c: {  	v2 =	vld [tilespmem:s29+$0x5460]  }
0x11d: {  	v1 =	vld [tilespmem:s29+$0x5470]  }
0x11e: {  	v13 =	vld [tilespmem:s29+$0x400]  }
0x11f: {  	v14 =	vld [tilespmem:s29+$0x410]  }
0x120: {  	v11 =	vld [tilespmem:s29+$0x420]  }
0x121: {  	v10 =	vld [tilespmem:s29+$0x430]  }
0x122: {  	v9 =	vld [tilespmem:s29+$0x440]  }
0x123: {  	v8 =	vld [tilespmem:s29+$0x450];
	v13 =	vsub.f32 v13, v7  }
0x124: {  	s30 =	simm.s32 $0x200;
	v12 =	vsub.f32 v14, v12;
	v7 =	vld [tilespmem:s29+$0x460]  }
.LBB2_9:
0x125: {  	s0 =	sshra.s32 s30, $0x2;
	p1 =	sne.s32 s30, $0x9E00;
	v13 =	vmax.f32 v13, $0.0e+00;
	v6 =	vsub.f32 v11, v6;
	v11 =	vld [tilespmem:s29+$0x470]  }
0x126: {  	v14 =	vld [tilespmem:s0+$0x5400];
	[tilespmem:s29+$0x400] =	vst v13;
	v12 =	vmax.f32 v12, $0.0e+00;
	v5 =	vsub.f32 v10, v5  }
0x127: {  	v15 =	vld [tilespmem:s0+$0x5410];
	[tilespmem:s29+$0x410] =	vst v12;
	v10 =	vmax.f32 v6, $0.0e+00;
	v4 =	vsub.f32 v9, v4  }
0x128: {  	v6 =	vld [tilespmem:s0+$0x5420];
	[tilespmem:s29+$0x420] =	vst v10;
	v9 =	vmax.f32 v5, $0.0e+00;
	v3 =	vsub.f32 v8, v3  }
0x129: {  	v5 =	vld [tilespmem:s0+$0x5430];
	[tilespmem:s29+$0x430] =	vst v9;
	v8 =	vmax.f32 v4, $0.0e+00;
	v2 =	vsub.f32 v7, v2  }
0x12a: {  	v4 =	vld [tilespmem:s0+$0x5440];
	[tilespmem:s29+$0x440] =	vst v8;
	v7 =	vmax.f32 v3, $0.0e+00;
	v1 =	vsub.f32 v11, v1  }
0x12b: {  	v3 =	vld [tilespmem:s0+$0x5450];
	[tilespmem:s29+$0x450] =	vst v7;
	v7 =	vmax.f32 v2, $0.0e+00  }
0x12c: {  	v2 =	vld [tilespmem:s0+$0x5460];
	[tilespmem:s29+$0x460] =	vst v7;
	v7 =	vmax.f32 v1, $0.0e+00  }
0x12d: {  	v1 =	vld [tilespmem:s0+$0x5470];
	[tilespmem:s29+$0x470] =	vst v7;
	s29 =	smov.u32 s0  }
0x12e: {  	v7 =	vld [tilespmem:s29+$0x400]  }
0x12f: {  	v12 =	vld [tilespmem:s29+$0x410]  }
.Ltmp5:
0x130: {  	v11 =	vld [tilespmem:s29+$0x420];
	(pc) =	sbr.rel @p1 .LBB2_9-.Ltmp5, $4  }
0x131: {  	v10 =	vld [tilespmem:s29+$0x430]  }
0x132: {  	v9 =	vld [tilespmem:s29+$0x440]  }
0x133: {  	v13 =	vsub.f32 v7, v14;
	v8 =	vld [tilespmem:s29+$0x450]  }
0x134: {  	s30 =	sadd.s32 $0x200, s30;
	v12 =	vsub.f32 v12, v15;
	v7 =	vld [tilespmem:s29+$0x460]  }
0x135: {  	v13 =	vmax.f32 v13, $0.0e+00;
	v6 =	vsub.f32 v11, v6;
	v11 =	vld [tilespmem:s29+$0x470]  }
0x136: {  	[tilespmem:s29+$0x400] =	vst v13;
	v12 =	vmax.f32 v12, $0.0e+00;
	v5 =	vsub.f32 v10, v5  }
0x137: {  	[tilespmem:s29+$0x410] =	vst v12;
	v6 =	vmax.f32 v6, $0.0e+00;
	v4 =	vsub.f32 v9, v4  }
0x138: {  	[tilespmem:s29+$0x420] =	vst v6;
	v5 =	vmax.f32 v5, $0.0e+00;
	v3 =	vsub.f32 v8, v3  }
0x139: {  	[tilespmem:s29+$0x430] =	vst v5;
	v4 =	vmax.f32 v4, $0.0e+00;
	v2 =	vsub.f32 v7, v2  }
0x13a: {  	[tilespmem:s29+$0x440] =	vst v4;
	v3 =	vmax.f32 v3, $0.0e+00;
	v1 =	vsub.f32 v11, v1  }
0x13b: {  	[tilespmem:s29+$0x450] =	vst v3;
	v2 =	vmax.f32 v2, $0.0e+00  }
0x13c: {  	[tilespmem:s29+$0x460] =	vst v2;
	v1 =	vmax.f32 v1, $0.0e+00  }
0x13d: {  	s0 =	simm.s32 $0x300;
	[tilespmem:s29+$0x470] =	vst v1  }
0x13e: {  	[spmem:s2] =	stream.indirect.scatter.add.f32 [tilespmem:s11], [sflag:$0x9], $0x80, s0, s10, $0xb8;
	[tilespmem:$0x1E400] =	vst v63  }
0x13f: {  	_ =	swait.ge [sflag:s13], $0x2800  }
0x140: {  	s0 =	rddreg [dreg:$0xf]  }
0x141: {  	s0 =	sadd.s32 @!p0 s28, s0  }
0x142: {  	s30 =	simm.s32 @!p0 $0x100;
	[sflag:s13] =	ssyncset.done $0x0;
	s0 =	sshrl.u32 @!p0 s0, $0x3  }
0x143: {  	s29 =	simm.s32 @!p0 $0x0;
	[sflag:s13] =	ssyncadd.s32 $0xFFFFD800;
	s28 =	sadd.s32 @!p0 s7, s0  }
0x144: {  	[tilespmem:s30], [sflag:$0x7] =	stream.linear.gather @!p0 [hbm4b:s28+s29], $0x50, $0x38;
	[tilespmem:$0x1E400] =	vst v63  }
0x145: {  	s0 =	sadd.s32 @!p0 s1, s0;
	s28 =	simm.s32 @!p0 $0x300  }
0x146: {  	[tilespmem:s28], [sflag:$0x7] =	stream.linear.gather @!p0 [hbm4b:s0+s29], $0x50, $0x38;
	[tilespmem:$0x1E400] =	vst v63  }
0x147: {  	s0 =	simm.s32 @!p0 $0x5  }
0x148: {  	_ =	swait.ge @!p0 [sflag:s0], $0x50  }
0x149: {  	[sflag:s0] =	ssyncset.done @!p0 $0x0  }
0x14a: {  	[sflag:s0] =	ssyncadd.s32 @!p0 $0xFFFFFFB0  }
0x14b: {  	_ =	swait.ge @!p0 [sflag:s0], $0x50  }
0x14c: {  	[sflag:s0] =	ssyncset.done @!p0 $0x0  }
0x14d: {  	s28 =	simm.s32 @!p0 $0x400;
	[sflag:s0] =	ssyncadd.s32 @!p0 $0xFFFFFFB0;
	s0 =	simm.s32 @!p0 $0x50  }
0x14e: {  	[tilespmem:s28], [sflag:$0x1] =	stream.indirect.gather @!p0 [hbm4b:s5+s0], $0x80, s29, s0, $0xb8;
	[tilespmem:$0x1E400] =	vst v63  }
0x14f: {  	s28 =	simm.s32 @!p0 $0x200;
	s29 =	simm.s32 @!p0 $0x5400  }
0x150: {  	[tilespmem:s29], [sflag:$0x3] =	stream.indirect.gather @!p0 [hbm4b:s5+s0], $0x80, s28, s0, $0xb8;
	[tilespmem:$0x1E400] =	vst v63  }
0x151: {  	_ =	swait.ge [sflag:s17], $0x2800  }
0x152: {  	[sflag:s17] =	ssyncset.done $0x0  }
0x153: {  	[sflag:s17] =	ssyncadd.s32 $0xFFFFD800  }
0x154: {  	_ =	swait.ge [sflag:s18], $0x2800  }
0x155: {  	[sflag:s18] =	ssyncset.done $0x0  }
0x156: {  	s28 =	simm.s32 $0x0;
	[sflag:s18] =	ssyncadd.s32 $0xFFFFD800  }
0x157: {  	v7 =	vld [tilespmem:s28+$0x7C00]  }
0x158: {  	v12 =	vld [tilespmem:s28+$0x7C10]  }
0x159: {  	v6 =	vld [tilespmem:s28+$0x7C20]  }
0x15a: {  	v5 =	vld [tilespmem:s28+$0x7C30]  }
0x15b: {  	v4 =	vld [tilespmem:s28+$0x7C40]  }
0x15c: {  	v3 =	vld [tilespmem:s28+$0x7C50]  }
0x15d: {  	v2 =	vld [tilespmem:s28+$0x7C60]  }
0x15e: {  	v1 =	vld [tilespmem:s28+$0x7C70]  }
0x15f: {  	v13 =	vld [tilespmem:s28+$0x2C00]  }
0x160: {  	v14 =	vld [tilespmem:s28+$0x2C10]  }
0x161: {  	v11 =	vld [tilespmem:s28+$0x2C20]  }
0x162: {  	v10 =	vld [tilespmem:s28+$0x2C30]  }
0x163: {  	v9 =	vld [tilespmem:s28+$0x2C40]  }
0x164: {  	v8 =	vld [tilespmem:s28+$0x2C50];
	v13 =	vsub.f32 v13, v7  }
0x165: {  	s29 =	simm.s32 $0x200;
	v12 =	vsub.f32 v14, v12;
	v7 =	vld [tilespmem:s28+$0x2C60]  }
.LBB2_11:
0x166: {  	s0 =	sshra.s32 s29, $0x2;
	p1 =	sne.s32 s29, $0x9E00;
	v13 =	vmax.f32 v13, $0.0e+00;
	v6 =	vsub.f32 v11, v6;
	v11 =	vld [tilespmem:s28+$0x2C70]  }
0x167: {  	v14 =	vld [tilespmem:s0+$0x7C00];
	[tilespmem:s28+$0x2C00] =	vst v13;
	v12 =	vmax.f32 v12, $0.0e+00;
	v5 =	vsub.f32 v10, v5  }
0x168: {  	v15 =	vld [tilespmem:s0+$0x7C10];
	[tilespmem:s28+$0x2C10] =	vst v12;
	v10 =	vmax.f32 v6, $0.0e+00;
	v4 =	vsub.f32 v9, v4  }
0x169: {  	v6 =	vld [tilespmem:s0+$0x7C20];
	[tilespmem:s28+$0x2C20] =	vst v10;
	v9 =	vmax.f32 v5, $0.0e+00;
	v3 =	vsub.f32 v8, v3  }
0x16a: {  	v5 =	vld [tilespmem:s0+$0x7C30];
	[tilespmem:s28+$0x2C30] =	vst v9;
	v8 =	vmax.f32 v4, $0.0e+00;
	v2 =	vsub.f32 v7, v2  }
0x16b: {  	v4 =	vld [tilespmem:s0+$0x7C40];
	[tilespmem:s28+$0x2C40] =	vst v8;
	v7 =	vmax.f32 v3, $0.0e+00;
	v1 =	vsub.f32 v11, v1  }
0x16c: {  	v3 =	vld [tilespmem:s0+$0x7C50];
	[tilespmem:s28+$0x2C50] =	vst v7;
	v7 =	vmax.f32 v2, $0.0e+00  }
0x16d: {  	v2 =	vld [tilespmem:s0+$0x7C60];
	[tilespmem:s28+$0x2C60] =	vst v7;
	v7 =	vmax.f32 v1, $0.0e+00  }
0x16e: {  	v1 =	vld [tilespmem:s0+$0x7C70];
	[tilespmem:s28+$0x2C70] =	vst v7;
	s28 =	smov.u32 s0  }
0x16f: {  	v7 =	vld [tilespmem:s28+$0x2C00]  }
0x170: {  	v12 =	vld [tilespmem:s28+$0x2C10]  }
.Ltmp6:
0x171: {  	v11 =	vld [tilespmem:s28+$0x2C20];
	(pc) =	sbr.rel @p1 .LBB2_11-.Ltmp6, $4  }
0x172: {  	v10 =	vld [tilespmem:s28+$0x2C30]  }
0x173: {  	v9 =	vld [tilespmem:s28+$0x2C40]  }
0x174: {  	v13 =	vsub.f32 v7, v14;
	v8 =	vld [tilespmem:s28+$0x2C50]  }
0x175: {  	s29 =	sadd.s32 $0x200, s29;
	v12 =	vsub.f32 v12, v15;
	v7 =	vld [tilespmem:s28+$0x2C60]  }
0x176: {  	v13 =	vmax.f32 v13, $0.0e+00;
	v6 =	vsub.f32 v11, v6;
	v63 =	vld [tilespmem:s28+$0x2C70]  }
0x177: {  	[tilespmem:s28+$0x2C00] =	vst v13;
	v12 =	vmax.f32 v12, $0.0e+00;
	v5 =	vsub.f32 v10, v5  }
0x178: {  	[tilespmem:s28+$0x2C10] =	vst v12;
	v6 =	vmax.f32 v6, $0.0e+00;
	v4 =	vsub.f32 v9, v4  }
0x179: {  	[tilespmem:s28+$0x2C20] =	vst v6;
	v5 =	vmax.f32 v5, $0.0e+00;
	v3 =	vsub.f32 v8, v3  }
0x17a: {  	[tilespmem:s28+$0x2C30] =	vst v5;
	v4 =	vmax.f32 v4, $0.0e+00;
	v2 =	vsub.f32 v7, v2  }
0x17b: {  	[tilespmem:s28+$0x2C40] =	vst v4;
	v3 =	vmax.f32 v3, $0.0e+00;
	v1 =	vsub.f32 v63, v1  }
0x17c: {  	[tilespmem:s28+$0x2C50] =	vst v3;
	v2 =	vmax.f32 v2, $0.0e+00  }
0x17d: {  	[tilespmem:s28+$0x2C60] =	vst v2;
	v1 =	vmax.f32 v1, $0.0e+00  }
.Ltmp7:
0x17e: {  	[tilespmem:s28+$0x2C70] =	vst v1;
	(pc) =	sbr.rel @p0 .LBB2_14-.Ltmp7, $4  }
0x17f: {  	[spmem:s2] =	stream.indirect.scatter.add.f32 [tilespmem:s9], [sflag:$0x9], $0x80, s23, s10, $0xb8;
	[tilespmem:$0x1E400] =	vst v63  }
0x180: {  	_ =	swait.ge [sflag:s13], $0x2800  }
0x181: {  	[sflag:s13] =	ssyncset.done $0x0  }
0x182: {  	[sflag:s13] =	ssyncadd.s32 $0xFFFFD800  }
0x183: {  	s0 =	smul.u32 $0x140, s26  }
0x184: {  	s28 =	rddreg [dreg:$0x10]  }
0x185: {  	s0 =	sadd.s32 s0, s28  }
0x186: {  	s0 =	sshrl.u32 s0, $0x3  }
0x187: {  	s31 =	sadd.s32 s7, s0  }
0x188: {  	[tilespmem:s22], [sflag:$0x8] =	stream.linear.gather [hbm4b:s31+s4], $0x50, $0x38;
	[tilespmem:$0x1E400] =	vst v63  }
0x189: {  	s0 =	sadd.s32 s1, s0  }
0x18a: {  	[tilespmem:s23], [sflag:$0x8] =	stream.linear.gather [hbm4b:s0+s4], $0x50, $0x38;
	[tilespmem:$0x1E400] =	vst v63  }
0x18b: {  	_ =	swait.ge [sflag:s8], $0x50  }
0x18c: {  	[sflag:s8] =	ssyncset.done $0x0  }
0x18d: {  	[sflag:s8] =	ssyncadd.s32 $0xFFFFFFB0  }
0x18e: {  	_ =	swait.ge [sflag:s8], $0x50  }
.Ltmp8:
0x18f: {  	[sflag:s8] =	ssyncset.done $0x0;
	(pc) =	sbr.rel .LBB2_4-.Ltmp8, $4  }
0x190: {  	[sflag:s8] =	ssyncadd.s32 $0xFFFFFFB0  }
0x191: {  	[tilespmem:s9], [sflag:$0x2] =	stream.indirect.gather [hbm4b:s5+s10], $0x80, s3, s10, $0xb8;
	[tilespmem:$0x1E400] =	vst v63  }
0x192: {  	s26 =	sadd.s32 $0x1, s26  }
0x193: {  	[tilespmem:s15], [sflag:$0x4] =	stream.indirect.gather [hbm4b:s5+s10], $0x80, s16, s10, $0xb8;
	[tilespmem:$0x1E400] =	vst v63  }
.LBB2_14:
0x194: {  	s0 =	stileid.u32;
	[bflag:$0x0] =	sbarrier.arrive $0xFFFF  }
0x195: {  	s0 =	sshll.u32 s0, $0x6;
	s3 =	rddreg [dreg:$0x4]  }
0x196: {  	s31 =	rddreg [dreg:$0x11];
	s21 =	sor.u32 $0x1C09, s0  }
0x197: {  	s26 =	sshrl.u32 s3, $0x3;
	[smem:$0x7F8] =	sst s21  }
0x198: {  	[smem:$0x7F9] =	sst s26  }
0x199: {  	[hbm:s31], [sflag:s21] =	dma.local [spmem:s26], $0x2800  }
0x19a: {  	_ =	swait.ge [sflag:s13], $0x2800  }
0x19b: {  	[sflag:s13] =	ssyncset.done $0x0  }
0x19c: {  	s29 =	simm.s32 $0x200;
	s26 =	simm.s32 $0x0;
	[sflag:s13] =	ssyncadd.s32 $0xFFFFD800  }
.LBB2_15:
0x19d: {  	p0 =	sne.s32 s29, $0x9E00;
	[tilespmem:s26+$0x5470] =	vst v0  }
0x19e: {  	[tilespmem:s26+$0x5400] =	vst v0  }
0x19f: {  	[tilespmem:s26+$0x5410] =	vst v0  }
.Ltmp9:
0x1a0: {  	[tilespmem:s26+$0x5420] =	vst v0;
	(pc) =	sbr.rel @p0 .LBB2_15-.Ltmp9, $4  }
0x1a1: {  	[tilespmem:s26+$0x5430] =	vst v0  }
0x1a2: {  	[tilespmem:s26+$0x5440] =	vst v0  }
0x1a3: {  	[tilespmem:s26+$0x5450] =	vst v0  }
0x1a4: {  	[tilespmem:s26+$0x5460] =	vst v0;
	s26 =	sshra.s32 s29, $0x2;
	s29 =	sadd.s32 $0x200, s29  }
0x1a5: {  	[tilespmem:s26+$0x5470] =	vst v0  }
0x1a6: {  	[tilespmem:s26+$0x5400] =	vst v0  }
0x1a7: {  	[tilespmem:s26+$0x5410] =	vst v0  }
0x1a8: {  	[tilespmem:s26+$0x5420] =	vst v0  }
0x1a9: {  	[tilespmem:s26+$0x5430] =	vst v0  }
0x1aa: {  	[tilespmem:s26+$0x5440] =	vst v0  }
0x1ab: {  	[tilespmem:s26+$0x5450] =	vst v0  }
0x1ac: {  	[tilespmem:s26+$0x5460] =	vst v0  }
0x1ad: {  	[spmem:s3] =	stream.linear.scatter [tilespmem:s12], [sflag:$0x9], $0x2800, $0x38;
	[tilespmem:$0x1E400] =	vst v63  }
0x1ae: {  	_ =	swait.ge [sflag:s13], $0x2800  }
0x1af: {  	[sflag:s13] =	ssyncset.done $0x0  }
0x1b0: {  	s0 =	rddreg [dreg:$0x1c];
	[sflag:s13] =	ssyncadd.s32 $0xFFFFD800  }
0x1b1: {  	[spmem:s0] =	stream.linear.scatter [tilespmem:s12], [sflag:$0x9], $0x2800, $0x38;
	[tilespmem:$0x1E400] =	vst v63  }
0x1b2: {  	_ =	swait.ge [sflag:s13], $0x2800  }
0x1b3: {  	[sflag:s13] =	ssyncset.done $0x0  }
0x1b4: {  	s21 =	rddreg [dreg:$0x1d];
	[sflag:s13] =	ssyncadd.s32 $0xFFFFD800  }
0x1b5: {  	[spmem:s21] =	stream.linear.scatter [tilespmem:s12], [sflag:$0x9], $0x2800, $0x38;
	[tilespmem:$0x1E400] =	vst v63  }
0x1b6: {  	_ =	swait.ge [sflag:s13], $0x2800  }
0x1b7: {  	[sflag:s13] =	ssyncset.done $0x0  }
0x1b8: {  	s26 =	rddreg [dreg:$0x1e];
	[sflag:s13] =	ssyncadd.s32 $0xFFFFD800  }
0x1b9: {  	[spmem:s26] =	stream.linear.scatter [tilespmem:s12], [sflag:$0x9], $0x2800, $0x38;
	[tilespmem:$0x1E400] =	vst v63  }
0x1ba: {  	_ =	swait.ge [sflag:s13], $0x2800  }
0x1bb: {  	[sflag:s13] =	ssyncset.done $0x0  }
0x1bc: {  	s28 =	rddreg [dreg:$0x1f];
	[sflag:s13] =	ssyncadd.s32 $0xFFFFD800  }
0x1bd: {  	[spmem:s28] =	stream.linear.scatter [tilespmem:s12], [sflag:$0x9], $0x2800, $0x38;
	[tilespmem:$0x1E400] =	vst v63  }
0x1be: {  	_ =	swait.ge [sflag:s13], $0x2800  }
0x1bf: {  	s29 =	sld [smem:$0x7FB]  }
0x1c0: {  	[sflag:s13] =	ssyncset.done $0x0  }
0x1c1: {  	[sflag:s13] =	ssyncadd.s32 $0xFFFFD800  }
0x1c2: {  	[spmem:s29] =	stream.linear.scatter [tilespmem:s12], [sflag:$0x9], $0x2800, $0x38;
	[tilespmem:$0x1E400] =	vst v63  }
0x1c3: {  	_ =	swait.ge [sflag:s13], $0x2800  }
0x1c4: {  	s30 =	sld [smem:$0x7FC]  }
0x1c5: {  	[sflag:s13] =	ssyncset.done $0x0  }
0x1c6: {  	[sflag:s13] =	ssyncadd.s32 $0xFFFFD800  }
0x1c7: {  	[spmem:s30] =	stream.linear.scatter [tilespmem:s12], [sflag:$0x9], $0x2800, $0x38;
	[tilespmem:$0x1E400] =	vst v63  }
0x1c8: {  	_ =	swait.ge [sflag:s13], $0x2800  }
0x1c9: {  	s31 =	sld [smem:$0x7FD]  }
0x1ca: {  	[sflag:s13] =	ssyncset.done $0x0  }
0x1cb: {  	[sflag:s13] =	ssyncadd.s32 $0xFFFFD800  }
0x1cc: {  	[spmem:s31] =	stream.linear.scatter [tilespmem:s12], [sflag:$0x9], $0x2800, $0x38;
	[tilespmem:$0x1E400] =	vst v63  }
0x1cd: {  	_ =	swait.ge [sflag:s13], $0x2800  }
0x1ce: {  	[sflag:s13] =	ssyncset.done $0x0  }
0x1cf: {  	[sflag:s13] =	ssyncadd.s32 $0xFFFFD800  }
0x1d0: {  	[bflag:$0x0] =	sbarrier.arrive $0xFFFF  }
0x1d1: {  	s26 =	simm.s32 $0x0;
	s3 =	rddreg [dreg:$0x5]  }
0x1d2: {  	[tilespmem:s26], [sflag:$0x5] =	stream.linear.gather [hbm4b:s3+s26], $0x50, $0x38;
	[tilespmem:$0x1E400] =	vst v63  }
0x1d3: {  	s21 =	rddreg [dreg:$0x6]  }
0x1d4: {  	[tilespmem:s14], [sflag:$0x5] =	stream.linear.gather [hbm4b:s21+s26], $0x50, $0x38;
	[tilespmem:$0x1E400] =	vst v63  }
0x1d5: {  	s28 =	rddreg [dreg:$0x7];
	s3 =	simm.s32 $0x80  }
0x1d6: {  	[tilespmem:s3], [sflag:$0x6] =	stream.linear.gather [hbm4b:s28+s26], $0x50, $0x38;
	[tilespmem:$0x1E400] =	vst v63  }
0x1d7: {  	s29 =	rddreg [dreg:$0x8]  }
0x1d8: {  	[tilespmem:s16], [sflag:$0x6] =	stream.linear.gather [hbm4b:s29+s26], $0x50, $0x38;
	[tilespmem:$0x1E400] =	vst v63  }
0x1d9: {  	s30 =	rddreg [dreg:$0x9];
	s28 =	simm.s32 $0x100  }
0x1da: {  	[tilespmem:s28], [sflag:$0x7] =	stream.linear.gather [hbm4b:s30+s26], $0x50, $0x38;
	[tilespmem:$0x1E400] =	vst v63  }
0x1db: {  	s31 =	rddreg [dreg:$0xa];
	s21 =	simm.s32 $0x300  }
0x1dc: {  	[tilespmem:s21], [sflag:$0x7] =	stream.linear.gather [hbm4b:s31+s26], $0x50, $0x38;
	[tilespmem:$0x1E400] =	vst v63  }
0x1dd: {  	s29 =	rddreg [dreg:$0xb]  }
0x1de: {  	[tilespmem:s22], [sflag:$0x8] =	stream.linear.gather [hbm4b:s29+s26], $0x50, $0x38;
	[tilespmem:$0x1E400] =	vst v63  }
0x1df: {  	s30 =	rddreg [dreg:$0xc];
	s31 =	simm.s32 $0x5  }
0x1e0: {  	[tilespmem:s23], [sflag:$0x8] =	stream.linear.gather [hbm4b:s30+s26], $0x50, $0x38;
	[tilespmem:$0x1E400] =	vst v63  }
0x1e1: {  	_ =	swait.ge [sflag:s31], $0x50  }
0x1e2: {  	[sflag:s31] =	ssyncset.done $0x0  }
0x1e3: {  	[sflag:s31] =	ssyncadd.s32 $0xFFFFFFB0  }
0x1e4: {  	_ =	swait.ge [sflag:s31], $0x50  }
0x1e5: {  	[sflag:s31] =	ssyncset.done $0x0  }
0x1e6: {  	[sflag:s31] =	ssyncadd.s32 $0xFFFFFFB0  }
0x1e7: {  	[tilespmem:s11], [sflag:$0x1] =	stream.indirect.gather [hbm4b:s6+s10], $0x80, s26, s10, $0xb8;
	[tilespmem:$0x1E400] =	vst v63  }
0x1e8: {  	_ =	swait.ge [sflag:s8], $0x50  }
0x1e9: {  	[sflag:s8] =	ssyncset.done $0x0  }
0x1ea: {  	[sflag:s8] =	ssyncadd.s32 $0xFFFFFFB0  }
0x1eb: {  	_ =	swait.ge [sflag:s8], $0x50  }
0x1ec: {  	[sflag:s8] =	ssyncset.done $0x0  }
0x1ed: {  	[sflag:s8] =	ssyncadd.s32 $0xFFFFFFB0  }
0x1ee: {  	[tilespmem:s9], [sflag:$0x2] =	stream.indirect.gather [hbm4b:s6+s10], $0x80, s3, s10, $0xb8;
	[tilespmem:$0x1E400] =	vst v63  }
0x1ef: {  	_ =	swait.ge [sflag:s25], $0x50  }
0x1f0: {  	[sflag:s25] =	ssyncset.done $0x0  }
0x1f1: {  	[sflag:s25] =	ssyncadd.s32 $0xFFFFFFB0  }
0x1f2: {  	_ =	swait.ge [sflag:s25], $0x50  }
0x1f3: {  	[sflag:s25] =	ssyncset.done $0x0  }
0x1f4: {  	s21 =	simm.s32 $0x100;
	[sflag:s25] =	ssyncadd.s32 $0xFFFFFFB0  }
0x1f5: {  	[tilespmem:s12], [sflag:$0x3] =	stream.indirect.gather [hbm4b:s6+s10], $0x80, s28, s10, $0xb8;
	[tilespmem:$0x1E400] =	vst v63  }
.LBB2_17:
0x1f6: {  	_ =	swait.ge [sflag:s20], $0x2800  }
0x1f7: {  	[sflag:s20] =	ssyncset.done $0x0  }
0x1f8: {  	[sflag:s20] =	ssyncadd.s32 $0xFFFFD800  }
0x1f9: {  	[spmem:s2] =	stream.indirect.scatter.add.f32 [tilespmem:s11], [sflag:$0x9], $0x80, s14, s10, $0xb8;
	[tilespmem:$0x1E400] =	vst v63  }
0x1fa: {  	_ =	swait.ge [sflag:s13], $0x2800  }
0x1fb: {  	p0 =	seq.s32 s26, $0x4D8;
	[sflag:s13] =	ssyncset.done $0x0;
	s0 =	rddreg [dreg:$0x1b]  }
0x1fc: {  	s29 =	simm.s32 @!p0 $0x0;
	[sflag:s13] =	ssyncadd.s32 $0xFFFFD800;
	s0 =	sadd.s32 @!p0 s26, s0  }
0x1fd: {  	[tilespmem:s29], [sflag:$0x5] =	stream.linear.gather @!p0 [hbm4b:s0+s29], $0x50, $0x38;
	[tilespmem:$0x1E400] =	vst v63  }
0x1fe: {  	s0 =	rddreg [dreg:$0x1a]  }
0x1ff: {  	s30 =	simm.s32 @!p0 $0x200;
	s0 =	sadd.s32 @!p0 s26, s0  }
0x200: {  	[tilespmem:s30], [sflag:$0x5] =	stream.linear.gather @!p0 [hbm4b:s0+s29], $0x50, $0x38;
	[tilespmem:$0x1E400] =	vst v63  }
0x201: {  	_ =	swait.ge [sflag:s19], $0x50  }
0x202: {  	[sflag:s19] =	ssyncset.done $0x0  }
0x203: {  	[sflag:s19] =	ssyncadd.s32 $0xFFFFFFB0  }
0x204: {  	_ =	swait.ge [sflag:s19], $0x50  }
0x205: {  	[sflag:s19] =	ssyncset.done $0x0  }
0x206: {  	[sflag:s19] =	ssyncadd.s32 $0xFFFFFFB0  }
0x207: {  	[tilespmem:s15], [sflag:$0x4] =	stream.indirect.gather [hbm4b:s6+s10], $0x80, s22, s10, $0xb8;
	[tilespmem:$0x1E400] =	vst v63  }
0x208: {  	_ =	swait.ge [sflag:s17], $0x2800  }
0x209: {  	[sflag:s17] =	ssyncset.done $0x0  }
0x20a: {  	[sflag:s17] =	ssyncadd.s32 $0xFFFFD800  }
0x20b: {  	[spmem:s2] =	stream.indirect.scatter.add.f32 [tilespmem:s9], [sflag:$0x9], $0x80, s16, s10, $0xb8;
	[tilespmem:$0x1E400] =	vst v63  }
0x20c: {  	_ =	swait.ge [sflag:s13], $0x2800  }
0x20d: {  	[sflag:s13] =	ssyncset.done $0x0  }
0x20e: {  	s0 =	simm.s32 @p0 $0x3;
	[sflag:s13] =	ssyncadd.s32 $0xFFFFD800  }
0x20f: {  	_ =	swait.ge @p0 [sflag:s0], $0x2800  }
0x210: {  	s31 =	simm.s32 @p0 $0x5400;
	[sflag:s0] =	ssyncset.done @p0 $0x0  }
0x211: {  	s30 =	simm.s32 @p0 $0x300;
	[sflag:s0] =	ssyncadd.s32 @p0 $0xFFFFD800;
	s0 =	simm.s32 @p0 $0x50  }
0x212: {  	[spmem:s2] =	stream.indirect.scatter.add.f32 @p0 [tilespmem:s31], [sflag:$0x9], $0x80, s30, s0, $0xb8;
	[tilespmem:$0x1E400] =	vst v63  }
0x213: {  	s0 =	simm.s32 @p0 $0x9  }
0x214: {  	_ =	swait.ge @p0 [sflag:s0], $0x2800  }
0x215: {  	[sflag:s0] =	ssyncset.done @p0 $0x0  }
0x216: {  	[sflag:s0] =	ssyncadd.s32 @p0 $0xFFFFD800;
	s0 =	rddreg [dreg:$0x19]  }
0x217: {  	s30 =	simm.s32 @!p0 $0x80;
	s0 =	sadd.s32 @!p0 s26, s0  }
0x218: {  	[tilespmem:s30], [sflag:$0x6] =	stream.linear.gather @!p0 [hbm4b:s0+s29], $0x50, $0x38;
	[tilespmem:$0x1E400] =	vst v63  }
0x219: {  	s0 =	rddreg [dreg:$0x18]  }
0x21a: {  	s31 =	simm.s32 @!p0 $0x280;
	s0 =	sadd.s32 @!p0 s26, s0  }
0x21b: {  	[tilespmem:s31], [sflag:$0x6] =	stream.linear.gather @!p0 [hbm4b:s0+s29], $0x50, $0x38;
	[tilespmem:$0x1E400] =	vst v63  }
0x21c: {  	s0 =	simm.s32 @!p0 $0x5  }
0x21d: {  	_ =	swait.ge @!p0 [sflag:s0], $0x50  }
0x21e: {  	[sflag:s0] =	ssyncset.done @!p0 $0x0  }
0x21f: {  	[sflag:s0] =	ssyncadd.s32 @!p0 $0xFFFFFFB0  }
0x220: {  	_ =	swait.ge @!p0 [sflag:s0], $0x50  }
0x221: {  	[sflag:s0] =	ssyncset.done @!p0 $0x0  }
0x222: {  	s31 =	simm.s32 @!p0 $0x400;
	[sflag:s0] =	ssyncadd.s32 @!p0 $0xFFFFFFB0;
	s0 =	simm.s32 @!p0 $0x50  }
0x223: {  	[tilespmem:s31], [sflag:$0x1] =	stream.indirect.gather @!p0 [hbm4b:s6+s0], $0x80, s29, s0, $0xb8;
	[tilespmem:$0x1E400] =	vst v63  }
0x224: {  	s31 =	simm.s32 @!p0 $0x3  }
0x225: {  	_ =	swait.ge @!p0 [sflag:s31], $0x2800  }
0x226: {  	[sflag:s31] =	ssyncset.done @!p0 $0x0  }
0x227: {  	s28 =	simm.s32 @!p0 $0x5400;
	[sflag:s31] =	ssyncadd.s32 @!p0 $0xFFFFD800;
	s31 =	simm.s32 @!p0 $0x300  }
0x228: {  	[spmem:s2] =	stream.indirect.scatter.add.f32 @!p0 [tilespmem:s28], [sflag:$0x9], $0x80, s31, s0, $0xb8;
	[tilespmem:$0x1E400] =	vst v63  }
0x229: {  	s28 =	simm.s32 @!p0 $0x9  }
0x22a: {  	_ =	swait.ge @!p0 [sflag:s28], $0x2800  }
0x22b: {  	[sflag:s28] =	ssyncset.done @!p0 $0x0;
	s3 =	rddreg [dreg:$0x17]  }
0x22c: {  	[sflag:s28] =	ssyncadd.s32 @!p0 $0xFFFFD800;
	s28 =	sadd.s32 @!p0 s26, s3;
	s3 =	simm.s32 @!p0 $0x100  }
0x22d: {  	[tilespmem:s3], [sflag:$0x7] =	stream.linear.gather @!p0 [hbm4b:s28+s29], $0x50, $0x38;
	[tilespmem:$0x1E400] =	vst v63  }
0x22e: {  	s3 =	rddreg [dreg:$0x16]  }
0x22f: {  	s3 =	sadd.s32 @!p0 s26, s3  }
0x230: {  	[tilespmem:s31], [sflag:$0x7] =	stream.linear.gather @!p0 [hbm4b:s3+s29], $0x50, $0x38;
	[tilespmem:$0x1E400] =	vst v63  }
0x231: {  	s3 =	simm.s32 @!p0 $0x6  }
0x232: {  	_ =	swait.ge @!p0 [sflag:s3], $0x50  }
0x233: {  	[sflag:s3] =	ssyncset.done @!p0 $0x0  }
0x234: {  	[sflag:s3] =	ssyncadd.s32 @!p0 $0xFFFFFFB0  }
0x235: {  	_ =	swait.ge @!p0 [sflag:s3], $0x50  }
0x236: {  	[sflag:s3] =	ssyncset.done @!p0 $0x0  }
0x237: {  	[sflag:s3] =	ssyncadd.s32 @!p0 $0xFFFFFFB0;
	s3 =	simm.s32 @!p0 $0x2C00  }
0x238: {  	[tilespmem:s3], [sflag:$0x2] =	stream.indirect.gather @!p0 [hbm4b:s6+s0], $0x80, s30, s0, $0xb8;
	[tilespmem:$0x1E400] =	vst v63  }
0x239: {  	_ =	swait.ge [sflag:s18], $0x2800  }
0x23a: {  	[sflag:s18] =	ssyncset.done $0x0  }
.Ltmp10:
0x23b: {  	[sflag:s18] =	ssyncadd.s32 $0xFFFFD800;
	(pc) =	sbr.rel @p0 .LBB2_19-.Ltmp10, $4  }
0x23c: {  	[spmem:s2] =	stream.indirect.scatter.add.f32 [tilespmem:s15], [sflag:$0x9], $0x80, s23, s10, $0xb8;
	[tilespmem:$0x1E400] =	vst v63  }
0x23d: {  	_ =	swait.ge [sflag:s13], $0x2800  }
0x23e: {  	[sflag:s13] =	ssyncset.done $0x0  }
0x23f: {  	[sflag:s13] =	ssyncadd.s32 $0xFFFFD800  }
0x240: {  	s0 =	rddreg [dreg:$0x15]  }
0x241: {  	s31 =	rddreg [dreg:$0x14];
	s0 =	sadd.s32 s26, s0  }
0x242: {  	[tilespmem:s22], [sflag:$0x8] =	stream.linear.gather [hbm4b:s0+s4], $0x50, $0x38;
	[tilespmem:$0x1E400] =	vst v63  }
0x243: {  	s0 =	sadd.s32 s26, s31  }
0x244: {  	[tilespmem:s23], [sflag:$0x8] =	stream.linear.gather [hbm4b:s0+s4], $0x50, $0x38;
	[tilespmem:$0x1E400] =	vst v63  }
0x245: {  	_ =	swait.ge [sflag:s25], $0x50  }
0x246: {  	[sflag:s25] =	ssyncset.done $0x0  }
.Ltmp11:
0x247: {  	[sflag:s25] =	ssyncadd.s32 $0xFFFFFFB0;
	(pc) =	sbr.rel .LBB2_17-.Ltmp11, $4  }
0x248: {  	_ =	swait.ge [sflag:s25], $0x50  }
0x249: {  	[sflag:s25] =	ssyncset.done $0x0  }
0x24a: {  	s26 =	sadd.s32 $0x28, s26;
	[sflag:s25] =	ssyncadd.s32 $0xFFFFFFB0  }
0x24b: {  	[tilespmem:s12], [sflag:$0x3] =	stream.indirect.gather [hbm4b:s6+s10], $0x80, s21, s10, $0xb8;
	[tilespmem:$0x1E400] =	vst v63  }
.LBB2_20:
0x24c: {  	_ =	sfence.sel $0x180000  }
0x24d: {  	[bflag:$0x0] =	sbarrier.arrive $0xFFFF  }
0x24e: {  	_ =	strace $0x9000004A  }
0x24f: {  	s0 =	stileid.u32;
	[bflag:$0x2] =	sbarrier.arrive $0xFFFF  }
0x250: {  	p0 =	sne.s32 s0, $0x0;
	s0 =	rddreg [dreg:$0x3]  }
0x251: {  	s0 =	sadd.s32 @!p0 $0x100000, s0  }
0x252: {  	[sflag:s0] =	ssyncadd.tile.s32 @!p0 $0x1;
	_ =	shalt  }
.Lfunc_end2:
_tile_overlayer_lowered:
.L_overlay_start_2:
0x253: {  	(tag) =	ssettag $0x2  }
0x254: {  	s0 =	rddreg [dreg:$0x0];
	s2 =	stileid.u32  }
0x255: {  	s1 =	rddreg [dreg:$0x1];
	p0 =	sne.s32 s2, $0x0  }
0x256: {  	s3 =	rddreg [dreg:$0x2];
	[bflag:$0x3] =	sbarrier.arrive $0xFFFF;
	s2 =	simm.s32 @!p0 $0x1C09  }
0x257: {  	[timem:s3], [sflag:s2] =	dma.local @!p0 [hbm:s0], s1  }
0x258: {  	s0 =	simm.s32 @!p0 $0x9  }
0x259: {  	_ =	swait.ge @!p0 [sflag:s0], s1  }
0x25a: {  	s1 =	ssub.s32 @!p0 $0x0, s1;
	[sflag:s0] =	ssyncset.done @!p0 $0x0  }
0x25b: {  	[sflag:s0] =	ssyncadd.s32 @!p0 s1  }
0x25c: {  	[bflag:$0x3] =	sbarrier.arrive $0xFFFF  }
0x25d: {  	_ =	shalt  }

// kernel: kernel.14.cloned.1.call-start
scs
__scs_entry_jumppad:
0x0: {  	(pc) =	sbr.rel $0x88, $3  }
0x1: {  	(tag) =	ssettag $0x0;
	lr =	simm.s32 $0x1  }
0x2: {  	[smem:$0x3F95] =	sst lr;
	_ =	strace $0xD0000000  }
0x3: {  	_ = 	snop  }
0x4: {  	_ = 	snop  }
0x5: {  	_ = 	snop  }
0x6: {  	_ = 	snop  }
0x7: {  	_ = 	snop  }
__scs_overlays_trampoline_lowered:
0x8: {  	[smem:$0x3FA4] =	sst s0  }
0x9: {  	[smem:$0x3FA5] =	sst s1  }
0xa: {  	[smem:$0x3FA6] =	sst s2  }
0xb: {  	[smem:$0x3FA7] =	sst s3  }
0xc: {  	[smem:$0x3FA8] =	sst s4  }
0xd: {  	[smem:$0x3FA9] =	sst s5  }
0xe: {  	[smem:$0x3FAA] =	sst s6  }
0xf: {  	[smem:$0x3FAB] =	sst s7  }
0x10: {  	[smem:$0x3FAC] =	sst s8  }
0x11: {  	[smem:$0x3FAD] =	sst s9;
	s0 =	simm.s32 @!p0 $0x0  }
0x12: {  	s1 =	sld [smem:$0x3F93];
	s0 =	simm.s32 @p0 $0x1  }
0x13: {  	[smem:$0x3FAE] =	sst s0;
	s0 =	simm.s32 @!p1 $0x0  }
0x14: {  	s2 =	sld [smem:$0x3F92];
	s0 =	simm.s32 @p1 $0x1  }
0x15: {  	[smem:$0x3FAF] =	sst s0;
	s0 =	simm.s32 @!p2 $0x0  }
0x16: {  	s3 =	sld [smem:$0x3FDB];
	s0 =	simm.s32 @p2 $0x1  }
0x17: {  	s4 =	simm.s32 $0x1BF5;
	[smem:$0x3FB1] =	sst s0  }
0x18: {  	s0 =	sld [smem:$0x3F94];
	_ =	swait.ge [sflag:s4], $0x0  }
0x19: {  	s7 =	sld [smem:$0x3F95]  }
0x1a: {  	s8 =	sadd.s32 $0xFFFFE003, lr  }
0x1b: {  	s9 =	sadd.s32 $0xFFFFFEF7, lr;
	s5 =	simm.s32 $0xFFFFFFFF;
	p2 =	slt.u32 s8, $0xFFFFF086  }
0x1c: {  	p1 =	slt.u32 s9, $0xF7A;
	s5 =	simm.s32 @!p2 $0x0  }
0x1d: {  	s5 =	simm.s32 @p1 $0x1;
	p0 =	seq.s32 s7, s2  }
0x1e: {  	s7 =	smul.u32 @!p0 $0xF7A, s2;
	p2 =	seq.s32 @!p0 s5, $0x0  }
0x1f: {  	s9 =	smul.u32 $0xF7A, s1;
	s8 =	simm.s32 @!p0 $0x1BF5;
	p2 =	por !p2, p0  }
0x20: {  	[sflag:s8] =	ssyncset.s32 @!p0 $0xFFFFF086;
	s6 =	sadd.s32 @!p0 s3, s7;
	s7 =	simm.s32 @!p0 $0x108  }
0x21: {  	s3 =	sadd.s32 s3, s9;
	s6 =	sadd.s32 @!p0 $0x88, s6;
	s7 =	simm.s32 @p2 $0x1082  }
0x22: {  	[simem:s7], [sflag:s8] =	dma.local @!p0 [hbm:s6], $0xF7A  }
0x23: {  	s9 =	sor.u32 $0xD0000000, s2;
	s6 =	simm.s32 $0x108;
	_ =	swait.ge @!p0 [sflag:s8], $0x0  }
0x24: {  	s3 =	sadd.s32 $0x88, s3;
	s6 =	simm.s32 @!p1 $0x1082;
	[sflag:s4] =	ssyncset.s32 $0xFFFFF086  }
0x25: {  	[simem:s6], [sflag:s4] =	dma.local [hbm:s3], $0xF7A  }
0x26: {  	[smem:$0x3F95] =	sst s1;
	(tag) =	ssettag s2;
	_ =	strace s9  }
0x27: {  	s1 =	sld [smem:$0x3FA5]  }
0x28: {  	s2 =	sld [smem:$0x3FA6]  }
0x29: {  	s4 =	sld [smem:$0x3FA8]  }
0x2a: {  	p0 =	seq.s32 s5, $0x0;
	s5 =	sld [smem:$0x3FA9]  }
0x2b: {  	s6 =	sld [smem:$0x3FAA]  }
0x2c: {  	s7 =	sld [smem:$0x3FAB]  }
0x2d: {  	s3 =	simm.s32 $0x108;
	s8 =	sld [smem:$0x3FAC]  }
0x2e: {  	s3 =	simm.s32 @!p0 $0x1082;
	s9 =	sld [smem:$0x3FAD]  }
0x2f: {  	lr =	sadd.s32 s0, s3;
	s0 =	sld [smem:$0x3FA4]  }
0x30: {  	s3 =	sld [smem:$0x3FA7]  }
0x31: {  	[smem:$0x3FB0] =	sst s10  }
0x32: {  	s10 =	sld [smem:$0x3FAE];
	_ =	sdelay $0x3  }
0x33: {  	p0 =	seq.s32 s10, $0x1;
	s10 =	sld [smem:$0x3FB0];
	_ =	sdelay $0x3  }
0x34: {  	[smem:$0x3FB0] =	sst s10  }
0x35: {  	s10 =	sld [smem:$0x3FAF];
	_ =	sdelay $0x3  }
0x36: {  	p1 =	seq.s32 s10, $0x1;
	s10 =	sld [smem:$0x3FB0];
	_ =	sdelay $0x3  }
0x37: {  	[smem:$0x3FB0] =	sst s10  }
0x38: {  	s10 =	sld [smem:$0x3FB1]  }
0x39: {  	_ = 	snop;
	(pc) =	sbr.ind lr, $3  }
0x3a: {  	_ = 	snop  }
0x3b: {  	_ = 	snop  }
0x3c: {  	p2 =	seq.s32 s10, $0x1;
	s10 =	sld [smem:$0x3FB0]  }
0x3d: {  	_ =	shalt  }
0x3e: {  	_ =	shalt  }
0x3f: {  	_ =	shalt  }
0x40: {  	_ =	shalt  }
0x41: {  	_ =	shalt  }
0x42: {  	_ =	shalt  }
0x43: {  	_ =	shalt  }
0x44: {  	_ =	shalt  }
0x45: {  	_ =	shalt  }
0x46: {  	_ =	shalt  }
0x47: {  	_ =	shalt  }
0x48: {  	_ =	shalt  }
0x49: {  	_ =	shalt  }
0x4a: {  	_ =	shalt  }
0x4b: {  	_ =	shalt  }
0x4c: {  	_ =	shalt  }
0x4d: {  	_ =	shalt  }
0x4e: {  	_ =	shalt  }
0x4f: {  	_ =	shalt  }
0x50: {  	_ =	shalt  }
0x51: {  	_ =	shalt  }
0x52: {  	_ =	shalt  }
0x53: {  	_ =	shalt  }
0x54: {  	_ =	shalt  }
0x55: {  	_ =	shalt  }
0x56: {  	_ =	shalt  }
0x57: {  	_ =	shalt  }
0x58: {  	_ =	shalt  }
0x59: {  	_ =	shalt  }
0x5a: {  	_ =	shalt  }
0x5b: {  	_ =	shalt  }
0x5c: {  	_ =	shalt  }
0x5d: {  	_ =	shalt  }
0x5e: {  	_ =	shalt  }
0x5f: {  	_ =	shalt  }
0x60: {  	_ =	shalt  }
0x61: {  	_ =	shalt  }
0x62: {  	_ =	shalt  }
0x63: {  	_ =	shalt  }
0x64: {  	_ =	shalt  }
0x65: {  	_ =	shalt  }
0x66: {  	_ =	shalt  }
0x67: {  	_ =	shalt  }
0x68: {  	_ =	shalt  }
0x69: {  	_ =	shalt  }
0x6a: {  	_ =	shalt  }
0x6b: {  	_ =	shalt  }
0x6c: {  	_ =	shalt  }
0x6d: {  	_ =	shalt  }
0x6e: {  	_ =	shalt  }
0x6f: {  	_ =	shalt  }
0x70: {  	_ =	shalt  }
0x71: {  	_ =	shalt  }
0x72: {  	_ =	shalt  }
0x73: {  	_ =	shalt  }
0x74: {  	_ =	shalt  }
0x75: {  	_ =	shalt  }
0x76: {  	_ =	shalt  }
0x77: {  	_ =	shalt  }
0x78: {  	_ =	shalt  }
0x79: {  	_ =	shalt  }
0x7a: {  	_ =	shalt  }
0x7b: {  	_ =	shalt  }
0x7c: {  	_ =	shalt  }
0x7d: {  	_ =	shalt  }
0x7e: {  	_ =	shalt  }
0x7f: {  	_ =	shalt  }
0x80: {  	_ =	shalt  }
0x81: {  	_ =	shalt  }
0x82: {  	_ =	shalt  }
0x83: {  	_ =	shalt  }
0x84: {  	_ =	shalt  }
0x85: {  	_ =	shalt  }
0x86: {  	_ =	shalt  }
0x87: {  	_ =	shalt  }
.Lfunc_end0:
.L_simem_size_0:
called_computation.2_lowered:
.L_overlay_start_0:
0x88: {  	s2 =	sld [smem:$0x3FD9]  }
0x89: {  	s3 =	sld [smem:$0x3FFE];
	_ =	sdelay $0x1  }
0x8a: {  	s1 =	srdreg.scid  }
0x8b: {  	s0 =	sand.u32 $0x1, s1  }
0x8c: {  	s17 =	sshll.u32 s0, $0xA;
	s2 =	sadd.s32 s3, s2  }
0x8d: {  	s2 =	sadd.s32 s2, s17  }
0x8e: {  	[smem:$0x3FBC] =	sst s2  }
0x8f: {  	_ = 	snop  }
0x90: {  	s2 =	sld [smem:$0x3FD0];
	(tm) =	ssettm $0x1  }
0x91: {  	s18 =	sld [smem:$0x3FFB];
	_ =	sdelay $0x3  }
0x92: {  	_ =	strace s18  }
0x93: {  	s3 =	sld [smem:$0x3FFC];
	_ =	sdelay $0x3  }
0x94: {  	_ =	strace s3  }
0x95: {  	s3 =	sld [smem:$0x3FFD];
	_ =	sdelay $0x3  }
0x96: {  	_ =	strace s3  }
0x97: {  	_ =	strace $0x8FFFFFFF  }
0x98: {  	s19 =	sld [smem:$0x3FDB];
	_ =	sdelay $0x1  }
0x99: {  	s4 =	simm.s32 $_scs_section_size  }
0x9a: {  	s5 =	simm.s32 $_size__tile_overlayer_lowered;
	s6 =	simm.s32 $_tile_overlayer_lowered  }
0x9b: {  	s22 =	simm.s32 $0x1BFF;
	s21 =	sshll.u32 s6, $0x1;
	s3 =	sadd.s32 s4, s19  }
0x9c: {  	s7 =	simm.s32 $0x0;
	s20 =	sshll.u32 s5, $0x1;
	s5 =	sadd.s32 s21, s3  }
0x9d: {  	[timem:s7], [sflag:s22] =	dma.local [hbm:s5], s20  }
0x9e: {  	_ =	swait.ge [sflag:s22], s20  }
0x9f: {  	s4 =	ssub.s32 $0x0, s20;
	[sflag:s22] =	ssyncset.done $0x0  }
0xa0: {  	[sflag:s22] =	ssyncadd.s32 s4;
	_ =	sdelay $0x1  }
0xa1: {  	s23 =	simm.s32 $0x1B8B  }
0xa2: {  	_ =	swait.ge [sflag:s23], $0x1  }
0xa3: {  	[sflag:s23] =	ssyncset.done $0x0  }
0xa4: {  	s25 =	simm.s32 $0x1B8E;
	s24 =	sld [smem:$0x3FFE];
	[sflag:s23] =	ssyncadd.s32 $0xFFFFFFFF  }
0xa5: {  	s26 =	simm.s32 $execute0_lowered;
	[smem:$0x3FD2] =	sst s25  }
0xa6: {  	s5 =	sshll.u32 s26, $0x1;
	_ =	strace $0x8000004C;
	[dreg:$0x1] =	wrdreg $0xFFFFFFFF  }
0xa7: {  	s28 =	simm.s32 $_size_execute0_lowered;
	s3 =	sadd.s32 s3, s5;
	[dreg:$0x0] =	wrdreg $0x0  }
0xa8: {  	s5 =	sshll.u32 s28, $0x1;
	[dreg:$0x2] =	wrdreg s3  }
0xa9: {  	[dreg:$0x3] =	wrdreg s5  }
0xaa: {  	[dreg:$0x4] =	wrdreg $0xC0  }
0xab: {  	_ =	task [dreg:s7], $0x5FFFF  }
0xac: {  	[dreg:$0x1] =	wrdreg $0xFFFFFFFF  }
0xad: {  	[dreg:$0x0] =	wrdreg $0x60  }
0xae: {  	[dreg:$0x2] =	wrdreg s24  }
0xaf: {  	[dreg:$0x3] =	wrdreg s2  }
0xb0: {  	[dreg:$0x4] =	wrdreg $0xA4000  }
0xb1: {  	[dreg:$0x5] =	wrdreg $0x9  }
0xb2: {  	_ =	task.clear_ibuf [dreg:s7], $0x6FFFF;
	_ =	strace $0x9000004C  }
0xb3: {  	s29 =	simm.s32 $0x9;
	_ =	strace $0x8000004E  }
0xb4: {  	_ =	swait.ge [sflag:s29], $0x1  }
0xb5: {  	[sflag:s29] =	ssyncadd.s32 $0xFFFFFFFF  }
0xb6: {  	_ =	strace $0x9000004E  }
0xb7: {  	_ =	sfence  }
0xb8: {  	s30 =	sld [smem:$0x0];
	_ =	sdelay $0x2  }
0xb9: {  	s31 =	sshll.u32 s1, $0xD;
	s1 =	sshrl.u32 s1, $0x2  }
0xba: {  	s3 =	sand.u32 $0x4000, s31;
	s1 =	sadd.s32 s1, s30  }
0xbb: {  	s0 =	sor.u32 s3, s0;
	s1 =	sshll.u32 s1, $0x11  }
0xbc: {  	s0 =	sor.u32 s1, s0  }
0xbd: {  	s0 =	sadd.s32 $0x8F2B, s0  }
0xbe: {  	[sflag:s0] =	ssyncadd.remote.s32 $0x1  }
0xbf: {  	_ =	sfence.sel $0xFFFF  }
0xc0: {  	[dreg:$0x0] =	wrdreg $0xFFFFFFFF;
	(pc) =	sbr.abs _section_cstart, $3  }
0xc1: {  	[dreg:$0x1] =	wrdreg $0xFFFFFFFF  }
0xc2: {  	_ =	task.clear_ibuf [dreg:s7], $0x2FFFF;
	_ =	strace $0x9FFFFFFF  }
0xc3: {  	(tm) =	ssettm $0x7FFFFFFF  }
tec
execute0_lowered:
.L_overlay_start_1:
0x0: {  	(tag) =	ssettag $0x1  }
0x1: {  	s0 =	rddreg [dreg:$0x0]  }
0x2: {  	s1 =	rddreg [dreg:$0x1]  }
0x3: {  	s2 =	rddreg [dreg:$0x2]  }
0x4: {  	s4 =	simm.s32 $0x0;
	s3 =	srdreg.scid;
	s12 =	stileid.u32  }
0x5: {  	[smem:$0x7FF] =	sst s4;
	s9 =	smul.u32 $0x14000, s12  }
0x6: {  	s3 =	sand.u32 $0x1, s3;
	s5 =	sadd.s32 $0x5BC00, s0;
	s18 =	smul.u32 $0x50000, s12  }
0x7: {  	s6 =	sadd.s32 $0x34A00, s0;
	s7 =	sadd.s32 $0x3800, s0;
	s29 =	smul.u32 $0x2800, s12  }
0x8: {  	s8 =	smul.u32 $0x140000, s3;
	_ =	strace $0x8000004D;
	s10 =	sshll.u32 s3, $0x4  }
0x9: {  	s11 =	ssub.s32 $0x2, s3;
	s3 =	smul.u32 $0x28000, s3;
	s17 =	sor.u32 s12, s10  }
0xa: {  	s19 =	sshrl.u32 s11, $0x1;
	s10 =	sshrl.u32 s18, $0x2;
	s8 =	sadd.s32 s9, s8  }
0xb: {  	s9 =	smul.u32 $0x2800, s17;
	s26 =	sadd.s32 s10, s2;
	s3 =	sadd.s32 s29, s3  }
0xc: {  	s8 =	sshrl.u32 s8, $0x3;
	s29 =	sadd.s32 $0xC800, s26;
	[dreg:$0x4] =	wrdreg s26  }
0xd: {  	s15 =	sor.u32 $0x1E0, s3;
	s30 =	sor.u32 $0x140, s9;
	[smem:$0x7FB] =	sst s29  }
0xe: {  	s18 =	sor.u32 $0x190, s3;
	s31 =	sor.u32 $0x190, s9;
	[dreg:$0xd] =	wrdreg s30  }
0xf: {  	s0 =	sadd.s32 s8, s0;
	s12 =	sor.u32 $0x1E0, s9;
	[dreg:$0xe] =	wrdreg s31  }
0x10: {  	s20 =	sshrl.u32 s9, $0x3;
	s9 =	sor.u32 $0x230, s9;
	[dreg:$0xf] =	wrdreg s12  }
0x11: {  	s8 =	ssub.s32 s11, s19;
	s21 =	sadd.s32 s7, s20;
	[dreg:$0x10] =	wrdreg s9  }
0x12: {  	s17 =	sshrl.u32 s15, $0x3;
	s22 =	sadd.s32 s1, s20;
	[dreg:$0x5] =	wrdreg s21  }
0x13: {  	s15 =	simm.s32 $0x7C00;
	s13 =	sadd.s32 $0x82E00, s0;
	[dreg:$0x6] =	wrdreg s22  }
0x14: {  	s23 =	sor.u32 $0xA, s20;
	s0 =	sadd.s32 $0xD2E00, s0;
	[dreg:$0x11] =	wrdreg s13  }
0x15: {  	s24 =	sor.u32 $0x14, s20;
	s8 =	smax.u32 s8, $0x1;
	[dreg:$0x12] =	wrdreg s0  }
0x16: {  	s10 =	sor.u32 $0x1E, s20;
	s19 =	sadd.s32 s17, s1;
	[dreg:$0x13] =	wrdreg s8  }
0x17: {  	s20 =	sshrl.u32 s18, $0x3;
	s30 =	sadd.s32 $0xF000, s26;
	[dreg:$0x16] =	wrdreg s19  }
0x18: {  	s31 =	sadd.s32 $0x11800, s26;
	s12 =	simm.s32 $0x5400;
	[smem:$0x7FC] =	sst s30  }
0x19: {  	s9 =	simm.s32 $0x2C00;
	s14 =	sadd.s32 s7, s23;
	[smem:$0x7FD] =	sst s31  }
0x1a: {  	s18 =	simm.s32 $0x4;
	s11 =	sadd.s32 s1, s23;
	[dreg:$0x7] =	wrdreg s14  }
0x1b: {  	s25 =	sadd.s32 s7, s24;
	s28 =	sadd.s32 s7, s10;
	[dreg:$0x8] =	wrdreg s11  }
0x1c: {  	s10 =	sadd.s32 s1, s10;
	s8 =	sadd.s32 s20, s1;
	[dreg:$0x9] =	wrdreg s25  }
0x1d: {  	s23 =	sadd.s32 $0x2800, s26;
	s13 =	simm.s32 $0x9;
	[dreg:$0xb] =	wrdreg s28  }
0x1e: {  	s19 =	simm.s32 $0x8;
	s11 =	sadd.s32 s1, s24;
	[dreg:$0xc] =	wrdreg s10  }
0x1f: {  	s14 =	sor.u32 $0x230, s3;
	s3 =	sor.u32 $0x140, s3;
	[dreg:$0x18] =	wrdreg s8  }
0x20: {  	[dreg:$0x1c] =	wrdreg s23;
	s24 =	sadd.s32 $0x5000, s26;
	s25 =	sadd.s32 $0x7800, s26  }
0x21: {  	s28 =	sadd.s32 $0xA000, s26;
	s23 =	simm.s32 $0x380;
	[dreg:$0xa] =	wrdreg s11  }
0x22: {  	s10 =	simm.s32 $0x50;
	s8 =	simm.s32 $0x6;
	[dreg:$0x1d] =	wrdreg s24  }
0x23: {  	s0 =	sshrl.u32 s14, $0x3;
	s3 =	sshrl.u32 s3, $0x3;
	[dreg:$0x1e] =	wrdreg s25  }
0x24: {  	[dreg:$0x1f] =	wrdreg s28;
	s14 =	simm.s32 $0x200;
	s11 =	simm.s32 $0x400  }
0x25: {  	s24 =	simm.s32 $0x3;
	s25 =	simm.s32 $0x7;
	s16 =	sadd.s32 s0, s1  }
0x26: {  	s0 =	sadd.s32 s0, s7;
	s21 =	sadd.s32 s3, s1;
	[dreg:$0x14] =	wrdreg s16  }
.Ltmp0:
0x27: {  	s22 =	sadd.s32 s3, s7;
	[dreg:$0x15] =	wrdreg s0;
	(pc) =	sbr.rel .LBB2_1-.Ltmp0, $4  }
0x28: {  	s3 =	simm.s32 $0x0;
	s0 =	sadd.s32 s17, s7;
	[dreg:$0x1a] =	wrdreg s21  }
0x29: {  	[dreg:$0x1b] =	wrdreg s22;
	s16 =	simm.s32 $0x280;
	s21 =	simm.s32 $0x100  }
0x2a: {  	s22 =	simm.s32 $0x180;
	[dreg:$0x17] =	wrdreg s0;
	s0 =	sadd.s32 s20, s7  }
0x2b: {  	v0 =	vimm.f32 $0.0e+00;
	s17 =	simm.s32 $0x2;
	s20 =	simm.s32 $0x1;
	[dreg:$0x19] =	wrdreg s0  }
.LBB2_19:
0x2c: {  	[bflag:$0x0] =	sbarrier.arrive $0xFFFF  }
0x2d: {  	s3 =	sld [smem:$0x7F8]  }
0x2e: {  	s26 =	sld [smem:$0x7F9];
	_ =	sdelay $0x1  }
0x2f: {  	s0 =	rddreg [dreg:$0x12]  }
0x30: {  	[hbm:s0], [sflag:s3] =	dma.local [spmem:s26], $0x2800  }
0x31: {  	_ =	swait.ge [sflag:s13], $0x2800  }
0x32: {  	s30 =	sld [smem:$0x7FA];
	_ =	sdelay $0x2  }
0x33: {  	s31 =	rddreg [dreg:$0x13];
	s3 =	sadd.s32 $0x1, s30  }
0x34: {  	p0 =	sne.s32 s3, s31  }
.Ltmp1:
0x35: {  	_ = 	snop;
	(pc) =	sbr.rel @!p0 .LBB2_20-.Ltmp1, $3  }
0x36: {  	_ =	sdelay $0x1  }
0x37: {  	[sflag:s13] =	ssyncset.done $0x0  }
0x38: {  	[sflag:s13] =	ssyncadd.s32 $0xFFFFD800  }
.LBB2_1:
0x39: {  	[smem:$0x7FA] =	sst s3;
	s26 =	simm.s32 $0x0;
	s28 =	simm.s32 $0x200  }
.LBB2_2:
0x3a: {  	p0 =	sne.s32 s28, $0x9E00;
	[tilespmem:s26+$0x5470] =	vst v0  }
0x3b: {  	[tilespmem:s26+$0x5400] =	vst v0  }
0x3c: {  	[tilespmem:s26+$0x5410] =	vst v0  }
.Ltmp2:
0x3d: {  	[tilespmem:s26+$0x5420] =	vst v0;
	(pc) =	sbr.rel @p0 .LBB2_2-.Ltmp2, $4  }
0x3e: {  	[tilespmem:s26+$0x5430] =	vst v0  }
0x3f: {  	[tilespmem:s26+$0x5440] =	vst v0  }
0x40: {  	[tilespmem:s26+$0x5450] =	vst v0  }
0x41: {  	[tilespmem:s26+$0x5460] =	vst v0;
	s26 =	sshra.s32 s28, $0x2;
	s28 =	sadd.s32 $0x200, s28  }
0x42: {  	[tilespmem:s26+$0x5470] =	vst v0  }
0x43: {  	[tilespmem:s26+$0x5400] =	vst v0  }
0x44: {  	[tilespmem:s26+$0x5410] =	vst v0  }
0x45: {  	[tilespmem:s26+$0x5420] =	vst v0  }
0x46: {  	[tilespmem:s26+$0x5430] =	vst v0  }
0x47: {  	[tilespmem:s26+$0x5440] =	vst v0  }
0x48: {  	[tilespmem:s26+$0x5450] =	vst v0  }
0x49: {  	[tilespmem:s26+$0x5460] =	vst v0;
	s0 =	rddreg [dreg:$0x4]  }
0x4a: {  	[spmem:s0] =	stream.linear.scatter [tilespmem:s12], [sflag:$0x9], $0x2800, $0x38;
	[tilespmem:$0x1E400] =	vst v63  }
0x4b: {  	_ =	swait.ge [sflag:s13], $0x2800  }
0x4c: {  	[sflag:s13] =	ssyncset.done $0x0  }
0x4d: {  	s29 =	rddreg [dreg:$0x1c];
	[sflag:s13] =	ssyncadd.s32 $0xFFFFD800  }
0x4e: {  	[spmem:s29] =	stream.linear.scatter [tilespmem:s12], [sflag:$0x9], $0x2800, $0x38;
	[tilespmem:$0x1E400] =	vst v63  }
0x4f: {  	_ =	swait.ge [sflag:s13], $0x2800  }
0x50: {  	[sflag:s13] =	ssyncset.done $0x0  }
0x51: {  	s30 =	rddreg [dreg:$0x1d];
	[sflag:s13] =	ssyncadd.s32 $0xFFFFD800  }
0x52: {  	[spmem:s30] =	stream.linear.scatter [tilespmem:s12], [sflag:$0x9], $0x2800, $0x38;
	[tilespmem:$0x1E400] =	vst v63  }
0x53: {  	_ =	swait.ge [sflag:s13], $0x2800  }
0x54: {  	[sflag:s13] =	ssyncset.done $0x0  }
0x55: {  	s31 =	rddreg [dreg:$0x1e];
	[sflag:s13] =	ssyncadd.s32 $0xFFFFD800  }
0x56: {  	[spmem:s31] =	stream.linear.scatter [tilespmem:s12], [sflag:$0x9], $0x2800, $0x38;
	[tilespmem:$0x1E400] =	vst v63  }
0x57: {  	_ =	swait.ge [sflag:s13], $0x2800  }
0x58: {  	[sflag:s13] =	ssyncset.done $0x0  }
0x59: {  	s3 =	rddreg [dreg:$0x1f];
	[sflag:s13] =	ssyncadd.s32 $0xFFFFD800  }
0x5a: {  	[spmem:s3] =	stream.linear.scatter [tilespmem:s12], [sflag:$0x9], $0x2800, $0x38;
	[tilespmem:$0x1E400] =	vst v63  }
0x5b: {  	_ =	swait.ge [sflag:s13], $0x2800  }
0x5c: {  	s26 =	sld [smem:$0x7FB]  }
0x5d: {  	[sflag:s13] =	ssyncset.done $0x0  }
0x5e: {  	[sflag:s13] =	ssyncadd.s32 $0xFFFFD800  }
0x5f: {  	[spmem:s26] =	stream.linear.scatter [tilespmem:s12], [sflag:$0x9], $0x2800, $0x38;
	[tilespmem:$0x1E400] =	vst v63  }
0x60: {  	_ =	swait.ge [sflag:s13], $0x2800  }
0x61: {  	s28 =	sld [smem:$0x7FC]  }
0x62: {  	[sflag:s13] =	ssyncset.done $0x0  }
0x63: {  	[sflag:s13] =	ssyncadd.s32 $0xFFFFD800  }
0x64: {  	[spmem:s28] =	stream.linear.scatter [tilespmem:s12], [sflag:$0x9], $0x2800, $0x38;
	[tilespmem:$0x1E400] =	vst v63  }
0x65: {  	_ =	swait.ge [sflag:s13], $0x2800  }
0x66: {  	s29 =	sld [smem:$0x7FD]  }
0x67: {  	[sflag:s13] =	ssyncset.done $0x0  }
0x68: {  	[sflag:s13] =	ssyncadd.s32 $0xFFFFD800  }
0x69: {  	[spmem:s29] =	stream.linear.scatter [tilespmem:s12], [sflag:$0x9], $0x2800, $0x38;
	[tilespmem:$0x1E400] =	vst v63  }
0x6a: {  	_ =	swait.ge [sflag:s13], $0x2800  }
0x6b: {  	[sflag:s13] =	ssyncset.done $0x0  }
0x6c: {  	[sflag:s13] =	ssyncadd.s32 $0xFFFFD800  }
0x6d: {  	[bflag:$0x0] =	sbarrier.arrive $0xFFFF  }
0x6e: {  	s26 =	simm.s32 $0x0;
	s30 =	rddreg [dreg:$0x5]  }
0x6f: {  	[tilespmem:s26], [sflag:$0x5] =	stream.linear.gather [hbm4b:s30+s26], $0x50, $0x38;
	[tilespmem:$0x1E400] =	vst v63  }
0x70: {  	s31 =	rddreg [dreg:$0x6]  }
0x71: {  	[tilespmem:s14], [sflag:$0x5] =	stream.linear.gather [hbm4b:s31+s26], $0x50, $0x38;
	[tilespmem:$0x1E400] =	vst v63  }
0x72: {  	s28 =	simm.s32 $0x80;
	s3 =	rddreg [dreg:$0x7]  }
0x73: {  	[tilespmem:s28], [sflag:$0x6] =	stream.linear.gather [hbm4b:s3+s26], $0x50, $0x38;
	[tilespmem:$0x1E400] =	vst v63  }
0x74: {  	s29 =	rddreg [dreg:$0x8]  }
0x75: {  	[tilespmem:s16], [sflag:$0x6] =	stream.linear.gather [hbm4b:s29+s26], $0x50, $0x38;
	[tilespmem:$0x1E400] =	vst v63  }
0x76: {  	s30 =	rddreg [dreg:$0x9]  }
0x77: {  	[tilespmem:s21], [sflag:$0x7] =	stream.linear.gather [hbm4b:s30+s26], $0x50, $0x38;
	[tilespmem:$0x1E400] =	vst v63  }
0x78: {  	s31 =	rddreg [dreg:$0xa];
	s3 =	simm.s32 $0x300  }
0x79: {  	[tilespmem:s3], [sflag:$0x7] =	stream.linear.gather [hbm4b:s31+s26], $0x50, $0x38;
	[tilespmem:$0x1E400] =	vst v63  }
0x7a: {  	s29 =	rddreg [dreg:$0xb]  }
0x7b: {  	[tilespmem:s22], [sflag:$0x8] =	stream.linear.gather [hbm4b:s29+s26], $0x50, $0x38;
	[tilespmem:$0x1E400] =	vst v63  }
0x7c: {  	s30 =	rddreg [dreg:$0xc];
	s31 =	simm.s32 $0x5  }
0x7d: {  	[tilespmem:s23], [sflag:$0x8] =	stream.linear.gather [hbm4b:s30+s26], $0x50, $0x38;
	[tilespmem:$0x1E400] =	vst v63  }
0x7e: {  	_ =	swait.ge [sflag:s31], $0x50  }
0x7f: {  	[sflag:s31] =	ssyncset.done $0x0  }
0x80: {  	[sflag:s31] =	ssyncadd.s32 $0xFFFFFFB0  }
0x81: {  	_ =	swait.ge [sflag:s31], $0x50  }
0x82: {  	[sflag:s31] =	ssyncset.done $0x0  }
0x83: {  	[sflag:s31] =	ssyncadd.s32 $0xFFFFFFB0  }
0x84: {  	[tilespmem:s11], [sflag:$0x1] =	stream.indirect.gather [hbm4b:s5+s10], $0x80, s26, s10, $0xb8;
	[tilespmem:$0x1E400] =	vst v63  }
0x85: {  	_ = 	snop  }
0x86: {  	[tilespmem:s12], [sflag:$0x3] =	stream.indirect.gather [hbm4b:s5+s10], $0x80, s14, s10, $0xb8;
	[tilespmem:$0x1E400] =	vst v63  }
0x87: {  	_ =	swait.ge [sflag:s8], $0x50  }
0x88: {  	[sflag:s8] =	ssyncset.done $0x0  }
0x89: {  	[sflag:s8] =	ssyncadd.s32 $0xFFFFFFB0  }
0x8a: {  	_ =	swait.ge [sflag:s8], $0x50  }
0x8b: {  	[sflag:s8] =	ssyncset.done $0x0  }
0x8c: {  	[sflag:s8] =	ssyncadd.s32 $0xFFFFFFB0  }
0x8d: {  	[tilespmem:s9], [sflag:$0x2] =	stream.indirect.gather [hbm4b:s5+s10], $0x80, s28, s10, $0xb8;
	[tilespmem:$0x1E400] =	vst v63  }
0x8e: {  	s3 =	simm.s32 $0x80  }
0x8f: {  	[tilespmem:s15], [sflag:$0x4] =	stream.indirect.gather [hbm4b:s5+s10], $0x80, s16, s10, $0xb8;
	[tilespmem:$0x1E400] =	vst v63  }
.LBB2_4:
0x90: {  	_ =	swait.ge [sflag:s20], $0x2800  }
0x91: {  	[sflag:s20] =	ssyncset.done $0x0  }
0x92: {  	[sflag:s20] =	ssyncadd.s32 $0xFFFFD800  }
0x93: {  	_ =	swait.ge [sflag:s24], $0x2800  }
0x94: {  	[sflag:s24] =	ssyncset.done $0x0  }
0x95: {  	s28 =	simm.s32 $0x0;
	[sflag:s24] =	ssyncadd.s32 $0xFFFFD800  }
0x96: {  	v7 =	vld [tilespmem:s28+$0x5400]  }
0x97: {  	v12 =	vld [tilespmem:s28+$0x5410]  }
0x98: {  	v6 =	vld [tilespmem:s28+$0x5420]  }
0x99: {  	v5 =	vld [tilespmem:s28+$0x5430]  }
0x9a: {  	v4 =	vld [tilespmem:s28+$0x5440]  }
0x9b: {  	v3 =	vld [tilespmem:s28+$0x5450]  }
0x9c: {  	v2 =	vld [tilespmem:s28+$0x5460]  }
0x9d: {  	v1 =	vld [tilespmem:s28+$0x5470]  }
0x9e: {  	v13 =	vld [tilespmem:s28+$0x400]  }
0x9f: {  	v14 =	vld [tilespmem:s28+$0x410]  }
0xa0: {  	v11 =	vld [tilespmem:s28+$0x420]  }
0xa1: {  	v10 =	vld [tilespmem:s28+$0x430]  }
0xa2: {  	v9 =	vld [tilespmem:s28+$0x440]  }
0xa3: {  	v8 =	vld [tilespmem:s28+$0x450];
	v13 =	vsub.f32 v13, v7  }
0xa4: {  	s29 =	simm.s32 $0x200;
	v12 =	vsub.f32 v14, v12;
	v7 =	vld [tilespmem:s28+$0x460]  }
.LBB2_5:
0xa5: {  	s30 =	sshra.s32 s29, $0x2;
	p0 =	sne.s32 s29, $0x9E00;
	v13 =	vmax.f32 v13, $0.0e+00;
	v6 =	vsub.f32 v11, v6;
	v11 =	vld [tilespmem:s28+$0x470]  }
0xa6: {  	v14 =	vld [tilespmem:s30+$0x5400];
	[tilespmem:s28+$0x400] =	vst v13;
	v12 =	vmax.f32 v12, $0.0e+00;
	v5 =	vsub.f32 v10, v5  }
0xa7: {  	v15 =	vld [tilespmem:s30+$0x5410];
	[tilespmem:s28+$0x410] =	vst v12;
	v10 =	vmax.f32 v6, $0.0e+00;
	v4 =	vsub.f32 v9, v4  }
0xa8: {  	v6 =	vld [tilespmem:s30+$0x5420];
	[tilespmem:s28+$0x420] =	vst v10;
	v9 =	vmax.f32 v5, $0.0e+00;
	v3 =	vsub.f32 v8, v3  }
0xa9: {  	v5 =	vld [tilespmem:s30+$0x5430];
	[tilespmem:s28+$0x430] =	vst v9;
	v8 =	vmax.f32 v4, $0.0e+00;
	v2 =	vsub.f32 v7, v2  }
0xaa: {  	v4 =	vld [tilespmem:s30+$0x5440];
	[tilespmem:s28+$0x440] =	vst v8;
	v7 =	vmax.f32 v3, $0.0e+00;
	v1 =	vsub.f32 v11, v1  }
0xab: {  	v3 =	vld [tilespmem:s30+$0x5450];
	[tilespmem:s28+$0x450] =	vst v7;
	v7 =	vmax.f32 v2, $0.0e+00  }
0xac: {  	v2 =	vld [tilespmem:s30+$0x5460];
	[tilespmem:s28+$0x460] =	vst v7;
	v7 =	vmax.f32 v1, $0.0e+00  }
0xad: {  	v1 =	vld [tilespmem:s30+$0x5470];
	[tilespmem:s28+$0x470] =	vst v7;
	s28 =	smov.u32 s30  }
0xae: {  	v7 =	vld [tilespmem:s28+$0x400]  }
0xaf: {  	v12 =	vld [tilespmem:s28+$0x410]  }
.Ltmp3:
0xb0: {  	v11 =	vld [tilespmem:s28+$0x420];
	(pc) =	sbr.rel @p0 .LBB2_5-.Ltmp3, $4  }
0xb1: {  	v10 =	vld [tilespmem:s28+$0x430]  }
0xb2: {  	v9 =	vld [tilespmem:s28+$0x440]  }
0xb3: {  	v13 =	vsub.f32 v7, v14;
	v8 =	vld [tilespmem:s28+$0x450]  }
0xb4: {  	s29 =	sadd.s32 $0x200, s29;
	v12 =	vsub.f32 v12, v15;
	v7 =	vld [tilespmem:s28+$0x460]  }
0xb5: {  	v13 =	vmax.f32 v13, $0.0e+00;
	v6 =	vsub.f32 v11, v6;
	v11 =	vld [tilespmem:s28+$0x470]  }
0xb6: {  	[tilespmem:s28+$0x400] =	vst v13;
	v12 =	vmax.f32 v12, $0.0e+00;
	v5 =	vsub.f32 v10, v5  }
0xb7: {  	[tilespmem:s28+$0x410] =	vst v12;
	v6 =	vmax.f32 v6, $0.0e+00;
	v4 =	vsub.f32 v9, v4  }
0xb8: {  	[tilespmem:s28+$0x420] =	vst v6;
	v5 =	vmax.f32 v5, $0.0e+00;
	v3 =	vsub.f32 v8, v3  }
0xb9: {  	[tilespmem:s28+$0x430] =	vst v5;
	v4 =	vmax.f32 v4, $0.0e+00;
	v2 =	vsub.f32 v7, v2  }
0xba: {  	[tilespmem:s28+$0x440] =	vst v4;
	v3 =	vmax.f32 v3, $0.0e+00;
	v1 =	vsub.f32 v11, v1  }
0xbb: {  	[tilespmem:s28+$0x450] =	vst v3;
	v2 =	vmax.f32 v2, $0.0e+00  }
0xbc: {  	[tilespmem:s28+$0x460] =	vst v2;
	v1 =	vmax.f32 v1, $0.0e+00  }
0xbd: {  	p0 =	seq.s32 s26, $0x1F;
	[tilespmem:s28+$0x470] =	vst v1  }
0xbe: {  	[spmem:s2] =	stream.indirect.scatter.add.f32 [tilespmem:s11], [sflag:$0x9], $0x80, s14, s10, $0xb8;
	[tilespmem:$0x1E400] =	vst v63  }
0xbf: {  	s28 =	smul.u32 @!p0 $0x140, s26;
	_ =	swait.ge [sflag:s13], $0x2800  }
0xc0: {  	s0 =	rddreg [dreg:$0xd]  }
0xc1: {  	s29 =	sadd.s32 @!p0 s28, s0  }
0xc2: {  	[sflag:s13] =	ssyncset.done $0x0;
	s29 =	sshrl.u32 @!p0 s29, $0x3  }
0xc3: {  	s31 =	simm.s32 @!p0 $0x0;
	[sflag:s13] =	ssyncadd.s32 $0xFFFFD800;
	s30 =	sadd.s32 @!p0 s7, s29  }
0xc4: {  	[tilespmem:s31], [sflag:$0x5] =	stream.linear.gather @!p0 [hbm4b:s30+s31], $0x50, $0x38;
	[tilespmem:$0x1E400] =	vst v63  }
0xc5: {  	s29 =	sadd.s32 @!p0 s1, s29;
	s30 =	simm.s32 @!p0 $0x200  }
0xc6: {  	[tilespmem:s30], [sflag:$0x5] =	stream.linear.gather @!p0 [hbm4b:s29+s31], $0x50, $0x38;
	[tilespmem:$0x1E400] =	vst v63  }
0xc7: {  	_ =	swait.ge [sflag:s25], $0x50  }
0xc8: {  	[sflag:s25] =	ssyncset.done $0x0  }
0xc9: {  	[sflag:s25] =	ssyncadd.s32 $0xFFFFFFB0  }
0xca: {  	_ =	swait.ge [sflag:s25], $0x50  }
0xcb: {  	[sflag:s25] =	ssyncset.done $0x0  }
0xcc: {  	[sflag:s25] =	ssyncadd.s32 $0xFFFFFFB0  }
0xcd: {  	[tilespmem:s11], [sflag:$0x1] =	stream.indirect.gather [hbm4b:s5+s10], $0x80, s21, s10, $0xb8;
	[tilespmem:$0x1E400] =	vst v63  }
0xce: {  	s31 =	simm.s32 $0x300  }
0xcf: {  	[tilespmem:s12], [sflag:$0x3] =	stream.indirect.gather [hbm4b:s5+s10], $0x80, s31, s10, $0xb8;
	[tilespmem:$0x1E400] =	vst v63  }
0xd0: {  	_ =	swait.ge [sflag:s17], $0x2800  }
0xd1: {  	[sflag:s17] =	ssyncset.done $0x0  }
0xd2: {  	[sflag:s17] =	ssyncadd.s32 $0xFFFFD800  }
0xd3: {  	_ =	swait.ge [sflag:s18], $0x2800  }
0xd4: {  	[sflag:s18] =	ssyncset.done $0x0  }
0xd5: {  	s29 =	simm.s32 $0x0;
	[sflag:s18] =	ssyncadd.s32 $0xFFFFD800  }
0xd6: {  	v7 =	vld [tilespmem:s29+$0x7C00]  }
0xd7: {  	v12 =	vld [tilespmem:s29+$0x7C10]  }
0xd8: {  	v6 =	vld [tilespmem:s29+$0x7C20]  }
0xd9: {  	v5 =	vld [tilespmem:s29+$0x7C30]  }
0xda: {  	v4 =	vld [tilespmem:s29+$0x7C40]  }
0xdb: {  	v3 =	vld [tilespmem:s29+$0x7C50]  }
0xdc: {  	v2 =	vld [tilespmem:s29+$0x7C60]  }
0xdd: {  	v1 =	vld [tilespmem:s29+$0x7C70]  }
0xde: {  	v13 =	vld [tilespmem:s29+$0x2C00]  }
0xdf: {  	v14 =	vld [tilespmem:s29+$0x2C10]  }
0xe0: {  	v11 =	vld [tilespmem:s29+$0x2C20]  }
0xe1: {  	v10 =	vld [tilespmem:s29+$0x2C30]  }
0xe2: {  	v9 =	vld [tilespmem:s29+$0x2C40]  }
0xe3: {  	v8 =	vld [tilespmem:s29+$0x2C50];
	v13 =	vsub.f32 v13, v7  }
0xe4: {  	s30 =	simm.s32 $0x200;
	v12 =	vsub.f32 v14, v12;
	v7 =	vld [tilespmem:s29+$0x2C60]  }
.LBB2_7:
0xe5: {  	s31 =	sshra.s32 s30, $0x2;
	p1 =	sne.s32 s30, $0x9E00;
	v13 =	vmax.f32 v13, $0.0e+00;
	v6 =	vsub.f32 v11, v6;
	v11 =	vld [tilespmem:s29+$0x2C70]  }
0xe6: {  	v14 =	vld [tilespmem:s31+$0x7C00];
	[tilespmem:s29+$0x2C00] =	vst v13;
	v12 =	vmax.f32 v12, $0.0e+00;
	v5 =	vsub.f32 v10, v5  }
0xe7: {  	v15 =	vld [tilespmem:s31+$0x7C10];
	[tilespmem:s29+$0x2C10] =	vst v12;
	v10 =	vmax.f32 v6, $0.0e+00;
	v4 =	vsub.f32 v9, v4  }
0xe8: {  	v6 =	vld [tilespmem:s31+$0x7C20];
	[tilespmem:s29+$0x2C20] =	vst v10;
	v9 =	vmax.f32 v5, $0.0e+00;
	v3 =	vsub.f32 v8, v3  }
0xe9: {  	v5 =	vld [tilespmem:s31+$0x7C30];
	[tilespmem:s29+$0x2C30] =	vst v9;
	v8 =	vmax.f32 v4, $0.0e+00;
	v2 =	vsub.f32 v7, v2  }
0xea: {  	v4 =	vld [tilespmem:s31+$0x7C40];
	[tilespmem:s29+$0x2C40] =	vst v8;
	v7 =	vmax.f32 v3, $0.0e+00;
	v1 =	vsub.f32 v11, v1  }
0xeb: {  	v3 =	vld [tilespmem:s31+$0x7C50];
	[tilespmem:s29+$0x2C50] =	vst v7;
	v7 =	vmax.f32 v2, $0.0e+00  }
0xec: {  	v2 =	vld [tilespmem:s31+$0x7C60];
	[tilespmem:s29+$0x2C60] =	vst v7;
	v7 =	vmax.f32 v1, $0.0e+00  }
0xed: {  	v1 =	vld [tilespmem:s31+$0x7C70];
	[tilespmem:s29+$0x2C70] =	vst v7;
	s29 =	smov.u32 s31  }
0xee: {  	v7 =	vld [tilespmem:s29+$0x2C00]  }
0xef: {  	v12 =	vld [tilespmem:s29+$0x2C10]  }
.Ltmp4:
0xf0: {  	v11 =	vld [tilespmem:s29+$0x2C20];
	(pc) =	sbr.rel @p1 .LBB2_7-.Ltmp4, $4  }
0xf1: {  	v10 =	vld [tilespmem:s29+$0x2C30]  }
0xf2: {  	v9 =	vld [tilespmem:s29+$0x2C40]  }
0xf3: {  	v13 =	vsub.f32 v7, v14;
	v8 =	vld [tilespmem:s29+$0x2C50]  }
0xf4: {  	s30 =	sadd.s32 $0x200, s30;
	v12 =	vsub.f32 v12, v15;
	v7 =	vld [tilespmem:s29+$0x2C60]  }
0xf5: {  	v13 =	vmax.f32 v13, $0.0e+00;
	v6 =	vsub.f32 v11, v6;
	v11 =	vld [tilespmem:s29+$0x2C70]  }
0xf6: {  	[tilespmem:s29+$0x2C00] =	vst v13;
	v12 =	vmax.f32 v12, $0.0e+00;
	v5 =	vsub.f32 v10, v5  }
0xf7: {  	[tilespmem:s29+$0x2C10] =	vst v12;
	v6 =	vmax.f32 v6, $0.0e+00;
	v4 =	vsub.f32 v9, v4  }
0xf8: {  	[tilespmem:s29+$0x2C20] =	vst v6;
	v5 =	vmax.f32 v5, $0.0e+00;
	v3 =	vsub.f32 v8, v3  }
0xf9: {  	[tilespmem:s29+$0x2C30] =	vst v5;
	v4 =	vmax.f32 v4, $0.0e+00;
	v2 =	vsub.f32 v7, v2  }
0xfa: {  	[tilespmem:s29+$0x2C40] =	vst v4;
	v3 =	vmax.f32 v3, $0.0e+00;
	v1 =	vsub.f32 v11, v1  }
0xfb: {  	[tilespmem:s29+$0x2C50] =	vst v3;
	v2 =	vmax.f32 v2, $0.0e+00  }
0xfc: {  	[tilespmem:s29+$0x2C60] =	vst v2;
	v1 =	vmax.f32 v1, $0.0e+00  }
0xfd: {  	[tilespmem:s29+$0x2C70] =	vst v1  }
0xfe: {  	[spmem:s2] =	stream.indirect.scatter.add.f32 [tilespmem:s9], [sflag:$0x9], $0x80, s16, s10, $0xb8;
	[tilespmem:$0x1E400] =	vst v63  }
0xff: {  	_ =	swait.ge [sflag:s13], $0x2800  }
0x100: {  	s0 =	rddreg [dreg:$0xe]  }
0x101: {  	s29 =	sadd.s32 @!p0 s28, s0  }
0x102: {  	s31 =	simm.s32 @!p0 $0x0;
	[sflag:s13] =	ssyncset.done $0x0;
	s29 =	sshrl.u32 @!p0 s29, $0x3  }
0x103: {  	[sflag:s13] =	ssyncadd.s32 $0xFFFFD800;
	s0 =	simm.s32 @!p0 $0x80;
	s30 =	sadd.s32 @!p0 s7, s29  }
0x104: {  	[tilespmem:s0], [sflag:$0x6] =	stream.linear.gather @!p0 [hbm4b:s30+s31], $0x50, $0x38;
	[tilespmem:$0x1E400] =	vst v63  }
0x105: {  	s0 =	sadd.s32 @!p0 s1, s29;
	s29 =	simm.s32 @!p0 $0x280  }
0x106: {  	[tilespmem:s29], [sflag:$0x6] =	stream.linear.gather @!p0 [hbm4b:s0+s31], $0x50, $0x38;
	[tilespmem:$0x1E400] =	vst v63  }
0x107: {  	_ =	swait.ge [sflag:s19], $0x50  }
0x108: {  	[sflag:s19] =	ssyncset.done $0x0  }
0x109: {  	[sflag:s19] =	ssyncadd.s32 $0xFFFFFFB0  }
0x10a: {  	_ =	swait.ge [sflag:s19], $0x50  }
0x10b: {  	[sflag:s19] =	ssyncset.done $0x0  }
0x10c: {  	[sflag:s19] =	ssyncadd.s32 $0xFFFFFFB0  }
0x10d: {  	[tilespmem:s9], [sflag:$0x2] =	stream.indirect.gather [hbm4b:s5+s10], $0x80, s22, s10, $0xb8;
	[tilespmem:$0x1E400] =	vst v63  }
0x10e: {  	_ = 	snop  }
0x10f: {  	[tilespmem:s15], [sflag:$0x4] =	stream.indirect.gather [hbm4b:s5+s10], $0x80, s23, s10, $0xb8;
	[tilespmem:$0x1E400] =	vst v63  }
0x110: {  	_ =	swait.ge [sflag:s20], $0x2800  }
0x111: {  	[sflag:s20] =	ssyncset.done $0x0  }
0x112: {  	[sflag:s20] =	ssyncadd.s32 $0xFFFFD800  }
0x113: {  	_ =	swait.ge [sflag:s24], $0x2800  }
0x114: {  	[sflag:s24] =	ssyncset.done $0x0  }
0x115: {  	s29 =	simm.s32 $0x0;
	[sflag:s24] =	ssyncadd.s32 $0xFFFFD800  }
0x116: {  	v7 =	vld [tilespmem:s29+$0x5400]  }
0x117: {  	v12 =	vld [tilespmem:s29+$0x5410]  }
0x118: {  	v6 =	vld [tilespmem:s29+$0x5420]  }
0x119: {  	v5 =	vld [tilespmem:s29+$0x5430]  }
0x11a: {  	v4 =	vld [tilespmem:s29+$0x5440]  }
0x11b: {  	v3 =	vld [tilespmem:s29+$0x5450]  }
0x11c: {  	v2 =	vld [tilespmem:s29+$0x5460]  }
0x11d: {  	v1 =	vld [tilespmem:s29+$0x5470]  }
0x11e: {  	v13 =	vld [tilespmem:s29+$0x400]  }
0x11f: {  	v14 =	vld [tilespmem:s29+$0x410]  }
0x120: {  	v11 =	vld [tilespmem:s29+$0x420]  }
0x121: {  	v10 =	vld [tilespmem:s29+$0x430]  }
0x122: {  	v9 =	vld [tilespmem:s29+$0x440]  }
0x123: {  	v8 =	vld [tilespmem:s29+$0x450];
	v13 =	vsub.f32 v13, v7  }
0x124: {  	s30 =	simm.s32 $0x200;
	v12 =	vsub.f32 v14, v12;
	v7 =	vld [tilespmem:s29+$0x460]  }
.LBB2_9:
0x125: {  	s0 =	sshra.s32 s30, $0x2;
	p1 =	sne.s32 s30, $0x9E00;
	v13 =	vmax.f32 v13, $0.0e+00;
	v6 =	vsub.f32 v11, v6;
	v11 =	vld [tilespmem:s29+$0x470]  }
0x126: {  	v14 =	vld [tilespmem:s0+$0x5400];
	[tilespmem:s29+$0x400] =	vst v13;
	v12 =	vmax.f32 v12, $0.0e+00;
	v5 =	vsub.f32 v10, v5  }
0x127: {  	v15 =	vld [tilespmem:s0+$0x5410];
	[tilespmem:s29+$0x410] =	vst v12;
	v10 =	vmax.f32 v6, $0.0e+00;
	v4 =	vsub.f32 v9, v4  }
0x128: {  	v6 =	vld [tilespmem:s0+$0x5420];
	[tilespmem:s29+$0x420] =	vst v10;
	v9 =	vmax.f32 v5, $0.0e+00;
	v3 =	vsub.f32 v8, v3  }
0x129: {  	v5 =	vld [tilespmem:s0+$0x5430];
	[tilespmem:s29+$0x430] =	vst v9;
	v8 =	vmax.f32 v4, $0.0e+00;
	v2 =	vsub.f32 v7, v2  }
0x12a: {  	v4 =	vld [tilespmem:s0+$0x5440];
	[tilespmem:s29+$0x440] =	vst v8;
	v7 =	vmax.f32 v3, $0.0e+00;
	v1 =	vsub.f32 v11, v1  }
0x12b: {  	v3 =	vld [tilespmem:s0+$0x5450];
	[tilespmem:s29+$0x450] =	vst v7;
	v7 =	vmax.f32 v2, $0.0e+00  }
0x12c: {  	v2 =	vld [tilespmem:s0+$0x5460];
	[tilespmem:s29+$0x460] =	vst v7;
	v7 =	vmax.f32 v1, $0.0e+00  }
0x12d: {  	v1 =	vld [tilespmem:s0+$0x5470];
	[tilespmem:s29+$0x470] =	vst v7;
	s29 =	smov.u32 s0  }
0x12e: {  	v7 =	vld [tilespmem:s29+$0x400]  }
0x12f: {  	v12 =	vld [tilespmem:s29+$0x410]  }
.Ltmp5:
0x130: {  	v11 =	vld [tilespmem:s29+$0x420];
	(pc) =	sbr.rel @p1 .LBB2_9-.Ltmp5, $4  }
0x131: {  	v10 =	vld [tilespmem:s29+$0x430]  }
0x132: {  	v9 =	vld [tilespmem:s29+$0x440]  }
0x133: {  	v13 =	vsub.f32 v7, v14;
	v8 =	vld [tilespmem:s29+$0x450]  }
0x134: {  	s30 =	sadd.s32 $0x200, s30;
	v12 =	vsub.f32 v12, v15;
	v7 =	vld [tilespmem:s29+$0x460]  }
0x135: {  	v13 =	vmax.f32 v13, $0.0e+00;
	v6 =	vsub.f32 v11, v6;
	v11 =	vld [tilespmem:s29+$0x470]  }
0x136: {  	[tilespmem:s29+$0x400] =	vst v13;
	v12 =	vmax.f32 v12, $0.0e+00;
	v5 =	vsub.f32 v10, v5  }
0x137: {  	[tilespmem:s29+$0x410] =	vst v12;
	v6 =	vmax.f32 v6, $0.0e+00;
	v4 =	vsub.f32 v9, v4  }
0x138: {  	[tilespmem:s29+$0x420] =	vst v6;
	v5 =	vmax.f32 v5, $0.0e+00;
	v3 =	vsub.f32 v8, v3  }
0x139: {  	[tilespmem:s29+$0x430] =	vst v5;
	v4 =	vmax.f32 v4, $0.0e+00;
	v2 =	vsub.f32 v7, v2  }
0x13a: {  	[tilespmem:s29+$0x440] =	vst v4;
	v3 =	vmax.f32 v3, $0.0e+00;
	v1 =	vsub.f32 v11, v1  }
0x13b: {  	[tilespmem:s29+$0x450] =	vst v3;
	v2 =	vmax.f32 v2, $0.0e+00  }
0x13c: {  	[tilespmem:s29+$0x460] =	vst v2;
	v1 =	vmax.f32 v1, $0.0e+00  }
0x13d: {  	s0 =	simm.s32 $0x300;
	[tilespmem:s29+$0x470] =	vst v1  }
0x13e: {  	[spmem:s2] =	stream.indirect.scatter.add.f32 [tilespmem:s11], [sflag:$0x9], $0x80, s0, s10, $0xb8;
	[tilespmem:$0x1E400] =	vst v63  }
0x13f: {  	_ =	swait.ge [sflag:s13], $0x2800  }
0x140: {  	s0 =	rddreg [dreg:$0xf]  }
0x141: {  	s0 =	sadd.s32 @!p0 s28, s0  }
0x142: {  	s30 =	simm.s32 @!p0 $0x100;
	[sflag:s13] =	ssyncset.done $0x0;
	s0 =	sshrl.u32 @!p0 s0, $0x3  }
0x143: {  	s29 =	simm.s32 @!p0 $0x0;
	[sflag:s13] =	ssyncadd.s32 $0xFFFFD800;
	s28 =	sadd.s32 @!p0 s7, s0  }
0x144: {  	[tilespmem:s30], [sflag:$0x7] =	stream.linear.gather @!p0 [hbm4b:s28+s29], $0x50, $0x38;
	[tilespmem:$0x1E400] =	vst v63  }
0x145: {  	s0 =	sadd.s32 @!p0 s1, s0;
	s28 =	simm.s32 @!p0 $0x300  }
0x146: {  	[tilespmem:s28], [sflag:$0x7] =	stream.linear.gather @!p0 [hbm4b:s0+s29], $0x50, $0x38;
	[tilespmem:$0x1E400] =	vst v63  }
0x147: {  	s0 =	simm.s32 @!p0 $0x5  }
0x148: {  	_ =	swait.ge @!p0 [sflag:s0], $0x50  }
0x149: {  	[sflag:s0] =	ssyncset.done @!p0 $0x0  }
0x14a: {  	[sflag:s0] =	ssyncadd.s32 @!p0 $0xFFFFFFB0  }
0x14b: {  	_ =	swait.ge @!p0 [sflag:s0], $0x50  }
0x14c: {  	[sflag:s0] =	ssyncset.done @!p0 $0x0  }
0x14d: {  	s28 =	simm.s32 @!p0 $0x400;
	[sflag:s0] =	ssyncadd.s32 @!p0 $0xFFFFFFB0;
	s0 =	simm.s32 @!p0 $0x50  }
0x14e: {  	[tilespmem:s28], [sflag:$0x1] =	stream.indirect.gather @!p0 [hbm4b:s5+s0], $0x80, s29, s0, $0xb8;
	[tilespmem:$0x1E400] =	vst v63  }
0x14f: {  	s28 =	simm.s32 @!p0 $0x200;
	s29 =	simm.s32 @!p0 $0x5400  }
0x150: {  	[tilespmem:s29], [sflag:$0x3] =	stream.indirect.gather @!p0 [hbm4b:s5+s0], $0x80, s28, s0, $0xb8;
	[tilespmem:$0x1E400] =	vst v63  }
0x151: {  	_ =	swait.ge [sflag:s17], $0x2800  }
0x152: {  	[sflag:s17] =	ssyncset.done $0x0  }
0x153: {  	[sflag:s17] =	ssyncadd.s32 $0xFFFFD800  }
0x154: {  	_ =	swait.ge [sflag:s18], $0x2800  }
0x155: {  	[sflag:s18] =	ssyncset.done $0x0  }
0x156: {  	s28 =	simm.s32 $0x0;
	[sflag:s18] =	ssyncadd.s32 $0xFFFFD800  }
0x157: {  	v7 =	vld [tilespmem:s28+$0x7C00]  }
0x158: {  	v12 =	vld [tilespmem:s28+$0x7C10]  }
0x159: {  	v6 =	vld [tilespmem:s28+$0x7C20]  }
0x15a: {  	v5 =	vld [tilespmem:s28+$0x7C30]  }
0x15b: {  	v4 =	vld [tilespmem:s28+$0x7C40]  }
0x15c: {  	v3 =	vld [tilespmem:s28+$0x7C50]  }
0x15d: {  	v2 =	vld [tilespmem:s28+$0x7C60]  }
0x15e: {  	v1 =	vld [tilespmem:s28+$0x7C70]  }
0x15f: {  	v13 =	vld [tilespmem:s28+$0x2C00]  }
0x160: {  	v14 =	vld [tilespmem:s28+$0x2C10]  }
0x161: {  	v11 =	vld [tilespmem:s28+$0x2C20]  }
0x162: {  	v10 =	vld [tilespmem:s28+$0x2C30]  }
0x163: {  	v9 =	vld [tilespmem:s28+$0x2C40]  }
0x164: {  	v8 =	vld [tilespmem:s28+$0x2C50];
	v13 =	vsub.f32 v13, v7  }
0x165: {  	s29 =	simm.s32 $0x200;
	v12 =	vsub.f32 v14, v12;
	v7 =	vld [tilespmem:s28+$0x2C60]  }
.LBB2_11:
0x166: {  	s0 =	sshra.s32 s29, $0x2;
	p1 =	sne.s32 s29, $0x9E00;
	v13 =	vmax.f32 v13, $0.0e+00;
	v6 =	vsub.f32 v11, v6;
	v11 =	vld [tilespmem:s28+$0x2C70]  }
0x167: {  	v14 =	vld [tilespmem:s0+$0x7C00];
	[tilespmem:s28+$0x2C00] =	vst v13;
	v12 =	vmax.f32 v12, $0.0e+00;
	v5 =	vsub.f32 v10, v5  }
0x168: {  	v15 =	vld [tilespmem:s0+$0x7C10];
	[tilespmem:s28+$0x2C10] =	vst v12;
	v10 =	vmax.f32 v6, $0.0e+00;
	v4 =	vsub.f32 v9, v4  }
0x169: {  	v6 =	vld [tilespmem:s0+$0x7C20];
	[tilespmem:s28+$0x2C20] =	vst v10;
	v9 =	vmax.f32 v5, $0.0e+00;
	v3 =	vsub.f32 v8, v3  }
0x16a: {  	v5 =	vld [tilespmem:s0+$0x7C30];
	[tilespmem:s28+$0x2C30] =	vst v9;
	v8 =	vmax.f32 v4, $0.0e+00;
	v2 =	vsub.f32 v7, v2  }
0x16b: {  	v4 =	vld [tilespmem:s0+$0x7C40];
	[tilespmem:s28+$0x2C40] =	vst v8;
	v7 =	vmax.f32 v3, $0.0e+00;
	v1 =	vsub.f32 v11, v1  }
0x16c: {  	v3 =	vld [tilespmem:s0+$0x7C50];
	[tilespmem:s28+$0x2C50] =	vst v7;
	v7 =	vmax.f32 v2, $0.0e+00  }
0x16d: {  	v2 =	vld [tilespmem:s0+$0x7C60];
	[tilespmem:s28+$0x2C60] =	vst v7;
	v7 =	vmax.f32 v1, $0.0e+00  }
0x16e: {  	v1 =	vld [tilespmem:s0+$0x7C70];
	[tilespmem:s28+$0x2C70] =	vst v7;
	s28 =	smov.u32 s0  }
0x16f: {  	v7 =	vld [tilespmem:s28+$0x2C00]  }
0x170: {  	v12 =	vld [tilespmem:s28+$0x2C10]  }
.Ltmp6:
0x171: {  	v11 =	vld [tilespmem:s28+$0x2C20];
	(pc) =	sbr.rel @p1 .LBB2_11-.Ltmp6, $4  }
0x172: {  	v10 =	vld [tilespmem:s28+$0x2C30]  }
0x173: {  	v9 =	vld [tilespmem:s28+$0x2C40]  }
0x174: {  	v13 =	vsub.f32 v7, v14;
	v8 =	vld [tilespmem:s28+$0x2C50]  }
0x175: {  	s29 =	sadd.s32 $0x200, s29;
	v12 =	vsub.f32 v12, v15;
	v7 =	vld [tilespmem:s28+$0x2C60]  }
0x176: {  	v13 =	vmax.f32 v13, $0.0e+00;
	v6 =	vsub.f32 v11, v6;
	v63 =	vld [tilespmem:s28+$0x2C70]  }
0x177: {  	[tilespmem:s28+$0x2C00] =	vst v13;
	v12 =	vmax.f32 v12, $0.0e+00;
	v5 =	vsub.f32 v10, v5  }
0x178: {  	[tilespmem:s28+$0x2C10] =	vst v12;
	v6 =	vmax.f32 v6, $0.0e+00;
	v4 =	vsub.f32 v9, v4  }
0x179: {  	[tilespmem:s28+$0x2C20] =	vst v6;
	v5 =	vmax.f32 v5, $0.0e+00;
	v3 =	vsub.f32 v8, v3  }
0x17a: {  	[tilespmem:s28+$0x2C30] =	vst v5;
	v4 =	vmax.f32 v4, $0.0e+00;
	v2 =	vsub.f32 v7, v2  }
0x17b: {  	[tilespmem:s28+$0x2C40] =	vst v4;
	v3 =	vmax.f32 v3, $0.0e+00;
	v1 =	vsub.f32 v63, v1  }
0x17c: {  	[tilespmem:s28+$0x2C50] =	vst v3;
	v2 =	vmax.f32 v2, $0.0e+00  }
0x17d: {  	[tilespmem:s28+$0x2C60] =	vst v2;
	v1 =	vmax.f32 v1, $0.0e+00  }
.Ltmp7:
0x17e: {  	[tilespmem:s28+$0x2C70] =	vst v1;
	(pc) =	sbr.rel @p0 .LBB2_14-.Ltmp7, $4  }
0x17f: {  	[spmem:s2] =	stream.indirect.scatter.add.f32 [tilespmem:s9], [sflag:$0x9], $0x80, s23, s10, $0xb8;
	[tilespmem:$0x1E400] =	vst v63  }
0x180: {  	_ =	swait.ge [sflag:s13], $0x2800  }
0x181: {  	[sflag:s13] =	ssyncset.done $0x0  }
0x182: {  	[sflag:s13] =	ssyncadd.s32 $0xFFFFD800  }
0x183: {  	s0 =	smul.u32 $0x140, s26  }
0x184: {  	s28 =	rddreg [dreg:$0x10]  }
0x185: {  	s0 =	sadd.s32 s0, s28  }
0x186: {  	s0 =	sshrl.u32 s0, $0x3  }
0x187: {  	s31 =	sadd.s32 s7, s0  }
0x188: {  	[tilespmem:s22], [sflag:$0x8] =	stream.linear.gather [hbm4b:s31+s4], $0x50, $0x38;
	[tilespmem:$0x1E400] =	vst v63  }
0x189: {  	s0 =	sadd.s32 s1, s0  }
0x18a: {  	[tilespmem:s23], [sflag:$0x8] =	stream.linear.gather [hbm4b:s0+s4], $0x50, $0x38;
	[tilespmem:$0x1E400] =	vst v63  }
0x18b: {  	_ =	swait.ge [sflag:s8], $0x50  }
0x18c: {  	[sflag:s8] =	ssyncset.done $0x0  }
0x18d: {  	[sflag:s8] =	ssyncadd.s32 $0xFFFFFFB0  }
0x18e: {  	_ =	swait.ge [sflag:s8], $0x50  }
.Ltmp8:
0x18f: {  	[sflag:s8] =	ssyncset.done $0x0;
	(pc) =	sbr.rel .LBB2_4-.Ltmp8, $4  }
0x190: {  	[sflag:s8] =	ssyncadd.s32 $0xFFFFFFB0  }
0x191: {  	[tilespmem:s9], [sflag:$0x2] =	stream.indirect.gather [hbm4b:s5+s10], $0x80, s3, s10, $0xb8;
	[tilespmem:$0x1E400] =	vst v63  }
0x192: {  	s26 =	sadd.s32 $0x1, s26  }
0x193: {  	[tilespmem:s15], [sflag:$0x4] =	stream.indirect.gather [hbm4b:s5+s10], $0x80, s16, s10, $0xb8;
	[tilespmem:$0x1E400] =	vst v63  }
.LBB2_14:
0x194: {  	s0 =	stileid.u32;
	[bflag:$0x0] =	sbarrier.arrive $0xFFFF  }
0x195: {  	s0 =	sshll.u32 s0, $0x6;
	s3 =	rddreg [dreg:$0x4]  }
0x196: {  	s31 =	rddreg [dreg:$0x11];
	s21 =	sor.u32 $0x1C09, s0  }
0x197: {  	s26 =	sshrl.u32 s3, $0x3;
	[smem:$0x7F8] =	sst s21  }
0x198: {  	[smem:$0x7F9] =	sst s26  }
0x199: {  	[hbm:s31], [sflag:s21] =	dma.local [spmem:s26], $0x2800  }
0x19a: {  	_ =	swait.ge [sflag:s13], $0x2800  }
0x19b: {  	[sflag:s13] =	ssyncset.done $0x0  }
0x19c: {  	s29 =	simm.s32 $0x200;
	s26 =	simm.s32 $0x0;
	[sflag:s13] =	ssyncadd.s32 $0xFFFFD800  }
.LBB2_15:
0x19d: {  	p0 =	sne.s32 s29, $0x9E00;
	[tilespmem:s26+$0x5470] =	vst v0  }
0x19e: {  	[tilespmem:s26+$0x5400] =	vst v0  }
0x19f: {  	[tilespmem:s26+$0x5410] =	vst v0  }
.Ltmp9:
0x1a0: {  	[tilespmem:s26+$0x5420] =	vst v0;
	(pc) =	sbr.rel @p0 .LBB2_15-.Ltmp9, $4  }
0x1a1: {  	[tilespmem:s26+$0x5430] =	vst v0  }
0x1a2: {  	[tilespmem:s26+$0x5440] =	vst v0  }
0x1a3: {  	[tilespmem:s26+$0x5450] =	vst v0  }
0x1a4: {  	[tilespmem:s26+$0x5460] =	vst v0;
	s26 =	sshra.s32 s29, $0x2;
	s29 =	sadd.s32 $0x200, s29  }
0x1a5: {  	[tilespmem:s26+$0x5470] =	vst v0  }
0x1a6: {  	[tilespmem:s26+$0x5400] =	vst v0  }
0x1a7: {  	[tilespmem:s26+$0x5410] =	vst v0  }
0x1a8: {  	[tilespmem:s26+$0x5420] =	vst v0  }
0x1a9: {  	[tilespmem:s26+$0x5430] =	vst v0  }
0x1aa: {  	[tilespmem:s26+$0x5440] =	vst v0  }
0x1ab: {  	[tilespmem:s26+$0x5450] =	vst v0  }
0x1ac: {  	[tilespmem:s26+$0x5460] =	vst v0  }
0x1ad: {  	[spmem:s3] =	stream.linear.scatter [tilespmem:s12], [sflag:$0x9], $0x2800, $0x38;
	[tilespmem:$0x1E400] =	vst v63  }
0x1ae: {  	_ =	swait.ge [sflag:s13], $0x2800  }
0x1af: {  	[sflag:s13] =	ssyncset.done $0x0  }
0x1b0: {  	s0 =	rddreg [dreg:$0x1c];
	[sflag:s13] =	ssyncadd.s32 $0xFFFFD800  }
0x1b1: {  	[spmem:s0] =	stream.linear.scatter [tilespmem:s12], [sflag:$0x9], $0x2800, $0x38;
	[tilespmem:$0x1E400] =	vst v63  }
0x1b2: {  	_ =	swait.ge [sflag:s13], $0x2800  }
0x1b3: {  	[sflag:s13] =	ssyncset.done $0x0  }
0x1b4: {  	s21 =	rddreg [dreg:$0x1d];
	[sflag:s13] =	ssyncadd.s32 $0xFFFFD800  }
0x1b5: {  	[spmem:s21] =	stream.linear.scatter [tilespmem:s12], [sflag:$0x9], $0x2800, $0x38;
	[tilespmem:$0x1E400] =	vst v63  }
0x1b6: {  	_ =	swait.ge [sflag:s13], $0x2800  }
0x1b7: {  	[sflag:s13] =	ssyncset.done $0x0  }
0x1b8: {  	s26 =	rddreg [dreg:$0x1e];
	[sflag:s13] =	ssyncadd.s32 $0xFFFFD800  }
0x1b9: {  	[spmem:s26] =	stream.linear.scatter [tilespmem:s12], [sflag:$0x9], $0x2800, $0x38;
	[tilespmem:$0x1E400] =	vst v63  }
0x1ba: {  	_ =	swait.ge [sflag:s13], $0x2800  }
0x1bb: {  	[sflag:s13] =	ssyncset.done $0x0  }
0x1bc: {  	s28 =	rddreg [dreg:$0x1f];
	[sflag:s13] =	ssyncadd.s32 $0xFFFFD800  }
0x1bd: {  	[spmem:s28] =	stream.linear.scatter [tilespmem:s12], [sflag:$0x9], $0x2800, $0x38;
	[tilespmem:$0x1E400] =	vst v63  }
0x1be: {  	_ =	swait.ge [sflag:s13], $0x2800  }
0x1bf: {  	s29 =	sld [smem:$0x7FB]  }
0x1c0: {  	[sflag:s13] =	ssyncset.done $0x0  }
0x1c1: {  	[sflag:s13] =	ssyncadd.s32 $0xFFFFD800  }
0x1c2: {  	[spmem:s29] =	stream.linear.scatter [tilespmem:s12], [sflag:$0x9], $0x2800, $0x38;
	[tilespmem:$0x1E400] =	vst v63  }
0x1c3: {  	_ =	swait.ge [sflag:s13], $0x2800  }
0x1c4: {  	s30 =	sld [smem:$0x7FC]  }
0x1c5: {  	[sflag:s13] =	ssyncset.done $0x0  }
0x1c6: {  	[sflag:s13] =	ssyncadd.s32 $0xFFFFD800  }
0x1c7: {  	[spmem:s30] =	stream.linear.scatter [tilespmem:s12], [sflag:$0x9], $0x2800, $0x38;
	[tilespmem:$0x1E400] =	vst v63  }
0x1c8: {  	_ =	swait.ge [sflag:s13], $0x2800  }
0x1c9: {  	s31 =	sld [smem:$0x7FD]  }
0x1ca: {  	[sflag:s13] =	ssyncset.done $0x0  }
0x1cb: {  	[sflag:s13] =	ssyncadd.s32 $0xFFFFD800  }
0x1cc: {  	[spmem:s31] =	stream.linear.scatter [tilespmem:s12], [sflag:$0x9], $0x2800, $0x38;
	[tilespmem:$0x1E400] =	vst v63  }
0x1cd: {  	_ =	swait.ge [sflag:s13], $0x2800  }
0x1ce: {  	[sflag:s13] =	ssyncset.done $0x0  }
0x1cf: {  	[sflag:s13] =	ssyncadd.s32 $0xFFFFD800  }
0x1d0: {  	[bflag:$0x0] =	sbarrier.arrive $0xFFFF  }
0x1d1: {  	s26 =	simm.s32 $0x0;
	s3 =	rddreg [dreg:$0x5]  }
0x1d2: {  	[tilespmem:s26], [sflag:$0x5] =	stream.linear.gather [hbm4b:s3+s26], $0x50, $0x38;
	[tilespmem:$0x1E400] =	vst v63  }
0x1d3: {  	s21 =	rddreg [dreg:$0x6]  }
0x1d4: {  	[tilespmem:s14], [sflag:$0x5] =	stream.linear.gather [hbm4b:s21+s26], $0x50, $0x38;
	[tilespmem:$0x1E400] =	vst v63  }
0x1d5: {  	s28 =	rddreg [dreg:$0x7];
	s3 =	simm.s32 $0x80  }
0x1d6: {  	[tilespmem:s3], [sflag:$0x6] =	stream.linear.gather [hbm4b:s28+s26], $0x50, $0x38;
	[tilespmem:$0x1E400] =	vst v63  }
0x1d7: {  	s29 =	rddreg [dreg:$0x8]  }
0x1d8: {  	[tilespmem:s16], [sflag:$0x6] =	stream.linear.gather [hbm4b:s29+s26], $0x50, $0x38;
	[tilespmem:$0x1E400] =	vst v63  }
0x1d9: {  	s30 =	rddreg [dreg:$0x9];
	s28 =	simm.s32 $0x100  }
0x1da: {  	[tilespmem:s28], [sflag:$0x7] =	stream.linear.gather [hbm4b:s30+s26], $0x50, $0x38;
	[tilespmem:$0x1E400] =	vst v63  }
0x1db: {  	s31 =	rddreg [dreg:$0xa];
	s21 =	simm.s32 $0x300  }
0x1dc: {  	[tilespmem:s21], [sflag:$0x7] =	stream.linear.gather [hbm4b:s31+s26], $0x50, $0x38;
	[tilespmem:$0x1E400] =	vst v63  }
0x1dd: {  	s29 =	rddreg [dreg:$0xb]  }
0x1de: {  	[tilespmem:s22], [sflag:$0x8] =	stream.linear.gather [hbm4b:s29+s26], $0x50, $0x38;
	[tilespmem:$0x1E400] =	vst v63  }
0x1df: {  	s30 =	rddreg [dreg:$0xc];
	s31 =	simm.s32 $0x5  }
0x1e0: {  	[tilespmem:s23], [sflag:$0x8] =	stream.linear.gather [hbm4b:s30+s26], $0x50, $0x38;
	[tilespmem:$0x1E400] =	vst v63  }
0x1e1: {  	_ =	swait.ge [sflag:s31], $0x50  }
0x1e2: {  	[sflag:s31] =	ssyncset.done $0x0  }
0x1e3: {  	[sflag:s31] =	ssyncadd.s32 $0xFFFFFFB0  }
0x1e4: {  	_ =	swait.ge [sflag:s31], $0x50  }
0x1e5: {  	[sflag:s31] =	ssyncset.done $0x0  }
0x1e6: {  	[sflag:s31] =	ssyncadd.s32 $0xFFFFFFB0  }
0x1e7: {  	[tilespmem:s11], [sflag:$0x1] =	stream.indirect.gather [hbm4b:s6+s10], $0x80, s26, s10, $0xb8;
	[tilespmem:$0x1E400] =	vst v63  }
0x1e8: {  	_ =	swait.ge [sflag:s8], $0x50  }
0x1e9: {  	[sflag:s8] =	ssyncset.done $0x0  }
0x1ea: {  	[sflag:s8] =	ssyncadd.s32 $0xFFFFFFB0  }
0x1eb: {  	_ =	swait.ge [sflag:s8], $0x50  }
0x1ec: {  	[sflag:s8] =	ssyncset.done $0x0  }
0x1ed: {  	[sflag:s8] =	ssyncadd.s32 $0xFFFFFFB0  }
0x1ee: {  	[tilespmem:s9], [sflag:$0x2] =	stream.indirect.gather [hbm4b:s6+s10], $0x80, s3, s10, $0xb8;
	[tilespmem:$0x1E400] =	vst v63  }
0x1ef: {  	_ =	swait.ge [sflag:s25], $0x50  }
0x1f0: {  	[sflag:s25] =	ssyncset.done $0x0  }
0x1f1: {  	[sflag:s25] =	ssyncadd.s32 $0xFFFFFFB0  }
0x1f2: {  	_ =	swait.ge [sflag:s25], $0x50  }
0x1f3: {  	[sflag:s25] =	ssyncset.done $0x0  }
0x1f4: {  	s21 =	simm.s32 $0x100;
	[sflag:s25] =	ssyncadd.s32 $0xFFFFFFB0  }
0x1f5: {  	[tilespmem:s12], [sflag:$0x3] =	stream.indirect.gather [hbm4b:s6+s10], $0x80, s28, s10, $0xb8;
	[tilespmem:$0x1E400] =	vst v63  }
.LBB2_17:
0x1f6: {  	_ =	swait.ge [sflag:s20], $0x2800  }
0x1f7: {  	[sflag:s20] =	ssyncset.done $0x0  }
0x1f8: {  	[sflag:s20] =	ssyncadd.s32 $0xFFFFD800  }
0x1f9: {  	[spmem:s2] =	stream.indirect.scatter.add.f32 [tilespmem:s11], [sflag:$0x9], $0x80, s14, s10, $0xb8;
	[tilespmem:$0x1E400] =	vst v63  }
0x1fa: {  	_ =	swait.ge [sflag:s13], $0x2800  }
0x1fb: {  	p0 =	seq.s32 s26, $0x4D8;
	[sflag:s13] =	ssyncset.done $0x0;
	s0 =	rddreg [dreg:$0x1b]  }
0x1fc: {  	s29 =	simm.s32 @!p0 $0x0;
	[sflag:s13] =	ssyncadd.s32 $0xFFFFD800;
	s0 =	sadd.s32 @!p0 s26, s0  }
0x1fd: {  	[tilespmem:s29], [sflag:$0x5] =	stream.linear.gather @!p0 [hbm4b:s0+s29], $0x50, $0x38;
	[tilespmem:$0x1E400] =	vst v63  }
0x1fe: {  	s0 =	rddreg [dreg:$0x1a]  }
0x1ff: {  	s30 =	simm.s32 @!p0 $0x200;
	s0 =	sadd.s32 @!p0 s26, s0  }
0x200: {  	[tilespmem:s30], [sflag:$0x5] =	stream.linear.gather @!p0 [hbm4b:s0+s29], $0x50, $0x38;
	[tilespmem:$0x1E400] =	vst v63  }
0x201: {  	_ =	swait.ge [sflag:s19], $0x50  }
0x202: {  	[sflag:s19] =	ssyncset.done $0x0  }
0x203: {  	[sflag:s19] =	ssyncadd.s32 $0xFFFFFFB0  }
0x204: {  	_ =	swait.ge [sflag:s19], $0x50  }
0x205: {  	[sflag:s19] =	ssyncset.done $0x0  }
0x206: {  	[sflag:s19] =	ssyncadd.s32 $0xFFFFFFB0  }
0x207: {  	[tilespmem:s15], [sflag:$0x4] =	stream.indirect.gather [hbm4b:s6+s10], $0x80, s22, s10, $0xb8;
	[tilespmem:$0x1E400] =	vst v63  }
0x208: {  	_ =	swait.ge [sflag:s17], $0x2800  }
0x209: {  	[sflag:s17] =	ssyncset.done $0x0  }
0x20a: {  	[sflag:s17] =	ssyncadd.s32 $0xFFFFD800  }
0x20b: {  	[spmem:s2] =	stream.indirect.scatter.add.f32 [tilespmem:s9], [sflag:$0x9], $0x80, s16, s10, $0xb8;
	[tilespmem:$0x1E400] =	vst v63  }
0x20c: {  	_ =	swait.ge [sflag:s13], $0x2800  }
0x20d: {  	[sflag:s13] =	ssyncset.done $0x0  }
0x20e: {  	s0 =	simm.s32 @p0 $0x3;
	[sflag:s13] =	ssyncadd.s32 $0xFFFFD800  }
0x20f: {  	_ =	swait.ge @p0 [sflag:s0], $0x2800  }
0x210: {  	s31 =	simm.s32 @p0 $0x5400;
	[sflag:s0] =	ssyncset.done @p0 $0x0  }
0x211: {  	s30 =	simm.s32 @p0 $0x300;
	[sflag:s0] =	ssyncadd.s32 @p0 $0xFFFFD800;
	s0 =	simm.s32 @p0 $0x50  }
0x212: {  	[spmem:s2] =	stream.indirect.scatter.add.f32 @p0 [tilespmem:s31], [sflag:$0x9], $0x80, s30, s0, $0xb8;
	[tilespmem:$0x1E400] =	vst v63  }
0x213: {  	s0 =	simm.s32 @p0 $0x9  }
0x214: {  	_ =	swait.ge @p0 [sflag:s0], $0x2800  }
0x215: {  	[sflag:s0] =	ssyncset.done @p0 $0x0  }
0x216: {  	[sflag:s0] =	ssyncadd.s32 @p0 $0xFFFFD800;
	s0 =	rddreg [dreg:$0x19]  }
0x217: {  	s30 =	simm.s32 @!p0 $0x80;
	s0 =	sadd.s32 @!p0 s26, s0  }
0x218: {  	[tilespmem:s30], [sflag:$0x6] =	stream.linear.gather @!p0 [hbm4b:s0+s29], $0x50, $0x38;
	[tilespmem:$0x1E400] =	vst v63  }
0x219: {  	s0 =	rddreg [dreg:$0x18]  }
0x21a: {  	s31 =	simm.s32 @!p0 $0x280;
	s0 =	sadd.s32 @!p0 s26, s0  }
0x21b: {  	[tilespmem:s31], [sflag:$0x6] =	stream.linear.gather @!p0 [hbm4b:s0+s29], $0x50, $0x38;
	[tilespmem:$0x1E400] =	vst v63  }
0x21c: {  	s0 =	simm.s32 @!p0 $0x5  }
0x21d: {  	_ =	swait.ge @!p0 [sflag:s0], $0x50  }
0x21e: {  	[sflag:s0] =	ssyncset.done @!p0 $0x0  }
0x21f: {  	[sflag:s0] =	ssyncadd.s32 @!p0 $0xFFFFFFB0  }
0x220: {  	_ =	swait.ge @!p0 [sflag:s0], $0x50  }
0x221: {  	[sflag:s0] =	ssyncset.done @!p0 $0x0  }
0x222: {  	s31 =	simm.s32 @!p0 $0x400;
	[sflag:s0] =	ssyncadd.s32 @!p0 $0xFFFFFFB0;
	s0 =	simm.s32 @!p0 $0x50  }
0x223: {  	[tilespmem:s31], [sflag:$0x1] =	stream.indirect.gather @!p0 [hbm4b:s6+s0], $0x80, s29, s0, $0xb8;
	[tilespmem:$0x1E400] =	vst v63  }
0x224: {  	s31 =	simm.s32 @!p0 $0x3  }
0x225: {  	_ =	swait.ge @!p0 [sflag:s31], $0x2800  }
0x226: {  	[sflag:s31] =	ssyncset.done @!p0 $0x0  }
0x227: {  	s28 =	simm.s32 @!p0 $0x5400;
	[sflag:s31] =	ssyncadd.s32 @!p0 $0xFFFFD800;
	s31 =	simm.s32 @!p0 $0x300  }
0x228: {  	[spmem:s2] =	stream.indirect.scatter.add.f32 @!p0 [tilespmem:s28], [sflag:$0x9], $0x80, s31, s0, $0xb8;
	[tilespmem:$0x1E400] =	vst v63  }
0x229: {  	s28 =	simm.s32 @!p0 $0x9  }
0x22a: {  	_ =	swait.ge @!p0 [sflag:s28], $0x2800  }
0x22b: {  	[sflag:s28] =	ssyncset.done @!p0 $0x0;
	s3 =	rddreg [dreg:$0x17]  }
0x22c: {  	[sflag:s28] =	ssyncadd.s32 @!p0 $0xFFFFD800;
	s28 =	sadd.s32 @!p0 s26, s3;
	s3 =	simm.s32 @!p0 $0x100  }
0x22d: {  	[tilespmem:s3], [sflag:$0x7] =	stream.linear.gather @!p0 [hbm4b:s28+s29], $0x50, $0x38;
	[tilespmem:$0x1E400] =	vst v63  }
0x22e: {  	s3 =	rddreg [dreg:$0x16]  }
0x22f: {  	s3 =	sadd.s32 @!p0 s26, s3  }
0x230: {  	[tilespmem:s31], [sflag:$0x7] =	stream.linear.gather @!p0 [hbm4b:s3+s29], $0x50, $0x38;
	[tilespmem:$0x1E400] =	vst v63  }
0x231: {  	s3 =	simm.s32 @!p0 $0x6  }
0x232: {  	_ =	swait.ge @!p0 [sflag:s3], $0x50  }
0x233: {  	[sflag:s3] =	ssyncset.done @!p0 $0x0  }
0x234: {  	[sflag:s3] =	ssyncadd.s32 @!p0 $0xFFFFFFB0  }
0x235: {  	_ =	swait.ge @!p0 [sflag:s3], $0x50  }
0x236: {  	[sflag:s3] =	ssyncset.done @!p0 $0x0  }
0x237: {  	[sflag:s3] =	ssyncadd.s32 @!p0 $0xFFFFFFB0;
	s3 =	simm.s32 @!p0 $0x2C00  }
0x238: {  	[tilespmem:s3], [sflag:$0x2] =	stream.indirect.gather @!p0 [hbm4b:s6+s0], $0x80, s30, s0, $0xb8;
	[tilespmem:$0x1E400] =	vst v63  }
0x239: {  	_ =	swait.ge [sflag:s18], $0x2800  }
0x23a: {  	[sflag:s18] =	ssyncset.done $0x0  }
.Ltmp10:
0x23b: {  	[sflag:s18] =	ssyncadd.s32 $0xFFFFD800;
	(pc) =	sbr.rel @p0 .LBB2_19-.Ltmp10, $4  }
0x23c: {  	[spmem:s2] =	stream.indirect.scatter.add.f32 [tilespmem:s15], [sflag:$0x9], $0x80, s23, s10, $0xb8;
	[tilespmem:$0x1E400] =	vst v63  }
0x23d: {  	_ =	swait.ge [sflag:s13], $0x2800  }
0x23e: {  	[sflag:s13] =	ssyncset.done $0x0  }
0x23f: {  	[sflag:s13] =	ssyncadd.s32 $0xFFFFD800  }
0x240: {  	s0 =	rddreg [dreg:$0x15]  }
0x241: {  	s31 =	rddreg [dreg:$0x14];
	s0 =	sadd.s32 s26, s0  }
0x242: {  	[tilespmem:s22], [sflag:$0x8] =	stream.linear.gather [hbm4b:s0+s4], $0x50, $0x38;
	[tilespmem:$0x1E400] =	vst v63  }
0x243: {  	s0 =	sadd.s32 s26, s31  }
0x244: {  	[tilespmem:s23], [sflag:$0x8] =	stream.linear.gather [hbm4b:s0+s4], $0x50, $0x38;
	[tilespmem:$0x1E400] =	vst v63  }
0x245: {  	_ =	swait.ge [sflag:s25], $0x50  }
0x246: {  	[sflag:s25] =	ssyncset.done $0x0  }
.Ltmp11:
0x247: {  	[sflag:s25] =	ssyncadd.s32 $0xFFFFFFB0;
	(pc) =	sbr.rel .LBB2_17-.Ltmp11, $4  }
0x248: {  	_ =	swait.ge [sflag:s25], $0x50  }
0x249: {  	[sflag:s25] =	ssyncset.done $0x0  }
0x24a: {  	s26 =	sadd.s32 $0x28, s26;
	[sflag:s25] =	ssyncadd.s32 $0xFFFFFFB0  }
0x24b: {  	[tilespmem:s12], [sflag:$0x3] =	stream.indirect.gather [hbm4b:s6+s10], $0x80, s21, s10, $0xb8;
	[tilespmem:$0x1E400] =	vst v63  }
.LBB2_20:
0x24c: {  	_ =	sfence.sel $0x180000  }
0x24d: {  	[bflag:$0x0] =	sbarrier.arrive $0xFFFF  }
0x24e: {  	_ =	strace $0x9000004D  }
0x24f: {  	s0 =	stileid.u32;
	[bflag:$0x2] =	sbarrier.arrive $0xFFFF  }
0x250: {  	p0 =	sne.s32 s0, $0x0;
	s0 =	rddreg [dreg:$0x3]  }
0x251: {  	s0 =	sadd.s32 @!p0 $0x100000, s0  }
0x252: {  	[sflag:s0] =	ssyncadd.tile.s32 @!p0 $0x1;
	_ =	shalt  }
.Lfunc_end2:
_tile_overlayer_lowered:
.L_overlay_start_2:
0x253: {  	(tag) =	ssettag $0x2  }
0x254: {  	s0 =	rddreg [dreg:$0x0];
	s2 =	stileid.u32  }
0x255: {  	s1 =	rddreg [dreg:$0x1];
	p0 =	sne.s32 s2, $0x0  }
0x256: {  	s3 =	rddreg [dreg:$0x2];
	[bflag:$0x3] =	sbarrier.arrive $0xFFFF;
	s2 =	simm.s32 @!p0 $0x1C09  }
0x257: {  	[timem:s3], [sflag:s2] =	dma.local @!p0 [hbm:s0], s1  }
0x258: {  	s0 =	simm.s32 @!p0 $0x9  }
0x259: {  	_ =	swait.ge @!p0 [sflag:s0], s1  }
0x25a: {  	s1 =	ssub.s32 @!p0 $0x0, s1;
	[sflag:s0] =	ssyncset.done @!p0 $0x0  }
0x25b: {  	[sflag:s0] =	ssyncadd.s32 @!p0 s1  }
0x25c: {  	[bflag:$0x3] =	sbarrier.arrive $0xFFFF  }
0x25d: {  	_ =	shalt  }

// kernel: kernel.8.cloned.1.call-start
scs
__scs_entry_jumppad:
0x0: {  	(pc) =	sbr.rel $0x88, $3  }
0x1: {  	(tag) =	ssettag $0x0;
	lr =	simm.s32 $0x1  }
0x2: {  	[smem:$0x3F95] =	sst lr;
	_ =	strace $0xD0000000  }
0x3: {  	_ = 	snop  }
0x4: {  	_ = 	snop  }
0x5: {  	_ = 	snop  }
0x6: {  	_ = 	snop  }
0x7: {  	_ = 	snop  }
__scs_overlays_trampoline_lowered:
0x8: {  	[smem:$0x3FA4] =	sst s0  }
0x9: {  	[smem:$0x3FA5] =	sst s1  }
0xa: {  	[smem:$0x3FA6] =	sst s2  }
0xb: {  	[smem:$0x3FA7] =	sst s3  }
0xc: {  	[smem:$0x3FA8] =	sst s4  }
0xd: {  	[smem:$0x3FA9] =	sst s5  }
0xe: {  	[smem:$0x3FAA] =	sst s6  }
0xf: {  	[smem:$0x3FAB] =	sst s7  }
0x10: {  	[smem:$0x3FAC] =	sst s8  }
0x11: {  	[smem:$0x3FAD] =	sst s9;
	s0 =	simm.s32 @!p0 $0x0  }
0x12: {  	s1 =	sld [smem:$0x3F93];
	s0 =	simm.s32 @p0 $0x1  }
0x13: {  	[smem:$0x3FAE] =	sst s0;
	s0 =	simm.s32 @!p1 $0x0  }
0x14: {  	s2 =	sld [smem:$0x3F92];
	s0 =	simm.s32 @p1 $0x1  }
0x15: {  	[smem:$0x3FAF] =	sst s0;
	s0 =	simm.s32 @!p2 $0x0  }
0x16: {  	s3 =	sld [smem:$0x3FDB];
	s0 =	simm.s32 @p2 $0x1  }
0x17: {  	s4 =	simm.s32 $0x1BF5;
	[smem:$0x3FB1] =	sst s0  }
0x18: {  	s0 =	sld [smem:$0x3F94];
	_ =	swait.ge [sflag:s4], $0x0  }
0x19: {  	s7 =	sld [smem:$0x3F95]  }
0x1a: {  	s8 =	sadd.s32 $0xFFFFE003, lr  }
0x1b: {  	s9 =	sadd.s32 $0xFFFFFEF7, lr;
	s5 =	simm.s32 $0xFFFFFFFF;
	p2 =	slt.u32 s8, $0xFFFFF086  }
0x1c: {  	p1 =	slt.u32 s9, $0xF7A;
	s5 =	simm.s32 @!p2 $0x0  }
0x1d: {  	s5 =	simm.s32 @p1 $0x1;
	p0 =	seq.s32 s7, s2  }
0x1e: {  	s7 =	smul.u32 @!p0 $0xF7A, s2;
	p2 =	seq.s32 @!p0 s5, $0x0  }
0x1f: {  	s9 =	smul.u32 $0xF7A, s1;
	s8 =	simm.s32 @!p0 $0x1BF5;
	p2 =	por !p2, p0  }
0x20: {  	[sflag:s8] =	ssyncset.s32 @!p0 $0xFFFFF086;
	s6 =	sadd.s32 @!p0 s3, s7;
	s7 =	simm.s32 @!p0 $0x108  }
0x21: {  	s3 =	sadd.s32 s3, s9;
	s6 =	sadd.s32 @!p0 $0x88, s6;
	s7 =	simm.s32 @p2 $0x1082  }
0x22: {  	[simem:s7], [sflag:s8] =	dma.local @!p0 [hbm:s6], $0xF7A  }
0x23: {  	s9 =	sor.u32 $0xD0000000, s2;
	s6 =	simm.s32 $0x108;
	_ =	swait.ge @!p0 [sflag:s8], $0x0  }
0x24: {  	s3 =	sadd.s32 $0x88, s3;
	s6 =	simm.s32 @!p1 $0x1082;
	[sflag:s4] =	ssyncset.s32 $0xFFFFF086  }
0x25: {  	[simem:s6], [sflag:s4] =	dma.local [hbm:s3], $0xF7A  }
0x26: {  	[smem:$0x3F95] =	sst s1;
	(tag) =	ssettag s2;
	_ =	strace s9  }
0x27: {  	s1 =	sld [smem:$0x3FA5]  }
0x28: {  	s2 =	sld [smem:$0x3FA6]  }
0x29: {  	s4 =	sld [smem:$0x3FA8]  }
0x2a: {  	p0 =	seq.s32 s5, $0x0;
	s5 =	sld [smem:$0x3FA9]  }
0x2b: {  	s6 =	sld [smem:$0x3FAA]  }
0x2c: {  	s7 =	sld [smem:$0x3FAB]  }
0x2d: {  	s3 =	simm.s32 $0x108;
	s8 =	sld [smem:$0x3FAC]  }
0x2e: {  	s3 =	simm.s32 @!p0 $0x1082;
	s9 =	sld [smem:$0x3FAD]  }
0x2f: {  	lr =	sadd.s32 s0, s3;
	s0 =	sld [smem:$0x3FA4]  }
0x30: {  	s3 =	sld [smem:$0x3FA7]  }
0x31: {  	[smem:$0x3FB0] =	sst s10  }
0x32: {  	s10 =	sld [smem:$0x3FAE];
	_ =	sdelay $0x3  }
0x33: {  	p0 =	seq.s32 s10, $0x1;
	s10 =	sld [smem:$0x3FB0];
	_ =	sdelay $0x3  }
0x34: {  	[smem:$0x3FB0] =	sst s10  }
0x35: {  	s10 =	sld [smem:$0x3FAF];
	_ =	sdelay $0x3  }
0x36: {  	p1 =	seq.s32 s10, $0x1;
	s10 =	sld [smem:$0x3FB0];
	_ =	sdelay $0x3  }
0x37: {  	[smem:$0x3FB0] =	sst s10  }
0x38: {  	s10 =	sld [smem:$0x3FB1]  }
0x39: {  	_ = 	snop;
	(pc) =	sbr.ind lr, $3  }
0x3a: {  	_ = 	snop  }
0x3b: {  	_ = 	snop  }
0x3c: {  	p2 =	seq.s32 s10, $0x1;
	s10 =	sld [smem:$0x3FB0]  }
0x3d: {  	_ =	shalt  }
0x3e: {  	_ =	shalt  }
0x3f: {  	_ =	shalt  }
0x40: {  	_ =	shalt  }
0x41: {  	_ =	shalt  }
0x42: {  	_ =	shalt  }
0x43: {  	_ =	shalt  }
0x44: {  	_ =	shalt  }
0x45: {  	_ =	shalt  }
0x46: {  	_ =	shalt  }
0x47: {  	_ =	shalt  }
0x48: {  	_ =	shalt  }
0x49: {  	_ =	shalt  }
0x4a: {  	_ =	shalt  }
0x4b: {  	_ =	shalt  }
0x4c: {  	_ =	shalt  }
0x4d: {  	_ =	shalt  }
0x4e: {  	_ =	shalt  }
0x4f: {  	_ =	shalt  }
0x50: {  	_ =	shalt  }
0x51: {  	_ =	shalt  }
0x52: {  	_ =	shalt  }
0x53: {  	_ =	shalt  }
0x54: {  	_ =	shalt  }
0x55: {  	_ =	shalt  }
0x56: {  	_ =	shalt  }
0x57: {  	_ =	shalt  }
0x58: {  	_ =	shalt  }
0x59: {  	_ =	shalt  }
0x5a: {  	_ =	shalt  }
0x5b: {  	_ =	shalt  }
0x5c: {  	_ =	shalt  }
0x5d: {  	_ =	shalt  }
0x5e: {  	_ =	shalt  }
0x5f: {  	_ =	shalt  }
0x60: {  	_ =	shalt  }
0x61: {  	_ =	shalt  }
0x62: {  	_ =	shalt  }
0x63: {  	_ =	shalt  }
0x64: {  	_ =	shalt  }
0x65: {  	_ =	shalt  }
0x66: {  	_ =	shalt  }
0x67: {  	_ =	shalt  }
0x68: {  	_ =	shalt  }
0x69: {  	_ =	shalt  }
0x6a: {  	_ =	shalt  }
0x6b: {  	_ =	shalt  }
0x6c: {  	_ =	shalt  }
0x6d: {  	_ =	shalt  }
0x6e: {  	_ =	shalt  }
0x6f: {  	_ =	shalt  }
0x70: {  	_ =	shalt  }
0x71: {  	_ =	shalt  }
0x72: {  	_ =	shalt  }
0x73: {  	_ =	shalt  }
0x74: {  	_ =	shalt  }
0x75: {  	_ =	shalt  }
0x76: {  	_ =	shalt  }
0x77: {  	_ =	shalt  }
0x78: {  	_ =	shalt  }
0x79: {  	_ =	shalt  }
0x7a: {  	_ =	shalt  }
0x7b: {  	_ =	shalt  }
0x7c: {  	_ =	shalt  }
0x7d: {  	_ =	shalt  }
0x7e: {  	_ =	shalt  }
0x7f: {  	_ =	shalt  }
0x80: {  	_ =	shalt  }
0x81: {  	_ =	shalt  }
0x82: {  	_ =	shalt  }
0x83: {  	_ =	shalt  }
0x84: {  	_ =	shalt  }
0x85: {  	_ =	shalt  }
0x86: {  	_ =	shalt  }
0x87: {  	_ =	shalt  }
.Lfunc_end0:
.L_simem_size_0:
called_computation_lowered:
.L_overlay_start_0:
0x88: {  	s2 =	sld [smem:$0x3FD9]  }
0x89: {  	s3 =	sld [smem:$0x3FFE];
	_ =	sdelay $0x1  }
0x8a: {  	s1 =	srdreg.scid  }
0x8b: {  	s0 =	sand.u32 $0x1, s1  }
0x8c: {  	s17 =	sshll.u32 s0, $0xA;
	s2 =	sadd.s32 s3, s2  }
0x8d: {  	s2 =	sadd.s32 s2, s17  }
0x8e: {  	[smem:$0x3FBC] =	sst s2  }
0x8f: {  	_ = 	snop  }
0x90: {  	s2 =	sld [smem:$0x3FD0];
	(tm) =	ssettm $0x1  }
0x91: {  	s18 =	sld [smem:$0x3FFB];
	_ =	sdelay $0x3  }
0x92: {  	_ =	strace s18  }
0x93: {  	s3 =	sld [smem:$0x3FFC];
	_ =	sdelay $0x3  }
0x94: {  	_ =	strace s3  }
0x95: {  	s3 =	sld [smem:$0x3FFD];
	_ =	sdelay $0x3  }
0x96: {  	_ =	strace s3  }
0x97: {  	_ =	strace $0x8FFFFFFF  }
0x98: {  	s19 =	sld [smem:$0x3FDB];
	_ =	sdelay $0x1  }
0x99: {  	s4 =	simm.s32 $_scs_section_size  }
0x9a: {  	s5 =	simm.s32 $_size__tile_overlayer_lowered;
	s6 =	simm.s32 $_tile_overlayer_lowered  }
0x9b: {  	s22 =	simm.s32 $0x1BFF;
	s21 =	sshll.u32 s6, $0x1;
	s3 =	sadd.s32 s4, s19  }
0x9c: {  	s7 =	simm.s32 $0x0;
	s20 =	sshll.u32 s5, $0x1;
	s5 =	sadd.s32 s21, s3  }
0x9d: {  	[timem:s7], [sflag:s22] =	dma.local [hbm:s5], s20  }
0x9e: {  	_ =	swait.ge [sflag:s22], s20  }
0x9f: {  	s4 =	ssub.s32 $0x0, s20;
	[sflag:s22] =	ssyncset.done $0x0  }
0xa0: {  	[sflag:s22] =	ssyncadd.s32 s4;
	_ =	sdelay $0x1  }
0xa1: {  	s23 =	simm.s32 $0x1B8B  }
0xa2: {  	_ =	swait.ge [sflag:s23], $0x1  }
0xa3: {  	[sflag:s23] =	ssyncset.done $0x0  }
0xa4: {  	s25 =	simm.s32 $0x1B8E;
	s24 =	sld [smem:$0x3FFE];
	[sflag:s23] =	ssyncadd.s32 $0xFFFFFFFF  }
0xa5: {  	s26 =	simm.s32 $execute0_lowered;
	[smem:$0x3FD2] =	sst s25  }
0xa6: {  	s5 =	sshll.u32 s26, $0x1;
	_ =	strace $0x80000046;
	[dreg:$0x1] =	wrdreg $0xFFFFFFFF  }
0xa7: {  	s28 =	simm.s32 $_size_execute0_lowered;
	s3 =	sadd.s32 s3, s5;
	[dreg:$0x0] =	wrdreg $0x0  }
0xa8: {  	s5 =	sshll.u32 s28, $0x1;
	[dreg:$0x2] =	wrdreg s3  }
0xa9: {  	[dreg:$0x3] =	wrdreg s5  }
0xaa: {  	[dreg:$0x4] =	wrdreg $0xC0  }
0xab: {  	_ =	task [dreg:s7], $0x5FFFF  }
0xac: {  	[dreg:$0x1] =	wrdreg $0xFFFFFFFF  }
0xad: {  	[dreg:$0x0] =	wrdreg $0x60  }
0xae: {  	[dreg:$0x2] =	wrdreg s2  }
0xaf: {  	[dreg:$0x3] =	wrdreg s24  }
0xb0: {  	[dreg:$0x4] =	wrdreg $0x7800  }
0xb1: {  	[dreg:$0x5] =	wrdreg $0x9  }
0xb2: {  	_ =	task.clear_ibuf [dreg:s7], $0x6FFFF;
	_ =	strace $0x90000046  }
0xb3: {  	s29 =	simm.s32 $0x9;
	_ =	strace $0x80000048  }
0xb4: {  	_ =	swait.ge [sflag:s29], $0x1  }
0xb5: {  	[sflag:s29] =	ssyncadd.s32 $0xFFFFFFFF  }
0xb6: {  	_ =	strace $0x90000048  }
0xb7: {  	_ =	sfence  }
0xb8: {  	s30 =	sld [smem:$0x0];
	_ =	sdelay $0x2  }
0xb9: {  	s31 =	sshll.u32 s1, $0xD;
	s1 =	sshrl.u32 s1, $0x2  }
0xba: {  	s3 =	sand.u32 $0x4000, s31;
	s1 =	sadd.s32 s1, s30  }
0xbb: {  	s0 =	sor.u32 s3, s0;
	s1 =	sshll.u32 s1, $0x11  }
0xbc: {  	s0 =	sor.u32 s1, s0  }
0xbd: {  	s0 =	sadd.s32 $0x8F2B, s0  }
0xbe: {  	[sflag:s0] =	ssyncadd.remote.s32 $0x1  }
0xbf: {  	_ =	sfence.sel $0xFFFF  }
0xc0: {  	[dreg:$0x0] =	wrdreg $0xFFFFFFFF;
	(pc) =	sbr.abs _section_cstart, $3  }
0xc1: {  	[dreg:$0x1] =	wrdreg $0xFFFFFFFF  }
0xc2: {  	_ =	task.clear_ibuf [dreg:s7], $0x2FFFF;
	_ =	strace $0x9FFFFFFF  }
0xc3: {  	(tm) =	ssettm $0x7FFFFFFF  }
tec
execute0_lowered:
.L_overlay_start_1:
0x0: {  	(tag) =	ssettag $0x1  }
0x1: {  	s7 =	rddreg [dreg:$0x0]  }
0x2: {  	s4 =	rddreg [dreg:$0x1]  }
0x3: {  	s1 =	srdreg.scid;
	s0 =	stileid.u32  }
0x4: {  	s2 =	rddreg [dreg:$0x2];
	s3 =	simm.s32 $0x0;
	s13 =	simm.s32 $0x20  }
0x5: {  	s14 =	simm.s32 $0x10;
	s15 =	simm.s32 $0x0;
	s6 =	smul.u32 $0x500, s0  }
0x6: {  	s5 =	sand.u32 $0x1, s1;
	s1 =	rddreg [dreg:$0x3];
	s9 =	smul.u32 $0xA00, s0  }
0x7: {  	[smem:$0x7FF] =	sst s3;
	s10 =	smul.u32 $0x2800, s0;
	s11 =	sshll.u32 s0, $0x6  }
0x8: {  	s8 =	sshll.u32 s5, $0x7;
	s29 =	smul.u32 $0x28000, s5;
	_ =	strace $0x80000047  }
0x9: {  	s30 =	ssub.s32 $0x2, s5;
	s11 =	sor.u32 $0x1C01, s11;
	s6 =	sor.u32 s8, s6  }
0xa: {  	s5 =	sshrl.u32 s30, $0x1;
	s9 =	sshrl.u32 s9, $0x2;
	s6 =	sshrl.u32 s6, $0x3  }
0xb: {  	s8 =	sadd.s32 s10, s29;
	s31 =	ssub.s32 s30, s5;
	s10 =	simm.s32 $0x280  }
0xc: {  	s6 =	sadd.s32 s6, s4;
	s4 =	sadd.s32 s9, s2;
	s8 =	sshrl.u32 s8, $0x3  }
0xd: {  	s9 =	simm.s32 $0x1;
	s5 =	sadd.s32 $0xD800, s6;
	s6 =	smax.u32 s31, $0x1  }
0xe: {  	v0 =	vimm.f32 $1.000000000e+00;
	v1 =	vimm.f32 $0.0e+00;
	s7 =	sadd.s32 s8, s7;
	s8 =	simm.s32 $0x500;
	s12 =	sshrl.u32 s4, $0x3  }
.LBB2_1:
0xf: {  	s16 =	simm.s32 $0x40;
	s17 =	simm.s32 $0x0  }
.LBB2_2:
0x10: {  	p0 =	sne.s32 s16, $0x9C0;
	[tilespmem:s17+$0x280] =	vst v0;
	s18 =	smov.u32 s16;
	s16 =	sadd.s32 $0x40, s16  }
.Ltmp0:
0x11: {  	[tilespmem:s17+$0x500] =	vst v1;
	(pc) =	sbr.rel @p0 .LBB2_2-.Ltmp0, $2  }
0x12: {  	_ =	sdelay $0x2  }
0x13: {  	s17 =	sshra.s32 s18, $0x2  }
0x14: {  	[tilespmem:s17+$0x280] =	vst v0  }
0x15: {  	[tilespmem:s17+$0x500] =	vst v1  }
0x16: {  	[spmem:s4] =	stream.linear.scatter [tilespmem:s8], [sflag:$0x1], $0x280, $0x38;
	[tilespmem:$0xA00] =	vst v63  }
0x17: {  	_ =	swait.ge [sflag:s9], $0x280  }
0x18: {  	[sflag:s9] =	ssyncset.done $0x0  }
0x19: {  	[sflag:s9] =	ssyncadd.s32 $0xFFFFFD80  }
0x1a: {  	s16 =	sadd.s32 $0x0, s7;
	[bflag:$0x0] =	sbarrier.arrive $0xFFFF  }
0x1b: {  	[tilespmem:s3], [sflag:$0x1] =	stream.linear.gather [hbm4b:s16+s3], $0x280, $0x38;
	[tilespmem:$0xA00] =	vst v63  }
0x1c: {  	_ =	swait.ge [sflag:s9], $0x280  }
0x1d: {  	[sflag:s9] =	ssyncset.done $0x0  }
0x1e: {  	[sflag:s9] =	ssyncadd.s32 $0xFFFFFD80  }
0x1f: {  	[spmem:s2] =	stream.indirect.scatter.add.f32 [tilespmem:s10], [sflag:$0x1], $0x1, s3, s10, $0xb8;
	[tilespmem:$0xA00] =	vst v63  }
0x20: {  	_ =	swait.ge [sflag:s9], $0x280  }
0x21: {  	s17 =	simm.s32 $0xA0;
	s16 =	simm.s32 $0x50;
	[sflag:s9] =	ssyncset.done $0x0  }
.LBB2_4:
0x22: {  	s18 =	sadd.s32 s16, s7  }
0x23: {  	[sflag:s9] =	ssyncadd.s32 $0xFFFFFD80;
	s16 =	smov.u32 s17;
	s19 =	sadd.s32 $0x50, s17  }
0x24: {  	[tilespmem:s3], [sflag:$0x1] =	stream.linear.gather [hbm4b:s18+s3], $0x280, $0x38;
	[tilespmem:$0xA00] =	vst v63  }
0x25: {  	p0 =	sne.s32 s17, $0x4B0;
	_ =	swait.ge [sflag:s9], $0x280  }
.Ltmp1:
0x26: {  	[sflag:s9] =	ssyncset.done $0x0;
	(pc) =	sbr.rel @p0 .LBB2_4-.Ltmp1, $4  }
0x27: {  	[sflag:s9] =	ssyncadd.s32 $0xFFFFFD80  }
0x28: {  	[spmem:s2] =	stream.indirect.scatter.add.f32 [tilespmem:s10], [sflag:$0x1], $0x1, s3, s10, $0xb8;
	[tilespmem:$0xA00] =	vst v63  }
0x29: {  	_ =	swait.ge [sflag:s9], $0x280  }
0x2a: {  	s17 =	smov.u32 s19;
	[sflag:s9] =	ssyncset.done $0x0  }
0x2b: {  	s16 =	sadd.s32 s16, s7;
	[sflag:s9] =	ssyncadd.s32 $0xFFFFFD80  }
0x2c: {  	[tilespmem:s3], [sflag:$0x1] =	stream.linear.gather [hbm4b:s16+s3], $0x280, $0x38;
	[tilespmem:$0xA00] =	vst v63  }
0x2d: {  	_ =	swait.ge [sflag:s9], $0x280  }
0x2e: {  	[sflag:s9] =	ssyncset.done $0x0  }
0x2f: {  	[sflag:s9] =	ssyncadd.s32 $0xFFFFFD80  }
0x30: {  	[spmem:s2] =	stream.indirect.scatter.add.f32 [tilespmem:s10], [sflag:$0x1], $0x1, s3, s10, $0xb8;
	[tilespmem:$0xA00] =	vst v63  }
0x31: {  	_ =	swait.ge [sflag:s9], $0x280  }
0x32: {  	s15 =	sadd.s32 $0x1, s15;
	[sflag:s9] =	ssyncset.done $0x0  }
0x33: {  	p0 =	sne.s32 s15, s6;
	[sflag:s9] =	ssyncadd.s32 $0xFFFFFD80  }
.Ltmp2:
0x34: {  	[bflag:$0x0] =	sbarrier.arrive $0xFFFF;
	(pc) =	sbr.rel @p0 .LBB2_1-.Ltmp2, $4  }
0x35: {  	[hbm:s5@s13], [sflag:s11] =	dma.strided [spmem:s12@s14], $0x50, s9, $0x10   }
0x36: {  	_ =	swait.ge [sflag:s9], $0x50  }
0x37: {  	[sflag:s9] =	ssyncset.done $0x0  }
0x38: {  	[sflag:s9] =	ssyncadd.s32 $0xFFFFFFB0  }
0x39: {  	_ =	sfence.sel $0x180000  }
0x3a: {  	[bflag:$0x0] =	sbarrier.arrive $0xFFFF  }
0x3b: {  	p0 =	sne.s32 s0, $0x0;
	_ =	strace $0x90000047  }
0x3c: {  	s0 =	sadd.s32 @!p0 $0x100000, s1;
	[bflag:$0x2] =	sbarrier.arrive $0xFFFF  }
0x3d: {  	[sflag:s0] =	ssyncadd.tile.s32 @!p0 $0x1;
	_ =	shalt  }
.Lfunc_end2:
_tile_overlayer_lowered:
.L_overlay_start_2:
0x3e: {  	(tag) =	ssettag $0x2  }
0x3f: {  	s0 =	rddreg [dreg:$0x0];
	s2 =	stileid.u32  }
0x40: {  	s1 =	rddreg [dreg:$0x1];
	p0 =	sne.s32 s2, $0x0  }
0x41: {  	s3 =	rddreg [dreg:$0x2];
	[bflag:$0x3] =	sbarrier.arrive $0xFFFF;
	s2 =	simm.s32 @!p0 $0x1C01  }
0x42: {  	[timem:s3], [sflag:s2] =	dma.local @!p0 [hbm:s0], s1  }
0x43: {  	s0 =	simm.s32 @!p0 $0x1  }
0x44: {  	_ =	swait.ge @!p0 [sflag:s0], s1  }
0x45: {  	s1 =	ssub.s32 @!p0 $0x0, s1;
	[sflag:s0] =	ssyncset.done @!p0 $0x0  }
0x46: {  	[sflag:s0] =	ssyncadd.s32 @!p0 s1  }
0x47: {  	[bflag:$0x3] =	sbarrier.arrive $0xFFFF  }
0x48: {  	_ =	shalt  }

</sc_bundles>
